<compile_context>
chip_gen: v7x
topology: tpu7x:2x2x1
jax: 0.10.2.dev20260603
libtpu: 0.0.44.dev20260713+nightly
codegen_flags: <defaults>
</compile_context>

<pallas_src>
import functools

import jax
import jax.numpy as jnp
import numpy as np
from jax import lax
from jax.experimental import pallas as pl
from jax.experimental.pallas import tpu as pltpu
from jax.experimental.pallas import tpu_sc as plsc

B = 16384
K = 20
D = 64
KP1 = K + 1
P = B * KP1

NC = 2
NS = 16
NW = NC * NS

BW = B // NW
CB = 32
NCHUNK = BW // CB
PC = CB * KP1
IC = CB + PC
NSLOT = 2

_SIGN = np.where(np.arange(PC) % KP1 == 0, -1.0, 1.0).astype(np.float32)


def _sc_logits(idx, item_embed, context_embed, sign):
  mesh = plsc.VectorSubcoreMesh(core_axis_name="c", subcore_axis_name="s")

  @functools.partial(
      pl.kernel,
      out_type=jax.ShapeDtypeStruct((P,), jnp.float32),
      mesh=mesh,
      compiler_params=pltpu.CompilerParams(
          needs_layout_passes=False, use_tc_tiling_on_sc=False),
      scratch_types=[
          pltpu.VMEM((NSLOT, IC), jnp.int32),
          pltpu.VMEM((NSLOT, CB, D), jnp.float32),
          pltpu.VMEM((NSLOT, PC, D), jnp.float32),
          pltpu.VMEM((NSLOT, PC), jnp.float32),
          pltpu.VMEM((PC,), jnp.float32),
          pltpu.SemaphoreType.DMA,
          pltpu.SemaphoreType.DMA,
          pltpu.SemaphoreType.DMA,
      ],
  )
  def body(idx_hbm, item_hbm, ctx_hbm, sign_hbm, out_hbm,
           idx_v, crow_v, xrow_v, out_v, sign_v, gsem, osem, isem):
    wid = lax.axis_index("s") * NC + lax.axis_index("c")
    pltpu.sync_copy(sign_hbm, sign_v)

    def fire_idx(cb, slot):
      pltpu.async_copy(idx_hbm.at[pl.ds((wid * NCHUNK + cb) * IC, IC)],
                       idx_v.at[slot], isem)

    def fire(cb, slot):
      pltpu.make_async_copy(idx_hbm.at[pl.ds(0, IC)],
                            idx_v.at[slot], isem).wait()
      for g in range(CB // 16):
        civ = idx_v[slot, pl.ds(g * 16, 16)]
        pltpu.async_copy(item_hbm.at[civ],
                         crow_v.at[slot, pl.ds(g * 16, 16)], gsem)
      for g in range(PC // 16):
        iv = idx_v[slot, pl.ds(CB + g * 16, 16)]
        pltpu.async_copy(
            ctx_hbm.at[iv],
            xrow_v.at[slot, pl.ds(g * 16, 16)],
            gsem,
        )

    def drain_gathers(slot):
      pltpu.make_async_copy(item_hbm.at[pl.ds(0, CB)],
                            crow_v.at[slot], gsem).wait()
      pltpu.make_async_copy(ctx_hbm.at[pl.ds(0, PC)],
                            xrow_v.at[slot], gsem).wait()

    def drain_out(cb, slot):
      pltpu.make_async_copy(
          out_v.at[slot],
          out_hbm.at[pl.ds((wid * BW + cb * CB) * KP1, PC)],
          osem).wait()

    lanes = lax.iota(jnp.int32, 16)

    def compute(cb, slot):
      def grp_body(g, c2):
        sg = sign_v[pl.ds(g * 16, 16)]
        merged = jnp.zeros((16,), jnp.float32)
        for l in range(16):
          p = g * 16 + l
          b = p // KP1
          acc = (crow_v[slot, b, pl.ds(0, 16)]
                 * xrow_v[slot, p, pl.ds(0, 16)]
                 + crow_v[slot, b, pl.ds(16, 16)]
                 * xrow_v[slot, p, pl.ds(16, 16)]
                 + crow_v[slot, b, pl.ds(32, 16)]
                 * xrow_v[slot, p, pl.ds(32, 16)]
                 + crow_v[slot, b, pl.ds(48, 16)]
                 * xrow_v[slot, p, pl.ds(48, 16)])
          s = jnp.sum(acc)
          merged = jnp.where(lanes == l, s, merged)
        out_v[slot, pl.ds(g * 16, 16)] = merged * sg
        return c2

      lax.fori_loop(0, PC // 16, grp_body, 0, unroll=2)
      pltpu.async_copy(
          out_v.at[slot],
          out_hbm.at[pl.ds((wid * BW + cb * CB) * KP1, PC)],
          osem)

    fire_idx(0, 0)
    fire(0, 0)
    fire_idx(1, 1)

    def chunk_body(cb, carry):
      slot = lax.rem(cb, NSLOT)
      nxt = cb + NSLOT - 1

      @pl.when(nxt < NCHUNK)
      def _():
        fire(nxt, lax.rem(nxt, NSLOT))

      @pl.when(nxt + 1 < NCHUNK)
      def _():
        fire_idx(nxt + 1, lax.rem(nxt + 1, NSLOT))

      drain_gathers(slot)

      @pl.when(cb >= NSLOT)
      def _():
        drain_out(cb - NSLOT, slot)

      compute(cb, slot)
      return carry

    lax.fori_loop(0, NCHUNK, chunk_body, 0)
    for cb in range(NCHUNK - NSLOT, NCHUNK):
      drain_out(cb, cb % NSLOT)

  return body(idx, item_embed, context_embed, sign)


def _tc_loss(logits2d):
  def body(x_ref, o_ref):
    x = x_ref[...]
    o_ref[0, 0] = jnp.sum(jnp.log(1.0 + jnp.exp(x)))

  out = pl.pallas_call(
      body,
      out_shape=jax.ShapeDtypeStruct((1, 1), jnp.float32),
      out_specs=pl.BlockSpec(memory_space=pltpu.SMEM),
  )(logits2d)
  return out[0, 0] / B


def kernel(centers, contexts, neg_contexts, item_embed, context_embed):
  cat = jnp.concatenate(
      [contexts[:, None], neg_contexts], axis=1).astype(jnp.int32)
  idx = jnp.concatenate(
      [centers.astype(jnp.int32).reshape(B // CB, CB),
       cat.reshape(B // CB, PC)], axis=1).reshape(-1)
  logits = _sc_logits(idx, item_embed, context_embed, jnp.asarray(_SIGN))
  return _tc_loss(logits.reshape(P // 128, 128))

# --- scband reference (transcript-rebuilt; emitter-appended) ---
"""Pipeline reference for scband-item2-vec-5050881540351 (READ-ONLY COPY).

The authoritative reference and input builder live on the scoring server;
editing this copy changes nothing except your own understanding.
"""

import jax, jax.numpy as jnp
import numpy as np

V = 1000000
D = 64
B = 16384
K = 20

def setup_inputs(seed: int = 0) -> dict:
    key = jax.random.key(seed)
    k1, k2, k3, k4, k5 = jax.random.split(key, 5)
    centers = jax.random.randint(k1, (B,), 0, V)
    contexts = jax.random.randint(k2, (B,), 0, V)
    neg_contexts = jax.random.randint(k3, (B, K), 0, V)
    item_embed = jax.random.normal(k4, (V, D), dtype=jnp.float32) * 0.02
    context_embed = jax.random.normal(k5, (V, D), dtype=jnp.float32) * 0.02
    return {
        "centers": centers,
        "contexts": contexts,
        "neg_contexts": neg_contexts,
        "item_embed": item_embed,
        "context_embed": context_embed,
    }

def reference(centers, contexts, neg_contexts, item_embed, context_embed):
    # Embedding lookups (SparseCore gathers)
    center_embed = jnp.take(item_embed, centers, axis=0)          # (B, D)
    context_embed_v = jnp.take(context_embed, contexts, axis=0)   # (B, D)
    neg_context_embed = jnp.take(context_embed, neg_contexts, axis=0)  # (B, K, D)
    # Positive logit: rowwise dot product
    pos_logit = jnp.sum(center_embed * context_embed_v, axis=1)   # (B,)
    # Negative logits: batched matvec (B, K, D) @ (B, D, 1) -> (B, K, 1)
    neg_logit = jnp.matmul(neg_context_embed, center_embed[:, :, None])
    neg_logit = jnp.squeeze(neg_logit, axis=2)                    # (B, K)
    # Negative-sampling loss
    pos_loss = jnp.log(1.0 + jnp.exp(-pos_logit))                 # (B,)
    neg_loss = jnp.sum(jnp.log(1.0 + jnp.exp(neg_logit)), axis=1)  # (B,)
    loss = jnp.mean(pos_loss + neg_loss)
    return loss

if __name__ == "__main__":
    import jax
    _d = setup_inputs()
    print(jax.jit(kernel)(*tuple(_d.values())))

</pallas_src>

<mosaic_0001>
#map = affine_map<(d0, d1) -> (0)>
#map1 = affine_map<(d0, d1) -> (0, 0)>
module attributes {stable_mosaic.version = 14 : i64} {
  func.func @body(%arg0: i32, %arg1: i32, %arg2: memref<360448xi32, #tpu.memory_space<hbm>>, %arg3: memref<1000000x64xf32, #tpu.memory_space<hbm>>, %arg4: memref<1000000x64xf32, #tpu.memory_space<hbm>>, %arg5: memref<672xf32, #tpu.memory_space<hbm>>, %arg6: memref<344064xf32, #tpu.memory_space<hbm>>, %arg7: memref<2x704xi32, #tpu.memory_space<vmem>>, %arg8: memref<2x32x64xf32, #tpu.memory_space<vmem>>, %arg9: memref<2x672x64xf32, #tpu.memory_space<vmem>>, %arg10: memref<2x672xf32, #tpu.memory_space<vmem>>, %arg11: memref<672xf32, #tpu.memory_space<vmem>>, %arg12: memref<!tpu.dma_semaphore, #tpu.memory_space<semaphore_mem>>, %arg13: memref<!tpu.dma_semaphore, #tpu.memory_space<semaphore_mem>>, %arg14: memref<!tpu.dma_semaphore, #tpu.memory_space<semaphore_mem>>) attributes {dimension_semantics = [#tpu.dimension_semantics<core_parallel>, #tpu.dimension_semantics<subcore_parallel>], iteration_bounds = array<i64: 2, 16>, scalar_prefetch = 0 : i64, scratch_operands = 8 : i64, tpu.core_type = #tpu.core_type<sc_vector_subcore>, window_params = [{transform_indices = #map}, {transform_indices = #map1}, {transform_indices = #map1}, {transform_indices = #map}, {transform_indices = #map}]} {
    %mul3A = arith.constant 2 : i32
    %mul3A_0 = arith.muli %arg1, %mul3A : i32
    %add3A = arith.addi %mul3A_0, %arg0 : i32
    "tpu.region"() ({
      %run_scoped3A = tpu.sem_alloc : memref<!tpu.dma_semaphore, #tpu.memory_space<semaphore_mem>>
      tpu.enqueue_dma source(%arg5 : memref<672xf32, #tpu.memory_space<hbm>>) target(%arg11 : memref<672xf32, #tpu.memory_space<vmem>>) target_semaphore(%run_scoped3A : memref<!tpu.dma_semaphore, #tpu.memory_space<semaphore_mem>>)
      tpu.wait_dma2 semaphore(%run_scoped3A : memref<!tpu.dma_semaphore, #tpu.memory_space<semaphore_mem>>) src(%arg5 : memref<672xf32, #tpu.memory_space<hbm>>) dst(%arg11 : memref<672xf32, #tpu.memory_space<vmem>>)
      tpu.yield
    }) : () -> ()
    %iota3A = tpu.iota {dimensions = array<i32: 0>} : vector<16xi32>
    %mul3A_1 = arith.constant 16 : i32
    %mul3A_2 = arith.muli %add3A, %mul3A_1 : i32
    %add3A_3 = arith.constant 0 : i32
    %add3A_4 = arith.addi %mul3A_2, %add3A_3 : i32
    %mul3A_5 = arith.constant 704 : i32
    %mul3A_6 = arith.muli %add3A_4, %mul3A_5 : i32
    %dma_start3A = arith.constant 0 : i32
    %dma_start3A_7 = arith.constant 0 : i32
    %dma_start3A_8 = tpu.memref_slice %arg7[%dma_start3A, %dma_start3A_7] : memref<2x704xi32, #tpu.memory_space<vmem>> -> memref<1x704xi32, #tpu.memory_space<vmem>>
    %dma_start3A_9 = tpu.memref_squeeze %dma_start3A_8 : memref<1x704xi32, #tpu.memory_space<vmem>> -> memref<704xi32, #tpu.memory_space<vmem>>
    %dma_start3A_10 = tpu.memref_slice %arg2[%mul3A_6] : memref<360448xi32, #tpu.memory_space<hbm>> -> memref<704xi32, #tpu.memory_space<hbm>>
    %dma_start3A_11 = arith.constant 0 : i32
    %dma_start3A_12 = tpu.memref_slice %arg7[%dma_start3A, %dma_start3A_11] : memref<2x704xi32, #tpu.memory_space<vmem>> -> memref<1x704xi32, #tpu.memory_space<vmem>>
    %dma_start3A_13 = tpu.memref_squeeze %dma_start3A_12 : memref<1x704xi32, #tpu.memory_space<vmem>> -> memref<704xi32, #tpu.memory_space<vmem>>
    %dma_start3A_14 = tpu.memref_slice %arg2[%mul3A_6] : memref<360448xi32, #tpu.memory_space<hbm>> -> memref<704xi32, #tpu.memory_space<hbm>>
    tpu.enqueue_dma source(%dma_start3A_14 : memref<704xi32, #tpu.memory_space<hbm>>) target(%dma_start3A_13 : memref<704xi32, #tpu.memory_space<vmem>>) target_semaphore(%arg14 : memref<!tpu.dma_semaphore, #tpu.memory_space<semaphore_mem>>)
    %dma_wait3A = arith.constant 0 : i32
    %dma_wait3A_15 = arith.constant 0 : i32
    %dma_wait3A_16 = tpu.memref_slice %arg7[%dma_wait3A, %dma_wait3A_15] : memref<2x704xi32, #tpu.memory_space<vmem>> -> memref<1x704xi32, #tpu.memory_space<vmem>>
    %dma_wait3A_17 = tpu.memref_squeeze %dma_wait3A_16 : memref<1x704xi32, #tpu.memory_space<vmem>> -> memref<704xi32, #tpu.memory_space<vmem>>
    %dma_wait3A_18 = arith.constant 0 : i32
    %dma_wait3A_19 = tpu.memref_slice %arg2[%dma_wait3A_18] : memref<360448xi32, #tpu.memory_space<hbm>> -> memref<704xi32, #tpu.memory_space<hbm>>
    %dma_wait3A_20 = arith.constant 0 : i32
    %dma_wait3A_21 = tpu.memref_slice %arg7[%dma_wait3A, %dma_wait3A_20] : memref<2x704xi32, #tpu.memory_space<vmem>> -> memref<1x704xi32, #tpu.memory_space<vmem>>
    %dma_wait3A_22 = tpu.memref_squeeze %dma_wait3A_21 : memref<1x704xi32, #tpu.memory_space<vmem>> -> memref<704xi32, #tpu.memory_space<vmem>>
    %dma_wait3A_23 = arith.constant 0 : i32
    %dma_wait3A_24 = tpu.memref_slice %arg2[%dma_wait3A_23] : memref<360448xi32, #tpu.memory_space<hbm>> -> memref<704xi32, #tpu.memory_space<hbm>>
    tpu.wait_dma2 semaphore(%arg14 : memref<!tpu.dma_semaphore, #tpu.memory_space<semaphore_mem>>) src(%dma_wait3A_24 : memref<704xi32, #tpu.memory_space<hbm>>) dst(%dma_wait3A_22 : memref<704xi32, #tpu.memory_space<vmem>>)
    %get3A = arith.constant 0 : i32
    %get3A_25 = arith.index_cast %get3A : i32 to index
    %get3A_26 = arith.constant 0 : index
    %get3A_27 = tpu.vector_load %arg7[%get3A_25, %get3A_26] {strides = array<i32>} : memref<2x704xi32, #tpu.memory_space<vmem>>, vector<16xi32>,
    %dma_start3A_28 = arith.constant 0 : i32
    %dma_start3A_29 = arith.constant 0 : i32
    %dma_start3A_30 = arith.constant 0 : i32
    %dma_start3A_31 = tpu.memref_slice %arg8[%dma_start3A_28, %dma_start3A_29, %dma_start3A_30] : memref<2x32x64xf32, #tpu.memory_space<vmem>> -> memref<1x16x64xf32, #tpu.memory_space<vmem>>
    %dma_start3A_32 = tpu.memref_squeeze %dma_start3A_31 : memref<1x16x64xf32, #tpu.memory_space<vmem>> -> memref<16x64xf32, #tpu.memory_space<vmem>>
    %dma_start3A_33 = arith.constant 0 : i32
    %dma_start3A_34 = arith.constant 0 : i32
    %dma_start3A_35 = tpu.memref_slice %arg3[%dma_start3A_33, %dma_start3A_34] : memref<1000000x64xf32, #tpu.memory_space<hbm>> -> memref<1000000x64xf32, #tpu.memory_space<hbm>>
    tpu.enqueue_indirect_dma source(%dma_start3A_35 : memref<1000000x64xf32, #tpu.memory_space<hbm>>) target(%dma_start3A_32 : memref<16x64xf32, #tpu.memory_space<vmem>>) offsets(%get3A_27 : vector<16xi32>) semaphore(%arg12 : memref<!tpu.dma_semaphore, #tpu.memory_space<semaphore_mem>>)
    %get3A_36 = arith.constant 0 : i32
    %get3A_37 = arith.index_cast %get3A_36 : i32 to index
    %get3A_38 = arith.constant 16 : index
    %get3A_39 = tpu.vector_load %arg7[%get3A_37, %get3A_38] {strides = array<i32>} : memref<2x704xi32, #tpu.memory_space<vmem>>, vector<16xi32>,
    %dma_start3A_40 = arith.constant 0 : i32
    %dma_start3A_41 = arith.constant 16 : i32
    %dma_start3A_42 = arith.constant 0 : i32
    %dma_start3A_43 = tpu.memref_slice %arg8[%dma_start3A_40, %dma_start3A_41, %dma_start3A_42] : memref<2x32x64xf32, #tpu.memory_space<vmem>> -> memref<1x16x64xf32, #tpu.memory_space<vmem>>
    %dma_start3A_44 = tpu.memref_squeeze %dma_start3A_43 : memref<1x16x64xf32, #tpu.memory_space<vmem>> -> memref<16x64xf32, #tpu.memory_space<vmem>>
    %dma_start3A_45 = arith.constant 0 : i32
    %dma_start3A_46 = arith.constant 0 : i32
    %dma_start3A_47 = tpu.memref_slice %arg3[%dma_start3A_45, %dma_start3A_46] : memref<1000000x64xf32, #tpu.memory_space<hbm>> -> memref<1000000x64xf32, #tpu.memory_space<hbm>>
    tpu.enqueue_indirect_dma source(%dma_start3A_47 : memref<1000000x64xf32, #tpu.memory_space<hbm>>) target(%dma_start3A_44 : memref<16x64xf32, #tpu.memory_space<vmem>>) offsets(%get3A_39 : vector<16xi32>) semaphore(%arg12 : memref<!tpu.dma_semaphore, #tpu.memory_space<semaphore_mem>>)
    %get3A_48 = arith.constant 0 : i32
    %get3A_49 = arith.index_cast %get3A_48 : i32 to index
    %get3A_50 = arith.constant 32 : index
    %get3A_51 = tpu.vector_load %arg7[%get3A_49, %get3A_50] {strides = array<i32>} : memref<2x704xi32, #tpu.memory_space<vmem>>, vector<16xi32>,
    %dma_start3A_52 = arith.constant 0 : i32
    %dma_start3A_53 = arith.constant 0 : i32
    %dma_start3A_54 = arith.constant 0 : i32
    %dma_start3A_55 = tpu.memref_slice %arg9[%dma_start3A_52, %dma_start3A_53, %dma_start3A_54] : memref<2x672x64xf32, #tpu.memory_space<vmem>> -> memref<1x16x64xf32, #tpu.memory_space<vmem>>
    %dma_start3A_56 = tpu.memref_squeeze %dma_start3A_55 : memref<1x16x64xf32, #tpu.memory_space<vmem>> -> memref<16x64xf32, #tpu.memory_space<vmem>>
    %dma_start3A_57 = arith.constant 0 : i32
    %dma_start3A_58 = arith.constant 0 : i32
    %dma_start3A_59 = tpu.memref_slice %arg4[%dma_start3A_57, %dma_start3A_58] : memref<1000000x64xf32, #tpu.memory_space<hbm>> -> memref<1000000x64xf32, #tpu.memory_space<hbm>>
    tpu.enqueue_indirect_dma source(%dma_start3A_59 : memref<1000000x64xf32, #tpu.memory_space<hbm>>) target(%dma_start3A_56 : memref<16x64xf32, #tpu.memory_space<vmem>>) offsets(%get3A_51 : vector<16xi32>) semaphore(%arg12 : memref<!tpu.dma_semaphore, #tpu.memory_space<semaphore_mem>>)
    %get3A_60 = arith.constant 0 : i32
    %get3A_61 = arith.index_cast %get3A_60 : i32 to index
    %get3A_62 = arith.constant 48 : index
    %get3A_63 = tpu.vector_load %arg7[%get3A_61, %get3A_62] {strides = array<i32>} : memref<2x704xi32, #tpu.memory_space<vmem>>, vector<16xi32>,
    %dma_start3A_64 = arith.constant 0 : i32
    %dma_start3A_65 = arith.constant 16 : i32
    %dma_start3A_66 = arith.constant 0 : i32
    %dma_start3A_67 = tpu.memref_slice %arg9[%dma_start3A_64, %dma_start3A_65, %dma_start3A_66] : memref<2x672x64xf32, #tpu.memory_space<vmem>> -> memref<1x16x64xf32, #tpu.memory_space<vmem>>
    %dma_start3A_68 = tpu.memref_squeeze %dma_start3A_67 : memref<1x16x64xf32, #tpu.memory_space<vmem>> -> memref<16x64xf32, #tpu.memory_space<vmem>>
    %dma_start3A_69 = arith.constant 0 : i32
    %dma_start3A_70 = arith.constant 0 : i32
    %dma_start3A_71 = tpu.memref_slice %arg4[%dma_start3A_69, %dma_start3A_70] : memref<1000000x64xf32, #tpu.memory_space<hbm>> -> memref<1000000x64xf32, #tpu.memory_space<hbm>>
    tpu.enqueue_indirect_dma source(%dma_start3A_71 : memref<1000000x64xf32, #tpu.memory_space<hbm>>) target(%dma_start3A_68 : memref<16x64xf32, #tpu.memory_space<vmem>>) offsets(%get3A_63 : vector<16xi32>) semaphore(%arg12 : memref<!tpu.dma_semaphore, #tpu.memory_space<semaphore_mem>>)
    %get3A_72 = arith.constant 0 : i32
    %get3A_73 = arith.index_cast %get3A_72 : i32 to index
    %get3A_74 = arith.constant 64 : index
    %get3A_75 = tpu.vector_load %arg7[%get3A_73, %get3A_74] {strides = array<i32>} : memref<2x704xi32, #tpu.memory_space<vmem>>, vector<16xi32>,
    %dma_start3A_76 = arith.constant 0 : i32
    %dma_start3A_77 = arith.constant 32 : i32
    %dma_start3A_78 = arith.constant 0 : i32
    %dma_start3A_79 = tpu.memref_slice %arg9[%dma_start3A_76, %dma_start3A_77, %dma_start3A_78] : memref<2x672x64xf32, #tpu.memory_space<vmem>> -> memref<1x16x64xf32, #tpu.memory_space<vmem>>
    %dma_start3A_80 = tpu.memref_squeeze %dma_start3A_79 : memref<1x16x64xf32, #tpu.memory_space<vmem>> -> memref<16x64xf32, #tpu.memory_space<vmem>>
    %dma_start3A_81 = arith.constant 0 : i32
    %dma_start3A_82 = arith.constant 0 : i32
    %dma_start3A_83 = tpu.memref_slice %arg4[%dma_start3A_81, %dma_start3A_82] : memref<1000000x64xf32, #tpu.memory_space<hbm>> -> memref<1000000x64xf32, #tpu.memory_space<hbm>>
    tpu.enqueue_indirect_dma source(%dma_start3A_83 : memref<1000000x64xf32, #tpu.memory_space<hbm>>) target(%dma_start3A_80 : memref<16x64xf32, #tpu.memory_space<vmem>>) offsets(%get3A_75 : vector<16xi32>) semaphore(%arg12 : memref<!tpu.dma_semaphore, #tpu.memory_space<semaphore_mem>>)
    %get3A_84 = arith.constant 0 : i32
    %get3A_85 = arith.index_cast %get3A_84 : i32 to index
    %get3A_86 = arith.constant 80 : index
    %get3A_87 = tpu.vector_load %arg7[%get3A_85, %get3A_86] {strides = array<i32>} : memref<2x704xi32, #tpu.memory_space<vmem>>, vector<16xi32>,
    %dma_start3A_88 = arith.constant 0 : i32
    %dma_start3A_89 = arith.constant 48 : i32
    %dma_start3A_90 = arith.constant 0 : i32
    %dma_start3A_91 = tpu.memref_slice %arg9[%dma_start3A_88, %dma_start3A_89, %dma_start3A_90] : memref<2x672x64xf32, #tpu.memory_space<vmem>> -> memref<1x16x64xf32, #tpu.memory_space<vmem>>
    %dma_start3A_92 = tpu.memref_squeeze %dma_start3A_91 : memref<1x16x64xf32, #tpu.memory_space<vmem>> -> memref<16x64xf32, #tpu.memory_space<vmem>>
    %dma_start3A_93 = arith.constant 0 : i32
    %dma_start3A_94 = arith.constant 0 : i32
    %dma_start3A_95 = tpu.memref_slice %arg4[%dma_start3A_93, %dma_start3A_94] : memref<1000000x64xf32, #tpu.memory_space<hbm>> -> memref<1000000x64xf32, #tpu.memory_space<hbm>>
    tpu.enqueue_indirect_dma source(%dma_start3A_95 : memref<1000000x64xf32, #tpu.memory_space<hbm>>) target(%dma_start3A_92 : memref<16x64xf32, #tpu.memory_space<vmem>>) offsets(%get3A_87 : vector<16xi32>) semaphore(%arg12 : memref<!tpu.dma_semaphore, #tpu.memory_space<semaphore_mem>>)
    %get3A_96 = arith.constant 0 : i32
    %get3A_97 = arith.index_cast %get3A_96 : i32 to index
    %get3A_98 = arith.constant 96 : index
    %get3A_99 = tpu.vector_load %arg7[%get3A_97, %get3A_98] {strides = array<i32>} : memref<2x704xi32, #tpu.memory_space<vmem>>, vector<16xi32>,
    %dma_start3A_100 = arith.constant 0 : i32
    %dma_start3A_101 = arith.constant 64 : i32
    %dma_start3A_102 = arith.constant 0 : i32
    %dma_start3A_103 = tpu.memref_slice %arg9[%dma_start3A_100, %dma_start3A_101, %dma_start3A_102] : memref<2x672x64xf32, #tpu.memory_space<vmem>> -> memref<1x16x64xf32, #tpu.memory_space<vmem>>
    %dma_start3A_104 = tpu.memref_squeeze %dma_start3A_103 : memref<1x16x64xf32, #tpu.memory_space<vmem>> -> memref<16x64xf32, #tpu.memory_space<vmem>>
    %dma_start3A_105 = arith.constant 0 : i32
    %dma_start3A_106 = arith.constant 0 : i32
    %dma_start3A_107 = tpu.memref_slice %arg4[%dma_start3A_105, %dma_start3A_106] : memref<1000000x64xf32, #tpu.memory_space<hbm>> -> memref<1000000x64xf32, #tpu.memory_space<hbm>>
    tpu.enqueue_indirect_dma source(%dma_start3A_107 : memref<1000000x64xf32, #tpu.memory_space<hbm>>) target(%dma_start3A_104 : memref<16x64xf32, #tpu.memory_space<vmem>>) offsets(%get3A_99 : vector<16xi32>) semaphore(%arg12 : memref<!tpu.dma_semaphore, #tpu.memory_space<semaphore_mem>>)
    %get3A_108 = arith.constant 0 : i32
    %get3A_109 = arith.index_cast %get3A_108 : i32 to index
    %get3A_110 = arith.constant 112 : index
    %get3A_111 = tpu.vector_load %arg7[%get3A_109, %get3A_110] {strides = array<i32>} : memref<2x704xi32, #tpu.memory_space<vmem>>, vector<16xi32>,
    %dma_start3A_112 = arith.constant 0 : i32
    %dma_start3A_113 = arith.constant 80 : i32
    %dma_start3A_114 = arith.constant 0 : i32
    %dma_start3A_115 = tpu.memref_slice %arg9[%dma_start3A_112, %dma_start3A_113, %dma_start3A_114] : memref<2x672x64xf32, #tpu.memory_space<vmem>> -> memref<1x16x64xf32, #tpu.memory_space<vmem>>
    %dma_start3A_116 = tpu.memref_squeeze %dma_start3A_115 : memref<1x16x64xf32, #tpu.memory_space<vmem>> -> memref<16x64xf32, #tpu.memory_space<vmem>>
    %dma_start3A_117 = arith.constant 0 : i32
    %dma_start3A_118 = arith.constant 0 : i32
    %dma_start3A_119 = tpu.memref_slice %arg4[%dma_start3A_117, %dma_start3A_118] : memref<1000000x64xf32, #tpu.memory_space<hbm>> -> memref<1000000x64xf32, #tpu.memory_space<hbm>>
    tpu.enqueue_indirect_dma source(%dma_start3A_119 : memref<1000000x64xf32, #tpu.memory_space<hbm>>) target(%dma_start3A_116 : memref<16x64xf32, #tpu.memory_space<vmem>>) offsets(%get3A_111 : vector<16xi32>) semaphore(%arg12 : memref<!tpu.dma_semaphore, #tpu.memory_space<semaphore_mem>>)
    %get3A_120 = arith.constant 0 : i32
    %get3A_121 = arith.index_cast %get3A_120 : i32 to index
    %get3A_122 = arith.constant 128 : index
    %get3A_123 = tpu.vector_load %arg7[%get3A_121, %get3A_122] {strides = array<i32>} : memref<2x704xi32, #tpu.memory_space<vmem>>, vector<16xi32>,
    %dma_start3A_124 = arith.constant 0 : i32
    %dma_start3A_125 = arith.constant 96 : i32
    %dma_start3A_126 = arith.constant 0 : i32
    %dma_start3A_127 = tpu.memref_slice %arg9[%dma_start3A_124, %dma_start3A_125, %dma_start3A_126] : memref<2x672x64xf32, #tpu.memory_space<vmem>> -> memref<1x16x64xf32, #tpu.memory_space<vmem>>
    %dma_start3A_128 = tpu.memref_squeeze %dma_start3A_127 : memref<1x16x64xf32, #tpu.memory_space<vmem>> -> memref<16x64xf32, #tpu.memory_space<vmem>>
    %dma_start3A_129 = arith.constant 0 : i32
    %dma_start3A_130 = arith.constant 0 : i32
    %dma_start3A_131 = tpu.memref_slice %arg4[%dma_start3A_129, %dma_start3A_130] : memref<1000000x64xf32, #tpu.memory_space<hbm>> -> memref<1000000x64xf32, #tpu.memory_space<hbm>>
    tpu.enqueue_indirect_dma source(%dma_start3A_131 : memref<1000000x64xf32, #tpu.memory_space<hbm>>) target(%dma_start3A_128 : memref<16x64xf32, #tpu.memory_space<vmem>>) offsets(%get3A_123 : vector<16xi32>) semaphore(%arg12 : memref<!tpu.dma_semaphore, #tpu.memory_space<semaphore_mem>>)
    %get3A_132 = arith.constant 0 : i32
    %get3A_133 = arith.index_cast %get3A_132 : i32 to index
    %get3A_134 = arith.constant 144 : index
    %get3A_135 = tpu.vector_load %arg7[%get3A_133, %get3A_134] {strides = array<i32>} : memref<2x704xi32, #tpu.memory_space<vmem>>, vector<16xi32>,
    %dma_start3A_136 = arith.constant 0 : i32
    %dma_start3A_137 = arith.constant 112 : i32
    %dma_start3A_138 = arith.constant 0 : i32
    %dma_start3A_139 = tpu.memref_slice %arg9[%dma_start3A_136, %dma_start3A_137, %dma_start3A_138] : memref<2x672x64xf32, #tpu.memory_space<vmem>> -> memref<1x16x64xf32, #tpu.memory_space<vmem>>
    %dma_start3A_140 = tpu.memref_squeeze %dma_start3A_139 : memref<1x16x64xf32, #tpu.memory_space<vmem>> -> memref<16x64xf32, #tpu.memory_space<vmem>>
    %dma_start3A_141 = arith.constant 0 : i32
    %dma_start3A_142 = arith.constant 0 : i32
    %dma_start3A_143 = tpu.memref_slice %arg4[%dma_start3A_141, %dma_start3A_142] : memref<1000000x64xf32, #tpu.memory_space<hbm>> -> memref<1000000x64xf32, #tpu.memory_space<hbm>>
    tpu.enqueue_indirect_dma source(%dma_start3A_143 : memref<1000000x64xf32, #tpu.memory_space<hbm>>) target(%dma_start3A_140 : memref<16x64xf32, #tpu.memory_space<vmem>>) offsets(%get3A_135 : vector<16xi32>) semaphore(%arg12 : memref<!tpu.dma_semaphore, #tpu.memory_space<semaphore_mem>>)
    %get3A_144 = arith.constant 0 : i32
    %get3A_145 = arith.index_cast %get3A_144 : i32 to index
    %get3A_146 = arith.constant 160 : index
    %get3A_147 = tpu.vector_load %arg7[%get3A_145, %get3A_146] {strides = array<i32>} : memref<2x704xi32, #tpu.memory_space<vmem>>, vector<16xi32>,
    %dma_start3A_148 = arith.constant 0 : i32
    %dma_start3A_149 = arith.constant 128 : i32
    %dma_start3A_150 = arith.constant 0 : i32
    %dma_start3A_151 = tpu.memref_slice %arg9[%dma_start3A_148, %dma_start3A_149, %dma_start3A_150] : memref<2x672x64xf32, #tpu.memory_space<vmem>> -> memref<1x16x64xf32, #tpu.memory_space<vmem>>
    %dma_start3A_152 = tpu.memref_squeeze %dma_start3A_151 : memref<1x16x64xf32, #tpu.memory_space<vmem>> -> memref<16x64xf32, #tpu.memory_space<vmem>>
    %dma_start3A_153 = arith.constant 0 : i32
    %dma_start3A_154 = arith.constant 0 : i32
    %dma_start3A_155 = tpu.memref_slice %arg4[%dma_start3A_153, %dma_start3A_154] : memref<1000000x64xf32, #tpu.memory_space<hbm>> -> memref<1000000x64xf32, #tpu.memory_space<hbm>>
    tpu.enqueue_indirect_dma source(%dma_start3A_155 : memref<1000000x64xf32, #tpu.memory_space<hbm>>) target(%dma_start3A_152 : memref<16x64xf32, #tpu.memory_space<vmem>>) offsets(%get3A_147 : vector<16xi32>) semaphore(%arg12 : memref<!tpu.dma_semaphore, #tpu.memory_space<semaphore_mem>>)
    %get3A_156 = arith.constant 0 : i32
    %get3A_157 = arith.index_cast %get3A_156 : i32 to index
    %get3A_158 = arith.constant 176 : index
    %get3A_159 = tpu.vector_load %arg7[%get3A_157, %get3A_158] {strides = array<i32>} : memref<2x704xi32, #tpu.memory_space<vmem>>, vector<16xi32>,
    %dma_start3A_160 = arith.constant 0 : i32
    %dma_start3A_161 = arith.constant 144 : i32
    %dma_start3A_162 = arith.constant 0 : i32
    %dma_start3A_163 = tpu.memref_slice %arg9[%dma_start3A_160, %dma_start3A_161, %dma_start3A_162] : memref<2x672x64xf32, #tpu.memory_space<vmem>> -> memref<1x16x64xf32, #tpu.memory_space<vmem>>
    %dma_start3A_164 = tpu.memref_squeeze %dma_start3A_163 : memref<1x16x64xf32, #tpu.memory_space<vmem>> -> memref<16x64xf32, #tpu.memory_space<vmem>>
    %dma_start3A_165 = arith.constant 0 : i32
    %dma_start3A_166 = arith.constant 0 : i32
    %dma_start3A_167 = tpu.memref_slice %arg4[%dma_start3A_165, %dma_start3A_166] : memref<1000000x64xf32, #tpu.memory_space<hbm>> -> memref<1000000x64xf32, #tpu.memory_space<hbm>>
    tpu.enqueue_indirect_dma source(%dma_start3A_167 : memref<1000000x64xf32, #tpu.memory_space<hbm>>) target(%dma_start3A_164 : memref<16x64xf32, #tpu.memory_space<vmem>>) offsets(%get3A_159 : vector<16xi32>) semaphore(%arg12 : memref<!tpu.dma_semaphore, #tpu.memory_space<semaphore_mem>>)
    %get3A_168 = arith.constant 0 : i32
    %get3A_169 = arith.index_cast %get3A_168 : i32 to index
    %get3A_170 = arith.constant 192 : index
    %get3A_171 = tpu.vector_load %arg7[%get3A_169, %get3A_170] {strides = array<i32>} : memref<2x704xi32, #tpu.memory_space<vmem>>, vector<16xi32>,
    %dma_start3A_172 = arith.constant 0 : i32
    %dma_start3A_173 = arith.constant 160 : i32
    %dma_start3A_174 = arith.constant 0 : i32
    %dma_start3A_175 = tpu.memref_slice %arg9[%dma_start3A_172, %dma_start3A_173, %dma_start3A_174] : memref<2x672x64xf32, #tpu.memory_space<vmem>> -> memref<1x16x64xf32, #tpu.memory_space<vmem>>
    %dma_start3A_176 = tpu.memref_squeeze %dma_start3A_175 : memref<1x16x64xf32, #tpu.memory_space<vmem>> -> memref<16x64xf32, #tpu.memory_space<vmem>>
    %dma_start3A_177 = arith.constant 0 : i32
    %dma_start3A_178 = arith.constant 0 : i32
    %dma_start3A_179 = tpu.memref_slice %arg4[%dma_start3A_177, %dma_start3A_178] : memref<1000000x64xf32, #tpu.memory_space<hbm>> -> memref<1000000x64xf32, #tpu.memory_space<hbm>>
    tpu.enqueue_indirect_dma source(%dma_start3A_179 : memref<1000000x64xf32, #tpu.memory_space<hbm>>) target(%dma_start3A_176 : memref<16x64xf32, #tpu.memory_space<vmem>>) offsets(%get3A_171 : vector<16xi32>) semaphore(%arg12 : memref<!tpu.dma_semaphore, #tpu.memory_space<semaphore_mem>>)
    %get3A_180 = arith.constant 0 : i32
    %get3A_181 = arith.index_cast %get3A_180 : i32 to index
    %get3A_182 = arith.constant 208 : index
    %get3A_183 = tpu.vector_load %arg7[%get3A_181, %get3A_182] {strides = array<i32>} : memref<2x704xi32, #tpu.memory_space<vmem>>, vector<16xi32>,
    %dma_start3A_184 = arith.constant 0 : i32
    %dma_start3A_185 = arith.constant 176 : i32
    %dma_start3A_186 = arith.constant 0 : i32
    %dma_start3A_187 = tpu.memref_slice %arg9[%dma_start3A_184, %dma_start3A_185, %dma_start3A_186] : memref<2x672x64xf32, #tpu.memory_space<vmem>> -> memref<1x16x64xf32, #tpu.memory_space<vmem>>
    %dma_start3A_188 = tpu.memref_squeeze %dma_start3A_187 : memref<1x16x64xf32, #tpu.memory_space<vmem>> -> memref<16x64xf32, #tpu.memory_space<vmem>>
    %dma_start3A_189 = arith.constant 0 : i32
    %dma_start3A_190 = arith.constant 0 : i32
    %dma_start3A_191 = tpu.memref_slice %arg4[%dma_start3A_189, %dma_start3A_190] : memref<1000000x64xf32, #tpu.memory_space<hbm>> -> memref<1000000x64xf32, #tpu.memory_space<hbm>>
    tpu.enqueue_indirect_dma source(%dma_start3A_191 : memref<1000000x64xf32, #tpu.memory_space<hbm>>) target(%dma_start3A_188 : memref<16x64xf32, #tpu.memory_space<vmem>>) offsets(%get3A_183 : vector<16xi32>) semaphore(%arg12 : memref<!tpu.dma_semaphore, #tpu.memory_space<semaphore_mem>>)
    %get3A_192 = arith.constant 0 : i32
    %get3A_193 = arith.index_cast %get3A_192 : i32 to index
    %get3A_194 = arith.constant 224 : index
    %get3A_195 = tpu.vector_load %arg7[%get3A_193, %get3A_194] {strides = array<i32>} : memref<2x704xi32, #tpu.memory_space<vmem>>, vector<16xi32>,
    %dma_start3A_196 = arith.constant 0 : i32
    %dma_start3A_197 = arith.constant 192 : i32
    %dma_start3A_198 = arith.constant 0 : i32
    %dma_start3A_199 = tpu.memref_slice %arg9[%dma_start3A_196, %dma_start3A_197, %dma_start3A_198] : memref<2x672x64xf32, #tpu.memory_space<vmem>> -> memref<1x16x64xf32, #tpu.memory_space<vmem>>
    %dma_start3A_200 = tpu.memref_squeeze %dma_start3A_199 : memref<1x16x64xf32, #tpu.memory_space<vmem>> -> memref<16x64xf32, #tpu.memory_space<vmem>>
    %dma_start3A_201 = arith.constant 0 : i32
    %dma_start3A_202 = arith.constant 0 : i32
    %dma_start3A_203 = tpu.memref_slice %arg4[%dma_start3A_201, %dma_start3A_202] : memref<1000000x64xf32, #tpu.memory_space<hbm>> -> memref<1000000x64xf32, #tpu.memory_space<hbm>>
    tpu.enqueue_indirect_dma source(%dma_start3A_203 : memref<1000000x64xf32, #tpu.memory_space<hbm>>) target(%dma_start3A_200 : memref<16x64xf32, #tpu.memory_space<vmem>>) offsets(%get3A_195 : vector<16xi32>) semaphore(%arg12 : memref<!tpu.dma_semaphore, #tpu.memory_space<semaphore_mem>>)
    %get3A_204 = arith.constant 0 : i32
    %get3A_205 = arith.index_cast %get3A_204 : i32 to index
    %get3A_206 = arith.constant 240 : index
    %get3A_207 = tpu.vector_load %arg7[%get3A_205, %get3A_206] {strides = array<i32>} : memref<2x704xi32, #tpu.memory_space<vmem>>, vector<16xi32>,
    %dma_start3A_208 = arith.constant 0 : i32
    %dma_start3A_209 = arith.constant 208 : i32
    %dma_start3A_210 = arith.constant 0 : i32
    %dma_start3A_211 = tpu.memref_slice %arg9[%dma_start3A_208, %dma_start3A_209, %dma_start3A_210] : memref<2x672x64xf32, #tpu.memory_space<vmem>> -> memref<1x16x64xf32, #tpu.memory_space<vmem>>
    %dma_start3A_212 = tpu.memref_squeeze %dma_start3A_211 : memref<1x16x64xf32, #tpu.memory_space<vmem>> -> memref<16x64xf32, #tpu.memory_space<vmem>>
    %dma_start3A_213 = arith.constant 0 : i32
    %dma_start3A_214 = arith.constant 0 : i32
    %dma_start3A_215 = tpu.memref_slice %arg4[%dma_start3A_213, %dma_start3A_214] : memref<1000000x64xf32, #tpu.memory_space<hbm>> -> memref<1000000x64xf32, #tpu.memory_space<hbm>>
    tpu.enqueue_indirect_dma source(%dma_start3A_215 : memref<1000000x64xf32, #tpu.memory_space<hbm>>) target(%dma_start3A_212 : memref<16x64xf32, #tpu.memory_space<vmem>>) offsets(%get3A_207 : vector<16xi32>) semaphore(%arg12 : memref<!tpu.dma_semaphore, #tpu.memory_space<semaphore_mem>>)
    %get3A_216 = arith.constant 0 : i32
    %get3A_217 = arith.index_cast %get3A_216 : i32 to index
    %get3A_218 = arith.constant 256 : index
    %get3A_219 = tpu.vector_load %arg7[%get3A_217, %get3A_218] {strides = array<i32>} : memref<2x704xi32, #tpu.memory_space<vmem>>, vector<16xi32>,
    %dma_start3A_220 = arith.constant 0 : i32
    %dma_start3A_221 = arith.constant 224 : i32
    %dma_start3A_222 = arith.constant 0 : i32
    %dma_start3A_223 = tpu.memref_slice %arg9[%dma_start3A_220, %dma_start3A_221, %dma_start3A_222] : memref<2x672x64xf32, #tpu.memory_space<vmem>> -> memref<1x16x64xf32, #tpu.memory_space<vmem>>
    %dma_start3A_224 = tpu.memref_squeeze %dma_start3A_223 : memref<1x16x64xf32, #tpu.memory_space<vmem>> -> memref<16x64xf32, #tpu.memory_space<vmem>>
    %dma_start3A_225 = arith.constant 0 : i32
    %dma_start3A_226 = arith.constant 0 : i32
    %dma_start3A_227 = tpu.memref_slice %arg4[%dma_start3A_225, %dma_start3A_226] : memref<1000000x64xf32, #tpu.memory_space<hbm>> -> memref<1000000x64xf32, #tpu.memory_space<hbm>>
    tpu.enqueue_indirect_dma source(%dma_start3A_227 : memref<1000000x64xf32, #tpu.memory_space<hbm>>) target(%dma_start3A_224 : memref<16x64xf32, #tpu.memory_space<vmem>>) offsets(%get3A_219 : vector<16xi32>) semaphore(%arg12 : memref<!tpu.dma_semaphore, #tpu.memory_space<semaphore_mem>>)
    %get3A_228 = arith.constant 0 : i32
    %get3A_229 = arith.index_cast %get3A_228 : i32 to index
    %get3A_230 = arith.constant 272 : index
    %get3A_231 = tpu.vector_load %arg7[%get3A_229, %get3A_230] {strides = array<i32>} : memref<2x704xi32, #tpu.memory_space<vmem>>, vector<16xi32>,
    %dma_start3A_232 = arith.constant 0 : i32
    %dma_start3A_233 = arith.constant 240 : i32
    %dma_start3A_234 = arith.constant 0 : i32
    %dma_start3A_235 = tpu.memref_slice %arg9[%dma_start3A_232, %dma_start3A_233, %dma_start3A_234] : memref<2x672x64xf32, #tpu.memory_space<vmem>> -> memref<1x16x64xf32, #tpu.memory_space<vmem>>
    %dma_start3A_236 = tpu.memref_squeeze %dma_start3A_235 : memref<1x16x64xf32, #tpu.memory_space<vmem>> -> memref<16x64xf32, #tpu.memory_space<vmem>>
    %dma_start3A_237 = arith.constant 0 : i32
    %dma_start3A_238 = arith.constant 0 : i32
    %dma_start3A_239 = tpu.memref_slice %arg4[%dma_start3A_237, %dma_start3A_238] : memref<1000000x64xf32, #tpu.memory_space<hbm>> -> memref<1000000x64xf32, #tpu.memory_space<hbm>>
    tpu.enqueue_indirect_dma source(%dma_start3A_239 : memref<1000000x64xf32, #tpu.memory_space<hbm>>) target(%dma_start3A_236 : memref<16x64xf32, #tpu.memory_space<vmem>>) offsets(%get3A_231 : vector<16xi32>) semaphore(%arg12 : memref<!tpu.dma_semaphore, #tpu.memory_space<semaphore_mem>>)
    %get3A_240 = arith.constant 0 : i32
    %get3A_241 = arith.index_cast %get3A_240 : i32 to index
    %get3A_242 = arith.constant 288 : index
    %get3A_243 = tpu.vector_load %arg7[%get3A_241, %get3A_242] {strides = array<i32>} : memref<2x704xi32, #tpu.memory_space<vmem>>, vector<16xi32>,
    %dma_start3A_244 = arith.constant 0 : i32
    %dma_start3A_245 = arith.constant 256 : i32
    %dma_start3A_246 = arith.constant 0 : i32
    %dma_start3A_247 = tpu.memref_slice %arg9[%dma_start3A_244, %dma_start3A_245, %dma_start3A_246] : memref<2x672x64xf32, #tpu.memory_space<vmem>> -> memref<1x16x64xf32, #tpu.memory_space<vmem>>
    %dma_start3A_248 = tpu.memref_squeeze %dma_start3A_247 : memref<1x16x64xf32, #tpu.memory_space<vmem>> -> memref<16x64xf32, #tpu.memory_space<vmem>>
    %dma_start3A_249 = arith.constant 0 : i32
    %dma_start3A_250 = arith.constant 0 : i32
    %dma_start3A_251 = tpu.memref_slice %arg4[%dma_start3A_249, %dma_start3A_250] : memref<1000000x64xf32, #tpu.memory_space<hbm>> -> memref<1000000x64xf32, #tpu.memory_space<hbm>>
    tpu.enqueue_indirect_dma source(%dma_start3A_251 : memref<1000000x64xf32, #tpu.memory_space<hbm>>) target(%dma_start3A_248 : memref<16x64xf32, #tpu.memory_space<vmem>>) offsets(%get3A_243 : vector<16xi32>) semaphore(%arg12 : memref<!tpu.dma_semaphore, #tpu.memory_space<semaphore_mem>>)
    %get3A_252 = arith.constant 0 : i32
    %get3A_253 = arith.index_cast %get3A_252 : i32 to index
    %get3A_254 = arith.constant 304 : index
    %get3A_255 = tpu.vector_load %arg7[%get3A_253, %get3A_254] {strides = array<i32>} : memref<2x704xi32, #tpu.memory_space<vmem>>, vector<16xi32>,
    %dma_start3A_256 = arith.constant 0 : i32
    %dma_start3A_257 = arith.constant 272 : i32
    %dma_start3A_258 = arith.constant 0 : i32
    %dma_start3A_259 = tpu.memref_slice %arg9[%dma_start3A_256, %dma_start3A_257, %dma_start3A_258] : memref<2x672x64xf32, #tpu.memory_space<vmem>> -> memref<1x16x64xf32, #tpu.memory_space<vmem>>
    %dma_start3A_260 = tpu.memref_squeeze %dma_start3A_259 : memref<1x16x64xf32, #tpu.memory_space<vmem>> -> memref<16x64xf32, #tpu.memory_space<vmem>>
    %dma_start3A_261 = arith.constant 0 : i32
    %dma_start3A_262 = arith.constant 0 : i32
    %dma_start3A_263 = tpu.memref_slice %arg4[%dma_start3A_261, %dma_start3A_262] : memref<1000000x64xf32, #tpu.memory_space<hbm>> -> memref<1000000x64xf32, #tpu.memory_space<hbm>>
    tpu.enqueue_indirect_dma source(%dma_start3A_263 : memref<1000000x64xf32, #tpu.memory_space<hbm>>) target(%dma_start3A_260 : memref<16x64xf32, #tpu.memory_space<vmem>>) offsets(%get3A_255 : vector<16xi32>) semaphore(%arg12 : memref<!tpu.dma_semaphore, #tpu.memory_space<semaphore_mem>>)
    %get3A_264 = arith.constant 0 : i32
    %get3A_265 = arith.index_cast %get3A_264 : i32 to index
    %get3A_266 = arith.constant 320 : index
    %get3A_267 = tpu.vector_load %arg7[%get3A_265, %get3A_266] {strides = array<i32>} : memref<2x704xi32, #tpu.memory_space<vmem>>, vector<16xi32>,
    %dma_start3A_268 = arith.constant 0 : i32
    %dma_start3A_269 = arith.constant 288 : i32
    %dma_start3A_270 = arith.constant 0 : i32
    %dma_start3A_271 = tpu.memref_slice %arg9[%dma_start3A_268, %dma_start3A_269, %dma_start3A_270] : memref<2x672x64xf32, #tpu.memory_space<vmem>> -> memref<1x16x64xf32, #tpu.memory_space<vmem>>
    %dma_start3A_272 = tpu.memref_squeeze %dma_start3A_271 : memref<1x16x64xf32, #tpu.memory_space<vmem>> -> memref<16x64xf32, #tpu.memory_space<vmem>>
    %dma_start3A_273 = arith.constant 0 : i32
    %dma_start3A_274 = arith.constant 0 : i32
    %dma_start3A_275 = tpu.memref_slice %arg4[%dma_start3A_273, %dma_start3A_274] : memref<1000000x64xf32, #tpu.memory_space<hbm>> -> memref<1000000x64xf32, #tpu.memory_space<hbm>>
    tpu.enqueue_indirect_dma source(%dma_start3A_275 : memref<1000000x64xf32, #tpu.memory_space<hbm>>) target(%dma_start3A_272 : memref<16x64xf32, #tpu.memory_space<vmem>>) offsets(%get3A_267 : vector<16xi32>) semaphore(%arg12 : memref<!tpu.dma_semaphore, #tpu.memory_space<semaphore_mem>>)
    %get3A_276 = arith.constant 0 : i32
    %get3A_277 = arith.index_cast %get3A_276 : i32 to index
    %get3A_278 = arith.constant 336 : index
    %get3A_279 = tpu.vector_load %arg7[%get3A_277, %get3A_278] {strides = array<i32>} : memref<2x704xi32, #tpu.memory_space<vmem>>, vector<16xi32>,
    %dma_start3A_280 = arith.constant 0 : i32
    %dma_start3A_281 = arith.constant 304 : i32
    %dma_start3A_282 = arith.constant 0 : i32
    %dma_start3A_283 = tpu.memref_slice %arg9[%dma_start3A_280, %dma_start3A_281, %dma_start3A_282] : memref<2x672x64xf32, #tpu.memory_space<vmem>> -> memref<1x16x64xf32, #tpu.memory_space<vmem>>
    %dma_start3A_284 = tpu.memref_squeeze %dma_start3A_283 : memref<1x16x64xf32, #tpu.memory_space<vmem>> -> memref<16x64xf32, #tpu.memory_space<vmem>>
    %dma_start3A_285 = arith.constant 0 : i32
    %dma_start3A_286 = arith.constant 0 : i32
    %dma_start3A_287 = tpu.memref_slice %arg4[%dma_start3A_285, %dma_start3A_286] : memref<1000000x64xf32, #tpu.memory_space<hbm>> -> memref<1000000x64xf32, #tpu.memory_space<hbm>>
    tpu.enqueue_indirect_dma source(%dma_start3A_287 : memref<1000000x64xf32, #tpu.memory_space<hbm>>) target(%dma_start3A_284 : memref<16x64xf32, #tpu.memory_space<vmem>>) offsets(%get3A_279 : vector<16xi32>) semaphore(%arg12 : memref<!tpu.dma_semaphore, #tpu.memory_space<semaphore_mem>>)
    %get3A_288 = arith.constant 0 : i32
    %get3A_289 = arith.index_cast %get3A_288 : i32 to index
    %get3A_290 = arith.constant 352 : index
    %get3A_291 = tpu.vector_load %arg7[%get3A_289, %get3A_290] {strides = array<i32>} : memref<2x704xi32, #tpu.memory_space<vmem>>, vector<16xi32>,
    %dma_start3A_292 = arith.constant 0 : i32
    %dma_start3A_293 = arith.constant 320 : i32
    %dma_start3A_294 = arith.constant 0 : i32
    %dma_start3A_295 = tpu.memref_slice %arg9[%dma_start3A_292, %dma_start3A_293, %dma_start3A_294] : memref<2x672x64xf32, #tpu.memory_space<vmem>> -> memref<1x16x64xf32, #tpu.memory_space<vmem>>
    %dma_start3A_296 = tpu.memref_squeeze %dma_start3A_295 : memref<1x16x64xf32, #tpu.memory_space<vmem>> -> memref<16x64xf32, #tpu.memory_space<vmem>>
    %dma_start3A_297 = arith.constant 0 : i32
    %dma_start3A_298 = arith.constant 0 : i32
    %dma_start3A_299 = tpu.memref_slice %arg4[%dma_start3A_297, %dma_start3A_298] : memref<1000000x64xf32, #tpu.memory_space<hbm>> -> memref<1000000x64xf32, #tpu.memory_space<hbm>>
    tpu.enqueue_indirect_dma source(%dma_start3A_299 : memref<1000000x64xf32, #tpu.memory_space<hbm>>) target(%dma_start3A_296 : memref<16x64xf32, #tpu.memory_space<vmem>>) offsets(%get3A_291 : vector<16xi32>) semaphore(%arg12 : memref<!tpu.dma_semaphore, #tpu.memory_space<semaphore_mem>>)
    %get3A_300 = arith.constant 0 : i32
    %get3A_301 = arith.index_cast %get3A_300 : i32 to index
    %get3A_302 = arith.constant 368 : index
    %get3A_303 = tpu.vector_load %arg7[%get3A_301, %get3A_302] {strides = array<i32>} : memref<2x704xi32, #tpu.memory_space<vmem>>, vector<16xi32>,
    %dma_start3A_304 = arith.constant 0 : i32
    %dma_start3A_305 = arith.constant 336 : i32
    %dma_start3A_306 = arith.constant 0 : i32
    %dma_start3A_307 = tpu.memref_slice %arg9[%dma_start3A_304, %dma_start3A_305, %dma_start3A_306] : memref<2x672x64xf32, #tpu.memory_space<vmem>> -> memref<1x16x64xf32, #tpu.memory_space<vmem>>
    %dma_start3A_308 = tpu.memref_squeeze %dma_start3A_307 : memref<1x16x64xf32, #tpu.memory_space<vmem>> -> memref<16x64xf32, #tpu.memory_space<vmem>>
    %dma_start3A_309 = arith.constant 0 : i32
    %dma_start3A_310 = arith.constant 0 : i32
    %dma_start3A_311 = tpu.memref_slice %arg4[%dma_start3A_309, %dma_start3A_310] : memref<1000000x64xf32, #tpu.memory_space<hbm>> -> memref<1000000x64xf32, #tpu.memory_space<hbm>>
    tpu.enqueue_indirect_dma source(%dma_start3A_311 : memref<1000000x64xf32, #tpu.memory_space<hbm>>) target(%dma_start3A_308 : memref<16x64xf32, #tpu.memory_space<vmem>>) offsets(%get3A_303 : vector<16xi32>) semaphore(%arg12 : memref<!tpu.dma_semaphore, #tpu.memory_space<semaphore_mem>>)
    %get3A_312 = arith.constant 0 : i32
    %get3A_313 = arith.index_cast %get3A_312 : i32 to index
    %get3A_314 = arith.constant 384 : index
    %get3A_315 = tpu.vector_load %arg7[%get3A_313, %get3A_314] {strides = array<i32>} : memref<2x704xi32, #tpu.memory_space<vmem>>, vector<16xi32>,
    %dma_start3A_316 = arith.constant 0 : i32
    %dma_start3A_317 = arith.constant 352 : i32
    %dma_start3A_318 = arith.constant 0 : i32
    %dma_start3A_319 = tpu.memref_slice %arg9[%dma_start3A_316, %dma_start3A_317, %dma_start3A_318] : memref<2x672x64xf32, #tpu.memory_space<vmem>> -> memref<1x16x64xf32, #tpu.memory_space<vmem>>
    %dma_start3A_320 = tpu.memref_squeeze %dma_start3A_319 : memref<1x16x64xf32, #tpu.memory_space<vmem>> -> memref<16x64xf32, #tpu.memory_space<vmem>>
    %dma_start3A_321 = arith.constant 0 : i32
    %dma_start3A_322 = arith.constant 0 : i32
    %dma_start3A_323 = tpu.memref_slice %arg4[%dma_start3A_321, %dma_start3A_322] : memref<1000000x64xf32, #tpu.memory_space<hbm>> -> memref<1000000x64xf32, #tpu.memory_space<hbm>>
    tpu.enqueue_indirect_dma source(%dma_start3A_323 : memref<1000000x64xf32, #tpu.memory_space<hbm>>) target(%dma_start3A_320 : memref<16x64xf32, #tpu.memory_space<vmem>>) offsets(%get3A_315 : vector<16xi32>) semaphore(%arg12 : memref<!tpu.dma_semaphore, #tpu.memory_space<semaphore_mem>>)
    %get3A_324 = arith.constant 0 : i32
    %get3A_325 = arith.index_cast %get3A_324 : i32 to index
    %get3A_326 = arith.constant 400 : index
    %get3A_327 = tpu.vector_load %arg7[%get3A_325, %get3A_326] {strides = array<i32>} : memref<2x704xi32, #tpu.memory_space<vmem>>, vector<16xi32>,
    %dma_start3A_328 = arith.constant 0 : i32
    %dma_start3A_329 = arith.constant 368 : i32
    %dma_start3A_330 = arith.constant 0 : i32
    %dma_start3A_331 = tpu.memref_slice %arg9[%dma_start3A_328, %dma_start3A_329, %dma_start3A_330] : memref<2x672x64xf32, #tpu.memory_space<vmem>> -> memref<1x16x64xf32, #tpu.memory_space<vmem>>
    %dma_start3A_332 = tpu.memref_squeeze %dma_start3A_331 : memref<1x16x64xf32, #tpu.memory_space<vmem>> -> memref<16x64xf32, #tpu.memory_space<vmem>>
    %dma_start3A_333 = arith.constant 0 : i32
    %dma_start3A_334 = arith.constant 0 : i32
    %dma_start3A_335 = tpu.memref_slice %arg4[%dma_start3A_333, %dma_start3A_334] : memref<1000000x64xf32, #tpu.memory_space<hbm>> -> memref<1000000x64xf32, #tpu.memory_space<hbm>>
    tpu.enqueue_indirect_dma source(%dma_start3A_335 : memref<1000000x64xf32, #tpu.memory_space<hbm>>) target(%dma_start3A_332 : memref<16x64xf32, #tpu.memory_space<vmem>>) offsets(%get3A_327 : vector<16xi32>) semaphore(%arg12 : memref<!tpu.dma_semaphore, #tpu.memory_space<semaphore_mem>>)
    %get3A_336 = arith.constant 0 : i32
    %get3A_337 = arith.index_cast %get3A_336 : i32 to index
    %get3A_338 = arith.constant 416 : index
    %get3A_339 = tpu.vector_load %arg7[%get3A_337, %get3A_338] {strides = array<i32>} : memref<2x704xi32, #tpu.memory_space<vmem>>, vector<16xi32>,
    %dma_start3A_340 = arith.constant 0 : i32
    %dma_start3A_341 = arith.constant 384 : i32
    %dma_start3A_342 = arith.constant 0 : i32
    %dma_start3A_343 = tpu.memref_slice %arg9[%dma_start3A_340, %dma_start3A_341, %dma_start3A_342] : memref<2x672x64xf32, #tpu.memory_space<vmem>> -> memref<1x16x64xf32, #tpu.memory_space<vmem>>
    %dma_start3A_344 = tpu.memref_squeeze %dma_start3A_343 : memref<1x16x64xf32, #tpu.memory_space<vmem>> -> memref<16x64xf32, #tpu.memory_space<vmem>>
    %dma_start3A_345 = arith.constant 0 : i32
    %dma_start3A_346 = arith.constant 0 : i32
    %dma_start3A_347 = tpu.memref_slice %arg4[%dma_start3A_345, %dma_start3A_346] : memref<1000000x64xf32, #tpu.memory_space<hbm>> -> memref<1000000x64xf32, #tpu.memory_space<hbm>>
    tpu.enqueue_indirect_dma source(%dma_start3A_347 : memref<1000000x64xf32, #tpu.memory_space<hbm>>) target(%dma_start3A_344 : memref<16x64xf32, #tpu.memory_space<vmem>>) offsets(%get3A_339 : vector<16xi32>) semaphore(%arg12 : memref<!tpu.dma_semaphore, #tpu.memory_space<semaphore_mem>>)
    %get3A_348 = arith.constant 0 : i32
    %get3A_349 = arith.index_cast %get3A_348 : i32 to index
    %get3A_350 = arith.constant 432 : index
    %get3A_351 = tpu.vector_load %arg7[%get3A_349, %get3A_350] {strides = array<i32>} : memref<2x704xi32, #tpu.memory_space<vmem>>, vector<16xi32>,
    %dma_start3A_352 = arith.constant 0 : i32
    %dma_start3A_353 = arith.constant 400 : i32
    %dma_start3A_354 = arith.constant 0 : i32
    %dma_start3A_355 = tpu.memref_slice %arg9[%dma_start3A_352, %dma_start3A_353, %dma_start3A_354] : memref<2x672x64xf32, #tpu.memory_space<vmem>> -> memref<1x16x64xf32, #tpu.memory_space<vmem>>
    %dma_start3A_356 = tpu.memref_squeeze %dma_start3A_355 : memref<1x16x64xf32, #tpu.memory_space<vmem>> -> memref<16x64xf32, #tpu.memory_space<vmem>>
    %dma_start3A_357 = arith.constant 0 : i32
    %dma_start3A_358 = arith.constant 0 : i32
    %dma_start3A_359 = tpu.memref_slice %arg4[%dma_start3A_357, %dma_start3A_358] : memref<1000000x64xf32, #tpu.memory_space<hbm>> -> memref<1000000x64xf32, #tpu.memory_space<hbm>>
    tpu.enqueue_indirect_dma source(%dma_start3A_359 : memref<1000000x64xf32, #tpu.memory_space<hbm>>) target(%dma_start3A_356 : memref<16x64xf32, #tpu.memory_space<vmem>>) offsets(%get3A_351 : vector<16xi32>) semaphore(%arg12 : memref<!tpu.dma_semaphore, #tpu.memory_space<semaphore_mem>>)
    %get3A_360 = arith.constant 0 : i32
    %get3A_361 = arith.index_cast %get3A_360 : i32 to index
    %get3A_362 = arith.constant 448 : index
    %get3A_363 = tpu.vector_load %arg7[%get3A_361, %get3A_362] {strides = array<i32>} : memref<2x704xi32, #tpu.memory_space<vmem>>, vector<16xi32>,
    %dma_start3A_364 = arith.constant 0 : i32
    %dma_start3A_365 = arith.constant 416 : i32
    %dma_start3A_366 = arith.constant 0 : i32
    %dma_start3A_367 = tpu.memref_slice %arg9[%dma_start3A_364, %dma_start3A_365, %dma_start3A_366] : memref<2x672x64xf32, #tpu.memory_space<vmem>> -> memref<1x16x64xf32, #tpu.memory_space<vmem>>
    %dma_start3A_368 = tpu.memref_squeeze %dma_start3A_367 : memref<1x16x64xf32, #tpu.memory_space<vmem>> -> memref<16x64xf32, #tpu.memory_space<vmem>>
    %dma_start3A_369 = arith.constant 0 : i32
    %dma_start3A_370 = arith.constant 0 : i32
    %dma_start3A_371 = tpu.memref_slice %arg4[%dma_start3A_369, %dma_start3A_370] : memref<1000000x64xf32, #tpu.memory_space<hbm>> -> memref<1000000x64xf32, #tpu.memory_space<hbm>>
    tpu.enqueue_indirect_dma source(%dma_start3A_371 : memref<1000000x64xf32, #tpu.memory_space<hbm>>) target(%dma_start3A_368 : memref<16x64xf32, #tpu.memory_space<vmem>>) offsets(%get3A_363 : vector<16xi32>) semaphore(%arg12 : memref<!tpu.dma_semaphore, #tpu.memory_space<semaphore_mem>>)
    %get3A_372 = arith.constant 0 : i32
    %get3A_373 = arith.index_cast %get3A_372 : i32 to index
    %get3A_374 = arith.constant 464 : index
    %get3A_375 = tpu.vector_load %arg7[%get3A_373, %get3A_374] {strides = array<i32>} : memref<2x704xi32, #tpu.memory_space<vmem>>, vector<16xi32>,
    %dma_start3A_376 = arith.constant 0 : i32
    %dma_start3A_377 = arith.constant 432 : i32
    %dma_start3A_378 = arith.constant 0 : i32
    %dma_start3A_379 = tpu.memref_slice %arg9[%dma_start3A_376, %dma_start3A_377, %dma_start3A_378] : memref<2x672x64xf32, #tpu.memory_space<vmem>> -> memref<1x16x64xf32, #tpu.memory_space<vmem>>
    %dma_start3A_380 = tpu.memref_squeeze %dma_start3A_379 : memref<1x16x64xf32, #tpu.memory_space<vmem>> -> memref<16x64xf32, #tpu.memory_space<vmem>>
    %dma_start3A_381 = arith.constant 0 : i32
    %dma_start3A_382 = arith.constant 0 : i32
    %dma_start3A_383 = tpu.memref_slice %arg4[%dma_start3A_381, %dma_start3A_382] : memref<1000000x64xf32, #tpu.memory_space<hbm>> -> memref<1000000x64xf32, #tpu.memory_space<hbm>>
    tpu.enqueue_indirect_dma source(%dma_start3A_383 : memref<1000000x64xf32, #tpu.memory_space<hbm>>) target(%dma_start3A_380 : memref<16x64xf32, #tpu.memory_space<vmem>>) offsets(%get3A_375 : vector<16xi32>) semaphore(%arg12 : memref<!tpu.dma_semaphore, #tpu.memory_space<semaphore_mem>>)
    %get3A_384 = arith.constant 0 : i32
    %get3A_385 = arith.index_cast %get3A_384 : i32 to index
    %get3A_386 = arith.constant 480 : index
    %get3A_387 = tpu.vector_load %arg7[%get3A_385, %get3A_386] {strides = array<i32>} : memref<2x704xi32, #tpu.memory_space<vmem>>, vector<16xi32>,
    %dma_start3A_388 = arith.constant 0 : i32
    %dma_start3A_389 = arith.constant 448 : i32
    %dma_start3A_390 = arith.constant 0 : i32
    %dma_start3A_391 = tpu.memref_slice %arg9[%dma_start3A_388, %dma_start3A_389, %dma_start3A_390] : memref<2x672x64xf32, #tpu.memory_space<vmem>> -> memref<1x16x64xf32, #tpu.memory_space<vmem>>
    %dma_start3A_392 = tpu.memref_squeeze %dma_start3A_391 : memref<1x16x64xf32, #tpu.memory_space<vmem>> -> memref<16x64xf32, #tpu.memory_space<vmem>>
    %dma_start3A_393 = arith.constant 0 : i32
    %dma_start3A_394 = arith.constant 0 : i32
    %dma_start3A_395 = tpu.memref_slice %arg4[%dma_start3A_393, %dma_start3A_394] : memref<1000000x64xf32, #tpu.memory_space<hbm>> -> memref<1000000x64xf32, #tpu.memory_space<hbm>>
    tpu.enqueue_indirect_dma source(%dma_start3A_395 : memref<1000000x64xf32, #tpu.memory_space<hbm>>) target(%dma_start3A_392 : memref<16x64xf32, #tpu.memory_space<vmem>>) offsets(%get3A_387 : vector<16xi32>) semaphore(%arg12 : memref<!tpu.dma_semaphore, #tpu.memory_space<semaphore_mem>>)
    %get3A_396 = arith.constant 0 : i32
    %get3A_397 = arith.index_cast %get3A_396 : i32 to index
    %get3A_398 = arith.constant 496 : index
    %get3A_399 = tpu.vector_load %arg7[%get3A_397, %get3A_398] {strides = array<i32>} : memref<2x704xi32, #tpu.memory_space<vmem>>, vector<16xi32>,
    %dma_start3A_400 = arith.constant 0 : i32
    %dma_start3A_401 = arith.constant 464 : i32
    %dma_start3A_402 = arith.constant 0 : i32
    %dma_start3A_403 = tpu.memref_slice %arg9[%dma_start3A_400, %dma_start3A_401, %dma_start3A_402] : memref<2x672x64xf32, #tpu.memory_space<vmem>> -> memref<1x16x64xf32, #tpu.memory_space<vmem>>
    %dma_start3A_404 = tpu.memref_squeeze %dma_start3A_403 : memref<1x16x64xf32, #tpu.memory_space<vmem>> -> memref<16x64xf32, #tpu.memory_space<vmem>>
    %dma_start3A_405 = arith.constant 0 : i32
    %dma_start3A_406 = arith.constant 0 : i32
    %dma_start3A_407 = tpu.memref_slice %arg4[%dma_start3A_405, %dma_start3A_406] : memref<1000000x64xf32, #tpu.memory_space<hbm>> -> memref<1000000x64xf32, #tpu.memory_space<hbm>>
    tpu.enqueue_indirect_dma source(%dma_start3A_407 : memref<1000000x64xf32, #tpu.memory_space<hbm>>) target(%dma_start3A_404 : memref<16x64xf32, #tpu.memory_space<vmem>>) offsets(%get3A_399 : vector<16xi32>) semaphore(%arg12 : memref<!tpu.dma_semaphore, #tpu.memory_space<semaphore_mem>>)
    %get3A_408 = arith.constant 0 : i32
    %get3A_409 = arith.index_cast %get3A_408 : i32 to index
    %get3A_410 = arith.constant 512 : index
    %get3A_411 = tpu.vector_load %arg7[%get3A_409, %get3A_410] {strides = array<i32>} : memref<2x704xi32, #tpu.memory_space<vmem>>, vector<16xi32>,
    %dma_start3A_412 = arith.constant 0 : i32
    %dma_start3A_413 = arith.constant 480 : i32
    %dma_start3A_414 = arith.constant 0 : i32
    %dma_start3A_415 = tpu.memref_slice %arg9[%dma_start3A_412, %dma_start3A_413, %dma_start3A_414] : memref<2x672x64xf32, #tpu.memory_space<vmem>> -> memref<1x16x64xf32, #tpu.memory_space<vmem>>
    %dma_start3A_416 = tpu.memref_squeeze %dma_start3A_415 : memref<1x16x64xf32, #tpu.memory_space<vmem>> -> memref<16x64xf32, #tpu.memory_space<vmem>>
    %dma_start3A_417 = arith.constant 0 : i32
    %dma_start3A_418 = arith.constant 0 : i32
    %dma_start3A_419 = tpu.memref_slice %arg4[%dma_start3A_417, %dma_start3A_418] : memref<1000000x64xf32, #tpu.memory_space<hbm>> -> memref<1000000x64xf32, #tpu.memory_space<hbm>>
    tpu.enqueue_indirect_dma source(%dma_start3A_419 : memref<1000000x64xf32, #tpu.memory_space<hbm>>) target(%dma_start3A_416 : memref<16x64xf32, #tpu.memory_space<vmem>>) offsets(%get3A_411 : vector<16xi32>) semaphore(%arg12 : memref<!tpu.dma_semaphore, #tpu.memory_space<semaphore_mem>>)
    %get3A_420 = arith.constant 0 : i32
    %get3A_421 = arith.index_cast %get3A_420 : i32 to index
    %get3A_422 = arith.constant 528 : index
    %get3A_423 = tpu.vector_load %arg7[%get3A_421, %get3A_422] {strides = array<i32>} : memref<2x704xi32, #tpu.memory_space<vmem>>, vector<16xi32>,
    %dma_start3A_424 = arith.constant 0 : i32
    %dma_start3A_425 = arith.constant 496 : i32
    %dma_start3A_426 = arith.constant 0 : i32
    %dma_start3A_427 = tpu.memref_slice %arg9[%dma_start3A_424, %dma_start3A_425, %dma_start3A_426] : memref<2x672x64xf32, #tpu.memory_space<vmem>> -> memref<1x16x64xf32, #tpu.memory_space<vmem>>
    %dma_start3A_428 = tpu.memref_squeeze %dma_start3A_427 : memref<1x16x64xf32, #tpu.memory_space<vmem>> -> memref<16x64xf32, #tpu.memory_space<vmem>>
    %dma_start3A_429 = arith.constant 0 : i32
    %dma_start3A_430 = arith.constant 0 : i32
    %dma_start3A_431 = tpu.memref_slice %arg4[%dma_start3A_429, %dma_start3A_430] : memref<1000000x64xf32, #tpu.memory_space<hbm>> -> memref<1000000x64xf32, #tpu.memory_space<hbm>>
    tpu.enqueue_indirect_dma source(%dma_start3A_431 : memref<1000000x64xf32, #tpu.memory_space<hbm>>) target(%dma_start3A_428 : memref<16x64xf32, #tpu.memory_space<vmem>>) offsets(%get3A_423 : vector<16xi32>) semaphore(%arg12 : memref<!tpu.dma_semaphore, #tpu.memory_space<semaphore_mem>>)
    %get3A_432 = arith.constant 0 : i32
    %get3A_433 = arith.index_cast %get3A_432 : i32 to index
    %get3A_434 = arith.constant 544 : index
    %get3A_435 = tpu.vector_load %arg7[%get3A_433, %get3A_434] {strides = array<i32>} : memref<2x704xi32, #tpu.memory_space<vmem>>, vector<16xi32>,
    %dma_start3A_436 = arith.constant 0 : i32
    %dma_start3A_437 = arith.constant 512 : i32
    %dma_start3A_438 = arith.constant 0 : i32
    %dma_start3A_439 = tpu.memref_slice %arg9[%dma_start3A_436, %dma_start3A_437, %dma_start3A_438] : memref<2x672x64xf32, #tpu.memory_space<vmem>> -> memref<1x16x64xf32, #tpu.memory_space<vmem>>
    %dma_start3A_440 = tpu.memref_squeeze %dma_start3A_439 : memref<1x16x64xf32, #tpu.memory_space<vmem>> -> memref<16x64xf32, #tpu.memory_space<vmem>>
    %dma_start3A_441 = arith.constant 0 : i32
    %dma_start3A_442 = arith.constant 0 : i32
    %dma_start3A_443 = tpu.memref_slice %arg4[%dma_start3A_441, %dma_start3A_442] : memref<1000000x64xf32, #tpu.memory_space<hbm>> -> memref<1000000x64xf32, #tpu.memory_space<hbm>>
    tpu.enqueue_indirect_dma source(%dma_start3A_443 : memref<1000000x64xf32, #tpu.memory_space<hbm>>) target(%dma_start3A_440 : memref<16x64xf32, #tpu.memory_space<vmem>>) offsets(%get3A_435 : vector<16xi32>) semaphore(%arg12 : memref<!tpu.dma_semaphore, #tpu.memory_space<semaphore_mem>>)
    %get3A_444 = arith.constant 0 : i32
    %get3A_445 = arith.index_cast %get3A_444 : i32 to index
    %get3A_446 = arith.constant 560 : index
    %get3A_447 = tpu.vector_load %arg7[%get3A_445, %get3A_446] {strides = array<i32>} : memref<2x704xi32, #tpu.memory_space<vmem>>, vector<16xi32>,
    %dma_start3A_448 = arith.constant 0 : i32
    %dma_start3A_449 = arith.constant 528 : i32
    %dma_start3A_450 = arith.constant 0 : i32
    %dma_start3A_451 = tpu.memref_slice %arg9[%dma_start3A_448, %dma_start3A_449, %dma_start3A_450] : memref<2x672x64xf32, #tpu.memory_space<vmem>> -> memref<1x16x64xf32, #tpu.memory_space<vmem>>
    %dma_start3A_452 = tpu.memref_squeeze %dma_start3A_451 : memref<1x16x64xf32, #tpu.memory_space<vmem>> -> memref<16x64xf32, #tpu.memory_space<vmem>>
    %dma_start3A_453 = arith.constant 0 : i32
    %dma_start3A_454 = arith.constant 0 : i32
    %dma_start3A_455 = tpu.memref_slice %arg4[%dma_start3A_453, %dma_start3A_454] : memref<1000000x64xf32, #tpu.memory_space<hbm>> -> memref<1000000x64xf32, #tpu.memory_space<hbm>>
    tpu.enqueue_indirect_dma source(%dma_start3A_455 : memref<1000000x64xf32, #tpu.memory_space<hbm>>) target(%dma_start3A_452 : memref<16x64xf32, #tpu.memory_space<vmem>>) offsets(%get3A_447 : vector<16xi32>) semaphore(%arg12 : memref<!tpu.dma_semaphore, #tpu.memory_space<semaphore_mem>>)
    %get3A_456 = arith.constant 0 : i32
    %get3A_457 = arith.index_cast %get3A_456 : i32 to index
    %get3A_458 = arith.constant 576 : index
    %get3A_459 = tpu.vector_load %arg7[%get3A_457, %get3A_458] {strides = array<i32>} : memref<2x704xi32, #tpu.memory_space<vmem>>, vector<16xi32>,
    %dma_start3A_460 = arith.constant 0 : i32
    %dma_start3A_461 = arith.constant 544 : i32
    %dma_start3A_462 = arith.constant 0 : i32
    %dma_start3A_463 = tpu.memref_slice %arg9[%dma_start3A_460, %dma_start3A_461, %dma_start3A_462] : memref<2x672x64xf32, #tpu.memory_space<vmem>> -> memref<1x16x64xf32, #tpu.memory_space<vmem>>
    %dma_start3A_464 = tpu.memref_squeeze %dma_start3A_463 : memref<1x16x64xf32, #tpu.memory_space<vmem>> -> memref<16x64xf32, #tpu.memory_space<vmem>>
    %dma_start3A_465 = arith.constant 0 : i32
    %dma_start3A_466 = arith.constant 0 : i32
    %dma_start3A_467 = tpu.memref_slice %arg4[%dma_start3A_465, %dma_start3A_466] : memref<1000000x64xf32, #tpu.memory_space<hbm>> -> memref<1000000x64xf32, #tpu.memory_space<hbm>>
    tpu.enqueue_indirect_dma source(%dma_start3A_467 : memref<1000000x64xf32, #tpu.memory_space<hbm>>) target(%dma_start3A_464 : memref<16x64xf32, #tpu.memory_space<vmem>>) offsets(%get3A_459 : vector<16xi32>) semaphore(%arg12 : memref<!tpu.dma_semaphore, #tpu.memory_space<semaphore_mem>>)
    %get3A_468 = arith.constant 0 : i32
    %get3A_469 = arith.index_cast %get3A_468 : i32 to index
    %get3A_470 = arith.constant 592 : index
    %get3A_471 = tpu.vector_load %arg7[%get3A_469, %get3A_470] {strides = array<i32>} : memref<2x704xi32, #tpu.memory_space<vmem>>, vector<16xi32>,
    %dma_start3A_472 = arith.constant 0 : i32
    %dma_start3A_473 = arith.constant 560 : i32
    %dma_start3A_474 = arith.constant 0 : i32
    %dma_start3A_475 = tpu.memref_slice %arg9[%dma_start3A_472, %dma_start3A_473, %dma_start3A_474] : memref<2x672x64xf32, #tpu.memory_space<vmem>> -> memref<1x16x64xf32, #tpu.memory_space<vmem>>
    %dma_start3A_476 = tpu.memref_squeeze %dma_start3A_475 : memref<1x16x64xf32, #tpu.memory_space<vmem>> -> memref<16x64xf32, #tpu.memory_space<vmem>>
    %dma_start3A_477 = arith.constant 0 : i32
    %dma_start3A_478 = arith.constant 0 : i32
    %dma_start3A_479 = tpu.memref_slice %arg4[%dma_start3A_477, %dma_start3A_478] : memref<1000000x64xf32, #tpu.memory_space<hbm>> -> memref<1000000x64xf32, #tpu.memory_space<hbm>>
    tpu.enqueue_indirect_dma source(%dma_start3A_479 : memref<1000000x64xf32, #tpu.memory_space<hbm>>) target(%dma_start3A_476 : memref<16x64xf32, #tpu.memory_space<vmem>>) offsets(%get3A_471 : vector<16xi32>) semaphore(%arg12 : memref<!tpu.dma_semaphore, #tpu.memory_space<semaphore_mem>>)
    %get3A_480 = arith.constant 0 : i32
    %get3A_481 = arith.index_cast %get3A_480 : i32 to index
    %get3A_482 = arith.constant 608 : index
    %get3A_483 = tpu.vector_load %arg7[%get3A_481, %get3A_482] {strides = array<i32>} : memref<2x704xi32, #tpu.memory_space<vmem>>, vector<16xi32>,
    %dma_start3A_484 = arith.constant 0 : i32
    %dma_start3A_485 = arith.constant 576 : i32
    %dma_start3A_486 = arith.constant 0 : i32
    %dma_start3A_487 = tpu.memref_slice %arg9[%dma_start3A_484, %dma_start3A_485, %dma_start3A_486] : memref<2x672x64xf32, #tpu.memory_space<vmem>> -> memref<1x16x64xf32, #tpu.memory_space<vmem>>
    %dma_start3A_488 = tpu.memref_squeeze %dma_start3A_487 : memref<1x16x64xf32, #tpu.memory_space<vmem>> -> memref<16x64xf32, #tpu.memory_space<vmem>>
    %dma_start3A_489 = arith.constant 0 : i32
    %dma_start3A_490 = arith.constant 0 : i32
    %dma_start3A_491 = tpu.memref_slice %arg4[%dma_start3A_489, %dma_start3A_490] : memref<1000000x64xf32, #tpu.memory_space<hbm>> -> memref<1000000x64xf32, #tpu.memory_space<hbm>>
    tpu.enqueue_indirect_dma source(%dma_start3A_491 : memref<1000000x64xf32, #tpu.memory_space<hbm>>) target(%dma_start3A_488 : memref<16x64xf32, #tpu.memory_space<vmem>>) offsets(%get3A_483 : vector<16xi32>) semaphore(%arg12 : memref<!tpu.dma_semaphore, #tpu.memory_space<semaphore_mem>>)
    %get3A_492 = arith.constant 0 : i32
    %get3A_493 = arith.index_cast %get3A_492 : i32 to index
    %get3A_494 = arith.constant 624 : index
    %get3A_495 = tpu.vector_load %arg7[%get3A_493, %get3A_494] {strides = array<i32>} : memref<2x704xi32, #tpu.memory_space<vmem>>, vector<16xi32>,
    %dma_start3A_496 = arith.constant 0 : i32
    %dma_start3A_497 = arith.constant 592 : i32
    %dma_start3A_498 = arith.constant 0 : i32
    %dma_start3A_499 = tpu.memref_slice %arg9[%dma_start3A_496, %dma_start3A_497, %dma_start3A_498] : memref<2x672x64xf32, #tpu.memory_space<vmem>> -> memref<1x16x64xf32, #tpu.memory_space<vmem>>
    %dma_start3A_500 = tpu.memref_squeeze %dma_start3A_499 : memref<1x16x64xf32, #tpu.memory_space<vmem>> -> memref<16x64xf32, #tpu.memory_space<vmem>>
    %dma_start3A_501 = arith.constant 0 : i32
    %dma_start3A_502 = arith.constant 0 : i32
    %dma_start3A_503 = tpu.memref_slice %arg4[%dma_start3A_501, %dma_start3A_502] : memref<1000000x64xf32, #tpu.memory_space<hbm>> -> memref<1000000x64xf32, #tpu.memory_space<hbm>>
    tpu.enqueue_indirect_dma source(%dma_start3A_503 : memref<1000000x64xf32, #tpu.memory_space<hbm>>) target(%dma_start3A_500 : memref<16x64xf32, #tpu.memory_space<vmem>>) offsets(%get3A_495 : vector<16xi32>) semaphore(%arg12 : memref<!tpu.dma_semaphore, #tpu.memory_space<semaphore_mem>>)
    %get3A_504 = arith.constant 0 : i32
    %get3A_505 = arith.index_cast %get3A_504 : i32 to index
    %get3A_506 = arith.constant 640 : index
    %get3A_507 = tpu.vector_load %arg7[%get3A_505, %get3A_506] {strides = array<i32>} : memref<2x704xi32, #tpu.memory_space<vmem>>, vector<16xi32>,
    %dma_start3A_508 = arith.constant 0 : i32
    %dma_start3A_509 = arith.constant 608 : i32
    %dma_start3A_510 = arith.constant 0 : i32
    %dma_start3A_511 = tpu.memref_slice %arg9[%dma_start3A_508, %dma_start3A_509, %dma_start3A_510] : memref<2x672x64xf32, #tpu.memory_space<vmem>> -> memref<1x16x64xf32, #tpu.memory_space<vmem>>
    %dma_start3A_512 = tpu.memref_squeeze %dma_start3A_511 : memref<1x16x64xf32, #tpu.memory_space<vmem>> -> memref<16x64xf32, #tpu.memory_space<vmem>>
    %dma_start3A_513 = arith.constant 0 : i32
    %dma_start3A_514 = arith.constant 0 : i32
    %dma_start3A_515 = tpu.memref_slice %arg4[%dma_start3A_513, %dma_start3A_514] : memref<1000000x64xf32, #tpu.memory_space<hbm>> -> memref<1000000x64xf32, #tpu.memory_space<hbm>>
    tpu.enqueue_indirect_dma source(%dma_start3A_515 : memref<1000000x64xf32, #tpu.memory_space<hbm>>) target(%dma_start3A_512 : memref<16x64xf32, #tpu.memory_space<vmem>>) offsets(%get3A_507 : vector<16xi32>) semaphore(%arg12 : memref<!tpu.dma_semaphore, #tpu.memory_space<semaphore_mem>>)
    %get3A_516 = arith.constant 0 : i32
    %get3A_517 = arith.index_cast %get3A_516 : i32 to index
    %get3A_518 = arith.constant 656 : index
    %get3A_519 = tpu.vector_load %arg7[%get3A_517, %get3A_518] {strides = array<i32>} : memref<2x704xi32, #tpu.memory_space<vmem>>, vector<16xi32>,
    %dma_start3A_520 = arith.constant 0 : i32
    %dma_start3A_521 = arith.constant 624 : i32
    %dma_start3A_522 = arith.constant 0 : i32
    %dma_start3A_523 = tpu.memref_slice %arg9[%dma_start3A_520, %dma_start3A_521, %dma_start3A_522] : memref<2x672x64xf32, #tpu.memory_space<vmem>> -> memref<1x16x64xf32, #tpu.memory_space<vmem>>
    %dma_start3A_524 = tpu.memref_squeeze %dma_start3A_523 : memref<1x16x64xf32, #tpu.memory_space<vmem>> -> memref<16x64xf32, #tpu.memory_space<vmem>>
    %dma_start3A_525 = arith.constant 0 : i32
    %dma_start3A_526 = arith.constant 0 : i32
    %dma_start3A_527 = tpu.memref_slice %arg4[%dma_start3A_525, %dma_start3A_526] : memref<1000000x64xf32, #tpu.memory_space<hbm>> -> memref<1000000x64xf32, #tpu.memory_space<hbm>>
    tpu.enqueue_indirect_dma source(%dma_start3A_527 : memref<1000000x64xf32, #tpu.memory_space<hbm>>) target(%dma_start3A_524 : memref<16x64xf32, #tpu.memory_space<vmem>>) offsets(%get3A_519 : vector<16xi32>) semaphore(%arg12 : memref<!tpu.dma_semaphore, #tpu.memory_space<semaphore_mem>>)
    %get3A_528 = arith.constant 0 : i32
    %get3A_529 = arith.index_cast %get3A_528 : i32 to index
    %get3A_530 = arith.constant 672 : index
    %get3A_531 = tpu.vector_load %arg7[%get3A_529, %get3A_530] {strides = array<i32>} : memref<2x704xi32, #tpu.memory_space<vmem>>, vector<16xi32>,
    %dma_start3A_532 = arith.constant 0 : i32
    %dma_start3A_533 = arith.constant 640 : i32
    %dma_start3A_534 = arith.constant 0 : i32
    %dma_start3A_535 = tpu.memref_slice %arg9[%dma_start3A_532, %dma_start3A_533, %dma_start3A_534] : memref<2x672x64xf32, #tpu.memory_space<vmem>> -> memref<1x16x64xf32, #tpu.memory_space<vmem>>
    %dma_start3A_536 = tpu.memref_squeeze %dma_start3A_535 : memref<1x16x64xf32, #tpu.memory_space<vmem>> -> memref<16x64xf32, #tpu.memory_space<vmem>>
    %dma_start3A_537 = arith.constant 0 : i32
    %dma_start3A_538 = arith.constant 0 : i32
    %dma_start3A_539 = tpu.memref_slice %arg4[%dma_start3A_537, %dma_start3A_538] : memref<1000000x64xf32, #tpu.memory_space<hbm>> -> memref<1000000x64xf32, #tpu.memory_space<hbm>>
    tpu.enqueue_indirect_dma source(%dma_start3A_539 : memref<1000000x64xf32, #tpu.memory_space<hbm>>) target(%dma_start3A_536 : memref<16x64xf32, #tpu.memory_space<vmem>>) offsets(%get3A_531 : vector<16xi32>) semaphore(%arg12 : memref<!tpu.dma_semaphore, #tpu.memory_space<semaphore_mem>>)
    %get3A_540 = arith.constant 0 : i32
    %get3A_541 = arith.index_cast %get3A_540 : i32 to index
    %get3A_542 = arith.constant 688 : index
    %get3A_543 = tpu.vector_load %arg7[%get3A_541, %get3A_542] {strides = array<i32>} : memref<2x704xi32, #tpu.memory_space<vmem>>, vector<16xi32>,
    %dma_start3A_544 = arith.constant 0 : i32
    %dma_start3A_545 = arith.constant 656 : i32
    %dma_start3A_546 = arith.constant 0 : i32
    %dma_start3A_547 = tpu.memref_slice %arg9[%dma_start3A_544, %dma_start3A_545, %dma_start3A_546] : memref<2x672x64xf32, #tpu.memory_space<vmem>> -> memref<1x16x64xf32, #tpu.memory_space<vmem>>
    %dma_start3A_548 = tpu.memref_squeeze %dma_start3A_547 : memref<1x16x64xf32, #tpu.memory_space<vmem>> -> memref<16x64xf32, #tpu.memory_space<vmem>>
    %dma_start3A_549 = arith.constant 0 : i32
    %dma_start3A_550 = arith.constant 0 : i32
    %dma_start3A_551 = tpu.memref_slice %arg4[%dma_start3A_549, %dma_start3A_550] : memref<1000000x64xf32, #tpu.memory_space<hbm>> -> memref<1000000x64xf32, #tpu.memory_space<hbm>>
    tpu.enqueue_indirect_dma source(%dma_start3A_551 : memref<1000000x64xf32, #tpu.memory_space<hbm>>) target(%dma_start3A_548 : memref<16x64xf32, #tpu.memory_space<vmem>>) offsets(%get3A_543 : vector<16xi32>) semaphore(%arg12 : memref<!tpu.dma_semaphore, #tpu.memory_space<semaphore_mem>>)
    %mul3A_552 = arith.constant 16 : i32
    %mul3A_553 = arith.muli %add3A, %mul3A_552 : i32
    %add3A_554 = arith.constant 1 : i32
    %add3A_555 = arith.addi %mul3A_553, %add3A_554 : i32
    %mul3A_556 = arith.constant 704 : i32
    %mul3A_557 = arith.muli %add3A_555, %mul3A_556 : i32
    %dma_start3A_558 = arith.constant 1 : i32
    %dma_start3A_559 = arith.constant 0 : i32
    %dma_start3A_560 = tpu.memref_slice %arg7[%dma_start3A_558, %dma_start3A_559] : memref<2x704xi32, #tpu.memory_space<vmem>> -> memref<1x704xi32, #tpu.memory_space<vmem>>
    %dma_start3A_561 = tpu.memref_squeeze %dma_start3A_560 : memref<1x704xi32, #tpu.memory_space<vmem>> -> memref<704xi32, #tpu.memory_space<vmem>>
    %dma_start3A_562 = tpu.memref_slice %arg2[%mul3A_557] : memref<360448xi32, #tpu.memory_space<hbm>> -> memref<704xi32, #tpu.memory_space<hbm>>
    %dma_start3A_563 = arith.constant 0 : i32
    %dma_start3A_564 = tpu.memref_slice %arg7[%dma_start3A_558, %dma_start3A_563] : memref<2x704xi32, #tpu.memory_space<vmem>> -> memref<1x704xi32, #tpu.memory_space<vmem>>
    %dma_start3A_565 = tpu.memref_squeeze %dma_start3A_564 : memref<1x704xi32, #tpu.memory_space<vmem>> -> memref<704xi32, #tpu.memory_space<vmem>>
    %dma_start3A_566 = tpu.memref_slice %arg2[%mul3A_557] : memref<360448xi32, #tpu.memory_space<hbm>> -> memref<704xi32, #tpu.memory_space<hbm>>
    tpu.enqueue_dma source(%dma_start3A_566 : memref<704xi32, #tpu.memory_space<hbm>>) target(%dma_start3A_565 : memref<704xi32, #tpu.memory_space<vmem>>) target_semaphore(%arg14 : memref<!tpu.dma_semaphore, #tpu.memory_space<semaphore_mem>>)
    %scan3A = arith.constant 0 : i32
    %scan3A_567 = arith.constant 0 : i32
    %scan3A_568 = arith.constant 16 : i32
    %scan3A_569 = arith.addi %scan3A_567, %scan3A_568 : i32
    %scan3A_570 = arith.constant 1 : i32
    scf.for %scan3A_602 = %scan3A_567 to %scan3A_569 step %scan3A_570  : i32 {
      %rem3A = arith.constant 2 : i32
      %rem3A_603 = arith.remsi %scan3A_602, %rem3A : i32
      %add3A_604 = arith.constant 2 : i32
      %add3A_605 = arith.addi %scan3A_602, %add3A_604 : i32
      %sub3A = arith.constant 1 : i32
      %sub3A_606 = arith.subi %add3A_605, %sub3A : i32
      %lt3A = arith.constant 16 : i32
      %lt3A_607 = arith.cmpi slt, %sub3A_606, %lt3A : i32
      %convert_element_type3A = arith.extui %lt3A_607 : i1 to i32
      %cond3A = arith.constant 0 : i32
      %cond3A_608 = arith.cmpi ne, %convert_element_type3A, %cond3A : i32
      scf.if %cond3A_608 {
        %rem3A_669 = arith.constant 2 : i32
        %rem3A_670 = arith.remsi %sub3A_606, %rem3A_669 : i32
        %dma_wait3A_671 = arith.constant 0 : i32
        %dma_wait3A_672 = tpu.memref_slice %arg7[%rem3A_670, %dma_wait3A_671] : memref<2x704xi32, #tpu.memory_space<vmem>> -> memref<1x704xi32, #tpu.memory_space<vmem>>
        %dma_wait3A_673 = tpu.memref_squeeze %dma_wait3A_672 : memref<1x704xi32, #tpu.memory_space<vmem>> -> memref<704xi32, #tpu.memory_space<vmem>>
        %dma_wait3A_674 = arith.constant 0 : i32
        %dma_wait3A_675 = tpu.memref_slice %arg2[%dma_wait3A_674] : memref<360448xi32, #tpu.memory_space<hbm>> -> memref<704xi32, #tpu.memory_space<hbm>>
        %dma_wait3A_676 = arith.constant 0 : i32
        %dma_wait3A_677 = tpu.memref_slice %arg7[%rem3A_670, %dma_wait3A_676] : memref<2x704xi32, #tpu.memory_space<vmem>> -> memref<1x704xi32, #tpu.memory_space<vmem>>
        %dma_wait3A_678 = tpu.memref_squeeze %dma_wait3A_677 : memref<1x704xi32, #tpu.memory_space<vmem>> -> memref<704xi32, #tpu.memory_space<vmem>>
        %dma_wait3A_679 = arith.constant 0 : i32
        %dma_wait3A_680 = tpu.memref_slice %arg2[%dma_wait3A_679] : memref<360448xi32, #tpu.memory_space<hbm>> -> memref<704xi32, #tpu.memory_space<hbm>>
        tpu.wait_dma2 semaphore(%arg14 : memref<!tpu.dma_semaphore, #tpu.memory_space<semaphore_mem>>) src(%dma_wait3A_680 : memref<704xi32, #tpu.memory_space<hbm>>) dst(%dma_wait3A_678 : memref<704xi32, #tpu.memory_space<vmem>>)
        %get3A_681 = arith.index_cast %rem3A_670 : i32 to index
        %get3A_682 = arith.constant 0 : index
        %get3A_683 = tpu.vector_load %arg7[%get3A_681, %get3A_682] {strides = array<i32>} : memref<2x704xi32, #tpu.memory_space<vmem>>, vector<16xi32>,
        %dma_start3A_684 = arith.constant 0 : i32
        %dma_start3A_685 = arith.constant 0 : i32
        %dma_start3A_686 = tpu.memref_slice %arg8[%rem3A_670, %dma_start3A_684, %dma_start3A_685] : memref<2x32x64xf32, #tpu.memory_space<vmem>> -> memref<1x16x64xf32, #tpu.memory_space<vmem>>
        %dma_start3A_687 = tpu.memref_squeeze %dma_start3A_686 : memref<1x16x64xf32, #tpu.memory_space<vmem>> -> memref<16x64xf32, #tpu.memory_space<vmem>>
        %dma_start3A_688 = arith.constant 0 : i32
        %dma_start3A_689 = arith.constant 0 : i32
        %dma_start3A_690 = tpu.memref_slice %arg3[%dma_start3A_688, %dma_start3A_689] : memref<1000000x64xf32, #tpu.memory_space<hbm>> -> memref<1000000x64xf32, #tpu.memory_space<hbm>>
        tpu.enqueue_indirect_dma source(%dma_start3A_690 : memref<1000000x64xf32, #tpu.memory_space<hbm>>) target(%dma_start3A_687 : memref<16x64xf32, #tpu.memory_space<vmem>>) offsets(%get3A_683 : vector<16xi32>) semaphore(%arg12 : memref<!tpu.dma_semaphore, #tpu.memory_space<semaphore_mem>>)
        %get3A_691 = arith.index_cast %rem3A_670 : i32 to index
        %get3A_692 = arith.constant 16 : index
        %get3A_693 = tpu.vector_load %arg7[%get3A_691, %get3A_692] {strides = array<i32>} : memref<2x704xi32, #tpu.memory_space<vmem>>, vector<16xi32>,
        %dma_start3A_694 = arith.constant 16 : i32
        %dma_start3A_695 = arith.constant 0 : i32
        %dma_start3A_696 = tpu.memref_slice %arg8[%rem3A_670, %dma_start3A_694, %dma_start3A_695] : memref<2x32x64xf32, #tpu.memory_space<vmem>> -> memref<1x16x64xf32, #tpu.memory_space<vmem>>
        %dma_start3A_697 = tpu.memref_squeeze %dma_start3A_696 : memref<1x16x64xf32, #tpu.memory_space<vmem>> -> memref<16x64xf32, #tpu.memory_space<vmem>>
        %dma_start3A_698 = arith.constant 0 : i32
        %dma_start3A_699 = arith.constant 0 : i32
        %dma_start3A_700 = tpu.memref_slice %arg3[%dma_start3A_698, %dma_start3A_699] : memref<1000000x64xf32, #tpu.memory_space<hbm>> -> memref<1000000x64xf32, #tpu.memory_space<hbm>>
        tpu.enqueue_indirect_dma source(%dma_start3A_700 : memref<1000000x64xf32, #tpu.memory_space<hbm>>) target(%dma_start3A_697 : memref<16x64xf32, #tpu.memory_space<vmem>>) offsets(%get3A_693 : vector<16xi32>) semaphore(%arg12 : memref<!tpu.dma_semaphore, #tpu.memory_space<semaphore_mem>>)
        %get3A_701 = arith.index_cast %rem3A_670 : i32 to index
        %get3A_702 = arith.constant 32 : index
        %get3A_703 = tpu.vector_load %arg7[%get3A_701, %get3A_702] {strides = array<i32>} : memref<2x704xi32, #tpu.memory_space<vmem>>, vector<16xi32>,
        %dma_start3A_704 = arith.constant 0 : i32
        %dma_start3A_705 = arith.constant 0 : i32
        %dma_start3A_706 = tpu.memref_slice %arg9[%rem3A_670, %dma_start3A_704, %dma_start3A_705] : memref<2x672x64xf32, #tpu.memory_space<vmem>> -> memref<1x16x64xf32, #tpu.memory_space<vmem>>
        %dma_start3A_707 = tpu.memref_squeeze %dma_start3A_706 : memref<1x16x64xf32, #tpu.memory_space<vmem>> -> memref<16x64xf32, #tpu.memory_space<vmem>>
        %dma_start3A_708 = arith.constant 0 : i32
        %dma_start3A_709 = arith.constant 0 : i32
        %dma_start3A_710 = tpu.memref_slice %arg4[%dma_start3A_708, %dma_start3A_709] : memref<1000000x64xf32, #tpu.memory_space<hbm>> -> memref<1000000x64xf32, #tpu.memory_space<hbm>>
        tpu.enqueue_indirect_dma source(%dma_start3A_710 : memref<1000000x64xf32, #tpu.memory_space<hbm>>) target(%dma_start3A_707 : memref<16x64xf32, #tpu.memory_space<vmem>>) offsets(%get3A_703 : vector<16xi32>) semaphore(%arg12 : memref<!tpu.dma_semaphore, #tpu.memory_space<semaphore_mem>>)
        %get3A_711 = arith.index_cast %rem3A_670 : i32 to index
        %get3A_712 = arith.constant 48 : index
        %get3A_713 = tpu.vector_load %arg7[%get3A_711, %get3A_712] {strides = array<i32>} : memref<2x704xi32, #tpu.memory_space<vmem>>, vector<16xi32>,
        %dma_start3A_714 = arith.constant 16 : i32
        %dma_start3A_715 = arith.constant 0 : i32
        %dma_start3A_716 = tpu.memref_slice %arg9[%rem3A_670, %dma_start3A_714, %dma_start3A_715] : memref<2x672x64xf32, #tpu.memory_space<vmem>> -> memref<1x16x64xf32, #tpu.memory_space<vmem>>
        %dma_start3A_717 = tpu.memref_squeeze %dma_start3A_716 : memref<1x16x64xf32, #tpu.memory_space<vmem>> -> memref<16x64xf32, #tpu.memory_space<vmem>>
        %dma_start3A_718 = arith.constant 0 : i32
        %dma_start3A_719 = arith.constant 0 : i32
        %dma_start3A_720 = tpu.memref_slice %arg4[%dma_start3A_718, %dma_start3A_719] : memref<1000000x64xf32, #tpu.memory_space<hbm>> -> memref<1000000x64xf32, #tpu.memory_space<hbm>>
        tpu.enqueue_indirect_dma source(%dma_start3A_720 : memref<1000000x64xf32, #tpu.memory_space<hbm>>) target(%dma_start3A_717 : memref<16x64xf32, #tpu.memory_space<vmem>>) offsets(%get3A_713 : vector<16xi32>) semaphore(%arg12 : memref<!tpu.dma_semaphore, #tpu.memory_space<semaphore_mem>>)
        %get3A_721 = arith.index_cast %rem3A_670 : i32 to index
        %get3A_722 = arith.constant 64 : index
        %get3A_723 = tpu.vector_load %arg7[%get3A_721, %get3A_722] {strides = array<i32>} : memref<2x704xi32, #tpu.memory_space<vmem>>, vector<16xi32>,
        %dma_start3A_724 = arith.constant 32 : i32
        %dma_start3A_725 = arith.constant 0 : i32
        %dma_start3A_726 = tpu.memref_slice %arg9[%rem3A_670, %dma_start3A_724, %dma_start3A_725] : memref<2x672x64xf32, #tpu.memory_space<vmem>> -> memref<1x16x64xf32, #tpu.memory_space<vmem>>
        %dma_start3A_727 = tpu.memref_squeeze %dma_start3A_726 : memref<1x16x64xf32, #tpu.memory_space<vmem>> -> memref<16x64xf32, #tpu.memory_space<vmem>>
        %dma_start3A_728 = arith.constant 0 : i32
        %dma_start3A_729 = arith.constant 0 : i32
        %dma_start3A_730 = tpu.memref_slice %arg4[%dma_start3A_728, %dma_start3A_729] : memref<1000000x64xf32, #tpu.memory_space<hbm>> -> memref<1000000x64xf32, #tpu.memory_space<hbm>>
        tpu.enqueue_indirect_dma source(%dma_start3A_730 : memref<1000000x64xf32, #tpu.memory_space<hbm>>) target(%dma_start3A_727 : memref<16x64xf32, #tpu.memory_space<vmem>>) offsets(%get3A_723 : vector<16xi32>) semaphore(%arg12 : memref<!tpu.dma_semaphore, #tpu.memory_space<semaphore_mem>>)
        %get3A_731 = arith.index_cast %rem3A_670 : i32 to index
        %get3A_732 = arith.constant 80 : index
        %get3A_733 = tpu.vector_load %arg7[%get3A_731, %get3A_732] {strides = array<i32>} : memref<2x704xi32, #tpu.memory_space<vmem>>, vector<16xi32>,
        %dma_start3A_734 = arith.constant 48 : i32
        %dma_start3A_735 = arith.constant 0 : i32
        %dma_start3A_736 = tpu.memref_slice %arg9[%rem3A_670, %dma_start3A_734, %dma_start3A_735] : memref<2x672x64xf32, #tpu.memory_space<vmem>> -> memref<1x16x64xf32, #tpu.memory_space<vmem>>
        %dma_start3A_737 = tpu.memref_squeeze %dma_start3A_736 : memref<1x16x64xf32, #tpu.memory_space<vmem>> -> memref<16x64xf32, #tpu.memory_space<vmem>>
        %dma_start3A_738 = arith.constant 0 : i32
        %dma_start3A_739 = arith.constant 0 : i32
        %dma_start3A_740 = tpu.memref_slice %arg4[%dma_start3A_738, %dma_start3A_739] : memref<1000000x64xf32, #tpu.memory_space<hbm>> -> memref<1000000x64xf32, #tpu.memory_space<hbm>>
        tpu.enqueue_indirect_dma source(%dma_start3A_740 : memref<1000000x64xf32, #tpu.memory_space<hbm>>) target(%dma_start3A_737 : memref<16x64xf32, #tpu.memory_space<vmem>>) offsets(%get3A_733 : vector<16xi32>) semaphore(%arg12 : memref<!tpu.dma_semaphore, #tpu.memory_space<semaphore_mem>>)
        %get3A_741 = arith.index_cast %rem3A_670 : i32 to index
        %get3A_742 = arith.constant 96 : index
        %get3A_743 = tpu.vector_load %arg7[%get3A_741, %get3A_742] {strides = array<i32>} : memref<2x704xi32, #tpu.memory_space<vmem>>, vector<16xi32>,
        %dma_start3A_744 = arith.constant 64 : i32
        %dma_start3A_745 = arith.constant 0 : i32
        %dma_start3A_746 = tpu.memref_slice %arg9[%rem3A_670, %dma_start3A_744, %dma_start3A_745] : memref<2x672x64xf32, #tpu.memory_space<vmem>> -> memref<1x16x64xf32, #tpu.memory_space<vmem>>
        %dma_start3A_747 = tpu.memref_squeeze %dma_start3A_746 : memref<1x16x64xf32, #tpu.memory_space<vmem>> -> memref<16x64xf32, #tpu.memory_space<vmem>>
        %dma_start3A_748 = arith.constant 0 : i32
        %dma_start3A_749 = arith.constant 0 : i32
        %dma_start3A_750 = tpu.memref_slice %arg4[%dma_start3A_748, %dma_start3A_749] : memref<1000000x64xf32, #tpu.memory_space<hbm>> -> memref<1000000x64xf32, #tpu.memory_space<hbm>>
        tpu.enqueue_indirect_dma source(%dma_start3A_750 : memref<1000000x64xf32, #tpu.memory_space<hbm>>) target(%dma_start3A_747 : memref<16x64xf32, #tpu.memory_space<vmem>>) offsets(%get3A_743 : vector<16xi32>) semaphore(%arg12 : memref<!tpu.dma_semaphore, #tpu.memory_space<semaphore_mem>>)
        %get3A_751 = arith.index_cast %rem3A_670 : i32 to index
        %get3A_752 = arith.constant 112 : index
        %get3A_753 = tpu.vector_load %arg7[%get3A_751, %get3A_752] {strides = array<i32>} : memref<2x704xi32, #tpu.memory_space<vmem>>, vector<16xi32>,
        %dma_start3A_754 = arith.constant 80 : i32
        %dma_start3A_755 = arith.constant 0 : i32
        %dma_start3A_756 = tpu.memref_slice %arg9[%rem3A_670, %dma_start3A_754, %dma_start3A_755] : memref<2x672x64xf32, #tpu.memory_space<vmem>> -> memref<1x16x64xf32, #tpu.memory_space<vmem>>
        %dma_start3A_757 = tpu.memref_squeeze %dma_start3A_756 : memref<1x16x64xf32, #tpu.memory_space<vmem>> -> memref<16x64xf32, #tpu.memory_space<vmem>>
        %dma_start3A_758 = arith.constant 0 : i32
        %dma_start3A_759 = arith.constant 0 : i32
        %dma_start3A_760 = tpu.memref_slice %arg4[%dma_start3A_758, %dma_start3A_759] : memref<1000000x64xf32, #tpu.memory_space<hbm>> -> memref<1000000x64xf32, #tpu.memory_space<hbm>>
        tpu.enqueue_indirect_dma source(%dma_start3A_760 : memref<1000000x64xf32, #tpu.memory_space<hbm>>) target(%dma_start3A_757 : memref<16x64xf32, #tpu.memory_space<vmem>>) offsets(%get3A_753 : vector<16xi32>) semaphore(%arg12 : memref<!tpu.dma_semaphore, #tpu.memory_space<semaphore_mem>>)
        %get3A_761 = arith.index_cast %rem3A_670 : i32 to index
        %get3A_762 = arith.constant 128 : index
        %get3A_763 = tpu.vector_load %arg7[%get3A_761, %get3A_762] {strides = array<i32>} : memref<2x704xi32, #tpu.memory_space<vmem>>, vector<16xi32>,
        %dma_start3A_764 = arith.constant 96 : i32
        %dma_start3A_765 = arith.constant 0 : i32
        %dma_start3A_766 = tpu.memref_slice %arg9[%rem3A_670, %dma_start3A_764, %dma_start3A_765] : memref<2x672x64xf32, #tpu.memory_space<vmem>> -> memref<1x16x64xf32, #tpu.memory_space<vmem>>
        %dma_start3A_767 = tpu.memref_squeeze %dma_start3A_766 : memref<1x16x64xf32, #tpu.memory_space<vmem>> -> memref<16x64xf32, #tpu.memory_space<vmem>>
        %dma_start3A_768 = arith.constant 0 : i32
        %dma_start3A_769 = arith.constant 0 : i32
        %dma_start3A_770 = tpu.memref_slice %arg4[%dma_start3A_768, %dma_start3A_769] : memref<1000000x64xf32, #tpu.memory_space<hbm>> -> memref<1000000x64xf32, #tpu.memory_space<hbm>>
        tpu.enqueue_indirect_dma source(%dma_start3A_770 : memref<1000000x64xf32, #tpu.memory_space<hbm>>) target(%dma_start3A_767 : memref<16x64xf32, #tpu.memory_space<vmem>>) offsets(%get3A_763 : vector<16xi32>) semaphore(%arg12 : memref<!tpu.dma_semaphore, #tpu.memory_space<semaphore_mem>>)
        %get3A_771 = arith.index_cast %rem3A_670 : i32 to index
        %get3A_772 = arith.constant 144 : index
        %get3A_773 = tpu.vector_load %arg7[%get3A_771, %get3A_772] {strides = array<i32>} : memref<2x704xi32, #tpu.memory_space<vmem>>, vector<16xi32>,
        %dma_start3A_774 = arith.constant 112 : i32
        %dma_start3A_775 = arith.constant 0 : i32
        %dma_start3A_776 = tpu.memref_slice %arg9[%rem3A_670, %dma_start3A_774, %dma_start3A_775] : memref<2x672x64xf32, #tpu.memory_space<vmem>> -> memref<1x16x64xf32, #tpu.memory_space<vmem>>
        %dma_start3A_777 = tpu.memref_squeeze %dma_start3A_776 : memref<1x16x64xf32, #tpu.memory_space<vmem>> -> memref<16x64xf32, #tpu.memory_space<vmem>>
        %dma_start3A_778 = arith.constant 0 : i32
        %dma_start3A_779 = arith.constant 0 : i32
        %dma_start3A_780 = tpu.memref_slice %arg4[%dma_start3A_778, %dma_start3A_779] : memref<1000000x64xf32, #tpu.memory_space<hbm>> -> memref<1000000x64xf32, #tpu.memory_space<hbm>>
        tpu.enqueue_indirect_dma source(%dma_start3A_780 : memref<1000000x64xf32, #tpu.memory_space<hbm>>) target(%dma_start3A_777 : memref<16x64xf32, #tpu.memory_space<vmem>>) offsets(%get3A_773 : vector<16xi32>) semaphore(%arg12 : memref<!tpu.dma_semaphore, #tpu.memory_space<semaphore_mem>>)
        %get3A_781 = arith.index_cast %rem3A_670 : i32 to index
        %get3A_782 = arith.constant 160 : index
        %get3A_783 = tpu.vector_load %arg7[%get3A_781, %get3A_782] {strides = array<i32>} : memref<2x704xi32, #tpu.memory_space<vmem>>, vector<16xi32>,
        %dma_start3A_784 = arith.constant 128 : i32
        %dma_start3A_785 = arith.constant 0 : i32
        %dma_start3A_786 = tpu.memref_slice %arg9[%rem3A_670, %dma_start3A_784, %dma_start3A_785] : memref<2x672x64xf32, #tpu.memory_space<vmem>> -> memref<1x16x64xf32, #tpu.memory_space<vmem>>
        %dma_start3A_787 = tpu.memref_squeeze %dma_start3A_786 : memref<1x16x64xf32, #tpu.memory_space<vmem>> -> memref<16x64xf32, #tpu.memory_space<vmem>>
        %dma_start3A_788 = arith.constant 0 : i32
        %dma_start3A_789 = arith.constant 0 : i32
        %dma_start3A_790 = tpu.memref_slice %arg4[%dma_start3A_788, %dma_start3A_789] : memref<1000000x64xf32, #tpu.memory_space<hbm>> -> memref<1000000x64xf32, #tpu.memory_space<hbm>>
        tpu.enqueue_indirect_dma source(%dma_start3A_790 : memref<1000000x64xf32, #tpu.memory_space<hbm>>) target(%dma_start3A_787 : memref<16x64xf32, #tpu.memory_space<vmem>>) offsets(%get3A_783 : vector<16xi32>) semaphore(%arg12 : memref<!tpu.dma_semaphore, #tpu.memory_space<semaphore_mem>>)
        %get3A_791 = arith.index_cast %rem3A_670 : i32 to index
        %get3A_792 = arith.constant 176 : index
        %get3A_793 = tpu.vector_load %arg7[%get3A_791, %get3A_792] {strides = array<i32>} : memref<2x704xi32, #tpu.memory_space<vmem>>, vector<16xi32>,
        %dma_start3A_794 = arith.constant 144 : i32
        %dma_start3A_795 = arith.constant 0 : i32
        %dma_start3A_796 = tpu.memref_slice %arg9[%rem3A_670, %dma_start3A_794, %dma_start3A_795] : memref<2x672x64xf32, #tpu.memory_space<vmem>> -> memref<1x16x64xf32, #tpu.memory_space<vmem>>
        %dma_start3A_797 = tpu.memref_squeeze %dma_start3A_796 : memref<1x16x64xf32, #tpu.memory_space<vmem>> -> memref<16x64xf32, #tpu.memory_space<vmem>>
        %dma_start3A_798 = arith.constant 0 : i32
        %dma_start3A_799 = arith.constant 0 : i32
        %dma_start3A_800 = tpu.memref_slice %arg4[%dma_start3A_798, %dma_start3A_799] : memref<1000000x64xf32, #tpu.memory_space<hbm>> -> memref<1000000x64xf32, #tpu.memory_space<hbm>>
        tpu.enqueue_indirect_dma source(%dma_start3A_800 : memref<1000000x64xf32, #tpu.memory_space<hbm>>) target(%dma_start3A_797 : memref<16x64xf32, #tpu.memory_space<vmem>>) offsets(%get3A_793 : vector<16xi32>) semaphore(%arg12 : memref<!tpu.dma_semaphore, #tpu.memory_space<semaphore_mem>>)
        %get3A_801 = arith.index_cast %rem3A_670 : i32 to index
        %get3A_802 = arith.constant 192 : index
        %get3A_803 = tpu.vector_load %arg7[%get3A_801, %get3A_802] {strides = array<i32>} : memref<2x704xi32, #tpu.memory_space<vmem>>, vector<16xi32>,
        %dma_start3A_804 = arith.constant 160 : i32
        %dma_start3A_805 = arith.constant 0 : i32
        %dma_start3A_806 = tpu.memref_slice %arg9[%rem3A_670, %dma_start3A_804, %dma_start3A_805] : memref<2x672x64xf32, #tpu.memory_space<vmem>> -> memref<1x16x64xf32, #tpu.memory_space<vmem>>
        %dma_start3A_807 = tpu.memref_squeeze %dma_start3A_806 : memref<1x16x64xf32, #tpu.memory_space<vmem>> -> memref<16x64xf32, #tpu.memory_space<vmem>>
        %dma_start3A_808 = arith.constant 0 : i32
        %dma_start3A_809 = arith.constant 0 : i32
        %dma_start3A_810 = tpu.memref_slice %arg4[%dma_start3A_808, %dma_start3A_809] : memref<1000000x64xf32, #tpu.memory_space<hbm>> -> memref<1000000x64xf32, #tpu.memory_space<hbm>>
        tpu.enqueue_indirect_dma source(%dma_start3A_810 : memref<1000000x64xf32, #tpu.memory_space<hbm>>) target(%dma_start3A_807 : memref<16x64xf32, #tpu.memory_space<vmem>>) offsets(%get3A_803 : vector<16xi32>) semaphore(%arg12 : memref<!tpu.dma_semaphore, #tpu.memory_space<semaphore_mem>>)
        %get3A_811 = arith.index_cast %rem3A_670 : i32 to index
        %get3A_812 = arith.constant 208 : index
        %get3A_813 = tpu.vector_load %arg7[%get3A_811, %get3A_812] {strides = array<i32>} : memref<2x704xi32, #tpu.memory_space<vmem>>, vector<16xi32>,
        %dma_start3A_814 = arith.constant 176 : i32
        %dma_start3A_815 = arith.constant 0 : i32
        %dma_start3A_816 = tpu.memref_slice %arg9[%rem3A_670, %dma_start3A_814, %dma_start3A_815] : memref<2x672x64xf32, #tpu.memory_space<vmem>> -> memref<1x16x64xf32, #tpu.memory_space<vmem>>
        %dma_start3A_817 = tpu.memref_squeeze %dma_start3A_816 : memref<1x16x64xf32, #tpu.memory_space<vmem>> -> memref<16x64xf32, #tpu.memory_space<vmem>>
        %dma_start3A_818 = arith.constant 0 : i32
        %dma_start3A_819 = arith.constant 0 : i32
        %dma_start3A_820 = tpu.memref_slice %arg4[%dma_start3A_818, %dma_start3A_819] : memref<1000000x64xf32, #tpu.memory_space<hbm>> -> memref<1000000x64xf32, #tpu.memory_space<hbm>>
        tpu.enqueue_indirect_dma source(%dma_start3A_820 : memref<1000000x64xf32, #tpu.memory_space<hbm>>) target(%dma_start3A_817 : memref<16x64xf32, #tpu.memory_space<vmem>>) offsets(%get3A_813 : vector<16xi32>) semaphore(%arg12 : memref<!tpu.dma_semaphore, #tpu.memory_space<semaphore_mem>>)
        %get3A_821 = arith.index_cast %rem3A_670 : i32 to index
        %get3A_822 = arith.constant 224 : index
        %get3A_823 = tpu.vector_load %arg7[%get3A_821, %get3A_822] {strides = array<i32>} : memref<2x704xi32, #tpu.memory_space<vmem>>, vector<16xi32>,
        %dma_start3A_824 = arith.constant 192 : i32
        %dma_start3A_825 = arith.constant 0 : i32
        %dma_start3A_826 = tpu.memref_slice %arg9[%rem3A_670, %dma_start3A_824, %dma_start3A_825] : memref<2x672x64xf32, #tpu.memory_space<vmem>> -> memref<1x16x64xf32, #tpu.memory_space<vmem>>
        %dma_start3A_827 = tpu.memref_squeeze %dma_start3A_826 : memref<1x16x64xf32, #tpu.memory_space<vmem>> -> memref<16x64xf32, #tpu.memory_space<vmem>>
        %dma_start3A_828 = arith.constant 0 : i32
        %dma_start3A_829 = arith.constant 0 : i32
        %dma_start3A_830 = tpu.memref_slice %arg4[%dma_start3A_828, %dma_start3A_829] : memref<1000000x64xf32, #tpu.memory_space<hbm>> -> memref<1000000x64xf32, #tpu.memory_space<hbm>>
        tpu.enqueue_indirect_dma source(%dma_start3A_830 : memref<1000000x64xf32, #tpu.memory_space<hbm>>) target(%dma_start3A_827 : memref<16x64xf32, #tpu.memory_space<vmem>>) offsets(%get3A_823 : vector<16xi32>) semaphore(%arg12 : memref<!tpu.dma_semaphore, #tpu.memory_space<semaphore_mem>>)
        %get3A_831 = arith.index_cast %rem3A_670 : i32 to index
        %get3A_832 = arith.constant 240 : index
        %get3A_833 = tpu.vector_load %arg7[%get3A_831, %get3A_832] {strides = array<i32>} : memref<2x704xi32, #tpu.memory_space<vmem>>, vector<16xi32>,
        %dma_start3A_834 = arith.constant 208 : i32
        %dma_start3A_835 = arith.constant 0 : i32
        %dma_start3A_836 = tpu.memref_slice %arg9[%rem3A_670, %dma_start3A_834, %dma_start3A_835] : memref<2x672x64xf32, #tpu.memory_space<vmem>> -> memref<1x16x64xf32, #tpu.memory_space<vmem>>
        %dma_start3A_837 = tpu.memref_squeeze %dma_start3A_836 : memref<1x16x64xf32, #tpu.memory_space<vmem>> -> memref<16x64xf32, #tpu.memory_space<vmem>>
        %dma_start3A_838 = arith.constant 0 : i32
        %dma_start3A_839 = arith.constant 0 : i32
        %dma_start3A_840 = tpu.memref_slice %arg4[%dma_start3A_838, %dma_start3A_839] : memref<1000000x64xf32, #tpu.memory_space<hbm>> -> memref<1000000x64xf32, #tpu.memory_space<hbm>>
        tpu.enqueue_indirect_dma source(%dma_start3A_840 : memref<1000000x64xf32, #tpu.memory_space<hbm>>) target(%dma_start3A_837 : memref<16x64xf32, #tpu.memory_space<vmem>>) offsets(%get3A_833 : vector<16xi32>) semaphore(%arg12 : memref<!tpu.dma_semaphore, #tpu.memory_space<semaphore_mem>>)
        %get3A_841 = arith.index_cast %rem3A_670 : i32 to index
        %get3A_842 = arith.constant 256 : index
        %get3A_843 = tpu.vector_load %arg7[%get3A_841, %get3A_842] {strides = array<i32>} : memref<2x704xi32, #tpu.memory_space<vmem>>, vector<16xi32>,
        %dma_start3A_844 = arith.constant 224 : i32
        %dma_start3A_845 = arith.constant 0 : i32
        %dma_start3A_846 = tpu.memref_slice %arg9[%rem3A_670, %dma_start3A_844, %dma_start3A_845] : memref<2x672x64xf32, #tpu.memory_space<vmem>> -> memref<1x16x64xf32, #tpu.memory_space<vmem>>
        %dma_start3A_847 = tpu.memref_squeeze %dma_start3A_846 : memref<1x16x64xf32, #tpu.memory_space<vmem>> -> memref<16x64xf32, #tpu.memory_space<vmem>>
        %dma_start3A_848 = arith.constant 0 : i32
        %dma_start3A_849 = arith.constant 0 : i32
        %dma_start3A_850 = tpu.memref_slice %arg4[%dma_start3A_848, %dma_start3A_849] : memref<1000000x64xf32, #tpu.memory_space<hbm>> -> memref<1000000x64xf32, #tpu.memory_space<hbm>>
        tpu.enqueue_indirect_dma source(%dma_start3A_850 : memref<1000000x64xf32, #tpu.memory_space<hbm>>) target(%dma_start3A_847 : memref<16x64xf32, #tpu.memory_space<vmem>>) offsets(%get3A_843 : vector<16xi32>) semaphore(%arg12 : memref<!tpu.dma_semaphore, #tpu.memory_space<semaphore_mem>>)
        %get3A_851 = arith.index_cast %rem3A_670 : i32 to index
        %get3A_852 = arith.constant 272 : index
        %get3A_853 = tpu.vector_load %arg7[%get3A_851, %get3A_852] {strides = array<i32>} : memref<2x704xi32, #tpu.memory_space<vmem>>, vector<16xi32>,
        %dma_start3A_854 = arith.constant 240 : i32
        %dma_start3A_855 = arith.constant 0 : i32
        %dma_start3A_856 = tpu.memref_slice %arg9[%rem3A_670, %dma_start3A_854, %dma_start3A_855] : memref<2x672x64xf32, #tpu.memory_space<vmem>> -> memref<1x16x64xf32, #tpu.memory_space<vmem>>
        %dma_start3A_857 = tpu.memref_squeeze %dma_start3A_856 : memref<1x16x64xf32, #tpu.memory_space<vmem>> -> memref<16x64xf32, #tpu.memory_space<vmem>>
        %dma_start3A_858 = arith.constant 0 : i32
        %dma_start3A_859 = arith.constant 0 : i32
        %dma_start3A_860 = tpu.memref_slice %arg4[%dma_start3A_858, %dma_start3A_859] : memref<1000000x64xf32, #tpu.memory_space<hbm>> -> memref<1000000x64xf32, #tpu.memory_space<hbm>>
        tpu.enqueue_indirect_dma source(%dma_start3A_860 : memref<1000000x64xf32, #tpu.memory_space<hbm>>) target(%dma_start3A_857 : memref<16x64xf32, #tpu.memory_space<vmem>>) offsets(%get3A_853 : vector<16xi32>) semaphore(%arg12 : memref<!tpu.dma_semaphore, #tpu.memory_space<semaphore_mem>>)
        %get3A_861 = arith.index_cast %rem3A_670 : i32 to index
        %get3A_862 = arith.constant 288 : index
        %get3A_863 = tpu.vector_load %arg7[%get3A_861, %get3A_862] {strides = array<i32>} : memref<2x704xi32, #tpu.memory_space<vmem>>, vector<16xi32>,
        %dma_start3A_864 = arith.constant 256 : i32
        %dma_start3A_865 = arith.constant 0 : i32
        %dma_start3A_866 = tpu.memref_slice %arg9[%rem3A_670, %dma_start3A_864, %dma_start3A_865] : memref<2x672x64xf32, #tpu.memory_space<vmem>> -> memref<1x16x64xf32, #tpu.memory_space<vmem>>
        %dma_start3A_867 = tpu.memref_squeeze %dma_start3A_866 : memref<1x16x64xf32, #tpu.memory_space<vmem>> -> memref<16x64xf32, #tpu.memory_space<vmem>>
        %dma_start3A_868 = arith.constant 0 : i32
        %dma_start3A_869 = arith.constant 0 : i32
        %dma_start3A_870 = tpu.memref_slice %arg4[%dma_start3A_868, %dma_start3A_869] : memref<1000000x64xf32, #tpu.memory_space<hbm>> -> memref<1000000x64xf32, #tpu.memory_space<hbm>>
        tpu.enqueue_indirect_dma source(%dma_start3A_870 : memref<1000000x64xf32, #tpu.memory_space<hbm>>) target(%dma_start3A_867 : memref<16x64xf32, #tpu.memory_space<vmem>>) offsets(%get3A_863 : vector<16xi32>) semaphore(%arg12 : memref<!tpu.dma_semaphore, #tpu.memory_space<semaphore_mem>>)
        %get3A_871 = arith.index_cast %rem3A_670 : i32 to index
        %get3A_872 = arith.constant 304 : index
        %get3A_873 = tpu.vector_load %arg7[%get3A_871, %get3A_872] {strides = array<i32>} : memref<2x704xi32, #tpu.memory_space<vmem>>, vector<16xi32>,
        %dma_start3A_874 = arith.constant 272 : i32
        %dma_start3A_875 = arith.constant 0 : i32
        %dma_start3A_876 = tpu.memref_slice %arg9[%rem3A_670, %dma_start3A_874, %dma_start3A_875] : memref<2x672x64xf32, #tpu.memory_space<vmem>> -> memref<1x16x64xf32, #tpu.memory_space<vmem>>
        %dma_start3A_877 = tpu.memref_squeeze %dma_start3A_876 : memref<1x16x64xf32, #tpu.memory_space<vmem>> -> memref<16x64xf32, #tpu.memory_space<vmem>>
        %dma_start3A_878 = arith.constant 0 : i32
        %dma_start3A_879 = arith.constant 0 : i32
        %dma_start3A_880 = tpu.memref_slice %arg4[%dma_start3A_878, %dma_start3A_879] : memref<1000000x64xf32, #tpu.memory_space<hbm>> -> memref<1000000x64xf32, #tpu.memory_space<hbm>>
        tpu.enqueue_indirect_dma source(%dma_start3A_880 : memref<1000000x64xf32, #tpu.memory_space<hbm>>) target(%dma_start3A_877 : memref<16x64xf32, #tpu.memory_space<vmem>>) offsets(%get3A_873 : vector<16xi32>) semaphore(%arg12 : memref<!tpu.dma_semaphore, #tpu.memory_space<semaphore_mem>>)
        %get3A_881 = arith.index_cast %rem3A_670 : i32 to index
        %get3A_882 = arith.constant 320 : index
        %get3A_883 = tpu.vector_load %arg7[%get3A_881, %get3A_882] {strides = array<i32>} : memref<2x704xi32, #tpu.memory_space<vmem>>, vector<16xi32>,
        %dma_start3A_884 = arith.constant 288 : i32
        %dma_start3A_885 = arith.constant 0 : i32
        %dma_start3A_886 = tpu.memref_slice %arg9[%rem3A_670, %dma_start3A_884, %dma_start3A_885] : memref<2x672x64xf32, #tpu.memory_space<vmem>> -> memref<1x16x64xf32, #tpu.memory_space<vmem>>
        %dma_start3A_887 = tpu.memref_squeeze %dma_start3A_886 : memref<1x16x64xf32, #tpu.memory_space<vmem>> -> memref<16x64xf32, #tpu.memory_space<vmem>>
        %dma_start3A_888 = arith.constant 0 : i32
        %dma_start3A_889 = arith.constant 0 : i32
        %dma_start3A_890 = tpu.memref_slice %arg4[%dma_start3A_888, %dma_start3A_889] : memref<1000000x64xf32, #tpu.memory_space<hbm>> -> memref<1000000x64xf32, #tpu.memory_space<hbm>>
        tpu.enqueue_indirect_dma source(%dma_start3A_890 : memref<1000000x64xf32, #tpu.memory_space<hbm>>) target(%dma_start3A_887 : memref<16x64xf32, #tpu.memory_space<vmem>>) offsets(%get3A_883 : vector<16xi32>) semaphore(%arg12 : memref<!tpu.dma_semaphore, #tpu.memory_space<semaphore_mem>>)
        %get3A_891 = arith.index_cast %rem3A_670 : i32 to index
        %get3A_892 = arith.constant 336 : index
        %get3A_893 = tpu.vector_load %arg7[%get3A_891, %get3A_892] {strides = array<i32>} : memref<2x704xi32, #tpu.memory_space<vmem>>, vector<16xi32>,
        %dma_start3A_894 = arith.constant 304 : i32
        %dma_start3A_895 = arith.constant 0 : i32
        %dma_start3A_896 = tpu.memref_slice %arg9[%rem3A_670, %dma_start3A_894, %dma_start3A_895] : memref<2x672x64xf32, #tpu.memory_space<vmem>> -> memref<1x16x64xf32, #tpu.memory_space<vmem>>
        %dma_start3A_897 = tpu.memref_squeeze %dma_start3A_896 : memref<1x16x64xf32, #tpu.memory_space<vmem>> -> memref<16x64xf32, #tpu.memory_space<vmem>>
        %dma_start3A_898 = arith.constant 0 : i32
        %dma_start3A_899 = arith.constant 0 : i32
        %dma_start3A_900 = tpu.memref_slice %arg4[%dma_start3A_898, %dma_start3A_899] : memref<1000000x64xf32, #tpu.memory_space<hbm>> -> memref<1000000x64xf32, #tpu.memory_space<hbm>>
        tpu.enqueue_indirect_dma source(%dma_start3A_900 : memref<1000000x64xf32, #tpu.memory_space<hbm>>) target(%dma_start3A_897 : memref<16x64xf32, #tpu.memory_space<vmem>>) offsets(%get3A_893 : vector<16xi32>) semaphore(%arg12 : memref<!tpu.dma_semaphore, #tpu.memory_space<semaphore_mem>>)
        %get3A_901 = arith.index_cast %rem3A_670 : i32 to index
        %get3A_902 = arith.constant 352 : index
        %get3A_903 = tpu.vector_load %arg7[%get3A_901, %get3A_902] {strides = array<i32>} : memref<2x704xi32, #tpu.memory_space<vmem>>, vector<16xi32>,
        %dma_start3A_904 = arith.constant 320 : i32
        %dma_start3A_905 = arith.constant 0 : i32
        %dma_start3A_906 = tpu.memref_slice %arg9[%rem3A_670, %dma_start3A_904, %dma_start3A_905] : memref<2x672x64xf32, #tpu.memory_space<vmem>> -> memref<1x16x64xf32, #tpu.memory_space<vmem>>
        %dma_start3A_907 = tpu.memref_squeeze %dma_start3A_906 : memref<1x16x64xf32, #tpu.memory_space<vmem>> -> memref<16x64xf32, #tpu.memory_space<vmem>>
        %dma_start3A_908 = arith.constant 0 : i32
        %dma_start3A_909 = arith.constant 0 : i32
        %dma_start3A_910 = tpu.memref_slice %arg4[%dma_start3A_908, %dma_start3A_909] : memref<1000000x64xf32, #tpu.memory_space<hbm>> -> memref<1000000x64xf32, #tpu.memory_space<hbm>>
        tpu.enqueue_indirect_dma source(%dma_start3A_910 : memref<1000000x64xf32, #tpu.memory_space<hbm>>) target(%dma_start3A_907 : memref<16x64xf32, #tpu.memory_space<vmem>>) offsets(%get3A_903 : vector<16xi32>) semaphore(%arg12 : memref<!tpu.dma_semaphore, #tpu.memory_space<semaphore_mem>>)
        %get3A_911 = arith.index_cast %rem3A_670 : i32 to index
        %get3A_912 = arith.constant 368 : index
        %get3A_913 = tpu.vector_load %arg7[%get3A_911, %get3A_912] {strides = array<i32>} : memref<2x704xi32, #tpu.memory_space<vmem>>, vector<16xi32>,
        %dma_start3A_914 = arith.constant 336 : i32
        %dma_start3A_915 = arith.constant 0 : i32
        %dma_start3A_916 = tpu.memref_slice %arg9[%rem3A_670, %dma_start3A_914, %dma_start3A_915] : memref<2x672x64xf32, #tpu.memory_space<vmem>> -> memref<1x16x64xf32, #tpu.memory_space<vmem>>
        %dma_start3A_917 = tpu.memref_squeeze %dma_start3A_916 : memref<1x16x64xf32, #tpu.memory_space<vmem>> -> memref<16x64xf32, #tpu.memory_space<vmem>>
        %dma_start3A_918 = arith.constant 0 : i32
        %dma_start3A_919 = arith.constant 0 : i32
        %dma_start3A_920 = tpu.memref_slice %arg4[%dma_start3A_918, %dma_start3A_919] : memref<1000000x64xf32, #tpu.memory_space<hbm>> -> memref<1000000x64xf32, #tpu.memory_space<hbm>>
        tpu.enqueue_indirect_dma source(%dma_start3A_920 : memref<1000000x64xf32, #tpu.memory_space<hbm>>) target(%dma_start3A_917 : memref<16x64xf32, #tpu.memory_space<vmem>>) offsets(%get3A_913 : vector<16xi32>) semaphore(%arg12 : memref<!tpu.dma_semaphore, #tpu.memory_space<semaphore_mem>>)
        %get3A_921 = arith.index_cast %rem3A_670 : i32 to index
        %get3A_922 = arith.constant 384 : index
        %get3A_923 = tpu.vector_load %arg7[%get3A_921, %get3A_922] {strides = array<i32>} : memref<2x704xi32, #tpu.memory_space<vmem>>, vector<16xi32>,
        %dma_start3A_924 = arith.constant 352 : i32
        %dma_start3A_925 = arith.constant 0 : i32
        %dma_start3A_926 = tpu.memref_slice %arg9[%rem3A_670, %dma_start3A_924, %dma_start3A_925] : memref<2x672x64xf32, #tpu.memory_space<vmem>> -> memref<1x16x64xf32, #tpu.memory_space<vmem>>
        %dma_start3A_927 = tpu.memref_squeeze %dma_start3A_926 : memref<1x16x64xf32, #tpu.memory_space<vmem>> -> memref<16x64xf32, #tpu.memory_space<vmem>>
        %dma_start3A_928 = arith.constant 0 : i32
        %dma_start3A_929 = arith.constant 0 : i32
        %dma_start3A_930 = tpu.memref_slice %arg4[%dma_start3A_928, %dma_start3A_929] : memref<1000000x64xf32, #tpu.memory_space<hbm>> -> memref<1000000x64xf32, #tpu.memory_space<hbm>>
        tpu.enqueue_indirect_dma source(%dma_start3A_930 : memref<1000000x64xf32, #tpu.memory_space<hbm>>) target(%dma_start3A_927 : memref<16x64xf32, #tpu.memory_space<vmem>>) offsets(%get3A_923 : vector<16xi32>) semaphore(%arg12 : memref<!tpu.dma_semaphore, #tpu.memory_space<semaphore_mem>>)
        %get3A_931 = arith.index_cast %rem3A_670 : i32 to index
        %get3A_932 = arith.constant 400 : index
        %get3A_933 = tpu.vector_load %arg7[%get3A_931, %get3A_932] {strides = array<i32>} : memref<2x704xi32, #tpu.memory_space<vmem>>, vector<16xi32>,
        %dma_start3A_934 = arith.constant 368 : i32
        %dma_start3A_935 = arith.constant 0 : i32
        %dma_start3A_936 = tpu.memref_slice %arg9[%rem3A_670, %dma_start3A_934, %dma_start3A_935] : memref<2x672x64xf32, #tpu.memory_space<vmem>> -> memref<1x16x64xf32, #tpu.memory_space<vmem>>
        %dma_start3A_937 = tpu.memref_squeeze %dma_start3A_936 : memref<1x16x64xf32, #tpu.memory_space<vmem>> -> memref<16x64xf32, #tpu.memory_space<vmem>>
        %dma_start3A_938 = arith.constant 0 : i32
        %dma_start3A_939 = arith.constant 0 : i32
        %dma_start3A_940 = tpu.memref_slice %arg4[%dma_start3A_938, %dma_start3A_939] : memref<1000000x64xf32, #tpu.memory_space<hbm>> -> memref<1000000x64xf32, #tpu.memory_space<hbm>>
        tpu.enqueue_indirect_dma source(%dma_start3A_940 : memref<1000000x64xf32, #tpu.memory_space<hbm>>) target(%dma_start3A_937 : memref<16x64xf32, #tpu.memory_space<vmem>>) offsets(%get3A_933 : vector<16xi32>) semaphore(%arg12 : memref<!tpu.dma_semaphore, #tpu.memory_space<semaphore_mem>>)
        %get3A_941 = arith.index_cast %rem3A_670 : i32 to index
        %get3A_942 = arith.constant 416 : index
        %get3A_943 = tpu.vector_load %arg7[%get3A_941, %get3A_942] {strides = array<i32>} : memref<2x704xi32, #tpu.memory_space<vmem>>, vector<16xi32>,
        %dma_start3A_944 = arith.constant 384 : i32
        %dma_start3A_945 = arith.constant 0 : i32
        %dma_start3A_946 = tpu.memref_slice %arg9[%rem3A_670, %dma_start3A_944, %dma_start3A_945] : memref<2x672x64xf32, #tpu.memory_space<vmem>> -> memref<1x16x64xf32, #tpu.memory_space<vmem>>
        %dma_start3A_947 = tpu.memref_squeeze %dma_start3A_946 : memref<1x16x64xf32, #tpu.memory_space<vmem>> -> memref<16x64xf32, #tpu.memory_space<vmem>>
        %dma_start3A_948 = arith.constant 0 : i32
        %dma_start3A_949 = arith.constant 0 : i32
        %dma_start3A_950 = tpu.memref_slice %arg4[%dma_start3A_948, %dma_start3A_949] : memref<1000000x64xf32, #tpu.memory_space<hbm>> -> memref<1000000x64xf32, #tpu.memory_space<hbm>>
        tpu.enqueue_indirect_dma source(%dma_start3A_950 : memref<1000000x64xf32, #tpu.memory_space<hbm>>) target(%dma_start3A_947 : memref<16x64xf32, #tpu.memory_space<vmem>>) offsets(%get3A_943 : vector<16xi32>) semaphore(%arg12 : memref<!tpu.dma_semaphore, #tpu.memory_space<semaphore_mem>>)
        %get3A_951 = arith.index_cast %rem3A_670 : i32 to index
        %get3A_952 = arith.constant 432 : index
        %get3A_953 = tpu.vector_load %arg7[%get3A_951, %get3A_952] {strides = array<i32>} : memref<2x704xi32, #tpu.memory_space<vmem>>, vector<16xi32>,
        %dma_start3A_954 = arith.constant 400 : i32
        %dma_start3A_955 = arith.constant 0 : i32
        %dma_start3A_956 = tpu.memref_slice %arg9[%rem3A_670, %dma_start3A_954, %dma_start3A_955] : memref<2x672x64xf32, #tpu.memory_space<vmem>> -> memref<1x16x64xf32, #tpu.memory_space<vmem>>
        %dma_start3A_957 = tpu.memref_squeeze %dma_start3A_956 : memref<1x16x64xf32, #tpu.memory_space<vmem>> -> memref<16x64xf32, #tpu.memory_space<vmem>>
        %dma_start3A_958 = arith.constant 0 : i32
        %dma_start3A_959 = arith.constant 0 : i32
        %dma_start3A_960 = tpu.memref_slice %arg4[%dma_start3A_958, %dma_start3A_959] : memref<1000000x64xf32, #tpu.memory_space<hbm>> -> memref<1000000x64xf32, #tpu.memory_space<hbm>>
        tpu.enqueue_indirect_dma source(%dma_start3A_960 : memref<1000000x64xf32, #tpu.memory_space<hbm>>) target(%dma_start3A_957 : memref<16x64xf32, #tpu.memory_space<vmem>>) offsets(%get3A_953 : vector<16xi32>) semaphore(%arg12 : memref<!tpu.dma_semaphore, #tpu.memory_space<semaphore_mem>>)
        %get3A_961 = arith.index_cast %rem3A_670 : i32 to index
        %get3A_962 = arith.constant 448 : index
        %get3A_963 = tpu.vector_load %arg7[%get3A_961, %get3A_962] {strides = array<i32>} : memref<2x704xi32, #tpu.memory_space<vmem>>, vector<16xi32>,
        %dma_start3A_964 = arith.constant 416 : i32
        %dma_start3A_965 = arith.constant 0 : i32
        %dma_start3A_966 = tpu.memref_slice %arg9[%rem3A_670, %dma_start3A_964, %dma_start3A_965] : memref<2x672x64xf32, #tpu.memory_space<vmem>> -> memref<1x16x64xf32, #tpu.memory_space<vmem>>
        %dma_start3A_967 = tpu.memref_squeeze %dma_start3A_966 : memref<1x16x64xf32, #tpu.memory_space<vmem>> -> memref<16x64xf32, #tpu.memory_space<vmem>>
        %dma_start3A_968 = arith.constant 0 : i32
        %dma_start3A_969 = arith.constant 0 : i32
        %dma_start3A_970 = tpu.memref_slice %arg4[%dma_start3A_968, %dma_start3A_969] : memref<1000000x64xf32, #tpu.memory_space<hbm>> -> memref<1000000x64xf32, #tpu.memory_space<hbm>>
        tpu.enqueue_indirect_dma source(%dma_start3A_970 : memref<1000000x64xf32, #tpu.memory_space<hbm>>) target(%dma_start3A_967 : memref<16x64xf32, #tpu.memory_space<vmem>>) offsets(%get3A_963 : vector<16xi32>) semaphore(%arg12 : memref<!tpu.dma_semaphore, #tpu.memory_space<semaphore_mem>>)
        %get3A_971 = arith.index_cast %rem3A_670 : i32 to index
        %get3A_972 = arith.constant 464 : index
        %get3A_973 = tpu.vector_load %arg7[%get3A_971, %get3A_972] {strides = array<i32>} : memref<2x704xi32, #tpu.memory_space<vmem>>, vector<16xi32>,
        %dma_start3A_974 = arith.constant 432 : i32
        %dma_start3A_975 = arith.constant 0 : i32
        %dma_start3A_976 = tpu.memref_slice %arg9[%rem3A_670, %dma_start3A_974, %dma_start3A_975] : memref<2x672x64xf32, #tpu.memory_space<vmem>> -> memref<1x16x64xf32, #tpu.memory_space<vmem>>
        %dma_start3A_977 = tpu.memref_squeeze %dma_start3A_976 : memref<1x16x64xf32, #tpu.memory_space<vmem>> -> memref<16x64xf32, #tpu.memory_space<vmem>>
        %dma_start3A_978 = arith.constant 0 : i32
        %dma_start3A_979 = arith.constant 0 : i32
        %dma_start3A_980 = tpu.memref_slice %arg4[%dma_start3A_978, %dma_start3A_979] : memref<1000000x64xf32, #tpu.memory_space<hbm>> -> memref<1000000x64xf32, #tpu.memory_space<hbm>>
        tpu.enqueue_indirect_dma source(%dma_start3A_980 : memref<1000000x64xf32, #tpu.memory_space<hbm>>) target(%dma_start3A_977 : memref<16x64xf32, #tpu.memory_space<vmem>>) offsets(%get3A_973 : vector<16xi32>) semaphore(%arg12 : memref<!tpu.dma_semaphore, #tpu.memory_space<semaphore_mem>>)
        %get3A_981 = arith.index_cast %rem3A_670 : i32 to index
        %get3A_982 = arith.constant 480 : index
        %get3A_983 = tpu.vector_load %arg7[%get3A_981, %get3A_982] {strides = array<i32>} : memref<2x704xi32, #tpu.memory_space<vmem>>, vector<16xi32>,
        %dma_start3A_984 = arith.constant 448 : i32
        %dma_start3A_985 = arith.constant 0 : i32
        %dma_start3A_986 = tpu.memref_slice %arg9[%rem3A_670, %dma_start3A_984, %dma_start3A_985] : memref<2x672x64xf32, #tpu.memory_space<vmem>> -> memref<1x16x64xf32, #tpu.memory_space<vmem>>
        %dma_start3A_987 = tpu.memref_squeeze %dma_start3A_986 : memref<1x16x64xf32, #tpu.memory_space<vmem>> -> memref<16x64xf32, #tpu.memory_space<vmem>>
        %dma_start3A_988 = arith.constant 0 : i32
        %dma_start3A_989 = arith.constant 0 : i32
        %dma_start3A_990 = tpu.memref_slice %arg4[%dma_start3A_988, %dma_start3A_989] : memref<1000000x64xf32, #tpu.memory_space<hbm>> -> memref<1000000x64xf32, #tpu.memory_space<hbm>>
        tpu.enqueue_indirect_dma source(%dma_start3A_990 : memref<1000000x64xf32, #tpu.memory_space<hbm>>) target(%dma_start3A_987 : memref<16x64xf32, #tpu.memory_space<vmem>>) offsets(%get3A_983 : vector<16xi32>) semaphore(%arg12 : memref<!tpu.dma_semaphore, #tpu.memory_space<semaphore_mem>>)
        %get3A_991 = arith.index_cast %rem3A_670 : i32 to index
        %get3A_992 = arith.constant 496 : index
        %get3A_993 = tpu.vector_load %arg7[%get3A_991, %get3A_992] {strides = array<i32>} : memref<2x704xi32, #tpu.memory_space<vmem>>, vector<16xi32>,
        %dma_start3A_994 = arith.constant 464 : i32
        %dma_start3A_995 = arith.constant 0 : i32
        %dma_start3A_996 = tpu.memref_slice %arg9[%rem3A_670, %dma_start3A_994, %dma_start3A_995] : memref<2x672x64xf32, #tpu.memory_space<vmem>> -> memref<1x16x64xf32, #tpu.memory_space<vmem>>
        %dma_start3A_997 = tpu.memref_squeeze %dma_start3A_996 : memref<1x16x64xf32, #tpu.memory_space<vmem>> -> memref<16x64xf32, #tpu.memory_space<vmem>>
        %dma_start3A_998 = arith.constant 0 : i32
        %dma_start3A_999 = arith.constant 0 : i32
        %dma_start3A_1000 = tpu.memref_slice %arg4[%dma_start3A_998, %dma_start3A_999] : memref<1000000x64xf32, #tpu.memory_space<hbm>> -> memref<1000000x64xf32, #tpu.memory_space<hbm>>
        tpu.enqueue_indirect_dma source(%dma_start3A_1000 : memref<1000000x64xf32, #tpu.memory_space<hbm>>) target(%dma_start3A_997 : memref<16x64xf32, #tpu.memory_space<vmem>>) offsets(%get3A_993 : vector<16xi32>) semaphore(%arg12 : memref<!tpu.dma_semaphore, #tpu.memory_space<semaphore_mem>>)
        %get3A_1001 = arith.index_cast %rem3A_670 : i32 to index
        %get3A_1002 = arith.constant 512 : index
        %get3A_1003 = tpu.vector_load %arg7[%get3A_1001, %get3A_1002] {strides = array<i32>} : memref<2x704xi32, #tpu.memory_space<vmem>>, vector<16xi32>,
        %dma_start3A_1004 = arith.constant 480 : i32
        %dma_start3A_1005 = arith.constant 0 : i32
        %dma_start3A_1006 = tpu.memref_slice %arg9[%rem3A_670, %dma_start3A_1004, %dma_start3A_1005] : memref<2x672x64xf32, #tpu.memory_space<vmem>> -> memref<1x16x64xf32, #tpu.memory_space<vmem>>
        %dma_start3A_1007 = tpu.memref_squeeze %dma_start3A_1006 : memref<1x16x64xf32, #tpu.memory_space<vmem>> -> memref<16x64xf32, #tpu.memory_space<vmem>>
        %dma_start3A_1008 = arith.constant 0 : i32
        %dma_start3A_1009 = arith.constant 0 : i32
        %dma_start3A_1010 = tpu.memref_slice %arg4[%dma_start3A_1008, %dma_start3A_1009] : memref<1000000x64xf32, #tpu.memory_space<hbm>> -> memref<1000000x64xf32, #tpu.memory_space<hbm>>
        tpu.enqueue_indirect_dma source(%dma_start3A_1010 : memref<1000000x64xf32, #tpu.memory_space<hbm>>) target(%dma_start3A_1007 : memref<16x64xf32, #tpu.memory_space<vmem>>) offsets(%get3A_1003 : vector<16xi32>) semaphore(%arg12 : memref<!tpu.dma_semaphore, #tpu.memory_space<semaphore_mem>>)
        %get3A_1011 = arith.index_cast %rem3A_670 : i32 to index
        %get3A_1012 = arith.constant 528 : index
        %get3A_1013 = tpu.vector_load %arg7[%get3A_1011, %get3A_1012] {strides = array<i32>} : memref<2x704xi32, #tpu.memory_space<vmem>>, vector<16xi32>,
        %dma_start3A_1014 = arith.constant 496 : i32
        %dma_start3A_1015 = arith.constant 0 : i32
        %dma_start3A_1016 = tpu.memref_slice %arg9[%rem3A_670, %dma_start3A_1014, %dma_start3A_1015] : memref<2x672x64xf32, #tpu.memory_space<vmem>> -> memref<1x16x64xf32, #tpu.memory_space<vmem>>
        %dma_start3A_1017 = tpu.memref_squeeze %dma_start3A_1016 : memref<1x16x64xf32, #tpu.memory_space<vmem>> -> memref<16x64xf32, #tpu.memory_space<vmem>>
        %dma_start3A_1018 = arith.constant 0 : i32
        %dma_start3A_1019 = arith.constant 0 : i32
        %dma_start3A_1020 = tpu.memref_slice %arg4[%dma_start3A_1018, %dma_start3A_1019] : memref<1000000x64xf32, #tpu.memory_space<hbm>> -> memref<1000000x64xf32, #tpu.memory_space<hbm>>
        tpu.enqueue_indirect_dma source(%dma_start3A_1020 : memref<1000000x64xf32, #tpu.memory_space<hbm>>) target(%dma_start3A_1017 : memref<16x64xf32, #tpu.memory_space<vmem>>) offsets(%get3A_1013 : vector<16xi32>) semaphore(%arg12 : memref<!tpu.dma_semaphore, #tpu.memory_space<semaphore_mem>>)
        %get3A_1021 = arith.index_cast %rem3A_670 : i32 to index
        %get3A_1022 = arith.constant 544 : index
        %get3A_1023 = tpu.vector_load %arg7[%get3A_1021, %get3A_1022] {strides = array<i32>} : memref<2x704xi32, #tpu.memory_space<vmem>>, vector<16xi32>,
        %dma_start3A_1024 = arith.constant 512 : i32
        %dma_start3A_1025 = arith.constant 0 : i32
        %dma_start3A_1026 = tpu.memref_slice %arg9[%rem3A_670, %dma_start3A_1024, %dma_start3A_1025] : memref<2x672x64xf32, #tpu.memory_space<vmem>> -> memref<1x16x64xf32, #tpu.memory_space<vmem>>
        %dma_start3A_1027 = tpu.memref_squeeze %dma_start3A_1026 : memref<1x16x64xf32, #tpu.memory_space<vmem>> -> memref<16x64xf32, #tpu.memory_space<vmem>>
        %dma_start3A_1028 = arith.constant 0 : i32
        %dma_start3A_1029 = arith.constant 0 : i32
        %dma_start3A_1030 = tpu.memref_slice %arg4[%dma_start3A_1028, %dma_start3A_1029] : memref<1000000x64xf32, #tpu.memory_space<hbm>> -> memref<1000000x64xf32, #tpu.memory_space<hbm>>
        tpu.enqueue_indirect_dma source(%dma_start3A_1030 : memref<1000000x64xf32, #tpu.memory_space<hbm>>) target(%dma_start3A_1027 : memref<16x64xf32, #tpu.memory_space<vmem>>) offsets(%get3A_1023 : vector<16xi32>) semaphore(%arg12 : memref<!tpu.dma_semaphore, #tpu.memory_space<semaphore_mem>>)
        %get3A_1031 = arith.index_cast %rem3A_670 : i32 to index
        %get3A_1032 = arith.constant 560 : index
        %get3A_1033 = tpu.vector_load %arg7[%get3A_1031, %get3A_1032] {strides = array<i32>} : memref<2x704xi32, #tpu.memory_space<vmem>>, vector<16xi32>,
        %dma_start3A_1034 = arith.constant 528 : i32
        %dma_start3A_1035 = arith.constant 0 : i32
        %dma_start3A_1036 = tpu.memref_slice %arg9[%rem3A_670, %dma_start3A_1034, %dma_start3A_1035] : memref<2x672x64xf32, #tpu.memory_space<vmem>> -> memref<1x16x64xf32, #tpu.memory_space<vmem>>
        %dma_start3A_1037 = tpu.memref_squeeze %dma_start3A_1036 : memref<1x16x64xf32, #tpu.memory_space<vmem>> -> memref<16x64xf32, #tpu.memory_space<vmem>>
        %dma_start3A_1038 = arith.constant 0 : i32
        %dma_start3A_1039 = arith.constant 0 : i32
        %dma_start3A_1040 = tpu.memref_slice %arg4[%dma_start3A_1038, %dma_start3A_1039] : memref<1000000x64xf32, #tpu.memory_space<hbm>> -> memref<1000000x64xf32, #tpu.memory_space<hbm>>
        tpu.enqueue_indirect_dma source(%dma_start3A_1040 : memref<1000000x64xf32, #tpu.memory_space<hbm>>) target(%dma_start3A_1037 : memref<16x64xf32, #tpu.memory_space<vmem>>) offsets(%get3A_1033 : vector<16xi32>) semaphore(%arg12 : memref<!tpu.dma_semaphore, #tpu.memory_space<semaphore_mem>>)
        %get3A_1041 = arith.index_cast %rem3A_670 : i32 to index
        %get3A_1042 = arith.constant 576 : index
        %get3A_1043 = tpu.vector_load %arg7[%get3A_1041, %get3A_1042] {strides = array<i32>} : memref<2x704xi32, #tpu.memory_space<vmem>>, vector<16xi32>,
        %dma_start3A_1044 = arith.constant 544 : i32
        %dma_start3A_1045 = arith.constant 0 : i32
        %dma_start3A_1046 = tpu.memref_slice %arg9[%rem3A_670, %dma_start3A_1044, %dma_start3A_1045] : memref<2x672x64xf32, #tpu.memory_space<vmem>> -> memref<1x16x64xf32, #tpu.memory_space<vmem>>
        %dma_start3A_1047 = tpu.memref_squeeze %dma_start3A_1046 : memref<1x16x64xf32, #tpu.memory_space<vmem>> -> memref<16x64xf32, #tpu.memory_space<vmem>>
        %dma_start3A_1048 = arith.constant 0 : i32
        %dma_start3A_1049 = arith.constant 0 : i32
        %dma_start3A_1050 = tpu.memref_slice %arg4[%dma_start3A_1048, %dma_start3A_1049] : memref<1000000x64xf32, #tpu.memory_space<hbm>> -> memref<1000000x64xf32, #tpu.memory_space<hbm>>
        tpu.enqueue_indirect_dma source(%dma_start3A_1050 : memref<1000000x64xf32, #tpu.memory_space<hbm>>) target(%dma_start3A_1047 : memref<16x64xf32, #tpu.memory_space<vmem>>) offsets(%get3A_1043 : vector<16xi32>) semaphore(%arg12 : memref<!tpu.dma_semaphore, #tpu.memory_space<semaphore_mem>>)
        %get3A_1051 = arith.index_cast %rem3A_670 : i32 to index
        %get3A_1052 = arith.constant 592 : index
        %get3A_1053 = tpu.vector_load %arg7[%get3A_1051, %get3A_1052] {strides = array<i32>} : memref<2x704xi32, #tpu.memory_space<vmem>>, vector<16xi32>,
        %dma_start3A_1054 = arith.constant 560 : i32
        %dma_start3A_1055 = arith.constant 0 : i32
        %dma_start3A_1056 = tpu.memref_slice %arg9[%rem3A_670, %dma_start3A_1054, %dma_start3A_1055] : memref<2x672x64xf32, #tpu.memory_space<vmem>> -> memref<1x16x64xf32, #tpu.memory_space<vmem>>
        %dma_start3A_1057 = tpu.memref_squeeze %dma_start3A_1056 : memref<1x16x64xf32, #tpu.memory_space<vmem>> -> memref<16x64xf32, #tpu.memory_space<vmem>>
        %dma_start3A_1058 = arith.constant 0 : i32
        %dma_start3A_1059 = arith.constant 0 : i32
        %dma_start3A_1060 = tpu.memref_slice %arg4[%dma_start3A_1058, %dma_start3A_1059] : memref<1000000x64xf32, #tpu.memory_space<hbm>> -> memref<1000000x64xf32, #tpu.memory_space<hbm>>
        tpu.enqueue_indirect_dma source(%dma_start3A_1060 : memref<1000000x64xf32, #tpu.memory_space<hbm>>) target(%dma_start3A_1057 : memref<16x64xf32, #tpu.memory_space<vmem>>) offsets(%get3A_1053 : vector<16xi32>) semaphore(%arg12 : memref<!tpu.dma_semaphore, #tpu.memory_space<semaphore_mem>>)
        %get3A_1061 = arith.index_cast %rem3A_670 : i32 to index
        %get3A_1062 = arith.constant 608 : index
        %get3A_1063 = tpu.vector_load %arg7[%get3A_1061, %get3A_1062] {strides = array<i32>} : memref<2x704xi32, #tpu.memory_space<vmem>>, vector<16xi32>,
        %dma_start3A_1064 = arith.constant 576 : i32
        %dma_start3A_1065 = arith.constant 0 : i32
        %dma_start3A_1066 = tpu.memref_slice %arg9[%rem3A_670, %dma_start3A_1064, %dma_start3A_1065] : memref<2x672x64xf32, #tpu.memory_space<vmem>> -> memref<1x16x64xf32, #tpu.memory_space<vmem>>
        %dma_start3A_1067 = tpu.memref_squeeze %dma_start3A_1066 : memref<1x16x64xf32, #tpu.memory_space<vmem>> -> memref<16x64xf32, #tpu.memory_space<vmem>>
        %dma_start3A_1068 = arith.constant 0 : i32
        %dma_start3A_1069 = arith.constant 0 : i32
        %dma_start3A_1070 = tpu.memref_slice %arg4[%dma_start3A_1068, %dma_start3A_1069] : memref<1000000x64xf32, #tpu.memory_space<hbm>> -> memref<1000000x64xf32, #tpu.memory_space<hbm>>
        tpu.enqueue_indirect_dma source(%dma_start3A_1070 : memref<1000000x64xf32, #tpu.memory_space<hbm>>) target(%dma_start3A_1067 : memref<16x64xf32, #tpu.memory_space<vmem>>) offsets(%get3A_1063 : vector<16xi32>) semaphore(%arg12 : memref<!tpu.dma_semaphore, #tpu.memory_space<semaphore_mem>>)
        %get3A_1071 = arith.index_cast %rem3A_670 : i32 to index
        %get3A_1072 = arith.constant 624 : index
        %get3A_1073 = tpu.vector_load %arg7[%get3A_1071, %get3A_1072] {strides = array<i32>} : memref<2x704xi32, #tpu.memory_space<vmem>>, vector<16xi32>,
        %dma_start3A_1074 = arith.constant 592 : i32
        %dma_start3A_1075 = arith.constant 0 : i32
        %dma_start3A_1076 = tpu.memref_slice %arg9[%rem3A_670, %dma_start3A_1074, %dma_start3A_1075] : memref<2x672x64xf32, #tpu.memory_space<vmem>> -> memref<1x16x64xf32, #tpu.memory_space<vmem>>
        %dma_start3A_1077 = tpu.memref_squeeze %dma_start3A_1076 : memref<1x16x64xf32, #tpu.memory_space<vmem>> -> memref<16x64xf32, #tpu.memory_space<vmem>>
        %dma_start3A_1078 = arith.constant 0 : i32
        %dma_start3A_1079 = arith.constant 0 : i32
        %dma_start3A_1080 = tpu.memref_slice %arg4[%dma_start3A_1078, %dma_start3A_1079] : memref<1000000x64xf32, #tpu.memory_space<hbm>> -> memref<1000000x64xf32, #tpu.memory_space<hbm>>
        tpu.enqueue_indirect_dma source(%dma_start3A_1080 : memref<1000000x64xf32, #tpu.memory_space<hbm>>) target(%dma_start3A_1077 : memref<16x64xf32, #tpu.memory_space<vmem>>) offsets(%get3A_1073 : vector<16xi32>) semaphore(%arg12 : memref<!tpu.dma_semaphore, #tpu.memory_space<semaphore_mem>>)
        %get3A_1081 = arith.index_cast %rem3A_670 : i32 to index
        %get3A_1082 = arith.constant 640 : index
        %get3A_1083 = tpu.vector_load %arg7[%get3A_1081, %get3A_1082] {strides = array<i32>} : memref<2x704xi32, #tpu.memory_space<vmem>>, vector<16xi32>,
        %dma_start3A_1084 = arith.constant 608 : i32
        %dma_start3A_1085 = arith.constant 0 : i32
        %dma_start3A_1086 = tpu.memref_slice %arg9[%rem3A_670, %dma_start3A_1084, %dma_start3A_1085] : memref<2x672x64xf32, #tpu.memory_space<vmem>> -> memref<1x16x64xf32, #tpu.memory_space<vmem>>
        %dma_start3A_1087 = tpu.memref_squeeze %dma_start3A_1086 : memref<1x16x64xf32, #tpu.memory_space<vmem>> -> memref<16x64xf32, #tpu.memory_space<vmem>>
        %dma_start3A_1088 = arith.constant 0 : i32
        %dma_start3A_1089 = arith.constant 0 : i32
        %dma_start3A_1090 = tpu.memref_slice %arg4[%dma_start3A_1088, %dma_start3A_1089] : memref<1000000x64xf32, #tpu.memory_space<hbm>> -> memref<1000000x64xf32, #tpu.memory_space<hbm>>
        tpu.enqueue_indirect_dma source(%dma_start3A_1090 : memref<1000000x64xf32, #tpu.memory_space<hbm>>) target(%dma_start3A_1087 : memref<16x64xf32, #tpu.memory_space<vmem>>) offsets(%get3A_1083 : vector<16xi32>) semaphore(%arg12 : memref<!tpu.dma_semaphore, #tpu.memory_space<semaphore_mem>>)
        %get3A_1091 = arith.index_cast %rem3A_670 : i32 to index
        %get3A_1092 = arith.constant 656 : index
        %get3A_1093 = tpu.vector_load %arg7[%get3A_1091, %get3A_1092] {strides = array<i32>} : memref<2x704xi32, #tpu.memory_space<vmem>>, vector<16xi32>,
        %dma_start3A_1094 = arith.constant 624 : i32
        %dma_start3A_1095 = arith.constant 0 : i32
        %dma_start3A_1096 = tpu.memref_slice %arg9[%rem3A_670, %dma_start3A_1094, %dma_start3A_1095] : memref<2x672x64xf32, #tpu.memory_space<vmem>> -> memref<1x16x64xf32, #tpu.memory_space<vmem>>
        %dma_start3A_1097 = tpu.memref_squeeze %dma_start3A_1096 : memref<1x16x64xf32, #tpu.memory_space<vmem>> -> memref<16x64xf32, #tpu.memory_space<vmem>>
        %dma_start3A_1098 = arith.constant 0 : i32
        %dma_start3A_1099 = arith.constant 0 : i32
        %dma_start3A_1100 = tpu.memref_slice %arg4[%dma_start3A_1098, %dma_start3A_1099] : memref<1000000x64xf32, #tpu.memory_space<hbm>> -> memref<1000000x64xf32, #tpu.memory_space<hbm>>
        tpu.enqueue_indirect_dma source(%dma_start3A_1100 : memref<1000000x64xf32, #tpu.memory_space<hbm>>) target(%dma_start3A_1097 : memref<16x64xf32, #tpu.memory_space<vmem>>) offsets(%get3A_1093 : vector<16xi32>) semaphore(%arg12 : memref<!tpu.dma_semaphore, #tpu.memory_space<semaphore_mem>>)
        %get3A_1101 = arith.index_cast %rem3A_670 : i32 to index
        %get3A_1102 = arith.constant 672 : index
        %get3A_1103 = tpu.vector_load %arg7[%get3A_1101, %get3A_1102] {strides = array<i32>} : memref<2x704xi32, #tpu.memory_space<vmem>>, vector<16xi32>,
        %dma_start3A_1104 = arith.constant 640 : i32
        %dma_start3A_1105 = arith.constant 0 : i32
        %dma_start3A_1106 = tpu.memref_slice %arg9[%rem3A_670, %dma_start3A_1104, %dma_start3A_1105] : memref<2x672x64xf32, #tpu.memory_space<vmem>> -> memref<1x16x64xf32, #tpu.memory_space<vmem>>
        %dma_start3A_1107 = tpu.memref_squeeze %dma_start3A_1106 : memref<1x16x64xf32, #tpu.memory_space<vmem>> -> memref<16x64xf32, #tpu.memory_space<vmem>>
        %dma_start3A_1108 = arith.constant 0 : i32
        %dma_start3A_1109 = arith.constant 0 : i32
        %dma_start3A_1110 = tpu.memref_slice %arg4[%dma_start3A_1108, %dma_start3A_1109] : memref<1000000x64xf32, #tpu.memory_space<hbm>> -> memref<1000000x64xf32, #tpu.memory_space<hbm>>
        tpu.enqueue_indirect_dma source(%dma_start3A_1110 : memref<1000000x64xf32, #tpu.memory_space<hbm>>) target(%dma_start3A_1107 : memref<16x64xf32, #tpu.memory_space<vmem>>) offsets(%get3A_1103 : vector<16xi32>) semaphore(%arg12 : memref<!tpu.dma_semaphore, #tpu.memory_space<semaphore_mem>>)
        %get3A_1111 = arith.index_cast %rem3A_670 : i32 to index
        %get3A_1112 = arith.constant 688 : index
        %get3A_1113 = tpu.vector_load %arg7[%get3A_1111, %get3A_1112] {strides = array<i32>} : memref<2x704xi32, #tpu.memory_space<vmem>>, vector<16xi32>,
        %dma_start3A_1114 = arith.constant 656 : i32
        %dma_start3A_1115 = arith.constant 0 : i32
        %dma_start3A_1116 = tpu.memref_slice %arg9[%rem3A_670, %dma_start3A_1114, %dma_start3A_1115] : memref<2x672x64xf32, #tpu.memory_space<vmem>> -> memref<1x16x64xf32, #tpu.memory_space<vmem>>
        %dma_start3A_1117 = tpu.memref_squeeze %dma_start3A_1116 : memref<1x16x64xf32, #tpu.memory_space<vmem>> -> memref<16x64xf32, #tpu.memory_space<vmem>>
        %dma_start3A_1118 = arith.constant 0 : i32
        %dma_start3A_1119 = arith.constant 0 : i32
        %dma_start3A_1120 = tpu.memref_slice %arg4[%dma_start3A_1118, %dma_start3A_1119] : memref<1000000x64xf32, #tpu.memory_space<hbm>> -> memref<1000000x64xf32, #tpu.memory_space<hbm>>
        tpu.enqueue_indirect_dma source(%dma_start3A_1120 : memref<1000000x64xf32, #tpu.memory_space<hbm>>) target(%dma_start3A_1117 : memref<16x64xf32, #tpu.memory_space<vmem>>) offsets(%get3A_1113 : vector<16xi32>) semaphore(%arg12 : memref<!tpu.dma_semaphore, #tpu.memory_space<semaphore_mem>>)
      } else {
      }
      %add3A_609 = arith.constant 1 : i32
      %add3A_610 = arith.addi %sub3A_606, %add3A_609 : i32
      %lt3A_611 = arith.constant 16 : i32
      %lt3A_612 = arith.cmpi slt, %add3A_610, %lt3A_611 : i32
      %convert_element_type3A_613 = arith.extui %lt3A_612 : i1 to i32
      %cond3A_614 = arith.constant 0 : i32
      %cond3A_615 = arith.cmpi ne, %convert_element_type3A_613, %cond3A_614 : i32
      scf.if %cond3A_615 {
        %add3A_669 = arith.constant 1 : i32
        %add3A_670 = arith.addi %sub3A_606, %add3A_669 : i32
        %add3A_671 = arith.constant 1 : i32
        %add3A_672 = arith.addi %sub3A_606, %add3A_671 : i32
        %rem3A_673 = arith.constant 2 : i32
        %rem3A_674 = arith.remsi %add3A_672, %rem3A_673 : i32
        %mul3A_675 = arith.constant 16 : i32
        %mul3A_676 = arith.muli %add3A, %mul3A_675 : i32
        %add3A_677 = arith.addi %mul3A_676, %add3A_670 : i32
        %mul3A_678 = arith.constant 704 : i32
        %mul3A_679 = arith.muli %add3A_677, %mul3A_678 : i32
        %dma_start3A_680 = arith.constant 0 : i32
        %dma_start3A_681 = tpu.memref_slice %arg7[%rem3A_674, %dma_start3A_680] : memref<2x704xi32, #tpu.memory_space<vmem>> -> memref<1x704xi32, #tpu.memory_space<vmem>>
        %dma_start3A_682 = tpu.memref_squeeze %dma_start3A_681 : memref<1x704xi32, #tpu.memory_space<vmem>> -> memref<704xi32, #tpu.memory_space<vmem>>
        %dma_start3A_683 = tpu.memref_slice %arg2[%mul3A_679] : memref<360448xi32, #tpu.memory_space<hbm>> -> memref<704xi32, #tpu.memory_space<hbm>>
        %dma_start3A_684 = arith.constant 0 : i32
        %dma_start3A_685 = tpu.memref_slice %arg7[%rem3A_674, %dma_start3A_684] : memref<2x704xi32, #tpu.memory_space<vmem>> -> memref<1x704xi32, #tpu.memory_space<vmem>>
        %dma_start3A_686 = tpu.memref_squeeze %dma_start3A_685 : memref<1x704xi32, #tpu.memory_space<vmem>> -> memref<704xi32, #tpu.memory_space<vmem>>
        %dma_start3A_687 = tpu.memref_slice %arg2[%mul3A_679] : memref<360448xi32, #tpu.memory_space<hbm>> -> memref<704xi32, #tpu.memory_space<hbm>>
        tpu.enqueue_dma source(%dma_start3A_687 : memref<704xi32, #tpu.memory_space<hbm>>) target(%dma_start3A_686 : memref<704xi32, #tpu.memory_space<vmem>>) target_semaphore(%arg14 : memref<!tpu.dma_semaphore, #tpu.memory_space<semaphore_mem>>)
      } else {
      }
      %dma_wait3A_616 = arith.constant 0 : i32
      %dma_wait3A_617 = arith.constant 0 : i32
      %dma_wait3A_618 = tpu.memref_slice %arg8[%rem3A_603, %dma_wait3A_616, %dma_wait3A_617] : memref<2x32x64xf32, #tpu.memory_space<vmem>> -> memref<1x32x64xf32, #tpu.memory_space<vmem>>
      %dma_wait3A_619 = tpu.memref_squeeze %dma_wait3A_618 : memref<1x32x64xf32, #tpu.memory_space<vmem>> -> memref<32x64xf32, #tpu.memory_space<vmem>>
      %dma_wait3A_620 = arith.constant 0 : i32
      %dma_wait3A_621 = arith.constant 0 : i32
      %dma_wait3A_622 = tpu.memref_slice %arg3[%dma_wait3A_620, %dma_wait3A_621] : memref<1000000x64xf32, #tpu.memory_space<hbm>> -> memref<32x64xf32, #tpu.memory_space<hbm>>
      %dma_wait3A_623 = arith.constant 0 : i32
      %dma_wait3A_624 = arith.constant 0 : i32
      %dma_wait3A_625 = tpu.memref_slice %arg8[%rem3A_603, %dma_wait3A_623, %dma_wait3A_624] : memref<2x32x64xf32, #tpu.memory_space<vmem>> -> memref<1x32x64xf32, #tpu.memory_space<vmem>>
      %dma_wait3A_626 = tpu.memref_squeeze %dma_wait3A_625 : memref<1x32x64xf32, #tpu.memory_space<vmem>> -> memref<32x64xf32, #tpu.memory_space<vmem>>
      %dma_wait3A_627 = arith.constant 0 : i32
      %dma_wait3A_628 = arith.constant 0 : i32
      %dma_wait3A_629 = tpu.memref_slice %arg3[%dma_wait3A_627, %dma_wait3A_628] : memref<1000000x64xf32, #tpu.memory_space<hbm>> -> memref<32x64xf32, #tpu.memory_space<hbm>>
      tpu.wait_dma2 semaphore(%arg12 : memref<!tpu.dma_semaphore, #tpu.memory_space<semaphore_mem>>) src(%dma_wait3A_629 : memref<32x64xf32, #tpu.memory_space<hbm>>) dst(%dma_wait3A_626 : memref<32x64xf32, #tpu.memory_space<vmem>>)
      %dma_wait3A_630 = arith.constant 0 : i32
      %dma_wait3A_631 = arith.constant 0 : i32
      %dma_wait3A_632 = tpu.memref_slice %arg9[%rem3A_603, %dma_wait3A_630, %dma_wait3A_631] : memref<2x672x64xf32, #tpu.memory_space<vmem>> -> memref<1x672x64xf32, #tpu.memory_space<vmem>>
      %dma_wait3A_633 = tpu.memref_squeeze %dma_wait3A_632 : memref<1x672x64xf32, #tpu.memory_space<vmem>> -> memref<672x64xf32, #tpu.memory_space<vmem>>
      %dma_wait3A_634 = arith.constant 0 : i32
      %dma_wait3A_635 = arith.constant 0 : i32
      %dma_wait3A_636 = tpu.memref_slice %arg4[%dma_wait3A_634, %dma_wait3A_635] : memref<1000000x64xf32, #tpu.memory_space<hbm>> -> memref<672x64xf32, #tpu.memory_space<hbm>>
      %dma_wait3A_637 = arith.constant 0 : i32
      %dma_wait3A_638 = arith.constant 0 : i32
      %dma_wait3A_639 = tpu.memref_slice %arg9[%rem3A_603, %dma_wait3A_637, %dma_wait3A_638] : memref<2x672x64xf32, #tpu.memory_space<vmem>> -> memref<1x672x64xf32, #tpu.memory_space<vmem>>
      %dma_wait3A_640 = tpu.memref_squeeze %dma_wait3A_639 : memref<1x672x64xf32, #tpu.memory_space<vmem>> -> memref<672x64xf32, #tpu.memory_space<vmem>>
      %dma_wait3A_641 = arith.constant 0 : i32
      %dma_wait3A_642 = arith.constant 0 : i32
      %dma_wait3A_643 = tpu.memref_slice %arg4[%dma_wait3A_641, %dma_wait3A_642] : memref<1000000x64xf32, #tpu.memory_space<hbm>> -> memref<672x64xf32, #tpu.memory_space<hbm>>
      tpu.wait_dma2 semaphore(%arg12 : memref<!tpu.dma_semaphore, #tpu.memory_space<semaphore_mem>>) src(%dma_wait3A_643 : memref<672x64xf32, #tpu.memory_space<hbm>>) dst(%dma_wait3A_640 : memref<672x64xf32, #tpu.memory_space<vmem>>)
      %ge3A = arith.constant 2 : i32
      %ge3A_644 = arith.cmpi sge, %scan3A_602, %ge3A : i32
      %convert_element_type3A_645 = arith.extui %ge3A_644 : i1 to i32
      %cond3A_646 = arith.constant 0 : i32
      %cond3A_647 = arith.cmpi ne, %convert_element_type3A_645, %cond3A_646 : i32
      scf.if %cond3A_647 {
        %sub3A_669 = arith.constant 2 : i32
        %sub3A_670 = arith.subi %scan3A_602, %sub3A_669 : i32
        %mul3A_671 = arith.constant 512 : i32
        %mul3A_672 = arith.muli %add3A, %mul3A_671 : i32
        %mul3A_673 = arith.constant 32 : i32
        %mul3A_674 = arith.muli %sub3A_670, %mul3A_673 : i32
        %add3A_675 = arith.addi %mul3A_672, %mul3A_674 : i32
        %mul3A_676 = arith.constant 21 : i32
        %mul3A_677 = arith.muli %add3A_675, %mul3A_676 : i32
        %dma_wait3A_678 = arith.constant 0 : i32
        %dma_wait3A_679 = tpu.memref_slice %arg10[%rem3A_603, %dma_wait3A_678] : memref<2x672xf32, #tpu.memory_space<vmem>> -> memref<1x672xf32, #tpu.memory_space<vmem>>
        %dma_wait3A_680 = tpu.memref_squeeze %dma_wait3A_679 : memref<1x672xf32, #tpu.memory_space<vmem>> -> memref<672xf32, #tpu.memory_space<vmem>>
        %dma_wait3A_681 = tpu.memref_slice %arg6[%mul3A_677] : memref<344064xf32, #tpu.memory_space<hbm>> -> memref<672xf32, #tpu.memory_space<hbm>>
        %dma_wait3A_682 = tpu.memref_slice %arg6[%mul3A_677] : memref<344064xf32, #tpu.memory_space<hbm>> -> memref<672xf32, #tpu.memory_space<hbm>>
        %dma_wait3A_683 = arith.constant 0 : i32
        %dma_wait3A_684 = tpu.memref_slice %arg10[%rem3A_603, %dma_wait3A_683] : memref<2x672xf32, #tpu.memory_space<vmem>> -> memref<1x672xf32, #tpu.memory_space<vmem>>
        %dma_wait3A_685 = tpu.memref_squeeze %dma_wait3A_684 : memref<1x672xf32, #tpu.memory_space<vmem>> -> memref<672xf32, #tpu.memory_space<vmem>>
        tpu.wait_dma2 semaphore(%arg13 : memref<!tpu.dma_semaphore, #tpu.memory_space<semaphore_mem>>) src(%dma_wait3A_685 : memref<672xf32, #tpu.memory_space<vmem>>) dst(%dma_wait3A_682 : memref<672xf32, #tpu.memory_space<hbm>>)
      } else {
      }
      %scan3A_648 = arith.constant 0 : i32
      %scan3A_649 = arith.constant 0 : i32
      %scan3A_650 = arith.constant 42 : i32
      %scan3A_651 = arith.addi %scan3A_649, %scan3A_650 : i32
      %scan3A_652 = arith.constant 2 : i32
      scf.for %scan3A_669 = %scan3A_649 to %scan3A_651 step %scan3A_652  : i32 {
        %mul3A_670 = arith.constant 16 : i32
        %mul3A_671 = arith.muli %scan3A_669, %mul3A_670 : i32
        %get3A_672 = arith.index_cast %mul3A_671 : i32 to index
        %get3A_673 = tpu.vector_load %arg11[%get3A_672] {strides = array<i32>} : memref<672xf32, #tpu.memory_space<vmem>>, vector<16xf32>,
        %broadcast_in_dim3A = arith.constant 0.000000e+00 : f32
        %broadcast_in_dim3A_674 = vector.broadcast %broadcast_in_dim3A : f32 to vector<16xf32>
        %mul3A_675 = arith.constant 16 : i32
        %mul3A_676 = arith.muli %scan3A_669, %mul3A_675 : i32
        %add3A_677 = arith.constant 0 : i32
        %add3A_678 = arith.addi %mul3A_676, %add3A_677 : i32
        %jit3A = arith.constant 21 : i32
        %div3A = arith.divsi %add3A_678, %jit3A : i32
        %sign3A = arith.constant 0 : i32
        %sign3A_679 = arith.cmpi sgt, %add3A_678, %sign3A : i32
        %sign3A_680 = arith.extui %sign3A_679 : i1 to i32
        %sign3A_681 = arith.constant 0 : i32
        %sign3A_682 = arith.cmpi slt, %add3A_678, %sign3A_681 : i32
        %sign3A_683 = arith.extui %sign3A_682 : i1 to i32
        %sign3A_684 = arith.subi %sign3A_680, %sign3A_683 : i32
        %sign3A_685 = arith.constant 0 : i32
        %sign3A_686 = arith.cmpi sgt, %jit3A, %sign3A_685 : i32
        %sign3A_687 = arith.extui %sign3A_686 : i1 to i32
        %sign3A_688 = arith.constant 0 : i32
        %sign3A_689 = arith.cmpi slt, %jit3A, %sign3A_688 : i32
        %sign3A_690 = arith.extui %sign3A_689 : i1 to i32
        %sign3A_691 = arith.subi %sign3A_687, %sign3A_690 : i32
        %ne3A = arith.cmpi ne, %sign3A_684, %sign3A_691 : i32
        %rem3A_692 = arith.remsi %add3A_678, %jit3A : i32
        %ne3A_693 = arith.constant 0 : i32
        %ne3A_694 = arith.cmpi ne, %rem3A_692, %ne3A_693 : i32
        %and3A = arith.andi %ne3A, %ne3A_694 : i1
        %sub3A_695 = arith.constant 1 : i32
        %sub3A_696 = arith.subi %div3A, %sub3A_695 : i32
        %select_n3A = arith.select %and3A, %sub3A_696, %div3A : i32
        %get3A_697 = arith.index_cast %rem3A_603 : i32 to index
        %get3A_698 = arith.index_cast %select_n3A : i32 to index
        %get3A_699 = arith.constant 0 : index
        %get3A_700 = tpu.vector_load %arg8[%get3A_697, %get3A_698, %get3A_699] {strides = array<i32>} : memref<2x32x64xf32, #tpu.memory_space<vmem>>, vector<16xf32>,
        %get3A_701 = arith.index_cast %rem3A_603 : i32 to index
        %get3A_702 = arith.index_cast %add3A_678 : i32 to index
        %get3A_703 = arith.constant 0 : index
        %get3A_704 = tpu.vector_load %arg9[%get3A_701, %get3A_702, %get3A_703] {strides = array<i32>} : memref<2x672x64xf32, #tpu.memory_space<vmem>>, vector<16xf32>,
        %mul3A_705 = arith.mulf %get3A_700, %get3A_704 : vector<16xf32>
        %get3A_706 = arith.index_cast %rem3A_603 : i32 to index
        %get3A_707 = arith.index_cast %select_n3A : i32 to index
        %get3A_708 = arith.constant 16 : index
        %get3A_709 = tpu.vector_load %arg8[%get3A_706, %get3A_707, %get3A_708] {strides = array<i32>} : memref<2x32x64xf32, #tpu.memory_space<vmem>>, vector<16xf32>,
        %get3A_710 = arith.index_cast %rem3A_603 : i32 to index
        %get3A_711 = arith.index_cast %add3A_678 : i32 to index
        %get3A_712 = arith.constant 16 : index
        %get3A_713 = tpu.vector_load %arg9[%get3A_710, %get3A_711, %get3A_712] {strides = array<i32>} : memref<2x672x64xf32, #tpu.memory_space<vmem>>, vector<16xf32>,
        %mul3A_714 = arith.mulf %get3A_709, %get3A_713 : vector<16xf32>
        %add3A_715 = arith.addf %mul3A_705, %mul3A_714 : vector<16xf32>
        %get3A_716 = arith.index_cast %rem3A_603 : i32 to index
        %get3A_717 = arith.index_cast %select_n3A : i32 to index
        %get3A_718 = arith.constant 32 : index
        %get3A_719 = tpu.vector_load %arg8[%get3A_716, %get3A_717, %get3A_718] {strides = array<i32>} : memref<2x32x64xf32, #tpu.memory_space<vmem>>, vector<16xf32>,
        %get3A_720 = arith.index_cast %rem3A_603 : i32 to index
        %get3A_721 = arith.index_cast %add3A_678 : i32 to index
        %get3A_722 = arith.constant 32 : index
        %get3A_723 = tpu.vector_load %arg9[%get3A_720, %get3A_721, %get3A_722] {strides = array<i32>} : memref<2x672x64xf32, #tpu.memory_space<vmem>>, vector<16xf32>,
        %mul3A_724 = arith.mulf %get3A_719, %get3A_723 : vector<16xf32>
        %add3A_725 = arith.addf %add3A_715, %mul3A_724 : vector<16xf32>
        %get3A_726 = arith.index_cast %rem3A_603 : i32 to index
        %get3A_727 = arith.index_cast %select_n3A : i32 to index
        %get3A_728 = arith.constant 48 : index
        %get3A_729 = tpu.vector_load %arg8[%get3A_726, %get3A_727, %get3A_728] {strides = array<i32>} : memref<2x32x64xf32, #tpu.memory_space<vmem>>, vector<16xf32>,
        %get3A_730 = arith.index_cast %rem3A_603 : i32 to index
        %get3A_731 = arith.index_cast %add3A_678 : i32 to index
        %get3A_732 = arith.constant 48 : index
        %get3A_733 = tpu.vector_load %arg9[%get3A_730, %get3A_731, %get3A_732] {strides = array<i32>} : memref<2x672x64xf32, #tpu.memory_space<vmem>>, vector<16xf32>,
        %mul3A_734 = arith.mulf %get3A_729, %get3A_733 : vector<16xf32>
        %add3A_735 = arith.addf %add3A_725, %mul3A_734 : vector<16xf32>
        %reduce_sum3A = arith.constant true
        %reduce_sum3A_736 = vector.broadcast %reduce_sum3A : i1 to vector<16xi1>
        %reduce_sum3A_737 = tpu.scan <sum>, %add3A_735 masked %reduce_sum3A_736 : vector<16xf32>, vector<16xi1> -> vector<16xf32>
        %reduce_sum3A_738 = vector.extract %reduce_sum3A_737[15] : f32 from vector<16xf32>
        %eq3A = arith.constant 0 : i32
        %eq3A_739 = vector.broadcast %eq3A : i32 to vector<16xi32>
        %eq3A_740 = arith.cmpi eq, %iota3A, %eq3A_739 : vector<16xi32>
        %broadcast_in_dim3A_741 = vector.broadcast %reduce_sum3A_738 : f32 to vector<16xf32>
        %select_n3A_742 = arith.select %eq3A_740, %broadcast_in_dim3A_741, %broadcast_in_dim3A_674 : vector<16xi1>, vector<16xf32>
        %mul3A_743 = arith.constant 16 : i32
        %mul3A_744 = arith.muli %scan3A_669, %mul3A_743 : i32
        %add3A_745 = arith.constant 1 : i32
        %add3A_746 = arith.addi %mul3A_744, %add3A_745 : i32
        %jit3A_747 = arith.constant 21 : i32
        %div3A_748 = arith.divsi %add3A_746, %jit3A_747 : i32
        %sign3A_749 = arith.constant 0 : i32
        %sign3A_750 = arith.cmpi sgt, %add3A_746, %sign3A_749 : i32
        %sign3A_751 = arith.extui %sign3A_750 : i1 to i32
        %sign3A_752 = arith.constant 0 : i32
        %sign3A_753 = arith.cmpi slt, %add3A_746, %sign3A_752 : i32
        %sign3A_754 = arith.extui %sign3A_753 : i1 to i32
        %sign3A_755 = arith.subi %sign3A_751, %sign3A_754 : i32
        %sign3A_756 = arith.constant 0 : i32
        %sign3A_757 = arith.cmpi sgt, %jit3A_747, %sign3A_756 : i32
        %sign3A_758 = arith.extui %sign3A_757 : i1 to i32
        %sign3A_759 = arith.constant 0 : i32
        %sign3A_760 = arith.cmpi slt, %jit3A_747, %sign3A_759 : i32
        %sign3A_761 = arith.extui %sign3A_760 : i1 to i32
        %sign3A_762 = arith.subi %sign3A_758, %sign3A_761 : i32
        %ne3A_763 = arith.cmpi ne, %sign3A_755, %sign3A_762 : i32
        %rem3A_764 = arith.remsi %add3A_746, %jit3A_747 : i32
        %ne3A_765 = arith.constant 0 : i32
        %ne3A_766 = arith.cmpi ne, %rem3A_764, %ne3A_765 : i32
        %and3A_767 = arith.andi %ne3A_763, %ne3A_766 : i1
        %sub3A_768 = arith.constant 1 : i32
        %sub3A_769 = arith.subi %div3A_748, %sub3A_768 : i32
        %select_n3A_770 = arith.select %and3A_767, %sub3A_769, %div3A_748 : i32
        %get3A_771 = arith.index_cast %rem3A_603 : i32 to index
        %get3A_772 = arith.index_cast %select_n3A_770 : i32 to index
        %get3A_773 = arith.constant 0 : index
        %get3A_774 = tpu.vector_load %arg8[%get3A_771, %get3A_772, %get3A_773] {strides = array<i32>} : memref<2x32x64xf32, #tpu.memory_space<vmem>>, vector<16xf32>,
        %get3A_775 = arith.index_cast %rem3A_603 : i32 to index
        %get3A_776 = arith.index_cast %add3A_746 : i32 to index
        %get3A_777 = arith.constant 0 : index
        %get3A_778 = tpu.vector_load %arg9[%get3A_775, %get3A_776, %get3A_777] {strides = array<i32>} : memref<2x672x64xf32, #tpu.memory_space<vmem>>, vector<16xf32>,
        %mul3A_779 = arith.mulf %get3A_774, %get3A_778 : vector<16xf32>
        %get3A_780 = arith.index_cast %rem3A_603 : i32 to index
        %get3A_781 = arith.index_cast %select_n3A_770 : i32 to index
        %get3A_782 = arith.constant 16 : index
        %get3A_783 = tpu.vector_load %arg8[%get3A_780, %get3A_781, %get3A_782] {strides = array<i32>} : memref<2x32x64xf32, #tpu.memory_space<vmem>>, vector<16xf32>,
        %get3A_784 = arith.index_cast %rem3A_603 : i32 to index
        %get3A_785 = arith.index_cast %add3A_746 : i32 to index
        %get3A_786 = arith.constant 16 : index
        %get3A_787 = tpu.vector_load %arg9[%get3A_784, %get3A_785, %get3A_786] {strides = array<i32>} : memref<2x672x64xf32, #tpu.memory_space<vmem>>, vector<16xf32>,
        %mul3A_788 = arith.mulf %get3A_783, %get3A_787 : vector<16xf32>
        %add3A_789 = arith.addf %mul3A_779, %mul3A_788 : vector<16xf32>
        %get3A_790 = arith.index_cast %rem3A_603 : i32 to index
        %get3A_791 = arith.index_cast %select_n3A_770 : i32 to index
        %get3A_792 = arith.constant 32 : index
        %get3A_793 = tpu.vector_load %arg8[%get3A_790, %get3A_791, %get3A_792] {strides = array<i32>} : memref<2x32x64xf32, #tpu.memory_space<vmem>>, vector<16xf32>,
        %get3A_794 = arith.index_cast %rem3A_603 : i32 to index
        %get3A_795 = arith.index_cast %add3A_746 : i32 to index
        %get3A_796 = arith.constant 32 : index
        %get3A_797 = tpu.vector_load %arg9[%get3A_794, %get3A_795, %get3A_796] {strides = array<i32>} : memref<2x672x64xf32, #tpu.memory_space<vmem>>, vector<16xf32>,
        %mul3A_798 = arith.mulf %get3A_793, %get3A_797 : vector<16xf32>
        %add3A_799 = arith.addf %add3A_789, %mul3A_798 : vector<16xf32>
        %get3A_800 = arith.index_cast %rem3A_603 : i32 to index
        %get3A_801 = arith.index_cast %select_n3A_770 : i32 to index
        %get3A_802 = arith.constant 48 : index
        %get3A_803 = tpu.vector_load %arg8[%get3A_800, %get3A_801, %get3A_802] {strides = array<i32>} : memref<2x32x64xf32, #tpu.memory_space<vmem>>, vector<16xf32>,
        %get3A_804 = arith.index_cast %rem3A_603 : i32 to index
        %get3A_805 = arith.index_cast %add3A_746 : i32 to index
        %get3A_806 = arith.constant 48 : index
        %get3A_807 = tpu.vector_load %arg9[%get3A_804, %get3A_805, %get3A_806] {strides = array<i32>} : memref<2x672x64xf32, #tpu.memory_space<vmem>>, vector<16xf32>,
        %mul3A_808 = arith.mulf %get3A_803, %get3A_807 : vector<16xf32>
        %add3A_809 = arith.addf %add3A_799, %mul3A_808 : vector<16xf32>
        %reduce_sum3A_810 = arith.constant true
        %reduce_sum3A_811 = vector.broadcast %reduce_sum3A_810 : i1 to vector<16xi1>
        %reduce_sum3A_812 = tpu.scan <sum>, %add3A_809 masked %reduce_sum3A_811 : vector<16xf32>, vector<16xi1> -> vector<16xf32>
        %reduce_sum3A_813 = vector.extract %reduce_sum3A_812[15] : f32 from vector<16xf32>
        %eq3A_814 = arith.constant 1 : i32
        %eq3A_815 = vector.broadcast %eq3A_814 : i32 to vector<16xi32>
        %eq3A_816 = arith.cmpi eq, %iota3A, %eq3A_815 : vector<16xi32>
        %broadcast_in_dim3A_817 = vector.broadcast %reduce_sum3A_813 : f32 to vector<16xf32>
        %select_n3A_818 = arith.select %eq3A_816, %broadcast_in_dim3A_817, %select_n3A_742 : vector<16xi1>, vector<16xf32>
        %mul3A_819 = arith.constant 16 : i32
        %mul3A_820 = arith.muli %scan3A_669, %mul3A_819 : i32
        %add3A_821 = arith.constant 2 : i32
        %add3A_822 = arith.addi %mul3A_820, %add3A_821 : i32
        %jit3A_823 = arith.constant 21 : i32
        %div3A_824 = arith.divsi %add3A_822, %jit3A_823 : i32
        %sign3A_825 = arith.constant 0 : i32
        %sign3A_826 = arith.cmpi sgt, %add3A_822, %sign3A_825 : i32
        %sign3A_827 = arith.extui %sign3A_826 : i1 to i32
        %sign3A_828 = arith.constant 0 : i32
        %sign3A_829 = arith.cmpi slt, %add3A_822, %sign3A_828 : i32
        %sign3A_830 = arith.extui %sign3A_829 : i1 to i32
        %sign3A_831 = arith.subi %sign3A_827, %sign3A_830 : i32
        %sign3A_832 = arith.constant 0 : i32
        %sign3A_833 = arith.cmpi sgt, %jit3A_823, %sign3A_832 : i32
        %sign3A_834 = arith.extui %sign3A_833 : i1 to i32
        %sign3A_835 = arith.constant 0 : i32
        %sign3A_836 = arith.cmpi slt, %jit3A_823, %sign3A_835 : i32
        %sign3A_837 = arith.extui %sign3A_836 : i1 to i32
        %sign3A_838 = arith.subi %sign3A_834, %sign3A_837 : i32
        %ne3A_839 = arith.cmpi ne, %sign3A_831, %sign3A_838 : i32
        %rem3A_840 = arith.remsi %add3A_822, %jit3A_823 : i32
        %ne3A_841 = arith.constant 0 : i32
        %ne3A_842 = arith.cmpi ne, %rem3A_840, %ne3A_841 : i32
        %and3A_843 = arith.andi %ne3A_839, %ne3A_842 : i1
        %sub3A_844 = arith.constant 1 : i32
        %sub3A_845 = arith.subi %div3A_824, %sub3A_844 : i32
        %select_n3A_846 = arith.select %and3A_843, %sub3A_845, %div3A_824 : i32
        %get3A_847 = arith.index_cast %rem3A_603 : i32 to index
        %get3A_848 = arith.index_cast %select_n3A_846 : i32 to index
        %get3A_849 = arith.constant 0 : index
        %get3A_850 = tpu.vector_load %arg8[%get3A_847, %get3A_848, %get3A_849] {strides = array<i32>} : memref<2x32x64xf32, #tpu.memory_space<vmem>>, vector<16xf32>,
        %get3A_851 = arith.index_cast %rem3A_603 : i32 to index
        %get3A_852 = arith.index_cast %add3A_822 : i32 to index
        %get3A_853 = arith.constant 0 : index
        %get3A_854 = tpu.vector_load %arg9[%get3A_851, %get3A_852, %get3A_853] {strides = array<i32>} : memref<2x672x64xf32, #tpu.memory_space<vmem>>, vector<16xf32>,
        %mul3A_855 = arith.mulf %get3A_850, %get3A_854 : vector<16xf32>
        %get3A_856 = arith.index_cast %rem3A_603 : i32 to index
        %get3A_857 = arith.index_cast %select_n3A_846 : i32 to index
        %get3A_858 = arith.constant 16 : index
        %get3A_859 = tpu.vector_load %arg8[%get3A_856, %get3A_857, %get3A_858] {strides = array<i32>} : memref<2x32x64xf32, #tpu.memory_space<vmem>>, vector<16xf32>,
        %get3A_860 = arith.index_cast %rem3A_603 : i32 to index
        %get3A_861 = arith.index_cast %add3A_822 : i32 to index
        %get3A_862 = arith.constant 16 : index
        %get3A_863 = tpu.vector_load %arg9[%get3A_860, %get3A_861, %get3A_862] {strides = array<i32>} : memref<2x672x64xf32, #tpu.memory_space<vmem>>, vector<16xf32>,
        %mul3A_864 = arith.mulf %get3A_859, %get3A_863 : vector<16xf32>
        %add3A_865 = arith.addf %mul3A_855, %mul3A_864 : vector<16xf32>
        %get3A_866 = arith.index_cast %rem3A_603 : i32 to index
        %get3A_867 = arith.index_cast %select_n3A_846 : i32 to index
        %get3A_868 = arith.constant 32 : index
        %get3A_869 = tpu.vector_load %arg8[%get3A_866, %get3A_867, %get3A_868] {strides = array<i32>} : memref<2x32x64xf32, #tpu.memory_space<vmem>>, vector<16xf32>,
        %get3A_870 = arith.index_cast %rem3A_603 : i32 to index
        %get3A_871 = arith.index_cast %add3A_822 : i32 to index
        %get3A_872 = arith.constant 32 : index
        %get3A_873 = tpu.vector_load %arg9[%get3A_870, %get3A_871, %get3A_872] {strides = array<i32>} : memref<2x672x64xf32, #tpu.memory_space<vmem>>, vector<16xf32>,
        %mul3A_874 = arith.mulf %get3A_869, %get3A_873 : vector<16xf32>
        %add3A_875 = arith.addf %add3A_865, %mul3A_874 : vector<16xf32>
        %get3A_876 = arith.index_cast %rem3A_603 : i32 to index
        %get3A_877 = arith.index_cast %select_n3A_846 : i32 to index
        %get3A_878 = arith.constant 48 : index
        %get3A_879 = tpu.vector_load %arg8[%get3A_876, %get3A_877, %get3A_878] {strides = array<i32>} : memref<2x32x64xf32, #tpu.memory_space<vmem>>, vector<16xf32>,
        %get3A_880 = arith.index_cast %rem3A_603 : i32 to index
        %get3A_881 = arith.index_cast %add3A_822 : i32 to index
        %get3A_882 = arith.constant 48 : index
        %get3A_883 = tpu.vector_load %arg9[%get3A_880, %get3A_881, %get3A_882] {strides = array<i32>} : memref<2x672x64xf32, #tpu.memory_space<vmem>>, vector<16xf32>,
        %mul3A_884 = arith.mulf %get3A_879, %get3A_883 : vector<16xf32>
        %add3A_885 = arith.addf %add3A_875, %mul3A_884 : vector<16xf32>
        %reduce_sum3A_886 = arith.constant true
        %reduce_sum3A_887 = vector.broadcast %reduce_sum3A_886 : i1 to vector<16xi1>
        %reduce_sum3A_888 = tpu.scan <sum>, %add3A_885 masked %reduce_sum3A_887 : vector<16xf32>, vector<16xi1> -> vector<16xf32>
        %reduce_sum3A_889 = vector.extract %reduce_sum3A_888[15] : f32 from vector<16xf32>
        %eq3A_890 = arith.constant 2 : i32
        %eq3A_891 = vector.broadcast %eq3A_890 : i32 to vector<16xi32>
        %eq3A_892 = arith.cmpi eq, %iota3A, %eq3A_891 : vector<16xi32>
        %broadcast_in_dim3A_893 = vector.broadcast %reduce_sum3A_889 : f32 to vector<16xf32>
        %select_n3A_894 = arith.select %eq3A_892, %broadcast_in_dim3A_893, %select_n3A_818 : vector<16xi1>, vector<16xf32>
        %mul3A_895 = arith.constant 16 : i32
        %mul3A_896 = arith.muli %scan3A_669, %mul3A_895 : i32
        %add3A_897 = arith.constant 3 : i32
        %add3A_898 = arith.addi %mul3A_896, %add3A_897 : i32
        %jit3A_899 = arith.constant 21 : i32
        %div3A_900 = arith.divsi %add3A_898, %jit3A_899 : i32
        %sign3A_901 = arith.constant 0 : i32
        %sign3A_902 = arith.cmpi sgt, %add3A_898, %sign3A_901 : i32
        %sign3A_903 = arith.extui %sign3A_902 : i1 to i32
        %sign3A_904 = arith.constant 0 : i32
        %sign3A_905 = arith.cmpi slt, %add3A_898, %sign3A_904 : i32
        %sign3A_906 = arith.extui %sign3A_905 : i1 to i32
        %sign3A_907 = arith.subi %sign3A_903, %sign3A_906 : i32
        %sign3A_908 = arith.constant 0 : i32
        %sign3A_909 = arith.cmpi sgt, %jit3A_899, %sign3A_908 : i32
        %sign3A_910 = arith.extui %sign3A_909 : i1 to i32
        %sign3A_911 = arith.constant 0 : i32
        %sign3A_912 = arith.cmpi slt, %jit3A_899, %sign3A_911 : i32
        %sign3A_913 = arith.extui %sign3A_912 : i1 to i32
        %sign3A_914 = arith.subi %sign3A_910, %sign3A_913 : i32
        %ne3A_915 = arith.cmpi ne, %sign3A_907, %sign3A_914 : i32
        %rem3A_916 = arith.remsi %add3A_898, %jit3A_899 : i32
        %ne3A_917 = arith.constant 0 : i32
        %ne3A_918 = arith.cmpi ne, %rem3A_916, %ne3A_917 : i32
        %and3A_919 = arith.andi %ne3A_915, %ne3A_918 : i1
        %sub3A_920 = arith.constant 1 : i32
        %sub3A_921 = arith.subi %div3A_900, %sub3A_920 : i32
        %select_n3A_922 = arith.select %and3A_919, %sub3A_921, %div3A_900 : i32
        %get3A_923 = arith.index_cast %rem3A_603 : i32 to index
        %get3A_924 = arith.index_cast %select_n3A_922 : i32 to index
        %get3A_925 = arith.constant 0 : index
        %get3A_926 = tpu.vector_load %arg8[%get3A_923, %get3A_924, %get3A_925] {strides = array<i32>} : memref<2x32x64xf32, #tpu.memory_space<vmem>>, vector<16xf32>,
        %get3A_927 = arith.index_cast %rem3A_603 : i32 to index
        %get3A_928 = arith.index_cast %add3A_898 : i32 to index
        %get3A_929 = arith.constant 0 : index
        %get3A_930 = tpu.vector_load %arg9[%get3A_927, %get3A_928, %get3A_929] {strides = array<i32>} : memref<2x672x64xf32, #tpu.memory_space<vmem>>, vector<16xf32>,
        %mul3A_931 = arith.mulf %get3A_926, %get3A_930 : vector<16xf32>
        %get3A_932 = arith.index_cast %rem3A_603 : i32 to index
        %get3A_933 = arith.index_cast %select_n3A_922 : i32 to index
        %get3A_934 = arith.constant 16 : index
        %get3A_935 = tpu.vector_load %arg8[%get3A_932, %get3A_933, %get3A_934] {strides = array<i32>} : memref<2x32x64xf32, #tpu.memory_space<vmem>>, vector<16xf32>,
        %get3A_936 = arith.index_cast %rem3A_603 : i32 to index
        %get3A_937 = arith.index_cast %add3A_898 : i32 to index
        %get3A_938 = arith.constant 16 : index
        %get3A_939 = tpu.vector_load %arg9[%get3A_936, %get3A_937, %get3A_938] {strides = array<i32>} : memref<2x672x64xf32, #tpu.memory_space<vmem>>, vector<16xf32>,
        %mul3A_940 = arith.mulf %get3A_935, %get3A_939 : vector<16xf32>
        %add3A_941 = arith.addf %mul3A_931, %mul3A_940 : vector<16xf32>
        %get3A_942 = arith.index_cast %rem3A_603 : i32 to index
        %get3A_943 = arith.index_cast %select_n3A_922 : i32 to index
        %get3A_944 = arith.constant 32 : index
        %get3A_945 = tpu.vector_load %arg8[%get3A_942, %get3A_943, %get3A_944] {strides = array<i32>} : memref<2x32x64xf32, #tpu.memory_space<vmem>>, vector<16xf32>,
        %get3A_946 = arith.index_cast %rem3A_603 : i32 to index
        %get3A_947 = arith.index_cast %add3A_898 : i32 to index
        %get3A_948 = arith.constant 32 : index
        %get3A_949 = tpu.vector_load %arg9[%get3A_946, %get3A_947, %get3A_948] {strides = array<i32>} : memref<2x672x64xf32, #tpu.memory_space<vmem>>, vector<16xf32>,
        %mul3A_950 = arith.mulf %get3A_945, %get3A_949 : vector<16xf32>
        %add3A_951 = arith.addf %add3A_941, %mul3A_950 : vector<16xf32>
        %get3A_952 = arith.index_cast %rem3A_603 : i32 to index
        %get3A_953 = arith.index_cast %select_n3A_922 : i32 to index
        %get3A_954 = arith.constant 48 : index
        %get3A_955 = tpu.vector_load %arg8[%get3A_952, %get3A_953, %get3A_954] {strides = array<i32>} : memref<2x32x64xf32, #tpu.memory_space<vmem>>, vector<16xf32>,
        %get3A_956 = arith.index_cast %rem3A_603 : i32 to index
        %get3A_957 = arith.index_cast %add3A_898 : i32 to index
        %get3A_958 = arith.constant 48 : index
        %get3A_959 = tpu.vector_load %arg9[%get3A_956, %get3A_957, %get3A_958] {strides = array<i32>} : memref<2x672x64xf32, #tpu.memory_space<vmem>>, vector<16xf32>,
        %mul3A_960 = arith.mulf %get3A_955, %get3A_959 : vector<16xf32>
        %add3A_961 = arith.addf %add3A_951, %mul3A_960 : vector<16xf32>
        %reduce_sum3A_962 = arith.constant true
        %reduce_sum3A_963 = vector.broadcast %reduce_sum3A_962 : i1 to vector<16xi1>
        %reduce_sum3A_964 = tpu.scan <sum>, %add3A_961 masked %reduce_sum3A_963 : vector<16xf32>, vector<16xi1> -> vector<16xf32>
        %reduce_sum3A_965 = vector.extract %reduce_sum3A_964[15] : f32 from vector<16xf32>
        %eq3A_966 = arith.constant 3 : i32
        %eq3A_967 = vector.broadcast %eq3A_966 : i32 to vector<16xi32>
        %eq3A_968 = arith.cmpi eq, %iota3A, %eq3A_967 : vector<16xi32>
        %broadcast_in_dim3A_969 = vector.broadcast %reduce_sum3A_965 : f32 to vector<16xf32>
        %select_n3A_970 = arith.select %eq3A_968, %broadcast_in_dim3A_969, %select_n3A_894 : vector<16xi1>, vector<16xf32>
        %mul3A_971 = arith.constant 16 : i32
        %mul3A_972 = arith.muli %scan3A_669, %mul3A_971 : i32
        %add3A_973 = arith.constant 4 : i32
        %add3A_974 = arith.addi %mul3A_972, %add3A_973 : i32
        %jit3A_975 = arith.constant 21 : i32
        %div3A_976 = arith.divsi %add3A_974, %jit3A_975 : i32
        %sign3A_977 = arith.constant 0 : i32
        %sign3A_978 = arith.cmpi sgt, %add3A_974, %sign3A_977 : i32
        %sign3A_979 = arith.extui %sign3A_978 : i1 to i32
        %sign3A_980 = arith.constant 0 : i32
        %sign3A_981 = arith.cmpi slt, %add3A_974, %sign3A_980 : i32
        %sign3A_982 = arith.extui %sign3A_981 : i1 to i32
        %sign3A_983 = arith.subi %sign3A_979, %sign3A_982 : i32
        %sign3A_984 = arith.constant 0 : i32
        %sign3A_985 = arith.cmpi sgt, %jit3A_975, %sign3A_984 : i32
        %sign3A_986 = arith.extui %sign3A_985 : i1 to i32
        %sign3A_987 = arith.constant 0 : i32
        %sign3A_988 = arith.cmpi slt, %jit3A_975, %sign3A_987 : i32
        %sign3A_989 = arith.extui %sign3A_988 : i1 to i32
        %sign3A_990 = arith.subi %sign3A_986, %sign3A_989 : i32
        %ne3A_991 = arith.cmpi ne, %sign3A_983, %sign3A_990 : i32
        %rem3A_992 = arith.remsi %add3A_974, %jit3A_975 : i32
        %ne3A_993 = arith.constant 0 : i32
        %ne3A_994 = arith.cmpi ne, %rem3A_992, %ne3A_993 : i32
        %and3A_995 = arith.andi %ne3A_991, %ne3A_994 : i1
        %sub3A_996 = arith.constant 1 : i32
        %sub3A_997 = arith.subi %div3A_976, %sub3A_996 : i32
        %select_n3A_998 = arith.select %and3A_995, %sub3A_997, %div3A_976 : i32
        %get3A_999 = arith.index_cast %rem3A_603 : i32 to index
        %get3A_1000 = arith.index_cast %select_n3A_998 : i32 to index
        %get3A_1001 = arith.constant 0 : index
        %get3A_1002 = tpu.vector_load %arg8[%get3A_999, %get3A_1000, %get3A_1001] {strides = array<i32>} : memref<2x32x64xf32, #tpu.memory_space<vmem>>, vector<16xf32>,
        %get3A_1003 = arith.index_cast %rem3A_603 : i32 to index
        %get3A_1004 = arith.index_cast %add3A_974 : i32 to index
        %get3A_1005 = arith.constant 0 : index
        %get3A_1006 = tpu.vector_load %arg9[%get3A_1003, %get3A_1004, %get3A_1005] {strides = array<i32>} : memref<2x672x64xf32, #tpu.memory_space<vmem>>, vector<16xf32>,
        %mul3A_1007 = arith.mulf %get3A_1002, %get3A_1006 : vector<16xf32>
        %get3A_1008 = arith.index_cast %rem3A_603 : i32 to index
        %get3A_1009 = arith.index_cast %select_n3A_998 : i32 to index
        %get3A_1010 = arith.constant 16 : index
        %get3A_1011 = tpu.vector_load %arg8[%get3A_1008, %get3A_1009, %get3A_1010] {strides = array<i32>} : memref<2x32x64xf32, #tpu.memory_space<vmem>>, vector<16xf32>,
        %get3A_1012 = arith.index_cast %rem3A_603 : i32 to index
        %get3A_1013 = arith.index_cast %add3A_974 : i32 to index
        %get3A_1014 = arith.constant 16 : index
        %get3A_1015 = tpu.vector_load %arg9[%get3A_1012, %get3A_1013, %get3A_1014] {strides = array<i32>} : memref<2x672x64xf32, #tpu.memory_space<vmem>>, vector<16xf32>,
        %mul3A_1016 = arith.mulf %get3A_1011, %get3A_1015 : vector<16xf32>
        %add3A_1017 = arith.addf %mul3A_1007, %mul3A_1016 : vector<16xf32>
        %get3A_1018 = arith.index_cast %rem3A_603 : i32 to index
        %get3A_1019 = arith.index_cast %select_n3A_998 : i32 to index
        %get3A_1020 = arith.constant 32 : index
        %get3A_1021 = tpu.vector_load %arg8[%get3A_1018, %get3A_1019, %get3A_1020] {strides = array<i32>} : memref<2x32x64xf32, #tpu.memory_space<vmem>>, vector<16xf32>,
        %get3A_1022 = arith.index_cast %rem3A_603 : i32 to index
        %get3A_1023 = arith.index_cast %add3A_974 : i32 to index
        %get3A_1024 = arith.constant 32 : index
        %get3A_1025 = tpu.vector_load %arg9[%get3A_1022, %get3A_1023, %get3A_1024] {strides = array<i32>} : memref<2x672x64xf32, #tpu.memory_space<vmem>>, vector<16xf32>,
        %mul3A_1026 = arith.mulf %get3A_1021, %get3A_1025 : vector<16xf32>
        %add3A_1027 = arith.addf %add3A_1017, %mul3A_1026 : vector<16xf32>
        %get3A_1028 = arith.index_cast %rem3A_603 : i32 to index
        %get3A_1029 = arith.index_cast %select_n3A_998 : i32 to index
        %get3A_1030 = arith.constant 48 : index
        %get3A_1031 = tpu.vector_load %arg8[%get3A_1028, %get3A_1029, %get3A_1030] {strides = array<i32>} : memref<2x32x64xf32, #tpu.memory_space<vmem>>, vector<16xf32>,
        %get3A_1032 = arith.index_cast %rem3A_603 : i32 to index
        %get3A_1033 = arith.index_cast %add3A_974 : i32 to index
        %get3A_1034 = arith.constant 48 : index
        %get3A_1035 = tpu.vector_load %arg9[%get3A_1032, %get3A_1033, %get3A_1034] {strides = array<i32>} : memref<2x672x64xf32, #tpu.memory_space<vmem>>, vector<16xf32>,
        %mul3A_1036 = arith.mulf %get3A_1031, %get3A_1035 : vector<16xf32>
        %add3A_1037 = arith.addf %add3A_1027, %mul3A_1036 : vector<16xf32>
        %reduce_sum3A_1038 = arith.constant true
        %reduce_sum3A_1039 = vector.broadcast %reduce_sum3A_1038 : i1 to vector<16xi1>
        %reduce_sum3A_1040 = tpu.scan <sum>, %add3A_1037 masked %reduce_sum3A_1039 : vector<16xf32>, vector<16xi1> -> vector<16xf32>
        %reduce_sum3A_1041 = vector.extract %reduce_sum3A_1040[15] : f32 from vector<16xf32>
        %eq3A_1042 = arith.constant 4 : i32
        %eq3A_1043 = vector.broadcast %eq3A_1042 : i32 to vector<16xi32>
        %eq3A_1044 = arith.cmpi eq, %iota3A, %eq3A_1043 : vector<16xi32>
        %broadcast_in_dim3A_1045 = vector.broadcast %reduce_sum3A_1041 : f32 to vector<16xf32>
        %select_n3A_1046 = arith.select %eq3A_1044, %broadcast_in_dim3A_1045, %select_n3A_970 : vector<16xi1>, vector<16xf32>
        %mul3A_1047 = arith.constant 16 : i32
        %mul3A_1048 = arith.muli %scan3A_669, %mul3A_1047 : i32
        %add3A_1049 = arith.constant 5 : i32
        %add3A_1050 = arith.addi %mul3A_1048, %add3A_1049 : i32
        %jit3A_1051 = arith.constant 21 : i32
        %div3A_1052 = arith.divsi %add3A_1050, %jit3A_1051 : i32
        %sign3A_1053 = arith.constant 0 : i32
        %sign3A_1054 = arith.cmpi sgt, %add3A_1050, %sign3A_1053 : i32
        %sign3A_1055 = arith.extui %sign3A_1054 : i1 to i32
        %sign3A_1056 = arith.constant 0 : i32
        %sign3A_1057 = arith.cmpi slt, %add3A_1050, %sign3A_1056 : i32
        %sign3A_1058 = arith.extui %sign3A_1057 : i1 to i32
        %sign3A_1059 = arith.subi %sign3A_1055, %sign3A_1058 : i32
        %sign3A_1060 = arith.constant 0 : i32
        %sign3A_1061 = arith.cmpi sgt, %jit3A_1051, %sign3A_1060 : i32
        %sign3A_1062 = arith.extui %sign3A_1061 : i1 to i32
        %sign3A_1063 = arith.constant 0 : i32
        %sign3A_1064 = arith.cmpi slt, %jit3A_1051, %sign3A_1063 : i32
        %sign3A_1065 = arith.extui %sign3A_1064 : i1 to i32
        %sign3A_1066 = arith.subi %sign3A_1062, %sign3A_1065 : i32
        %ne3A_1067 = arith.cmpi ne, %sign3A_1059, %sign3A_1066 : i32
        %rem3A_1068 = arith.remsi %add3A_1050, %jit3A_1051 : i32
        %ne3A_1069 = arith.constant 0 : i32
        %ne3A_1070 = arith.cmpi ne, %rem3A_1068, %ne3A_1069 : i32
        %and3A_1071 = arith.andi %ne3A_1067, %ne3A_1070 : i1
        %sub3A_1072 = arith.constant 1 : i32
        %sub3A_1073 = arith.subi %div3A_1052, %sub3A_1072 : i32
        %select_n3A_1074 = arith.select %and3A_1071, %sub3A_1073, %div3A_1052 : i32
        %get3A_1075 = arith.index_cast %rem3A_603 : i32 to index
        %get3A_1076 = arith.index_cast %select_n3A_1074 : i32 to index
        %get3A_1077 = arith.constant 0 : index
        %get3A_1078 = tpu.vector_load %arg8[%get3A_1075, %get3A_1076, %get3A_1077] {strides = array<i32>} : memref<2x32x64xf32, #tpu.memory_space<vmem>>, vector<16xf32>,
        %get3A_1079 = arith.index_cast %rem3A_603 : i32 to index
        %get3A_1080 = arith.index_cast %add3A_1050 : i32 to index
        %get3A_1081 = arith.constant 0 : index
        %get3A_1082 = tpu.vector_load %arg9[%get3A_1079, %get3A_1080, %get3A_1081] {strides = array<i32>} : memref<2x672x64xf32, #tpu.memory_space<vmem>>, vector<16xf32>,
        %mul3A_1083 = arith.mulf %get3A_1078, %get3A_1082 : vector<16xf32>
        %get3A_1084 = arith.index_cast %rem3A_603 : i32 to index
        %get3A_1085 = arith.index_cast %select_n3A_1074 : i32 to index
        %get3A_1086 = arith.constant 16 : index
        %get3A_1087 = tpu.vector_load %arg8[%get3A_1084, %get3A_1085, %get3A_1086] {strides = array<i32>} : memref<2x32x64xf32, #tpu.memory_space<vmem>>, vector<16xf32>,
        %get3A_1088 = arith.index_cast %rem3A_603 : i32 to index
        %get3A_1089 = arith.index_cast %add3A_1050 : i32 to index
        %get3A_1090 = arith.constant 16 : index
        %get3A_1091 = tpu.vector_load %arg9[%get3A_1088, %get3A_1089, %get3A_1090] {strides = array<i32>} : memref<2x672x64xf32, #tpu.memory_space<vmem>>, vector<16xf32>,
        %mul3A_1092 = arith.mulf %get3A_1087, %get3A_1091 : vector<16xf32>
        %add3A_1093 = arith.addf %mul3A_1083, %mul3A_1092 : vector<16xf32>
        %get3A_1094 = arith.index_cast %rem3A_603 : i32 to index
        %get3A_1095 = arith.index_cast %select_n3A_1074 : i32 to index
        %get3A_1096 = arith.constant 32 : index
        %get3A_1097 = tpu.vector_load %arg8[%get3A_1094, %get3A_1095, %get3A_1096] {strides = array<i32>} : memref<2x32x64xf32, #tpu.memory_space<vmem>>, vector<16xf32>,
        %get3A_1098 = arith.index_cast %rem3A_603 : i32 to index
        %get3A_1099 = arith.index_cast %add3A_1050 : i32 to index
        %get3A_1100 = arith.constant 32 : index
        %get3A_1101 = tpu.vector_load %arg9[%get3A_1098, %get3A_1099, %get3A_1100] {strides = array<i32>} : memref<2x672x64xf32, #tpu.memory_space<vmem>>, vector<16xf32>,
        %mul3A_1102 = arith.mulf %get3A_1097, %get3A_1101 : vector<16xf32>
        %add3A_1103 = arith.addf %add3A_1093, %mul3A_1102 : vector<16xf32>
        %get3A_1104 = arith.index_cast %rem3A_603 : i32 to index
        %get3A_1105 = arith.index_cast %select_n3A_1074 : i32 to index
        %get3A_1106 = arith.constant 48 : index
        %get3A_1107 = tpu.vector_load %arg8[%get3A_1104, %get3A_1105, %get3A_1106] {strides = array<i32>} : memref<2x32x64xf32, #tpu.memory_space<vmem>>, vector<16xf32>,
        %get3A_1108 = arith.index_cast %rem3A_603 : i32 to index
        %get3A_1109 = arith.index_cast %add3A_1050 : i32 to index
        %get3A_1110 = arith.constant 48 : index
        %get3A_1111 = tpu.vector_load %arg9[%get3A_1108, %get3A_1109, %get3A_1110] {strides = array<i32>} : memref<2x672x64xf32, #tpu.memory_space<vmem>>, vector<16xf32>,
        %mul3A_1112 = arith.mulf %get3A_1107, %get3A_1111 : vector<16xf32>
        %add3A_1113 = arith.addf %add3A_1103, %mul3A_1112 : vector<16xf32>
        %reduce_sum3A_1114 = arith.constant true
        %reduce_sum3A_1115 = vector.broadcast %reduce_sum3A_1114 : i1 to vector<16xi1>
        %reduce_sum3A_1116 = tpu.scan <sum>, %add3A_1113 masked %reduce_sum3A_1115 : vector<16xf32>, vector<16xi1> -> vector<16xf32>
        %reduce_sum3A_1117 = vector.extract %reduce_sum3A_1116[15] : f32 from vector<16xf32>
        %eq3A_1118 = arith.constant 5 : i32
        %eq3A_1119 = vector.broadcast %eq3A_1118 : i32 to vector<16xi32>
        %eq3A_1120 = arith.cmpi eq, %iota3A, %eq3A_1119 : vector<16xi32>
        %broadcast_in_dim3A_1121 = vector.broadcast %reduce_sum3A_1117 : f32 to vector<16xf32>
        %select_n3A_1122 = arith.select %eq3A_1120, %broadcast_in_dim3A_1121, %select_n3A_1046 : vector<16xi1>, vector<16xf32>
        %mul3A_1123 = arith.constant 16 : i32
        %mul3A_1124 = arith.muli %scan3A_669, %mul3A_1123 : i32
        %add3A_1125 = arith.constant 6 : i32
        %add3A_1126 = arith.addi %mul3A_1124, %add3A_1125 : i32
        %jit3A_1127 = arith.constant 21 : i32
        %div3A_1128 = arith.divsi %add3A_1126, %jit3A_1127 : i32
        %sign3A_1129 = arith.constant 0 : i32
        %sign3A_1130 = arith.cmpi sgt, %add3A_1126, %sign3A_1129 : i32
        %sign3A_1131 = arith.extui %sign3A_1130 : i1 to i32
        %sign3A_1132 = arith.constant 0 : i32
        %sign3A_1133 = arith.cmpi slt, %add3A_1126, %sign3A_1132 : i32
        %sign3A_1134 = arith.extui %sign3A_1133 : i1 to i32
        %sign3A_1135 = arith.subi %sign3A_1131, %sign3A_1134 : i32
        %sign3A_1136 = arith.constant 0 : i32
        %sign3A_1137 = arith.cmpi sgt, %jit3A_1127, %sign3A_1136 : i32
        %sign3A_1138 = arith.extui %sign3A_1137 : i1 to i32
        %sign3A_1139 = arith.constant 0 : i32
        %sign3A_1140 = arith.cmpi slt, %jit3A_1127, %sign3A_1139 : i32
        %sign3A_1141 = arith.extui %sign3A_1140 : i1 to i32
        %sign3A_1142 = arith.subi %sign3A_1138, %sign3A_1141 : i32
        %ne3A_1143 = arith.cmpi ne, %sign3A_1135, %sign3A_1142 : i32
        %rem3A_1144 = arith.remsi %add3A_1126, %jit3A_1127 : i32
        %ne3A_1145 = arith.constant 0 : i32
        %ne3A_1146 = arith.cmpi ne, %rem3A_1144, %ne3A_1145 : i32
        %and3A_1147 = arith.andi %ne3A_1143, %ne3A_1146 : i1
        %sub3A_1148 = arith.constant 1 : i32
        %sub3A_1149 = arith.subi %div3A_1128, %sub3A_1148 : i32
        %select_n3A_1150 = arith.select %and3A_1147, %sub3A_1149, %div3A_1128 : i32
        %get3A_1151 = arith.index_cast %rem3A_603 : i32 to index
        %get3A_1152 = arith.index_cast %select_n3A_1150 : i32 to index
        %get3A_1153 = arith.constant 0 : index
        %get3A_1154 = tpu.vector_load %arg8[%get3A_1151, %get3A_1152, %get3A_1153] {strides = array<i32>} : memref<2x32x64xf32, #tpu.memory_space<vmem>>, vector<16xf32>,
        %get3A_1155 = arith.index_cast %rem3A_603 : i32 to index
        %get3A_1156 = arith.index_cast %add3A_1126 : i32 to index
        %get3A_1157 = arith.constant 0 : index
        %get3A_1158 = tpu.vector_load %arg9[%get3A_1155, %get3A_1156, %get3A_1157] {strides = array<i32>} : memref<2x672x64xf32, #tpu.memory_space<vmem>>, vector<16xf32>,
        %mul3A_1159 = arith.mulf %get3A_1154, %get3A_1158 : vector<16xf32>
        %get3A_1160 = arith.index_cast %rem3A_603 : i32 to index
        %get3A_1161 = arith.index_cast %select_n3A_1150 : i32 to index
        %get3A_1162 = arith.constant 16 : index
        %get3A_1163 = tpu.vector_load %arg8[%get3A_1160, %get3A_1161, %get3A_1162] {strides = array<i32>} : memref<2x32x64xf32, #tpu.memory_space<vmem>>, vector<16xf32>,
        %get3A_1164 = arith.index_cast %rem3A_603 : i32 to index
        %get3A_1165 = arith.index_cast %add3A_1126 : i32 to index
        %get3A_1166 = arith.constant 16 : index
        %get3A_1167 = tpu.vector_load %arg9[%get3A_1164, %get3A_1165, %get3A_1166] {strides = array<i32>} : memref<2x672x64xf32, #tpu.memory_space<vmem>>, vector<16xf32>,
        %mul3A_1168 = arith.mulf %get3A_1163, %get3A_1167 : vector<16xf32>
        %add3A_1169 = arith.addf %mul3A_1159, %mul3A_1168 : vector<16xf32>
        %get3A_1170 = arith.index_cast %rem3A_603 : i32 to index
        %get3A_1171 = arith.index_cast %select_n3A_1150 : i32 to index
        %get3A_1172 = arith.constant 32 : index
        %get3A_1173 = tpu.vector_load %arg8[%get3A_1170, %get3A_1171, %get3A_1172] {strides = array<i32>} : memref<2x32x64xf32, #tpu.memory_space<vmem>>, vector<16xf32>,
        %get3A_1174 = arith.index_cast %rem3A_603 : i32 to index
        %get3A_1175 = arith.index_cast %add3A_1126 : i32 to index
        %get3A_1176 = arith.constant 32 : index
        %get3A_1177 = tpu.vector_load %arg9[%get3A_1174, %get3A_1175, %get3A_1176] {strides = array<i32>} : memref<2x672x64xf32, #tpu.memory_space<vmem>>, vector<16xf32>,
        %mul3A_1178 = arith.mulf %get3A_1173, %get3A_1177 : vector<16xf32>
        %add3A_1179 = arith.addf %add3A_1169, %mul3A_1178 : vector<16xf32>
        %get3A_1180 = arith.index_cast %rem3A_603 : i32 to index
        %get3A_1181 = arith.index_cast %select_n3A_1150 : i32 to index
        %get3A_1182 = arith.constant 48 : index
        %get3A_1183 = tpu.vector_load %arg8[%get3A_1180, %get3A_1181, %get3A_1182] {strides = array<i32>} : memref<2x32x64xf32, #tpu.memory_space<vmem>>, vector<16xf32>,
        %get3A_1184 = arith.index_cast %rem3A_603 : i32 to index
        %get3A_1185 = arith.index_cast %add3A_1126 : i32 to index
        %get3A_1186 = arith.constant 48 : index
        %get3A_1187 = tpu.vector_load %arg9[%get3A_1184, %get3A_1185, %get3A_1186] {strides = array<i32>} : memref<2x672x64xf32, #tpu.memory_space<vmem>>, vector<16xf32>,
        %mul3A_1188 = arith.mulf %get3A_1183, %get3A_1187 : vector<16xf32>
        %add3A_1189 = arith.addf %add3A_1179, %mul3A_1188 : vector<16xf32>
        %reduce_sum3A_1190 = arith.constant true
        %reduce_sum3A_1191 = vector.broadcast %reduce_sum3A_1190 : i1 to vector<16xi1>
        %reduce_sum3A_1192 = tpu.scan <sum>, %add3A_1189 masked %reduce_sum3A_1191 : vector<16xf32>, vector<16xi1> -> vector<16xf32>
        %reduce_sum3A_1193 = vector.extract %reduce_sum3A_1192[15] : f32 from vector<16xf32>
        %eq3A_1194 = arith.constant 6 : i32
        %eq3A_1195 = vector.broadcast %eq3A_1194 : i32 to vector<16xi32>
        %eq3A_1196 = arith.cmpi eq, %iota3A, %eq3A_1195 : vector<16xi32>
        %broadcast_in_dim3A_1197 = vector.broadcast %reduce_sum3A_1193 : f32 to vector<16xf32>
        %select_n3A_1198 = arith.select %eq3A_1196, %broadcast_in_dim3A_1197, %select_n3A_1122 : vector<16xi1>, vector<16xf32>
        %mul3A_1199 = arith.constant 16 : i32
        %mul3A_1200 = arith.muli %scan3A_669, %mul3A_1199 : i32
        %add3A_1201 = arith.constant 7 : i32
        %add3A_1202 = arith.addi %mul3A_1200, %add3A_1201 : i32
        %jit3A_1203 = arith.constant 21 : i32
        %div3A_1204 = arith.divsi %add3A_1202, %jit3A_1203 : i32
        %sign3A_1205 = arith.constant 0 : i32
        %sign3A_1206 = arith.cmpi sgt, %add3A_1202, %sign3A_1205 : i32
        %sign3A_1207 = arith.extui %sign3A_1206 : i1 to i32
        %sign3A_1208 = arith.constant 0 : i32
        %sign3A_1209 = arith.cmpi slt, %add3A_1202, %sign3A_1208 : i32
        %sign3A_1210 = arith.extui %sign3A_1209 : i1 to i32
        %sign3A_1211 = arith.subi %sign3A_1207, %sign3A_1210 : i32
        %sign3A_1212 = arith.constant 0 : i32
        %sign3A_1213 = arith.cmpi sgt, %jit3A_1203, %sign3A_1212 : i32
        %sign3A_1214 = arith.extui %sign3A_1213 : i1 to i32
        %sign3A_1215 = arith.constant 0 : i32
        %sign3A_1216 = arith.cmpi slt, %jit3A_1203, %sign3A_1215 : i32
        %sign3A_1217 = arith.extui %sign3A_1216 : i1 to i32
        %sign3A_1218 = arith.subi %sign3A_1214, %sign3A_1217 : i32
        %ne3A_1219 = arith.cmpi ne, %sign3A_1211, %sign3A_1218 : i32
        %rem3A_1220 = arith.remsi %add3A_1202, %jit3A_1203 : i32
        %ne3A_1221 = arith.constant 0 : i32
        %ne3A_1222 = arith.cmpi ne, %rem3A_1220, %ne3A_1221 : i32
        %and3A_1223 = arith.andi %ne3A_1219, %ne3A_1222 : i1
        %sub3A_1224 = arith.constant 1 : i32
        %sub3A_1225 = arith.subi %div3A_1204, %sub3A_1224 : i32
        %select_n3A_1226 = arith.select %and3A_1223, %sub3A_1225, %div3A_1204 : i32
        %get3A_1227 = arith.index_cast %rem3A_603 : i32 to index
        %get3A_1228 = arith.index_cast %select_n3A_1226 : i32 to index
        %get3A_1229 = arith.constant 0 : index
        %get3A_1230 = tpu.vector_load %arg8[%get3A_1227, %get3A_1228, %get3A_1229] {strides = array<i32>} : memref<2x32x64xf32, #tpu.memory_space<vmem>>, vector<16xf32>,
        %get3A_1231 = arith.index_cast %rem3A_603 : i32 to index
        %get3A_1232 = arith.index_cast %add3A_1202 : i32 to index
        %get3A_1233 = arith.constant 0 : index
        %get3A_1234 = tpu.vector_load %arg9[%get3A_1231, %get3A_1232, %get3A_1233] {strides = array<i32>} : memref<2x672x64xf32, #tpu.memory_space<vmem>>, vector<16xf32>,
        %mul3A_1235 = arith.mulf %get3A_1230, %get3A_1234 : vector<16xf32>
        %get3A_1236 = arith.index_cast %rem3A_603 : i32 to index
        %get3A_1237 = arith.index_cast %select_n3A_1226 : i32 to index
        %get3A_1238 = arith.constant 16 : index
        %get3A_1239 = tpu.vector_load %arg8[%get3A_1236, %get3A_1237, %get3A_1238] {strides = array<i32>} : memref<2x32x64xf32, #tpu.memory_space<vmem>>, vector<16xf32>,
        %get3A_1240 = arith.index_cast %rem3A_603 : i32 to index
        %get3A_1241 = arith.index_cast %add3A_1202 : i32 to index
        %get3A_1242 = arith.constant 16 : index
        %get3A_1243 = tpu.vector_load %arg9[%get3A_1240, %get3A_1241, %get3A_1242] {strides = array<i32>} : memref<2x672x64xf32, #tpu.memory_space<vmem>>, vector<16xf32>,
        %mul3A_1244 = arith.mulf %get3A_1239, %get3A_1243 : vector<16xf32>
        %add3A_1245 = arith.addf %mul3A_1235, %mul3A_1244 : vector<16xf32>
        %get3A_1246 = arith.index_cast %rem3A_603 : i32 to index
        %get3A_1247 = arith.index_cast %select_n3A_1226 : i32 to index
        %get3A_1248 = arith.constant 32 : index
        %get3A_1249 = tpu.vector_load %arg8[%get3A_1246, %get3A_1247, %get3A_1248] {strides = array<i32>} : memref<2x32x64xf32, #tpu.memory_space<vmem>>, vector<16xf32>,
        %get3A_1250 = arith.index_cast %rem3A_603 : i32 to index
        %get3A_1251 = arith.index_cast %add3A_1202 : i32 to index
        %get3A_1252 = arith.constant 32 : index
        %get3A_1253 = tpu.vector_load %arg9[%get3A_1250, %get3A_1251, %get3A_1252] {strides = array<i32>} : memref<2x672x64xf32, #tpu.memory_space<vmem>>, vector<16xf32>,
        %mul3A_1254 = arith.mulf %get3A_1249, %get3A_1253 : vector<16xf32>
        %add3A_1255 = arith.addf %add3A_1245, %mul3A_1254 : vector<16xf32>
        %get3A_1256 = arith.index_cast %rem3A_603 : i32 to index
        %get3A_1257 = arith.index_cast %select_n3A_1226 : i32 to index
        %get3A_1258 = arith.constant 48 : index
        %get3A_1259 = tpu.vector_load %arg8[%get3A_1256, %get3A_1257, %get3A_1258] {strides = array<i32>} : memref<2x32x64xf32, #tpu.memory_space<vmem>>, vector<16xf32>,
        %get3A_1260 = arith.index_cast %rem3A_603 : i32 to index
        %get3A_1261 = arith.index_cast %add3A_1202 : i32 to index
        %get3A_1262 = arith.constant 48 : index
        %get3A_1263 = tpu.vector_load %arg9[%get3A_1260, %get3A_1261, %get3A_1262] {strides = array<i32>} : memref<2x672x64xf32, #tpu.memory_space<vmem>>, vector<16xf32>,
        %mul3A_1264 = arith.mulf %get3A_1259, %get3A_1263 : vector<16xf32>
        %add3A_1265 = arith.addf %add3A_1255, %mul3A_1264 : vector<16xf32>
        %reduce_sum3A_1266 = arith.constant true
        %reduce_sum3A_1267 = vector.broadcast %reduce_sum3A_1266 : i1 to vector<16xi1>
        %reduce_sum3A_1268 = tpu.scan <sum>, %add3A_1265 masked %reduce_sum3A_1267 : vector<16xf32>, vector<16xi1> -> vector<16xf32>
        %reduce_sum3A_1269 = vector.extract %reduce_sum3A_1268[15] : f32 from vector<16xf32>
        %eq3A_1270 = arith.constant 7 : i32
        %eq3A_1271 = vector.broadcast %eq3A_1270 : i32 to vector<16xi32>
        %eq3A_1272 = arith.cmpi eq, %iota3A, %eq3A_1271 : vector<16xi32>
        %broadcast_in_dim3A_1273 = vector.broadcast %reduce_sum3A_1269 : f32 to vector<16xf32>
        %select_n3A_1274 = arith.select %eq3A_1272, %broadcast_in_dim3A_1273, %select_n3A_1198 : vector<16xi1>, vector<16xf32>
        %mul3A_1275 = arith.constant 16 : i32
        %mul3A_1276 = arith.muli %scan3A_669, %mul3A_1275 : i32
        %add3A_1277 = arith.constant 8 : i32
        %add3A_1278 = arith.addi %mul3A_1276, %add3A_1277 : i32
        %jit3A_1279 = arith.constant 21 : i32
        %div3A_1280 = arith.divsi %add3A_1278, %jit3A_1279 : i32
        %sign3A_1281 = arith.constant 0 : i32
        %sign3A_1282 = arith.cmpi sgt, %add3A_1278, %sign3A_1281 : i32
        %sign3A_1283 = arith.extui %sign3A_1282 : i1 to i32
        %sign3A_1284 = arith.constant 0 : i32
        %sign3A_1285 = arith.cmpi slt, %add3A_1278, %sign3A_1284 : i32
        %sign3A_1286 = arith.extui %sign3A_1285 : i1 to i32
        %sign3A_1287 = arith.subi %sign3A_1283, %sign3A_1286 : i32
        %sign3A_1288 = arith.constant 0 : i32
        %sign3A_1289 = arith.cmpi sgt, %jit3A_1279, %sign3A_1288 : i32
        %sign3A_1290 = arith.extui %sign3A_1289 : i1 to i32
        %sign3A_1291 = arith.constant 0 : i32
        %sign3A_1292 = arith.cmpi slt, %jit3A_1279, %sign3A_1291 : i32
        %sign3A_1293 = arith.extui %sign3A_1292 : i1 to i32
        %sign3A_1294 = arith.subi %sign3A_1290, %sign3A_1293 : i32
        %ne3A_1295 = arith.cmpi ne, %sign3A_1287, %sign3A_1294 : i32
        %rem3A_1296 = arith.remsi %add3A_1278, %jit3A_1279 : i32
        %ne3A_1297 = arith.constant 0 : i32
        %ne3A_1298 = arith.cmpi ne, %rem3A_1296, %ne3A_1297 : i32
        %and3A_1299 = arith.andi %ne3A_1295, %ne3A_1298 : i1
        %sub3A_1300 = arith.constant 1 : i32
        %sub3A_1301 = arith.subi %div3A_1280, %sub3A_1300 : i32
        %select_n3A_1302 = arith.select %and3A_1299, %sub3A_1301, %div3A_1280 : i32
        %get3A_1303 = arith.index_cast %rem3A_603 : i32 to index
        %get3A_1304 = arith.index_cast %select_n3A_1302 : i32 to index
        %get3A_1305 = arith.constant 0 : index
        %get3A_1306 = tpu.vector_load %arg8[%get3A_1303, %get3A_1304, %get3A_1305] {strides = array<i32>} : memref<2x32x64xf32, #tpu.memory_space<vmem>>, vector<16xf32>,
        %get3A_1307 = arith.index_cast %rem3A_603 : i32 to index
        %get3A_1308 = arith.index_cast %add3A_1278 : i32 to index
        %get3A_1309 = arith.constant 0 : index
        %get3A_1310 = tpu.vector_load %arg9[%get3A_1307, %get3A_1308, %get3A_1309] {strides = array<i32>} : memref<2x672x64xf32, #tpu.memory_space<vmem>>, vector<16xf32>,
        %mul3A_1311 = arith.mulf %get3A_1306, %get3A_1310 : vector<16xf32>
        %get3A_1312 = arith.index_cast %rem3A_603 : i32 to index
        %get3A_1313 = arith.index_cast %select_n3A_1302 : i32 to index
        %get3A_1314 = arith.constant 16 : index
        %get3A_1315 = tpu.vector_load %arg8[%get3A_1312, %get3A_1313, %get3A_1314] {strides = array<i32>} : memref<2x32x64xf32, #tpu.memory_space<vmem>>, vector<16xf32>,
        %get3A_1316 = arith.index_cast %rem3A_603 : i32 to index
        %get3A_1317 = arith.index_cast %add3A_1278 : i32 to index
        %get3A_1318 = arith.constant 16 : index
        %get3A_1319 = tpu.vector_load %arg9[%get3A_1316, %get3A_1317, %get3A_1318] {strides = array<i32>} : memref<2x672x64xf32, #tpu.memory_space<vmem>>, vector<16xf32>,
        %mul3A_1320 = arith.mulf %get3A_1315, %get3A_1319 : vector<16xf32>
        %add3A_1321 = arith.addf %mul3A_1311, %mul3A_1320 : vector<16xf32>
        %get3A_1322 = arith.index_cast %rem3A_603 : i32 to index
        %get3A_1323 = arith.index_cast %select_n3A_1302 : i32 to index
        %get3A_1324 = arith.constant 32 : index
        %get3A_1325 = tpu.vector_load %arg8[%get3A_1322, %get3A_1323, %get3A_1324] {strides = array<i32>} : memref<2x32x64xf32, #tpu.memory_space<vmem>>, vector<16xf32>,
        %get3A_1326 = arith.index_cast %rem3A_603 : i32 to index
        %get3A_1327 = arith.index_cast %add3A_1278 : i32 to index
        %get3A_1328 = arith.constant 32 : index
        %get3A_1329 = tpu.vector_load %arg9[%get3A_1326, %get3A_1327, %get3A_1328] {strides = array<i32>} : memref<2x672x64xf32, #tpu.memory_space<vmem>>, vector<16xf32>,
        %mul3A_1330 = arith.mulf %get3A_1325, %get3A_1329 : vector<16xf32>
        %add3A_1331 = arith.addf %add3A_1321, %mul3A_1330 : vector<16xf32>
        %get3A_1332 = arith.index_cast %rem3A_603 : i32 to index
        %get3A_1333 = arith.index_cast %select_n3A_1302 : i32 to index
        %get3A_1334 = arith.constant 48 : index
        %get3A_1335 = tpu.vector_load %arg8[%get3A_1332, %get3A_1333, %get3A_1334] {strides = array<i32>} : memref<2x32x64xf32, #tpu.memory_space<vmem>>, vector<16xf32>,
        %get3A_1336 = arith.index_cast %rem3A_603 : i32 to index
        %get3A_1337 = arith.index_cast %add3A_1278 : i32 to index
        %get3A_1338 = arith.constant 48 : index
        %get3A_1339 = tpu.vector_load %arg9[%get3A_1336, %get3A_1337, %get3A_1338] {strides = array<i32>} : memref<2x672x64xf32, #tpu.memory_space<vmem>>, vector<16xf32>,
        %mul3A_1340 = arith.mulf %get3A_1335, %get3A_1339 : vector<16xf32>
        %add3A_1341 = arith.addf %add3A_1331, %mul3A_1340 : vector<16xf32>
        %reduce_sum3A_1342 = arith.constant true
        %reduce_sum3A_1343 = vector.broadcast %reduce_sum3A_1342 : i1 to vector<16xi1>
        %reduce_sum3A_1344 = tpu.scan <sum>, %add3A_1341 masked %reduce_sum3A_1343 : vector<16xf32>, vector<16xi1> -> vector<16xf32>
        %reduce_sum3A_1345 = vector.extract %reduce_sum3A_1344[15] : f32 from vector<16xf32>
        %eq3A_1346 = arith.constant 8 : i32
        %eq3A_1347 = vector.broadcast %eq3A_1346 : i32 to vector<16xi32>
        %eq3A_1348 = arith.cmpi eq, %iota3A, %eq3A_1347 : vector<16xi32>
        %broadcast_in_dim3A_1349 = vector.broadcast %reduce_sum3A_1345 : f32 to vector<16xf32>
        %select_n3A_1350 = arith.select %eq3A_1348, %broadcast_in_dim3A_1349, %select_n3A_1274 : vector<16xi1>, vector<16xf32>
        %mul3A_1351 = arith.constant 16 : i32
        %mul3A_1352 = arith.muli %scan3A_669, %mul3A_1351 : i32
        %add3A_1353 = arith.constant 9 : i32
        %add3A_1354 = arith.addi %mul3A_1352, %add3A_1353 : i32
        %jit3A_1355 = arith.constant 21 : i32
        %div3A_1356 = arith.divsi %add3A_1354, %jit3A_1355 : i32
        %sign3A_1357 = arith.constant 0 : i32
        %sign3A_1358 = arith.cmpi sgt, %add3A_1354, %sign3A_1357 : i32
        %sign3A_1359 = arith.extui %sign3A_1358 : i1 to i32
        %sign3A_1360 = arith.constant 0 : i32
        %sign3A_1361 = arith.cmpi slt, %add3A_1354, %sign3A_1360 : i32
        %sign3A_1362 = arith.extui %sign3A_1361 : i1 to i32
        %sign3A_1363 = arith.subi %sign3A_1359, %sign3A_1362 : i32
        %sign3A_1364 = arith.constant 0 : i32
        %sign3A_1365 = arith.cmpi sgt, %jit3A_1355, %sign3A_1364 : i32
        %sign3A_1366 = arith.extui %sign3A_1365 : i1 to i32
        %sign3A_1367 = arith.constant 0 : i32
        %sign3A_1368 = arith.cmpi slt, %jit3A_1355, %sign3A_1367 : i32
        %sign3A_1369 = arith.extui %sign3A_1368 : i1 to i32
        %sign3A_1370 = arith.subi %sign3A_1366, %sign3A_1369 : i32
        %ne3A_1371 = arith.cmpi ne, %sign3A_1363, %sign3A_1370 : i32
        %rem3A_1372 = arith.remsi %add3A_1354, %jit3A_1355 : i32
        %ne3A_1373 = arith.constant 0 : i32
        %ne3A_1374 = arith.cmpi ne, %rem3A_1372, %ne3A_1373 : i32
        %and3A_1375 = arith.andi %ne3A_1371, %ne3A_1374 : i1
        %sub3A_1376 = arith.constant 1 : i32
        %sub3A_1377 = arith.subi %div3A_1356, %sub3A_1376 : i32
        %select_n3A_1378 = arith.select %and3A_1375, %sub3A_1377, %div3A_1356 : i32
        %get3A_1379 = arith.index_cast %rem3A_603 : i32 to index
        %get3A_1380 = arith.index_cast %select_n3A_1378 : i32 to index
        %get3A_1381 = arith.constant 0 : index
        %get3A_1382 = tpu.vector_load %arg8[%get3A_1379, %get3A_1380, %get3A_1381] {strides = array<i32>} : memref<2x32x64xf32, #tpu.memory_space<vmem>>, vector<16xf32>,
        %get3A_1383 = arith.index_cast %rem3A_603 : i32 to index
        %get3A_1384 = arith.index_cast %add3A_1354 : i32 to index
        %get3A_1385 = arith.constant 0 : index
        %get3A_1386 = tpu.vector_load %arg9[%get3A_1383, %get3A_1384, %get3A_1385] {strides = array<i32>} : memref<2x672x64xf32, #tpu.memory_space<vmem>>, vector<16xf32>,
        %mul3A_1387 = arith.mulf %get3A_1382, %get3A_1386 : vector<16xf32>
        %get3A_1388 = arith.index_cast %rem3A_603 : i32 to index
        %get3A_1389 = arith.index_cast %select_n3A_1378 : i32 to index
        %get3A_1390 = arith.constant 16 : index
        %get3A_1391 = tpu.vector_load %arg8[%get3A_1388, %get3A_1389, %get3A_1390] {strides = array<i32>} : memref<2x32x64xf32, #tpu.memory_space<vmem>>, vector<16xf32>,
        %get3A_1392 = arith.index_cast %rem3A_603 : i32 to index
        %get3A_1393 = arith.index_cast %add3A_1354 : i32 to index
        %get3A_1394 = arith.constant 16 : index
        %get3A_1395 = tpu.vector_load %arg9[%get3A_1392, %get3A_1393, %get3A_1394] {strides = array<i32>} : memref<2x672x64xf32, #tpu.memory_space<vmem>>, vector<16xf32>,
        %mul3A_1396 = arith.mulf %get3A_1391, %get3A_1395 : vector<16xf32>
        %add3A_1397 = arith.addf %mul3A_1387, %mul3A_1396 : vector<16xf32>
        %get3A_1398 = arith.index_cast %rem3A_603 : i32 to index
        %get3A_1399 = arith.index_cast %select_n3A_1378 : i32 to index
        %get3A_1400 = arith.constant 32 : index
        %get3A_1401 = tpu.vector_load %arg8[%get3A_1398, %get3A_1399, %get3A_1400] {strides = array<i32>} : memref<2x32x64xf32, #tpu.memory_space<vmem>>, vector<16xf32>,
        %get3A_1402 = arith.index_cast %rem3A_603 : i32 to index
        %get3A_1403 = arith.index_cast %add3A_1354 : i32 to index
        %get3A_1404 = arith.constant 32 : index
        %get3A_1405 = tpu.vector_load %arg9[%get3A_1402, %get3A_1403, %get3A_1404] {strides = array<i32>} : memref<2x672x64xf32, #tpu.memory_space<vmem>>, vector<16xf32>,
        %mul3A_1406 = arith.mulf %get3A_1401, %get3A_1405 : vector<16xf32>
        %add3A_1407 = arith.addf %add3A_1397, %mul3A_1406 : vector<16xf32>
        %get3A_1408 = arith.index_cast %rem3A_603 : i32 to index
        %get3A_1409 = arith.index_cast %select_n3A_1378 : i32 to index
        %get3A_1410 = arith.constant 48 : index
        %get3A_1411 = tpu.vector_load %arg8[%get3A_1408, %get3A_1409, %get3A_1410] {strides = array<i32>} : memref<2x32x64xf32, #tpu.memory_space<vmem>>, vector<16xf32>,
        %get3A_1412 = arith.index_cast %rem3A_603 : i32 to index
        %get3A_1413 = arith.index_cast %add3A_1354 : i32 to index
        %get3A_1414 = arith.constant 48 : index
        %get3A_1415 = tpu.vector_load %arg9[%get3A_1412, %get3A_1413, %get3A_1414] {strides = array<i32>} : memref<2x672x64xf32, #tpu.memory_space<vmem>>, vector<16xf32>,
        %mul3A_1416 = arith.mulf %get3A_1411, %get3A_1415 : vector<16xf32>
        %add3A_1417 = arith.addf %add3A_1407, %mul3A_1416 : vector<16xf32>
        %reduce_sum3A_1418 = arith.constant true
        %reduce_sum3A_1419 = vector.broadcast %reduce_sum3A_1418 : i1 to vector<16xi1>
        %reduce_sum3A_1420 = tpu.scan <sum>, %add3A_1417 masked %reduce_sum3A_1419 : vector<16xf32>, vector<16xi1> -> vector<16xf32>
        %reduce_sum3A_1421 = vector.extract %reduce_sum3A_1420[15] : f32 from vector<16xf32>
        %eq3A_1422 = arith.constant 9 : i32
        %eq3A_1423 = vector.broadcast %eq3A_1422 : i32 to vector<16xi32>
        %eq3A_1424 = arith.cmpi eq, %iota3A, %eq3A_1423 : vector<16xi32>
        %broadcast_in_dim3A_1425 = vector.broadcast %reduce_sum3A_1421 : f32 to vector<16xf32>
        %select_n3A_1426 = arith.select %eq3A_1424, %broadcast_in_dim3A_1425, %select_n3A_1350 : vector<16xi1>, vector<16xf32>
        %mul3A_1427 = arith.constant 16 : i32
        %mul3A_1428 = arith.muli %scan3A_669, %mul3A_1427 : i32
        %add3A_1429 = arith.constant 10 : i32
        %add3A_1430 = arith.addi %mul3A_1428, %add3A_1429 : i32
        %jit3A_1431 = arith.constant 21 : i32
        %div3A_1432 = arith.divsi %add3A_1430, %jit3A_1431 : i32
        %sign3A_1433 = arith.constant 0 : i32
        %sign3A_1434 = arith.cmpi sgt, %add3A_1430, %sign3A_1433 : i32
        %sign3A_1435 = arith.extui %sign3A_1434 : i1 to i32
        %sign3A_1436 = arith.constant 0 : i32
        %sign3A_1437 = arith.cmpi slt, %add3A_1430, %sign3A_1436 : i32
        %sign3A_1438 = arith.extui %sign3A_1437 : i1 to i32
        %sign3A_1439 = arith.subi %sign3A_1435, %sign3A_1438 : i32
        %sign3A_1440 = arith.constant 0 : i32
        %sign3A_1441 = arith.cmpi sgt, %jit3A_1431, %sign3A_1440 : i32
        %sign3A_1442 = arith.extui %sign3A_1441 : i1 to i32
        %sign3A_1443 = arith.constant 0 : i32
        %sign3A_1444 = arith.cmpi slt, %jit3A_1431, %sign3A_1443 : i32
        %sign3A_1445 = arith.extui %sign3A_1444 : i1 to i32
        %sign3A_1446 = arith.subi %sign3A_1442, %sign3A_1445 : i32
        %ne3A_1447 = arith.cmpi ne, %sign3A_1439, %sign3A_1446 : i32
        %rem3A_1448 = arith.remsi %add3A_1430, %jit3A_1431 : i32
        %ne3A_1449 = arith.constant 0 : i32
        %ne3A_1450 = arith.cmpi ne, %rem3A_1448, %ne3A_1449 : i32
        %and3A_1451 = arith.andi %ne3A_1447, %ne3A_1450 : i1
        %sub3A_1452 = arith.constant 1 : i32
        %sub3A_1453 = arith.subi %div3A_1432, %sub3A_1452 : i32
        %select_n3A_1454 = arith.select %and3A_1451, %sub3A_1453, %div3A_1432 : i32
        %get3A_1455 = arith.index_cast %rem3A_603 : i32 to index
        %get3A_1456 = arith.index_cast %select_n3A_1454 : i32 to index
        %get3A_1457 = arith.constant 0 : index
        %get3A_1458 = tpu.vector_load %arg8[%get3A_1455, %get3A_1456, %get3A_1457] {strides = array<i32>} : memref<2x32x64xf32, #tpu.memory_space<vmem>>, vector<16xf32>,
        %get3A_1459 = arith.index_cast %rem3A_603 : i32 to index
        %get3A_1460 = arith.index_cast %add3A_1430 : i32 to index
        %get3A_1461 = arith.constant 0 : index
        %get3A_1462 = tpu.vector_load %arg9[%get3A_1459, %get3A_1460, %get3A_1461] {strides = array<i32>} : memref<2x672x64xf32, #tpu.memory_space<vmem>>, vector<16xf32>,
        %mul3A_1463 = arith.mulf %get3A_1458, %get3A_1462 : vector<16xf32>
        %get3A_1464 = arith.index_cast %rem3A_603 : i32 to index
        %get3A_1465 = arith.index_cast %select_n3A_1454 : i32 to index
        %get3A_1466 = arith.constant 16 : index
        %get3A_1467 = tpu.vector_load %arg8[%get3A_1464, %get3A_1465, %get3A_1466] {strides = array<i32>} : memref<2x32x64xf32, #tpu.memory_space<vmem>>, vector<16xf32>,
        %get3A_1468 = arith.index_cast %rem3A_603 : i32 to index
        %get3A_1469 = arith.index_cast %add3A_1430 : i32 to index
        %get3A_1470 = arith.constant 16 : index
        %get3A_1471 = tpu.vector_load %arg9[%get3A_1468, %get3A_1469, %get3A_1470] {strides = array<i32>} : memref<2x672x64xf32, #tpu.memory_space<vmem>>, vector<16xf32>,
        %mul3A_1472 = arith.mulf %get3A_1467, %get3A_1471 : vector<16xf32>
        %add3A_1473 = arith.addf %mul3A_1463, %mul3A_1472 : vector<16xf32>
        %get3A_1474 = arith.index_cast %rem3A_603 : i32 to index
        %get3A_1475 = arith.index_cast %select_n3A_1454 : i32 to index
        %get3A_1476 = arith.constant 32 : index
        %get3A_1477 = tpu.vector_load %arg8[%get3A_1474, %get3A_1475, %get3A_1476] {strides = array<i32>} : memref<2x32x64xf32, #tpu.memory_space<vmem>>, vector<16xf32>,
        %get3A_1478 = arith.index_cast %rem3A_603 : i32 to index
        %get3A_1479 = arith.index_cast %add3A_1430 : i32 to index
        %get3A_1480 = arith.constant 32 : index
        %get3A_1481 = tpu.vector_load %arg9[%get3A_1478, %get3A_1479, %get3A_1480] {strides = array<i32>} : memref<2x672x64xf32, #tpu.memory_space<vmem>>, vector<16xf32>,
        %mul3A_1482 = arith.mulf %get3A_1477, %get3A_1481 : vector<16xf32>
        %add3A_1483 = arith.addf %add3A_1473, %mul3A_1482 : vector<16xf32>
        %get3A_1484 = arith.index_cast %rem3A_603 : i32 to index
        %get3A_1485 = arith.index_cast %select_n3A_1454 : i32 to index
        %get3A_1486 = arith.constant 48 : index
        %get3A_1487 = tpu.vector_load %arg8[%get3A_1484, %get3A_1485, %get3A_1486] {strides = array<i32>} : memref<2x32x64xf32, #tpu.memory_space<vmem>>, vector<16xf32>,
        %get3A_1488 = arith.index_cast %rem3A_603 : i32 to index
        %get3A_1489 = arith.index_cast %add3A_1430 : i32 to index
        %get3A_1490 = arith.constant 48 : index
        %get3A_1491 = tpu.vector_load %arg9[%get3A_1488, %get3A_1489, %get3A_1490] {strides = array<i32>} : memref<2x672x64xf32, #tpu.memory_space<vmem>>, vector<16xf32>,
        %mul3A_1492 = arith.mulf %get3A_1487, %get3A_1491 : vector<16xf32>
        %add3A_1493 = arith.addf %add3A_1483, %mul3A_1492 : vector<16xf32>
        %reduce_sum3A_1494 = arith.constant true
        %reduce_sum3A_1495 = vector.broadcast %reduce_sum3A_1494 : i1 to vector<16xi1>
        %reduce_sum3A_1496 = tpu.scan <sum>, %add3A_1493 masked %reduce_sum3A_1495 : vector<16xf32>, vector<16xi1> -> vector<16xf32>
        %reduce_sum3A_1497 = vector.extract %reduce_sum3A_1496[15] : f32 from vector<16xf32>
        %eq3A_1498 = arith.constant 10 : i32
        %eq3A_1499 = vector.broadcast %eq3A_1498 : i32 to vector<16xi32>
        %eq3A_1500 = arith.cmpi eq, %iota3A, %eq3A_1499 : vector<16xi32>
        %broadcast_in_dim3A_1501 = vector.broadcast %reduce_sum3A_1497 : f32 to vector<16xf32>
        %select_n3A_1502 = arith.select %eq3A_1500, %broadcast_in_dim3A_1501, %select_n3A_1426 : vector<16xi1>, vector<16xf32>
        %mul3A_1503 = arith.constant 16 : i32
        %mul3A_1504 = arith.muli %scan3A_669, %mul3A_1503 : i32
        %add3A_1505 = arith.constant 11 : i32
        %add3A_1506 = arith.addi %mul3A_1504, %add3A_1505 : i32
        %jit3A_1507 = arith.constant 21 : i32
        %div3A_1508 = arith.divsi %add3A_1506, %jit3A_1507 : i32
        %sign3A_1509 = arith.constant 0 : i32
        %sign3A_1510 = arith.cmpi sgt, %add3A_1506, %sign3A_1509 : i32
        %sign3A_1511 = arith.extui %sign3A_1510 : i1 to i32
        %sign3A_1512 = arith.constant 0 : i32
        %sign3A_1513 = arith.cmpi slt, %add3A_1506, %sign3A_1512 : i32
        %sign3A_1514 = arith.extui %sign3A_1513 : i1 to i32
        %sign3A_1515 = arith.subi %sign3A_1511, %sign3A_1514 : i32
        %sign3A_1516 = arith.constant 0 : i32
        %sign3A_1517 = arith.cmpi sgt, %jit3A_1507, %sign3A_1516 : i32
        %sign3A_1518 = arith.extui %sign3A_1517 : i1 to i32
        %sign3A_1519 = arith.constant 0 : i32
        %sign3A_1520 = arith.cmpi slt, %jit3A_1507, %sign3A_1519 : i32
        %sign3A_1521 = arith.extui %sign3A_1520 : i1 to i32
        %sign3A_1522 = arith.subi %sign3A_1518, %sign3A_1521 : i32
        %ne3A_1523 = arith.cmpi ne, %sign3A_1515, %sign3A_1522 : i32
        %rem3A_1524 = arith.remsi %add3A_1506, %jit3A_1507 : i32
        %ne3A_1525 = arith.constant 0 : i32
        %ne3A_1526 = arith.cmpi ne, %rem3A_1524, %ne3A_1525 : i32
        %and3A_1527 = arith.andi %ne3A_1523, %ne3A_1526 : i1
        %sub3A_1528 = arith.constant 1 : i32
        %sub3A_1529 = arith.subi %div3A_1508, %sub3A_1528 : i32
        %select_n3A_1530 = arith.select %and3A_1527, %sub3A_1529, %div3A_1508 : i32
        %get3A_1531 = arith.index_cast %rem3A_603 : i32 to index
        %get3A_1532 = arith.index_cast %select_n3A_1530 : i32 to index
        %get3A_1533 = arith.constant 0 : index
        %get3A_1534 = tpu.vector_load %arg8[%get3A_1531, %get3A_1532, %get3A_1533] {strides = array<i32>} : memref<2x32x64xf32, #tpu.memory_space<vmem>>, vector<16xf32>,
        %get3A_1535 = arith.index_cast %rem3A_603 : i32 to index
        %get3A_1536 = arith.index_cast %add3A_1506 : i32 to index
        %get3A_1537 = arith.constant 0 : index
        %get3A_1538 = tpu.vector_load %arg9[%get3A_1535, %get3A_1536, %get3A_1537] {strides = array<i32>} : memref<2x672x64xf32, #tpu.memory_space<vmem>>, vector<16xf32>,
        %mul3A_1539 = arith.mulf %get3A_1534, %get3A_1538 : vector<16xf32>
        %get3A_1540 = arith.index_cast %rem3A_603 : i32 to index
        %get3A_1541 = arith.index_cast %select_n3A_1530 : i32 to index
        %get3A_1542 = arith.constant 16 : index
        %get3A_1543 = tpu.vector_load %arg8[%get3A_1540, %get3A_1541, %get3A_1542] {strides = array<i32>} : memref<2x32x64xf32, #tpu.memory_space<vmem>>, vector<16xf32>,
        %get3A_1544 = arith.index_cast %rem3A_603 : i32 to index
        %get3A_1545 = arith.index_cast %add3A_1506 : i32 to index
        %get3A_1546 = arith.constant 16 : index
        %get3A_1547 = tpu.vector_load %arg9[%get3A_1544, %get3A_1545, %get3A_1546] {strides = array<i32>} : memref<2x672x64xf32, #tpu.memory_space<vmem>>, vector<16xf32>,
        %mul3A_1548 = arith.mulf %get3A_1543, %get3A_1547 : vector<16xf32>
        %add3A_1549 = arith.addf %mul3A_1539, %mul3A_1548 : vector<16xf32>
        %get3A_1550 = arith.index_cast %rem3A_603 : i32 to index
        %get3A_1551 = arith.index_cast %select_n3A_1530 : i32 to index
        %get3A_1552 = arith.constant 32 : index
        %get3A_1553 = tpu.vector_load %arg8[%get3A_1550, %get3A_1551, %get3A_1552] {strides = array<i32>} : memref<2x32x64xf32, #tpu.memory_space<vmem>>, vector<16xf32>,
        %get3A_1554 = arith.index_cast %rem3A_603 : i32 to index
        %get3A_1555 = arith.index_cast %add3A_1506 : i32 to index
        %get3A_1556 = arith.constant 32 : index
        %get3A_1557 = tpu.vector_load %arg9[%get3A_1554, %get3A_1555, %get3A_1556] {strides = array<i32>} : memref<2x672x64xf32, #tpu.memory_space<vmem>>, vector<16xf32>,
        %mul3A_1558 = arith.mulf %get3A_1553, %get3A_1557 : vector<16xf32>
        %add3A_1559 = arith.addf %add3A_1549, %mul3A_1558 : vector<16xf32>
        %get3A_1560 = arith.index_cast %rem3A_603 : i32 to index
        %get3A_1561 = arith.index_cast %select_n3A_1530 : i32 to index
        %get3A_1562 = arith.constant 48 : index
        %get3A_1563 = tpu.vector_load %arg8[%get3A_1560, %get3A_1561, %get3A_1562] {strides = array<i32>} : memref<2x32x64xf32, #tpu.memory_space<vmem>>, vector<16xf32>,
        %get3A_1564 = arith.index_cast %rem3A_603 : i32 to index
        %get3A_1565 = arith.index_cast %add3A_1506 : i32 to index
        %get3A_1566 = arith.constant 48 : index
        %get3A_1567 = tpu.vector_load %arg9[%get3A_1564, %get3A_1565, %get3A_1566] {strides = array<i32>} : memref<2x672x64xf32, #tpu.memory_space<vmem>>, vector<16xf32>,
        %mul3A_1568 = arith.mulf %get3A_1563, %get3A_1567 : vector<16xf32>
        %add3A_1569 = arith.addf %add3A_1559, %mul3A_1568 : vector<16xf32>
        %reduce_sum3A_1570 = arith.constant true
        %reduce_sum3A_1571 = vector.broadcast %reduce_sum3A_1570 : i1 to vector<16xi1>
        %reduce_sum3A_1572 = tpu.scan <sum>, %add3A_1569 masked %reduce_sum3A_1571 : vector<16xf32>, vector<16xi1> -> vector<16xf32>
        %reduce_sum3A_1573 = vector.extract %reduce_sum3A_1572[15] : f32 from vector<16xf32>
        %eq3A_1574 = arith.constant 11 : i32
        %eq3A_1575 = vector.broadcast %eq3A_1574 : i32 to vector<16xi32>
        %eq3A_1576 = arith.cmpi eq, %iota3A, %eq3A_1575 : vector<16xi32>
        %broadcast_in_dim3A_1577 = vector.broadcast %reduce_sum3A_1573 : f32 to vector<16xf32>
        %select_n3A_1578 = arith.select %eq3A_1576, %broadcast_in_dim3A_1577, %select_n3A_1502 : vector<16xi1>, vector<16xf32>
        %mul3A_1579 = arith.constant 16 : i32
        %mul3A_1580 = arith.muli %scan3A_669, %mul3A_1579 : i32
        %add3A_1581 = arith.constant 12 : i32
        %add3A_1582 = arith.addi %mul3A_1580, %add3A_1581 : i32
        %jit3A_1583 = arith.constant 21 : i32
        %div3A_1584 = arith.divsi %add3A_1582, %jit3A_1583 : i32
        %sign3A_1585 = arith.constant 0 : i32
        %sign3A_1586 = arith.cmpi sgt, %add3A_1582, %sign3A_1585 : i32
        %sign3A_1587 = arith.extui %sign3A_1586 : i1 to i32
        %sign3A_1588 = arith.constant 0 : i32
        %sign3A_1589 = arith.cmpi slt, %add3A_1582, %sign3A_1588 : i32
        %sign3A_1590 = arith.extui %sign3A_1589 : i1 to i32
        %sign3A_1591 = arith.subi %sign3A_1587, %sign3A_1590 : i32
        %sign3A_1592 = arith.constant 0 : i32
        %sign3A_1593 = arith.cmpi sgt, %jit3A_1583, %sign3A_1592 : i32
        %sign3A_1594 = arith.extui %sign3A_1593 : i1 to i32
        %sign3A_1595 = arith.constant 0 : i32
        %sign3A_1596 = arith.cmpi slt, %jit3A_1583, %sign3A_1595 : i32
        %sign3A_1597 = arith.extui %sign3A_1596 : i1 to i32
        %sign3A_1598 = arith.subi %sign3A_1594, %sign3A_1597 : i32
        %ne3A_1599 = arith.cmpi ne, %sign3A_1591, %sign3A_1598 : i32
        %rem3A_1600 = arith.remsi %add3A_1582, %jit3A_1583 : i32
        %ne3A_1601 = arith.constant 0 : i32
        %ne3A_1602 = arith.cmpi ne, %rem3A_1600, %ne3A_1601 : i32
        %and3A_1603 = arith.andi %ne3A_1599, %ne3A_1602 : i1
        %sub3A_1604 = arith.constant 1 : i32
        %sub3A_1605 = arith.subi %div3A_1584, %sub3A_1604 : i32
        %select_n3A_1606 = arith.select %and3A_1603, %sub3A_1605, %div3A_1584 : i32
        %get3A_1607 = arith.index_cast %rem3A_603 : i32 to index
        %get3A_1608 = arith.index_cast %select_n3A_1606 : i32 to index
        %get3A_1609 = arith.constant 0 : index
        %get3A_1610 = tpu.vector_load %arg8[%get3A_1607, %get3A_1608, %get3A_1609] {strides = array<i32>} : memref<2x32x64xf32, #tpu.memory_space<vmem>>, vector<16xf32>,
        %get3A_1611 = arith.index_cast %rem3A_603 : i32 to index
        %get3A_1612 = arith.index_cast %add3A_1582 : i32 to index
        %get3A_1613 = arith.constant 0 : index
        %get3A_1614 = tpu.vector_load %arg9[%get3A_1611, %get3A_1612, %get3A_1613] {strides = array<i32>} : memref<2x672x64xf32, #tpu.memory_space<vmem>>, vector<16xf32>,
        %mul3A_1615 = arith.mulf %get3A_1610, %get3A_1614 : vector<16xf32>
        %get3A_1616 = arith.index_cast %rem3A_603 : i32 to index
        %get3A_1617 = arith.index_cast %select_n3A_1606 : i32 to index
        %get3A_1618 = arith.constant 16 : index
        %get3A_1619 = tpu.vector_load %arg8[%get3A_1616, %get3A_1617, %get3A_1618] {strides = array<i32>} : memref<2x32x64xf32, #tpu.memory_space<vmem>>, vector<16xf32>,
        %get3A_1620 = arith.index_cast %rem3A_603 : i32 to index
        %get3A_1621 = arith.index_cast %add3A_1582 : i32 to index
        %get3A_1622 = arith.constant 16 : index
        %get3A_1623 = tpu.vector_load %arg9[%get3A_1620, %get3A_1621, %get3A_1622] {strides = array<i32>} : memref<2x672x64xf32, #tpu.memory_space<vmem>>, vector<16xf32>,
        %mul3A_1624 = arith.mulf %get3A_1619, %get3A_1623 : vector<16xf32>
        %add3A_1625 = arith.addf %mul3A_1615, %mul3A_1624 : vector<16xf32>
        %get3A_1626 = arith.index_cast %rem3A_603 : i32 to index
        %get3A_1627 = arith.index_cast %select_n3A_1606 : i32 to index
        %get3A_1628 = arith.constant 32 : index
        %get3A_1629 = tpu.vector_load %arg8[%get3A_1626, %get3A_1627, %get3A_1628] {strides = array<i32>} : memref<2x32x64xf32, #tpu.memory_space<vmem>>, vector<16xf32>,
        %get3A_1630 = arith.index_cast %rem3A_603 : i32 to index
        %get3A_1631 = arith.index_cast %add3A_1582 : i32 to index
        %get3A_1632 = arith.constant 32 : index
        %get3A_1633 = tpu.vector_load %arg9[%get3A_1630, %get3A_1631, %get3A_1632] {strides = array<i32>} : memref<2x672x64xf32, #tpu.memory_space<vmem>>, vector<16xf32>,
        %mul3A_1634 = arith.mulf %get3A_1629, %get3A_1633 : vector<16xf32>
        %add3A_1635 = arith.addf %add3A_1625, %mul3A_1634 : vector<16xf32>
        %get3A_1636 = arith.index_cast %rem3A_603 : i32 to index
        %get3A_1637 = arith.index_cast %select_n3A_1606 : i32 to index
        %get3A_1638 = arith.constant 48 : index
        %get3A_1639 = tpu.vector_load %arg8[%get3A_1636, %get3A_1637, %get3A_1638] {strides = array<i32>} : memref<2x32x64xf32, #tpu.memory_space<vmem>>, vector<16xf32>,
        %get3A_1640 = arith.index_cast %rem3A_603 : i32 to index
        %get3A_1641 = arith.index_cast %add3A_1582 : i32 to index
        %get3A_1642 = arith.constant 48 : index
        %get3A_1643 = tpu.vector_load %arg9[%get3A_1640, %get3A_1641, %get3A_1642] {strides = array<i32>} : memref<2x672x64xf32, #tpu.memory_space<vmem>>, vector<16xf32>,
        %mul3A_1644 = arith.mulf %get3A_1639, %get3A_1643 : vector<16xf32>
        %add3A_1645 = arith.addf %add3A_1635, %mul3A_1644 : vector<16xf32>
        %reduce_sum3A_1646 = arith.constant true
        %reduce_sum3A_1647 = vector.broadcast %reduce_sum3A_1646 : i1 to vector<16xi1>
        %reduce_sum3A_1648 = tpu.scan <sum>, %add3A_1645 masked %reduce_sum3A_1647 : vector<16xf32>, vector<16xi1> -> vector<16xf32>
        %reduce_sum3A_1649 = vector.extract %reduce_sum3A_1648[15] : f32 from vector<16xf32>
        %eq3A_1650 = arith.constant 12 : i32
        %eq3A_1651 = vector.broadcast %eq3A_1650 : i32 to vector<16xi32>
        %eq3A_1652 = arith.cmpi eq, %iota3A, %eq3A_1651 : vector<16xi32>
        %broadcast_in_dim3A_1653 = vector.broadcast %reduce_sum3A_1649 : f32 to vector<16xf32>
        %select_n3A_1654 = arith.select %eq3A_1652, %broadcast_in_dim3A_1653, %select_n3A_1578 : vector<16xi1>, vector<16xf32>
        %mul3A_1655 = arith.constant 16 : i32
        %mul3A_1656 = arith.muli %scan3A_669, %mul3A_1655 : i32
        %add3A_1657 = arith.constant 13 : i32
        %add3A_1658 = arith.addi %mul3A_1656, %add3A_1657 : i32
        %jit3A_1659 = arith.constant 21 : i32
        %div3A_1660 = arith.divsi %add3A_1658, %jit3A_1659 : i32
        %sign3A_1661 = arith.constant 0 : i32
        %sign3A_1662 = arith.cmpi sgt, %add3A_1658, %sign3A_1661 : i32
        %sign3A_1663 = arith.extui %sign3A_1662 : i1 to i32
        %sign3A_1664 = arith.constant 0 : i32
        %sign3A_1665 = arith.cmpi slt, %add3A_1658, %sign3A_1664 : i32
        %sign3A_1666 = arith.extui %sign3A_1665 : i1 to i32
        %sign3A_1667 = arith.subi %sign3A_1663, %sign3A_1666 : i32
        %sign3A_1668 = arith.constant 0 : i32
        %sign3A_1669 = arith.cmpi sgt, %jit3A_1659, %sign3A_1668 : i32
        %sign3A_1670 = arith.extui %sign3A_1669 : i1 to i32
        %sign3A_1671 = arith.constant 0 : i32
        %sign3A_1672 = arith.cmpi slt, %jit3A_1659, %sign3A_1671 : i32
        %sign3A_1673 = arith.extui %sign3A_1672 : i1 to i32
        %sign3A_1674 = arith.subi %sign3A_1670, %sign3A_1673 : i32
        %ne3A_1675 = arith.cmpi ne, %sign3A_1667, %sign3A_1674 : i32
        %rem3A_1676 = arith.remsi %add3A_1658, %jit3A_1659 : i32
        %ne3A_1677 = arith.constant 0 : i32
        %ne3A_1678 = arith.cmpi ne, %rem3A_1676, %ne3A_1677 : i32
        %and3A_1679 = arith.andi %ne3A_1675, %ne3A_1678 : i1
        %sub3A_1680 = arith.constant 1 : i32
        %sub3A_1681 = arith.subi %div3A_1660, %sub3A_1680 : i32
        %select_n3A_1682 = arith.select %and3A_1679, %sub3A_1681, %div3A_1660 : i32
        %get3A_1683 = arith.index_cast %rem3A_603 : i32 to index
        %get3A_1684 = arith.index_cast %select_n3A_1682 : i32 to index
        %get3A_1685 = arith.constant 0 : index
        %get3A_1686 = tpu.vector_load %arg8[%get3A_1683, %get3A_1684, %get3A_1685] {strides = array<i32>} : memref<2x32x64xf32, #tpu.memory_space<vmem>>, vector<16xf32>,
        %get3A_1687 = arith.index_cast %rem3A_603 : i32 to index
        %get3A_1688 = arith.index_cast %add3A_1658 : i32 to index
        %get3A_1689 = arith.constant 0 : index
        %get3A_1690 = tpu.vector_load %arg9[%get3A_1687, %get3A_1688, %get3A_1689] {strides = array<i32>} : memref<2x672x64xf32, #tpu.memory_space<vmem>>, vector<16xf32>,
        %mul3A_1691 = arith.mulf %get3A_1686, %get3A_1690 : vector<16xf32>
        %get3A_1692 = arith.index_cast %rem3A_603 : i32 to index
        %get3A_1693 = arith.index_cast %select_n3A_1682 : i32 to index
        %get3A_1694 = arith.constant 16 : index
        %get3A_1695 = tpu.vector_load %arg8[%get3A_1692, %get3A_1693, %get3A_1694] {strides = array<i32>} : memref<2x32x64xf32, #tpu.memory_space<vmem>>, vector<16xf32>,
        %get3A_1696 = arith.index_cast %rem3A_603 : i32 to index
        %get3A_1697 = arith.index_cast %add3A_1658 : i32 to index
        %get3A_1698 = arith.constant 16 : index
        %get3A_1699 = tpu.vector_load %arg9[%get3A_1696, %get3A_1697, %get3A_1698] {strides = array<i32>} : memref<2x672x64xf32, #tpu.memory_space<vmem>>, vector<16xf32>,
        %mul3A_1700 = arith.mulf %get3A_1695, %get3A_1699 : vector<16xf32>
        %add3A_1701 = arith.addf %mul3A_1691, %mul3A_1700 : vector<16xf32>
        %get3A_1702 = arith.index_cast %rem3A_603 : i32 to index
        %get3A_1703 = arith.index_cast %select_n3A_1682 : i32 to index
        %get3A_1704 = arith.constant 32 : index
        %get3A_1705 = tpu.vector_load %arg8[%get3A_1702, %get3A_1703, %get3A_1704] {strides = array<i32>} : memref<2x32x64xf32, #tpu.memory_space<vmem>>, vector<16xf32>,
        %get3A_1706 = arith.index_cast %rem3A_603 : i32 to index
        %get3A_1707 = arith.index_cast %add3A_1658 : i32 to index
        %get3A_1708 = arith.constant 32 : index
        %get3A_1709 = tpu.vector_load %arg9[%get3A_1706, %get3A_1707, %get3A_1708] {strides = array<i32>} : memref<2x672x64xf32, #tpu.memory_space<vmem>>, vector<16xf32>,
        %mul3A_1710 = arith.mulf %get3A_1705, %get3A_1709 : vector<16xf32>
        %add3A_1711 = arith.addf %add3A_1701, %mul3A_1710 : vector<16xf32>
        %get3A_1712 = arith.index_cast %rem3A_603 : i32 to index
        %get3A_1713 = arith.index_cast %select_n3A_1682 : i32 to index
        %get3A_1714 = arith.constant 48 : index
        %get3A_1715 = tpu.vector_load %arg8[%get3A_1712, %get3A_1713, %get3A_1714] {strides = array<i32>} : memref<2x32x64xf32, #tpu.memory_space<vmem>>, vector<16xf32>,
        %get3A_1716 = arith.index_cast %rem3A_603 : i32 to index
        %get3A_1717 = arith.index_cast %add3A_1658 : i32 to index
        %get3A_1718 = arith.constant 48 : index
        %get3A_1719 = tpu.vector_load %arg9[%get3A_1716, %get3A_1717, %get3A_1718] {strides = array<i32>} : memref<2x672x64xf32, #tpu.memory_space<vmem>>, vector<16xf32>,
        %mul3A_1720 = arith.mulf %get3A_1715, %get3A_1719 : vector<16xf32>
        %add3A_1721 = arith.addf %add3A_1711, %mul3A_1720 : vector<16xf32>
        %reduce_sum3A_1722 = arith.constant true
        %reduce_sum3A_1723 = vector.broadcast %reduce_sum3A_1722 : i1 to vector<16xi1>
        %reduce_sum3A_1724 = tpu.scan <sum>, %add3A_1721 masked %reduce_sum3A_1723 : vector<16xf32>, vector<16xi1> -> vector<16xf32>
        %reduce_sum3A_1725 = vector.extract %reduce_sum3A_1724[15] : f32 from vector<16xf32>
        %eq3A_1726 = arith.constant 13 : i32
        %eq3A_1727 = vector.broadcast %eq3A_1726 : i32 to vector<16xi32>
        %eq3A_1728 = arith.cmpi eq, %iota3A, %eq3A_1727 : vector<16xi32>
        %broadcast_in_dim3A_1729 = vector.broadcast %reduce_sum3A_1725 : f32 to vector<16xf32>
        %select_n3A_1730 = arith.select %eq3A_1728, %broadcast_in_dim3A_1729, %select_n3A_1654 : vector<16xi1>, vector<16xf32>
        %mul3A_1731 = arith.constant 16 : i32
        %mul3A_1732 = arith.muli %scan3A_669, %mul3A_1731 : i32
        %add3A_1733 = arith.constant 14 : i32
        %add3A_1734 = arith.addi %mul3A_1732, %add3A_1733 : i32
        %jit3A_1735 = arith.constant 21 : i32
        %div3A_1736 = arith.divsi %add3A_1734, %jit3A_1735 : i32
        %sign3A_1737 = arith.constant 0 : i32
        %sign3A_1738 = arith.cmpi sgt, %add3A_1734, %sign3A_1737 : i32
        %sign3A_1739 = arith.extui %sign3A_1738 : i1 to i32
        %sign3A_1740 = arith.constant 0 : i32
        %sign3A_1741 = arith.cmpi slt, %add3A_1734, %sign3A_1740 : i32
        %sign3A_1742 = arith.extui %sign3A_1741 : i1 to i32
        %sign3A_1743 = arith.subi %sign3A_1739, %sign3A_1742 : i32
        %sign3A_1744 = arith.constant 0 : i32
        %sign3A_1745 = arith.cmpi sgt, %jit3A_1735, %sign3A_1744 : i32
        %sign3A_1746 = arith.extui %sign3A_1745 : i1 to i32
        %sign3A_1747 = arith.constant 0 : i32
        %sign3A_1748 = arith.cmpi slt, %jit3A_1735, %sign3A_1747 : i32
        %sign3A_1749 = arith.extui %sign3A_1748 : i1 to i32
        %sign3A_1750 = arith.subi %sign3A_1746, %sign3A_1749 : i32
        %ne3A_1751 = arith.cmpi ne, %sign3A_1743, %sign3A_1750 : i32
        %rem3A_1752 = arith.remsi %add3A_1734, %jit3A_1735 : i32
        %ne3A_1753 = arith.constant 0 : i32
        %ne3A_1754 = arith.cmpi ne, %rem3A_1752, %ne3A_1753 : i32
        %and3A_1755 = arith.andi %ne3A_1751, %ne3A_1754 : i1
        %sub3A_1756 = arith.constant 1 : i32
        %sub3A_1757 = arith.subi %div3A_1736, %sub3A_1756 : i32
        %select_n3A_1758 = arith.select %and3A_1755, %sub3A_1757, %div3A_1736 : i32
        %get3A_1759 = arith.index_cast %rem3A_603 : i32 to index
        %get3A_1760 = arith.index_cast %select_n3A_1758 : i32 to index
        %get3A_1761 = arith.constant 0 : index
        %get3A_1762 = tpu.vector_load %arg8[%get3A_1759, %get3A_1760, %get3A_1761] {strides = array<i32>} : memref<2x32x64xf32, #tpu.memory_space<vmem>>, vector<16xf32>,
        %get3A_1763 = arith.index_cast %rem3A_603 : i32 to index
        %get3A_1764 = arith.index_cast %add3A_1734 : i32 to index
        %get3A_1765 = arith.constant 0 : index
        %get3A_1766 = tpu.vector_load %arg9[%get3A_1763, %get3A_1764, %get3A_1765] {strides = array<i32>} : memref<2x672x64xf32, #tpu.memory_space<vmem>>, vector<16xf32>,
        %mul3A_1767 = arith.mulf %get3A_1762, %get3A_1766 : vector<16xf32>
        %get3A_1768 = arith.index_cast %rem3A_603 : i32 to index
        %get3A_1769 = arith.index_cast %select_n3A_1758 : i32 to index
        %get3A_1770 = arith.constant 16 : index
        %get3A_1771 = tpu.vector_load %arg8[%get3A_1768, %get3A_1769, %get3A_1770] {strides = array<i32>} : memref<2x32x64xf32, #tpu.memory_space<vmem>>, vector<16xf32>,
        %get3A_1772 = arith.index_cast %rem3A_603 : i32 to index
        %get3A_1773 = arith.index_cast %add3A_1734 : i32 to index
        %get3A_1774 = arith.constant 16 : index
        %get3A_1775 = tpu.vector_load %arg9[%get3A_1772, %get3A_1773, %get3A_1774] {strides = array<i32>} : memref<2x672x64xf32, #tpu.memory_space<vmem>>, vector<16xf32>,
        %mul3A_1776 = arith.mulf %get3A_1771, %get3A_1775 : vector<16xf32>
        %add3A_1777 = arith.addf %mul3A_1767, %mul3A_1776 : vector<16xf32>
        %get3A_1778 = arith.index_cast %rem3A_603 : i32 to index
        %get3A_1779 = arith.index_cast %select_n3A_1758 : i32 to index
        %get3A_1780 = arith.constant 32 : index
        %get3A_1781 = tpu.vector_load %arg8[%get3A_1778, %get3A_1779, %get3A_1780] {strides = array<i32>} : memref<2x32x64xf32, #tpu.memory_space<vmem>>, vector<16xf32>,
        %get3A_1782 = arith.index_cast %rem3A_603 : i32 to index
        %get3A_1783 = arith.index_cast %add3A_1734 : i32 to index
        %get3A_1784 = arith.constant 32 : index
        %get3A_1785 = tpu.vector_load %arg9[%get3A_1782, %get3A_1783, %get3A_1784] {strides = array<i32>} : memref<2x672x64xf32, #tpu.memory_space<vmem>>, vector<16xf32>,
        %mul3A_1786 = arith.mulf %get3A_1781, %get3A_1785 : vector<16xf32>
        %add3A_1787 = arith.addf %add3A_1777, %mul3A_1786 : vector<16xf32>
        %get3A_1788 = arith.index_cast %rem3A_603 : i32 to index
        %get3A_1789 = arith.index_cast %select_n3A_1758 : i32 to index
        %get3A_1790 = arith.constant 48 : index
        %get3A_1791 = tpu.vector_load %arg8[%get3A_1788, %get3A_1789, %get3A_1790] {strides = array<i32>} : memref<2x32x64xf32, #tpu.memory_space<vmem>>, vector<16xf32>,
        %get3A_1792 = arith.index_cast %rem3A_603 : i32 to index
        %get3A_1793 = arith.index_cast %add3A_1734 : i32 to index
        %get3A_1794 = arith.constant 48 : index
        %get3A_1795 = tpu.vector_load %arg9[%get3A_1792, %get3A_1793, %get3A_1794] {strides = array<i32>} : memref<2x672x64xf32, #tpu.memory_space<vmem>>, vector<16xf32>,
        %mul3A_1796 = arith.mulf %get3A_1791, %get3A_1795 : vector<16xf32>
        %add3A_1797 = arith.addf %add3A_1787, %mul3A_1796 : vector<16xf32>
        %reduce_sum3A_1798 = arith.constant true
        %reduce_sum3A_1799 = vector.broadcast %reduce_sum3A_1798 : i1 to vector<16xi1>
        %reduce_sum3A_1800 = tpu.scan <sum>, %add3A_1797 masked %reduce_sum3A_1799 : vector<16xf32>, vector<16xi1> -> vector<16xf32>
        %reduce_sum3A_1801 = vector.extract %reduce_sum3A_1800[15] : f32 from vector<16xf32>
        %eq3A_1802 = arith.constant 14 : i32
        %eq3A_1803 = vector.broadcast %eq3A_1802 : i32 to vector<16xi32>
        %eq3A_1804 = arith.cmpi eq, %iota3A, %eq3A_1803 : vector<16xi32>
        %broadcast_in_dim3A_1805 = vector.broadcast %reduce_sum3A_1801 : f32 to vector<16xf32>
        %select_n3A_1806 = arith.select %eq3A_1804, %broadcast_in_dim3A_1805, %select_n3A_1730 : vector<16xi1>, vector<16xf32>
        %mul3A_1807 = arith.constant 16 : i32
        %mul3A_1808 = arith.muli %scan3A_669, %mul3A_1807 : i32
        %add3A_1809 = arith.constant 15 : i32
        %add3A_1810 = arith.addi %mul3A_1808, %add3A_1809 : i32
        %jit3A_1811 = arith.constant 21 : i32
        %div3A_1812 = arith.divsi %add3A_1810, %jit3A_1811 : i32
        %sign3A_1813 = arith.constant 0 : i32
        %sign3A_1814 = arith.cmpi sgt, %add3A_1810, %sign3A_1813 : i32
        %sign3A_1815 = arith.extui %sign3A_1814 : i1 to i32
        %sign3A_1816 = arith.constant 0 : i32
        %sign3A_1817 = arith.cmpi slt, %add3A_1810, %sign3A_1816 : i32
        %sign3A_1818 = arith.extui %sign3A_1817 : i1 to i32
        %sign3A_1819 = arith.subi %sign3A_1815, %sign3A_1818 : i32
        %sign3A_1820 = arith.constant 0 : i32
        %sign3A_1821 = arith.cmpi sgt, %jit3A_1811, %sign3A_1820 : i32
        %sign3A_1822 = arith.extui %sign3A_1821 : i1 to i32
        %sign3A_1823 = arith.constant 0 : i32
        %sign3A_1824 = arith.cmpi slt, %jit3A_1811, %sign3A_1823 : i32
        %sign3A_1825 = arith.extui %sign3A_1824 : i1 to i32
        %sign3A_1826 = arith.subi %sign3A_1822, %sign3A_1825 : i32
        %ne3A_1827 = arith.cmpi ne, %sign3A_1819, %sign3A_1826 : i32
        %rem3A_1828 = arith.remsi %add3A_1810, %jit3A_1811 : i32
        %ne3A_1829 = arith.constant 0 : i32
        %ne3A_1830 = arith.cmpi ne, %rem3A_1828, %ne3A_1829 : i32
        %and3A_1831 = arith.andi %ne3A_1827, %ne3A_1830 : i1
        %sub3A_1832 = arith.constant 1 : i32
        %sub3A_1833 = arith.subi %div3A_1812, %sub3A_1832 : i32
        %select_n3A_1834 = arith.select %and3A_1831, %sub3A_1833, %div3A_1812 : i32
        %get3A_1835 = arith.index_cast %rem3A_603 : i32 to index
        %get3A_1836 = arith.index_cast %select_n3A_1834 : i32 to index
        %get3A_1837 = arith.constant 0 : index
        %get3A_1838 = tpu.vector_load %arg8[%get3A_1835, %get3A_1836, %get3A_1837] {strides = array<i32>} : memref<2x32x64xf32, #tpu.memory_space<vmem>>, vector<16xf32>,
        %get3A_1839 = arith.index_cast %rem3A_603 : i32 to index
        %get3A_1840 = arith.index_cast %add3A_1810 : i32 to index
        %get3A_1841 = arith.constant 0 : index
        %get3A_1842 = tpu.vector_load %arg9[%get3A_1839, %get3A_1840, %get3A_1841] {strides = array<i32>} : memref<2x672x64xf32, #tpu.memory_space<vmem>>, vector<16xf32>,
        %mul3A_1843 = arith.mulf %get3A_1838, %get3A_1842 : vector<16xf32>
        %get3A_1844 = arith.index_cast %rem3A_603 : i32 to index
        %get3A_1845 = arith.index_cast %select_n3A_1834 : i32 to index
        %get3A_1846 = arith.constant 16 : index
        %get3A_1847 = tpu.vector_load %arg8[%get3A_1844, %get3A_1845, %get3A_1846] {strides = array<i32>} : memref<2x32x64xf32, #tpu.memory_space<vmem>>, vector<16xf32>,
        %get3A_1848 = arith.index_cast %rem3A_603 : i32 to index
        %get3A_1849 = arith.index_cast %add3A_1810 : i32 to index
        %get3A_1850 = arith.constant 16 : index
        %get3A_1851 = tpu.vector_load %arg9[%get3A_1848, %get3A_1849, %get3A_1850] {strides = array<i32>} : memref<2x672x64xf32, #tpu.memory_space<vmem>>, vector<16xf32>,
        %mul3A_1852 = arith.mulf %get3A_1847, %get3A_1851 : vector<16xf32>
        %add3A_1853 = arith.addf %mul3A_1843, %mul3A_1852 : vector<16xf32>
        %get3A_1854 = arith.index_cast %rem3A_603 : i32 to index
        %get3A_1855 = arith.index_cast %select_n3A_1834 : i32 to index
        %get3A_1856 = arith.constant 32 : index
        %get3A_1857 = tpu.vector_load %arg8[%get3A_1854, %get3A_1855, %get3A_1856] {strides = array<i32>} : memref<2x32x64xf32, #tpu.memory_space<vmem>>, vector<16xf32>,
        %get3A_1858 = arith.index_cast %rem3A_603 : i32 to index
        %get3A_1859 = arith.index_cast %add3A_1810 : i32 to index
        %get3A_1860 = arith.constant 32 : index
        %get3A_1861 = tpu.vector_load %arg9[%get3A_1858, %get3A_1859, %get3A_1860] {strides = array<i32>} : memref<2x672x64xf32, #tpu.memory_space<vmem>>, vector<16xf32>,
        %mul3A_1862 = arith.mulf %get3A_1857, %get3A_1861 : vector<16xf32>
        %add3A_1863 = arith.addf %add3A_1853, %mul3A_1862 : vector<16xf32>
        %get3A_1864 = arith.index_cast %rem3A_603 : i32 to index
        %get3A_1865 = arith.index_cast %select_n3A_1834 : i32 to index
        %get3A_1866 = arith.constant 48 : index
        %get3A_1867 = tpu.vector_load %arg8[%get3A_1864, %get3A_1865, %get3A_1866] {strides = array<i32>} : memref<2x32x64xf32, #tpu.memory_space<vmem>>, vector<16xf32>,
        %get3A_1868 = arith.index_cast %rem3A_603 : i32 to index
        %get3A_1869 = arith.index_cast %add3A_1810 : i32 to index
        %get3A_1870 = arith.constant 48 : index
        %get3A_1871 = tpu.vector_load %arg9[%get3A_1868, %get3A_1869, %get3A_1870] {strides = array<i32>} : memref<2x672x64xf32, #tpu.memory_space<vmem>>, vector<16xf32>,
        %mul3A_1872 = arith.mulf %get3A_1867, %get3A_1871 : vector<16xf32>
        %add3A_1873 = arith.addf %add3A_1863, %mul3A_1872 : vector<16xf32>
        %reduce_sum3A_1874 = arith.constant true
        %reduce_sum3A_1875 = vector.broadcast %reduce_sum3A_1874 : i1 to vector<16xi1>
        %reduce_sum3A_1876 = tpu.scan <sum>, %add3A_1873 masked %reduce_sum3A_1875 : vector<16xf32>, vector<16xi1> -> vector<16xf32>
        %reduce_sum3A_1877 = vector.extract %reduce_sum3A_1876[15] : f32 from vector<16xf32>
        %eq3A_1878 = arith.constant 15 : i32
        %eq3A_1879 = vector.broadcast %eq3A_1878 : i32 to vector<16xi32>
        %eq3A_1880 = arith.cmpi eq, %iota3A, %eq3A_1879 : vector<16xi32>
        %broadcast_in_dim3A_1881 = vector.broadcast %reduce_sum3A_1877 : f32 to vector<16xf32>
        %select_n3A_1882 = arith.select %eq3A_1880, %broadcast_in_dim3A_1881, %select_n3A_1806 : vector<16xi1>, vector<16xf32>
        %mul3A_1883 = arith.mulf %select_n3A_1882, %get3A_673 : vector<16xf32>
        %mul3A_1884 = arith.constant 16 : i32
        %mul3A_1885 = arith.muli %scan3A_669, %mul3A_1884 : i32
        %swap3A = arith.index_cast %rem3A_603 : i32 to index
        %swap3A_1886 = arith.index_cast %mul3A_1885 : i32 to index
        %swap3A_1887 = tpu.vector_load %arg10[%swap3A, %swap3A_1886] {strides = array<i32>} : memref<2x672xf32, #tpu.memory_space<vmem>>, vector<16xf32>,
        tpu.vector_store %arg10[%swap3A, %swap3A_1886], %mul3A_1883 {strides = array<i32>} : memref<2x672xf32, #tpu.memory_space<vmem>>, vector<16xf32>,
        %scan3A_1888 = arith.constant 1 : i32
        %scan3A_1889 = arith.addi %scan3A_669, %scan3A_1888 : i32
        %mul3A_1890 = arith.constant 16 : i32
        %mul3A_1891 = arith.muli %scan3A_1889, %mul3A_1890 : i32
        %get3A_1892 = arith.index_cast %mul3A_1891 : i32 to index
        %get3A_1893 = tpu.vector_load %arg11[%get3A_1892] {strides = array<i32>} : memref<672xf32, #tpu.memory_space<vmem>>, vector<16xf32>,
        %broadcast_in_dim3A_1894 = arith.constant 0.000000e+00 : f32
        %broadcast_in_dim3A_1895 = vector.broadcast %broadcast_in_dim3A_1894 : f32 to vector<16xf32>
        %mul3A_1896 = arith.constant 16 : i32
        %mul3A_1897 = arith.muli %scan3A_1889, %mul3A_1896 : i32
        %add3A_1898 = arith.constant 0 : i32
        %add3A_1899 = arith.addi %mul3A_1897, %add3A_1898 : i32
        %jit3A_1900 = arith.constant 21 : i32
        %div3A_1901 = arith.divsi %add3A_1899, %jit3A_1900 : i32
        %sign3A_1902 = arith.constant 0 : i32
        %sign3A_1903 = arith.cmpi sgt, %add3A_1899, %sign3A_1902 : i32
        %sign3A_1904 = arith.extui %sign3A_1903 : i1 to i32
        %sign3A_1905 = arith.constant 0 : i32
        %sign3A_1906 = arith.cmpi slt, %add3A_1899, %sign3A_1905 : i32
        %sign3A_1907 = arith.extui %sign3A_1906 : i1 to i32
        %sign3A_1908 = arith.subi %sign3A_1904, %sign3A_1907 : i32
        %sign3A_1909 = arith.constant 0 : i32
        %sign3A_1910 = arith.cmpi sgt, %jit3A_1900, %sign3A_1909 : i32
        %sign3A_1911 = arith.extui %sign3A_1910 : i1 to i32
        %sign3A_1912 = arith.constant 0 : i32
        %sign3A_1913 = arith.cmpi slt, %jit3A_1900, %sign3A_1912 : i32
        %sign3A_1914 = arith.extui %sign3A_1913 : i1 to i32
        %sign3A_1915 = arith.subi %sign3A_1911, %sign3A_1914 : i32
        %ne3A_1916 = arith.cmpi ne, %sign3A_1908, %sign3A_1915 : i32
        %rem3A_1917 = arith.remsi %add3A_1899, %jit3A_1900 : i32
        %ne3A_1918 = arith.constant 0 : i32
        %ne3A_1919 = arith.cmpi ne, %rem3A_1917, %ne3A_1918 : i32
        %and3A_1920 = arith.andi %ne3A_1916, %ne3A_1919 : i1
        %sub3A_1921 = arith.constant 1 : i32
        %sub3A_1922 = arith.subi %div3A_1901, %sub3A_1921 : i32
        %select_n3A_1923 = arith.select %and3A_1920, %sub3A_1922, %div3A_1901 : i32
        %get3A_1924 = arith.index_cast %rem3A_603 : i32 to index
        %get3A_1925 = arith.index_cast %select_n3A_1923 : i32 to index
        %get3A_1926 = arith.constant 0 : index
        %get3A_1927 = tpu.vector_load %arg8[%get3A_1924, %get3A_1925, %get3A_1926] {strides = array<i32>} : memref<2x32x64xf32, #tpu.memory_space<vmem>>, vector<16xf32>,
        %get3A_1928 = arith.index_cast %rem3A_603 : i32 to index
        %get3A_1929 = arith.index_cast %add3A_1899 : i32 to index
        %get3A_1930 = arith.constant 0 : index
        %get3A_1931 = tpu.vector_load %arg9[%get3A_1928, %get3A_1929, %get3A_1930] {strides = array<i32>} : memref<2x672x64xf32, #tpu.memory_space<vmem>>, vector<16xf32>,
        %mul3A_1932 = arith.mulf %get3A_1927, %get3A_1931 : vector<16xf32>
        %get3A_1933 = arith.index_cast %rem3A_603 : i32 to index
        %get3A_1934 = arith.index_cast %select_n3A_1923 : i32 to index
        %get3A_1935 = arith.constant 16 : index
        %get3A_1936 = tpu.vector_load %arg8[%get3A_1933, %get3A_1934, %get3A_1935] {strides = array<i32>} : memref<2x32x64xf32, #tpu.memory_space<vmem>>, vector<16xf32>,
        %get3A_1937 = arith.index_cast %rem3A_603 : i32 to index
        %get3A_1938 = arith.index_cast %add3A_1899 : i32 to index
        %get3A_1939 = arith.constant 16 : index
        %get3A_1940 = tpu.vector_load %arg9[%get3A_1937, %get3A_1938, %get3A_1939] {strides = array<i32>} : memref<2x672x64xf32, #tpu.memory_space<vmem>>, vector<16xf32>,
        %mul3A_1941 = arith.mulf %get3A_1936, %get3A_1940 : vector<16xf32>
        %add3A_1942 = arith.addf %mul3A_1932, %mul3A_1941 : vector<16xf32>
        %get3A_1943 = arith.index_cast %rem3A_603 : i32 to index
        %get3A_1944 = arith.index_cast %select_n3A_1923 : i32 to index
        %get3A_1945 = arith.constant 32 : index
        %get3A_1946 = tpu.vector_load %arg8[%get3A_1943, %get3A_1944, %get3A_1945] {strides = array<i32>} : memref<2x32x64xf32, #tpu.memory_space<vmem>>, vector<16xf32>,
        %get3A_1947 = arith.index_cast %rem3A_603 : i32 to index
        %get3A_1948 = arith.index_cast %add3A_1899 : i32 to index
        %get3A_1949 = arith.constant 32 : index
        %get3A_1950 = tpu.vector_load %arg9[%get3A_1947, %get3A_1948, %get3A_1949] {strides = array<i32>} : memref<2x672x64xf32, #tpu.memory_space<vmem>>, vector<16xf32>,
        %mul3A_1951 = arith.mulf %get3A_1946, %get3A_1950 : vector<16xf32>
        %add3A_1952 = arith.addf %add3A_1942, %mul3A_1951 : vector<16xf32>
        %get3A_1953 = arith.index_cast %rem3A_603 : i32 to index
        %get3A_1954 = arith.index_cast %select_n3A_1923 : i32 to index
        %get3A_1955 = arith.constant 48 : index
        %get3A_1956 = tpu.vector_load %arg8[%get3A_1953, %get3A_1954, %get3A_1955] {strides = array<i32>} : memref<2x32x64xf32, #tpu.memory_space<vmem>>, vector<16xf32>,
        %get3A_1957 = arith.index_cast %rem3A_603 : i32 to index
        %get3A_1958 = arith.index_cast %add3A_1899 : i32 to index
        %get3A_1959 = arith.constant 48 : index
        %get3A_1960 = tpu.vector_load %arg9[%get3A_1957, %get3A_1958, %get3A_1959] {strides = array<i32>} : memref<2x672x64xf32, #tpu.memory_space<vmem>>, vector<16xf32>,
        %mul3A_1961 = arith.mulf %get3A_1956, %get3A_1960 : vector<16xf32>
        %add3A_1962 = arith.addf %add3A_1952, %mul3A_1961 : vector<16xf32>
        %reduce_sum3A_1963 = arith.constant true
        %reduce_sum3A_1964 = vector.broadcast %reduce_sum3A_1963 : i1 to vector<16xi1>
        %reduce_sum3A_1965 = tpu.scan <sum>, %add3A_1962 masked %reduce_sum3A_1964 : vector<16xf32>, vector<16xi1> -> vector<16xf32>
        %reduce_sum3A_1966 = vector.extract %reduce_sum3A_1965[15] : f32 from vector<16xf32>
        %eq3A_1967 = arith.constant 0 : i32
        %eq3A_1968 = vector.broadcast %eq3A_1967 : i32 to vector<16xi32>
        %eq3A_1969 = arith.cmpi eq, %iota3A, %eq3A_1968 : vector<16xi32>
        %broadcast_in_dim3A_1970 = vector.broadcast %reduce_sum3A_1966 : f32 to vector<16xf32>
        %select_n3A_1971 = arith.select %eq3A_1969, %broadcast_in_dim3A_1970, %broadcast_in_dim3A_1895 : vector<16xi1>, vector<16xf32>
        %mul3A_1972 = arith.constant 16 : i32
        %mul3A_1973 = arith.muli %scan3A_1889, %mul3A_1972 : i32
        %add3A_1974 = arith.constant 1 : i32
        %add3A_1975 = arith.addi %mul3A_1973, %add3A_1974 : i32
        %jit3A_1976 = arith.constant 21 : i32
        %div3A_1977 = arith.divsi %add3A_1975, %jit3A_1976 : i32
        %sign3A_1978 = arith.constant 0 : i32
        %sign3A_1979 = arith.cmpi sgt, %add3A_1975, %sign3A_1978 : i32
        %sign3A_1980 = arith.extui %sign3A_1979 : i1 to i32
        %sign3A_1981 = arith.constant 0 : i32
        %sign3A_1982 = arith.cmpi slt, %add3A_1975, %sign3A_1981 : i32
        %sign3A_1983 = arith.extui %sign3A_1982 : i1 to i32
        %sign3A_1984 = arith.subi %sign3A_1980, %sign3A_1983 : i32
        %sign3A_1985 = arith.constant 0 : i32
        %sign3A_1986 = arith.cmpi sgt, %jit3A_1976, %sign3A_1985 : i32
        %sign3A_1987 = arith.extui %sign3A_1986 : i1 to i32
        %sign3A_1988 = arith.constant 0 : i32
        %sign3A_1989 = arith.cmpi slt, %jit3A_1976, %sign3A_1988 : i32
        %sign3A_1990 = arith.extui %sign3A_1989 : i1 to i32
        %sign3A_1991 = arith.subi %sign3A_1987, %sign3A_1990 : i32
        %ne3A_1992 = arith.cmpi ne, %sign3A_1984, %sign3A_1991 : i32
        %rem3A_1993 = arith.remsi %add3A_1975, %jit3A_1976 : i32
        %ne3A_1994 = arith.constant 0 : i32
        %ne3A_1995 = arith.cmpi ne, %rem3A_1993, %ne3A_1994 : i32
        %and3A_1996 = arith.andi %ne3A_1992, %ne3A_1995 : i1
        %sub3A_1997 = arith.constant 1 : i32
        %sub3A_1998 = arith.subi %div3A_1977, %sub3A_1997 : i32
        %select_n3A_1999 = arith.select %and3A_1996, %sub3A_1998, %div3A_1977 : i32
        %get3A_2000 = arith.index_cast %rem3A_603 : i32 to index
        %get3A_2001 = arith.index_cast %select_n3A_1999 : i32 to index
        %get3A_2002 = arith.constant 0 : index
        %get3A_2003 = tpu.vector_load %arg8[%get3A_2000, %get3A_2001, %get3A_2002] {strides = array<i32>} : memref<2x32x64xf32, #tpu.memory_space<vmem>>, vector<16xf32>,
        %get3A_2004 = arith.index_cast %rem3A_603 : i32 to index
        %get3A_2005 = arith.index_cast %add3A_1975 : i32 to index
        %get3A_2006 = arith.constant 0 : index
        %get3A_2007 = tpu.vector_load %arg9[%get3A_2004, %get3A_2005, %get3A_2006] {strides = array<i32>} : memref<2x672x64xf32, #tpu.memory_space<vmem>>, vector<16xf32>,
        %mul3A_2008 = arith.mulf %get3A_2003, %get3A_2007 : vector<16xf32>
        %get3A_2009 = arith.index_cast %rem3A_603 : i32 to index
        %get3A_2010 = arith.index_cast %select_n3A_1999 : i32 to index
        %get3A_2011 = arith.constant 16 : index
        %get3A_2012 = tpu.vector_load %arg8[%get3A_2009, %get3A_2010, %get3A_2011] {strides = array<i32>} : memref<2x32x64xf32, #tpu.memory_space<vmem>>, vector<16xf32>,
        %get3A_2013 = arith.index_cast %rem3A_603 : i32 to index
        %get3A_2014 = arith.index_cast %add3A_1975 : i32 to index
        %get3A_2015 = arith.constant 16 : index
        %get3A_2016 = tpu.vector_load %arg9[%get3A_2013, %get3A_2014, %get3A_2015] {strides = array<i32>} : memref<2x672x64xf32, #tpu.memory_space<vmem>>, vector<16xf32>,
        %mul3A_2017 = arith.mulf %get3A_2012, %get3A_2016 : vector<16xf32>
        %add3A_2018 = arith.addf %mul3A_2008, %mul3A_2017 : vector<16xf32>
        %get3A_2019 = arith.index_cast %rem3A_603 : i32 to index
        %get3A_2020 = arith.index_cast %select_n3A_1999 : i32 to index
        %get3A_2021 = arith.constant 32 : index
        %get3A_2022 = tpu.vector_load %arg8[%get3A_2019, %get3A_2020, %get3A_2021] {strides = array<i32>} : memref<2x32x64xf32, #tpu.memory_space<vmem>>, vector<16xf32>,
        %get3A_2023 = arith.index_cast %rem3A_603 : i32 to index
        %get3A_2024 = arith.index_cast %add3A_1975 : i32 to index
        %get3A_2025 = arith.constant 32 : index
        %get3A_2026 = tpu.vector_load %arg9[%get3A_2023, %get3A_2024, %get3A_2025] {strides = array<i32>} : memref<2x672x64xf32, #tpu.memory_space<vmem>>, vector<16xf32>,
        %mul3A_2027 = arith.mulf %get3A_2022, %get3A_2026 : vector<16xf32>
        %add3A_2028 = arith.addf %add3A_2018, %mul3A_2027 : vector<16xf32>
        %get3A_2029 = arith.index_cast %rem3A_603 : i32 to index
        %get3A_2030 = arith.index_cast %select_n3A_1999 : i32 to index
        %get3A_2031 = arith.constant 48 : index
        %get3A_2032 = tpu.vector_load %arg8[%get3A_2029, %get3A_2030, %get3A_2031] {strides = array<i32>} : memref<2x32x64xf32, #tpu.memory_space<vmem>>, vector<16xf32>,
        %get3A_2033 = arith.index_cast %rem3A_603 : i32 to index
        %get3A_2034 = arith.index_cast %add3A_1975 : i32 to index
        %get3A_2035 = arith.constant 48 : index
        %get3A_2036 = tpu.vector_load %arg9[%get3A_2033, %get3A_2034, %get3A_2035] {strides = array<i32>} : memref<2x672x64xf32, #tpu.memory_space<vmem>>, vector<16xf32>,
        %mul3A_2037 = arith.mulf %get3A_2032, %get3A_2036 : vector<16xf32>
        %add3A_2038 = arith.addf %add3A_2028, %mul3A_2037 : vector<16xf32>
        %reduce_sum3A_2039 = arith.constant true
        %reduce_sum3A_2040 = vector.broadcast %reduce_sum3A_2039 : i1 to vector<16xi1>
        %reduce_sum3A_2041 = tpu.scan <sum>, %add3A_2038 masked %reduce_sum3A_2040 : vector<16xf32>, vector<16xi1> -> vector<16xf32>
        %reduce_sum3A_2042 = vector.extract %reduce_sum3A_2041[15] : f32 from vector<16xf32>
        %eq3A_2043 = arith.constant 1 : i32
        %eq3A_2044 = vector.broadcast %eq3A_2043 : i32 to vector<16xi32>
        %eq3A_2045 = arith.cmpi eq, %iota3A, %eq3A_2044 : vector<16xi32>
        %broadcast_in_dim3A_2046 = vector.broadcast %reduce_sum3A_2042 : f32 to vector<16xf32>
        %select_n3A_2047 = arith.select %eq3A_2045, %broadcast_in_dim3A_2046, %select_n3A_1971 : vector<16xi1>, vector<16xf32>
        %mul3A_2048 = arith.constant 16 : i32
        %mul3A_2049 = arith.muli %scan3A_1889, %mul3A_2048 : i32
        %add3A_2050 = arith.constant 2 : i32
        %add3A_2051 = arith.addi %mul3A_2049, %add3A_2050 : i32
        %jit3A_2052 = arith.constant 21 : i32
        %div3A_2053 = arith.divsi %add3A_2051, %jit3A_2052 : i32
        %sign3A_2054 = arith.constant 0 : i32
        %sign3A_2055 = arith.cmpi sgt, %add3A_2051, %sign3A_2054 : i32
        %sign3A_2056 = arith.extui %sign3A_2055 : i1 to i32
        %sign3A_2057 = arith.constant 0 : i32
        %sign3A_2058 = arith.cmpi slt, %add3A_2051, %sign3A_2057 : i32
        %sign3A_2059 = arith.extui %sign3A_2058 : i1 to i32
        %sign3A_2060 = arith.subi %sign3A_2056, %sign3A_2059 : i32
        %sign3A_2061 = arith.constant 0 : i32
        %sign3A_2062 = arith.cmpi sgt, %jit3A_2052, %sign3A_2061 : i32
        %sign3A_2063 = arith.extui %sign3A_2062 : i1 to i32
        %sign3A_2064 = arith.constant 0 : i32
        %sign3A_2065 = arith.cmpi slt, %jit3A_2052, %sign3A_2064 : i32
        %sign3A_2066 = arith.extui %sign3A_2065 : i1 to i32
        %sign3A_2067 = arith.subi %sign3A_2063, %sign3A_2066 : i32
        %ne3A_2068 = arith.cmpi ne, %sign3A_2060, %sign3A_2067 : i32
        %rem3A_2069 = arith.remsi %add3A_2051, %jit3A_2052 : i32
        %ne3A_2070 = arith.constant 0 : i32
        %ne3A_2071 = arith.cmpi ne, %rem3A_2069, %ne3A_2070 : i32
        %and3A_2072 = arith.andi %ne3A_2068, %ne3A_2071 : i1
        %sub3A_2073 = arith.constant 1 : i32
        %sub3A_2074 = arith.subi %div3A_2053, %sub3A_2073 : i32
        %select_n3A_2075 = arith.select %and3A_2072, %sub3A_2074, %div3A_2053 : i32
        %get3A_2076 = arith.index_cast %rem3A_603 : i32 to index
        %get3A_2077 = arith.index_cast %select_n3A_2075 : i32 to index
        %get3A_2078 = arith.constant 0 : index
        %get3A_2079 = tpu.vector_load %arg8[%get3A_2076, %get3A_2077, %get3A_2078] {strides = array<i32>} : memref<2x32x64xf32, #tpu.memory_space<vmem>>, vector<16xf32>,
        %get3A_2080 = arith.index_cast %rem3A_603 : i32 to index
        %get3A_2081 = arith.index_cast %add3A_2051 : i32 to index
        %get3A_2082 = arith.constant 0 : index
        %get3A_2083 = tpu.vector_load %arg9[%get3A_2080, %get3A_2081, %get3A_2082] {strides = array<i32>} : memref<2x672x64xf32, #tpu.memory_space<vmem>>, vector<16xf32>,
        %mul3A_2084 = arith.mulf %get3A_2079, %get3A_2083 : vector<16xf32>
        %get3A_2085 = arith.index_cast %rem3A_603 : i32 to index
        %get3A_2086 = arith.index_cast %select_n3A_2075 : i32 to index
        %get3A_2087 = arith.constant 16 : index
        %get3A_2088 = tpu.vector_load %arg8[%get3A_2085, %get3A_2086, %get3A_2087] {strides = array<i32>} : memref<2x32x64xf32, #tpu.memory_space<vmem>>, vector<16xf32>,
        %get3A_2089 = arith.index_cast %rem3A_603 : i32 to index
        %get3A_2090 = arith.index_cast %add3A_2051 : i32 to index
        %get3A_2091 = arith.constant 16 : index
        %get3A_2092 = tpu.vector_load %arg9[%get3A_2089, %get3A_2090, %get3A_2091] {strides = array<i32>} : memref<2x672x64xf32, #tpu.memory_space<vmem>>, vector<16xf32>,
        %mul3A_2093 = arith.mulf %get3A_2088, %get3A_2092 : vector<16xf32>
        %add3A_2094 = arith.addf %mul3A_2084, %mul3A_2093 : vector<16xf32>
        %get3A_2095 = arith.index_cast %rem3A_603 : i32 to index
        %get3A_2096 = arith.index_cast %select_n3A_2075 : i32 to index
        %get3A_2097 = arith.constant 32 : index
        %get3A_2098 = tpu.vector_load %arg8[%get3A_2095, %get3A_2096, %get3A_2097] {strides = array<i32>} : memref<2x32x64xf32, #tpu.memory_space<vmem>>, vector<16xf32>,
        %get3A_2099 = arith.index_cast %rem3A_603 : i32 to index
        %get3A_2100 = arith.index_cast %add3A_2051 : i32 to index
        %get3A_2101 = arith.constant 32 : index
        %get3A_2102 = tpu.vector_load %arg9[%get3A_2099, %get3A_2100, %get3A_2101] {strides = array<i32>} : memref<2x672x64xf32, #tpu.memory_space<vmem>>, vector<16xf32>,
        %mul3A_2103 = arith.mulf %get3A_2098, %get3A_2102 : vector<16xf32>
        %add3A_2104 = arith.addf %add3A_2094, %mul3A_2103 : vector<16xf32>
        %get3A_2105 = arith.index_cast %rem3A_603 : i32 to index
        %get3A_2106 = arith.index_cast %select_n3A_2075 : i32 to index
        %get3A_2107 = arith.constant 48 : index
        %get3A_2108 = tpu.vector_load %arg8[%get3A_2105, %get3A_2106, %get3A_2107] {strides = array<i32>} : memref<2x32x64xf32, #tpu.memory_space<vmem>>, vector<16xf32>,
        %get3A_2109 = arith.index_cast %rem3A_603 : i32 to index
        %get3A_2110 = arith.index_cast %add3A_2051 : i32 to index
        %get3A_2111 = arith.constant 48 : index
        %get3A_2112 = tpu.vector_load %arg9[%get3A_2109, %get3A_2110, %get3A_2111] {strides = array<i32>} : memref<2x672x64xf32, #tpu.memory_space<vmem>>, vector<16xf32>,
        %mul3A_2113 = arith.mulf %get3A_2108, %get3A_2112 : vector<16xf32>
        %add3A_2114 = arith.addf %add3A_2104, %mul3A_2113 : vector<16xf32>
        %reduce_sum3A_2115 = arith.constant true
        %reduce_sum3A_2116 = vector.broadcast %reduce_sum3A_2115 : i1 to vector<16xi1>
        %reduce_sum3A_2117 = tpu.scan <sum>, %add3A_2114 masked %reduce_sum3A_2116 : vector<16xf32>, vector<16xi1> -> vector<16xf32>
        %reduce_sum3A_2118 = vector.extract %reduce_sum3A_2117[15] : f32 from vector<16xf32>
        %eq3A_2119 = arith.constant 2 : i32
        %eq3A_2120 = vector.broadcast %eq3A_2119 : i32 to vector<16xi32>
        %eq3A_2121 = arith.cmpi eq, %iota3A, %eq3A_2120 : vector<16xi32>
        %broadcast_in_dim3A_2122 = vector.broadcast %reduce_sum3A_2118 : f32 to vector<16xf32>
        %select_n3A_2123 = arith.select %eq3A_2121, %broadcast_in_dim3A_2122, %select_n3A_2047 : vector<16xi1>, vector<16xf32>
        %mul3A_2124 = arith.constant 16 : i32
        %mul3A_2125 = arith.muli %scan3A_1889, %mul3A_2124 : i32
        %add3A_2126 = arith.constant 3 : i32
        %add3A_2127 = arith.addi %mul3A_2125, %add3A_2126 : i32
        %jit3A_2128 = arith.constant 21 : i32
        %div3A_2129 = arith.divsi %add3A_2127, %jit3A_2128 : i32
        %sign3A_2130 = arith.constant 0 : i32
        %sign3A_2131 = arith.cmpi sgt, %add3A_2127, %sign3A_2130 : i32
        %sign3A_2132 = arith.extui %sign3A_2131 : i1 to i32
        %sign3A_2133 = arith.constant 0 : i32
        %sign3A_2134 = arith.cmpi slt, %add3A_2127, %sign3A_2133 : i32
        %sign3A_2135 = arith.extui %sign3A_2134 : i1 to i32
        %sign3A_2136 = arith.subi %sign3A_2132, %sign3A_2135 : i32
        %sign3A_2137 = arith.constant 0 : i32
        %sign3A_2138 = arith.cmpi sgt, %jit3A_2128, %sign3A_2137 : i32
        %sign3A_2139 = arith.extui %sign3A_2138 : i1 to i32
        %sign3A_2140 = arith.constant 0 : i32
        %sign3A_2141 = arith.cmpi slt, %jit3A_2128, %sign3A_2140 : i32
        %sign3A_2142 = arith.extui %sign3A_2141 : i1 to i32
        %sign3A_2143 = arith.subi %sign3A_2139, %sign3A_2142 : i32
        %ne3A_2144 = arith.cmpi ne, %sign3A_2136, %sign3A_2143 : i32
        %rem3A_2145 = arith.remsi %add3A_2127, %jit3A_2128 : i32
        %ne3A_2146 = arith.constant 0 : i32
        %ne3A_2147 = arith.cmpi ne, %rem3A_2145, %ne3A_2146 : i32
        %and3A_2148 = arith.andi %ne3A_2144, %ne3A_2147 : i1
        %sub3A_2149 = arith.constant 1 : i32
        %sub3A_2150 = arith.subi %div3A_2129, %sub3A_2149 : i32
        %select_n3A_2151 = arith.select %and3A_2148, %sub3A_2150, %div3A_2129 : i32
        %get3A_2152 = arith.index_cast %rem3A_603 : i32 to index
        %get3A_2153 = arith.index_cast %select_n3A_2151 : i32 to index
        %get3A_2154 = arith.constant 0 : index
        %get3A_2155 = tpu.vector_load %arg8[%get3A_2152, %get3A_2153, %get3A_2154] {strides = array<i32>} : memref<2x32x64xf32, #tpu.memory_space<vmem>>, vector<16xf32>,
        %get3A_2156 = arith.index_cast %rem3A_603 : i32 to index
        %get3A_2157 = arith.index_cast %add3A_2127 : i32 to index
        %get3A_2158 = arith.constant 0 : index
        %get3A_2159 = tpu.vector_load %arg9[%get3A_2156, %get3A_2157, %get3A_2158] {strides = array<i32>} : memref<2x672x64xf32, #tpu.memory_space<vmem>>, vector<16xf32>,
        %mul3A_2160 = arith.mulf %get3A_2155, %get3A_2159 : vector<16xf32>
        %get3A_2161 = arith.index_cast %rem3A_603 : i32 to index
        %get3A_2162 = arith.index_cast %select_n3A_2151 : i32 to index
        %get3A_2163 = arith.constant 16 : index
        %get3A_2164 = tpu.vector_load %arg8[%get3A_2161, %get3A_2162, %get3A_2163] {strides = array<i32>} : memref<2x32x64xf32, #tpu.memory_space<vmem>>, vector<16xf32>,
        %get3A_2165 = arith.index_cast %rem3A_603 : i32 to index
        %get3A_2166 = arith.index_cast %add3A_2127 : i32 to index
        %get3A_2167 = arith.constant 16 : index
        %get3A_2168 = tpu.vector_load %arg9[%get3A_2165, %get3A_2166, %get3A_2167] {strides = array<i32>} : memref<2x672x64xf32, #tpu.memory_space<vmem>>, vector<16xf32>,
        %mul3A_2169 = arith.mulf %get3A_2164, %get3A_2168 : vector<16xf32>
        %add3A_2170 = arith.addf %mul3A_2160, %mul3A_2169 : vector<16xf32>
        %get3A_2171 = arith.index_cast %rem3A_603 : i32 to index
        %get3A_2172 = arith.index_cast %select_n3A_2151 : i32 to index
        %get3A_2173 = arith.constant 32 : index
        %get3A_2174 = tpu.vector_load %arg8[%get3A_2171, %get3A_2172, %get3A_2173] {strides = array<i32>} : memref<2x32x64xf32, #tpu.memory_space<vmem>>, vector<16xf32>,
        %get3A_2175 = arith.index_cast %rem3A_603 : i32 to index
        %get3A_2176 = arith.index_cast %add3A_2127 : i32 to index
        %get3A_2177 = arith.constant 32 : index
        %get3A_2178 = tpu.vector_load %arg9[%get3A_2175, %get3A_2176, %get3A_2177] {strides = array<i32>} : memref<2x672x64xf32, #tpu.memory_space<vmem>>, vector<16xf32>,
        %mul3A_2179 = arith.mulf %get3A_2174, %get3A_2178 : vector<16xf32>
        %add3A_2180 = arith.addf %add3A_2170, %mul3A_2179 : vector<16xf32>
        %get3A_2181 = arith.index_cast %rem3A_603 : i32 to index
        %get3A_2182 = arith.index_cast %select_n3A_2151 : i32 to index
        %get3A_2183 = arith.constant 48 : index
        %get3A_2184 = tpu.vector_load %arg8[%get3A_2181, %get3A_2182, %get3A_2183] {strides = array<i32>} : memref<2x32x64xf32, #tpu.memory_space<vmem>>, vector<16xf32>,
        %get3A_2185 = arith.index_cast %rem3A_603 : i32 to index
        %get3A_2186 = arith.index_cast %add3A_2127 : i32 to index
        %get3A_2187 = arith.constant 48 : index
        %get3A_2188 = tpu.vector_load %arg9[%get3A_2185, %get3A_2186, %get3A_2187] {strides = array<i32>} : memref<2x672x64xf32, #tpu.memory_space<vmem>>, vector<16xf32>,
        %mul3A_2189 = arith.mulf %get3A_2184, %get3A_2188 : vector<16xf32>
        %add3A_2190 = arith.addf %add3A_2180, %mul3A_2189 : vector<16xf32>
        %reduce_sum3A_2191 = arith.constant true
        %reduce_sum3A_2192 = vector.broadcast %reduce_sum3A_2191 : i1 to vector<16xi1>
        %reduce_sum3A_2193 = tpu.scan <sum>, %add3A_2190 masked %reduce_sum3A_2192 : vector<16xf32>, vector<16xi1> -> vector<16xf32>
        %reduce_sum3A_2194 = vector.extract %reduce_sum3A_2193[15] : f32 from vector<16xf32>
        %eq3A_2195 = arith.constant 3 : i32
        %eq3A_2196 = vector.broadcast %eq3A_2195 : i32 to vector<16xi32>
        %eq3A_2197 = arith.cmpi eq, %iota3A, %eq3A_2196 : vector<16xi32>
        %broadcast_in_dim3A_2198 = vector.broadcast %reduce_sum3A_2194 : f32 to vector<16xf32>
        %select_n3A_2199 = arith.select %eq3A_2197, %broadcast_in_dim3A_2198, %select_n3A_2123 : vector<16xi1>, vector<16xf32>
        %mul3A_2200 = arith.constant 16 : i32
        %mul3A_2201 = arith.muli %scan3A_1889, %mul3A_2200 : i32
        %add3A_2202 = arith.constant 4 : i32
        %add3A_2203 = arith.addi %mul3A_2201, %add3A_2202 : i32
        %jit3A_2204 = arith.constant 21 : i32
        %div3A_2205 = arith.divsi %add3A_2203, %jit3A_2204 : i32
        %sign3A_2206 = arith.constant 0 : i32
        %sign3A_2207 = arith.cmpi sgt, %add3A_2203, %sign3A_2206 : i32
        %sign3A_2208 = arith.extui %sign3A_2207 : i1 to i32
        %sign3A_2209 = arith.constant 0 : i32
        %sign3A_2210 = arith.cmpi slt, %add3A_2203, %sign3A_2209 : i32
        %sign3A_2211 = arith.extui %sign3A_2210 : i1 to i32
        %sign3A_2212 = arith.subi %sign3A_2208, %sign3A_2211 : i32
        %sign3A_2213 = arith.constant 0 : i32
        %sign3A_2214 = arith.cmpi sgt, %jit3A_2204, %sign3A_2213 : i32
        %sign3A_2215 = arith.extui %sign3A_2214 : i1 to i32
        %sign3A_2216 = arith.constant 0 : i32
        %sign3A_2217 = arith.cmpi slt, %jit3A_2204, %sign3A_2216 : i32
        %sign3A_2218 = arith.extui %sign3A_2217 : i1 to i32
        %sign3A_2219 = arith.subi %sign3A_2215, %sign3A_2218 : i32
        %ne3A_2220 = arith.cmpi ne, %sign3A_2212, %sign3A_2219 : i32
        %rem3A_2221 = arith.remsi %add3A_2203, %jit3A_2204 : i32
        %ne3A_2222 = arith.constant 0 : i32
        %ne3A_2223 = arith.cmpi ne, %rem3A_2221, %ne3A_2222 : i32
        %and3A_2224 = arith.andi %ne3A_2220, %ne3A_2223 : i1
        %sub3A_2225 = arith.constant 1 : i32
        %sub3A_2226 = arith.subi %div3A_2205, %sub3A_2225 : i32
        %select_n3A_2227 = arith.select %and3A_2224, %sub3A_2226, %div3A_2205 : i32
        %get3A_2228 = arith.index_cast %rem3A_603 : i32 to index
        %get3A_2229 = arith.index_cast %select_n3A_2227 : i32 to index
        %get3A_2230 = arith.constant 0 : index
        %get3A_2231 = tpu.vector_load %arg8[%get3A_2228, %get3A_2229, %get3A_2230] {strides = array<i32>} : memref<2x32x64xf32, #tpu.memory_space<vmem>>, vector<16xf32>,
        %get3A_2232 = arith.index_cast %rem3A_603 : i32 to index
        %get3A_2233 = arith.index_cast %add3A_2203 : i32 to index
        %get3A_2234 = arith.constant 0 : index
        %get3A_2235 = tpu.vector_load %arg9[%get3A_2232, %get3A_2233, %get3A_2234] {strides = array<i32>} : memref<2x672x64xf32, #tpu.memory_space<vmem>>, vector<16xf32>,
        %mul3A_2236 = arith.mulf %get3A_2231, %get3A_2235 : vector<16xf32>
        %get3A_2237 = arith.index_cast %rem3A_603 : i32 to index
        %get3A_2238 = arith.index_cast %select_n3A_2227 : i32 to index
        %get3A_2239 = arith.constant 16 : index
        %get3A_2240 = tpu.vector_load %arg8[%get3A_2237, %get3A_2238, %get3A_2239] {strides = array<i32>} : memref<2x32x64xf32, #tpu.memory_space<vmem>>, vector<16xf32>,
        %get3A_2241 = arith.index_cast %rem3A_603 : i32 to index
        %get3A_2242 = arith.index_cast %add3A_2203 : i32 to index
        %get3A_2243 = arith.constant 16 : index
        %get3A_2244 = tpu.vector_load %arg9[%get3A_2241, %get3A_2242, %get3A_2243] {strides = array<i32>} : memref<2x672x64xf32, #tpu.memory_space<vmem>>, vector<16xf32>,
        %mul3A_2245 = arith.mulf %get3A_2240, %get3A_2244 : vector<16xf32>
        %add3A_2246 = arith.addf %mul3A_2236, %mul3A_2245 : vector<16xf32>
        %get3A_2247 = arith.index_cast %rem3A_603 : i32 to index
        %get3A_2248 = arith.index_cast %select_n3A_2227 : i32 to index
        %get3A_2249 = arith.constant 32 : index
        %get3A_2250 = tpu.vector_load %arg8[%get3A_2247, %get3A_2248, %get3A_2249] {strides = array<i32>} : memref<2x32x64xf32, #tpu.memory_space<vmem>>, vector<16xf32>,
        %get3A_2251 = arith.index_cast %rem3A_603 : i32 to index
        %get3A_2252 = arith.index_cast %add3A_2203 : i32 to index
        %get3A_2253 = arith.constant 32 : index
        %get3A_2254 = tpu.vector_load %arg9[%get3A_2251, %get3A_2252, %get3A_2253] {strides = array<i32>} : memref<2x672x64xf32, #tpu.memory_space<vmem>>, vector<16xf32>,
        %mul3A_2255 = arith.mulf %get3A_2250, %get3A_2254 : vector<16xf32>
        %add3A_2256 = arith.addf %add3A_2246, %mul3A_2255 : vector<16xf32>
        %get3A_2257 = arith.index_cast %rem3A_603 : i32 to index
        %get3A_2258 = arith.index_cast %select_n3A_2227 : i32 to index
        %get3A_2259 = arith.constant 48 : index
        %get3A_2260 = tpu.vector_load %arg8[%get3A_2257, %get3A_2258, %get3A_2259] {strides = array<i32>} : memref<2x32x64xf32, #tpu.memory_space<vmem>>, vector<16xf32>,
        %get3A_2261 = arith.index_cast %rem3A_603 : i32 to index
        %get3A_2262 = arith.index_cast %add3A_2203 : i32 to index
        %get3A_2263 = arith.constant 48 : index
        %get3A_2264 = tpu.vector_load %arg9[%get3A_2261, %get3A_2262, %get3A_2263] {strides = array<i32>} : memref<2x672x64xf32, #tpu.memory_space<vmem>>, vector<16xf32>,
        %mul3A_2265 = arith.mulf %get3A_2260, %get3A_2264 : vector<16xf32>
        %add3A_2266 = arith.addf %add3A_2256, %mul3A_2265 : vector<16xf32>
        %reduce_sum3A_2267 = arith.constant true
        %reduce_sum3A_2268 = vector.broadcast %reduce_sum3A_2267 : i1 to vector<16xi1>
        %reduce_sum3A_2269 = tpu.scan <sum>, %add3A_2266 masked %reduce_sum3A_2268 : vector<16xf32>, vector<16xi1> -> vector<16xf32>
        %reduce_sum3A_2270 = vector.extract %reduce_sum3A_2269[15] : f32 from vector<16xf32>
        %eq3A_2271 = arith.constant 4 : i32
        %eq3A_2272 = vector.broadcast %eq3A_2271 : i32 to vector<16xi32>
        %eq3A_2273 = arith.cmpi eq, %iota3A, %eq3A_2272 : vector<16xi32>
        %broadcast_in_dim3A_2274 = vector.broadcast %reduce_sum3A_2270 : f32 to vector<16xf32>
        %select_n3A_2275 = arith.select %eq3A_2273, %broadcast_in_dim3A_2274, %select_n3A_2199 : vector<16xi1>, vector<16xf32>
        %mul3A_2276 = arith.constant 16 : i32
        %mul3A_2277 = arith.muli %scan3A_1889, %mul3A_2276 : i32
        %add3A_2278 = arith.constant 5 : i32
        %add3A_2279 = arith.addi %mul3A_2277, %add3A_2278 : i32
        %jit3A_2280 = arith.constant 21 : i32
        %div3A_2281 = arith.divsi %add3A_2279, %jit3A_2280 : i32
        %sign3A_2282 = arith.constant 0 : i32
        %sign3A_2283 = arith.cmpi sgt, %add3A_2279, %sign3A_2282 : i32
        %sign3A_2284 = arith.extui %sign3A_2283 : i1 to i32
        %sign3A_2285 = arith.constant 0 : i32
        %sign3A_2286 = arith.cmpi slt, %add3A_2279, %sign3A_2285 : i32
        %sign3A_2287 = arith.extui %sign3A_2286 : i1 to i32
        %sign3A_2288 = arith.subi %sign3A_2284, %sign3A_2287 : i32
        %sign3A_2289 = arith.constant 0 : i32
        %sign3A_2290 = arith.cmpi sgt, %jit3A_2280, %sign3A_2289 : i32
        %sign3A_2291 = arith.extui %sign3A_2290 : i1 to i32
        %sign3A_2292 = arith.constant 0 : i32
        %sign3A_2293 = arith.cmpi slt, %jit3A_2280, %sign3A_2292 : i32
        %sign3A_2294 = arith.extui %sign3A_2293 : i1 to i32
        %sign3A_2295 = arith.subi %sign3A_2291, %sign3A_2294 : i32
        %ne3A_2296 = arith.cmpi ne, %sign3A_2288, %sign3A_2295 : i32
        %rem3A_2297 = arith.remsi %add3A_2279, %jit3A_2280 : i32
        %ne3A_2298 = arith.constant 0 : i32
        %ne3A_2299 = arith.cmpi ne, %rem3A_2297, %ne3A_2298 : i32
        %and3A_2300 = arith.andi %ne3A_2296, %ne3A_2299 : i1
        %sub3A_2301 = arith.constant 1 : i32
        %sub3A_2302 = arith.subi %div3A_2281, %sub3A_2301 : i32
        %select_n3A_2303 = arith.select %and3A_2300, %sub3A_2302, %div3A_2281 : i32
        %get3A_2304 = arith.index_cast %rem3A_603 : i32 to index
        %get3A_2305 = arith.index_cast %select_n3A_2303 : i32 to index
        %get3A_2306 = arith.constant 0 : index
        %get3A_2307 = tpu.vector_load %arg8[%get3A_2304, %get3A_2305, %get3A_2306] {strides = array<i32>} : memref<2x32x64xf32, #tpu.memory_space<vmem>>, vector<16xf32>,
        %get3A_2308 = arith.index_cast %rem3A_603 : i32 to index
        %get3A_2309 = arith.index_cast %add3A_2279 : i32 to index
        %get3A_2310 = arith.constant 0 : index
        %get3A_2311 = tpu.vector_load %arg9[%get3A_2308, %get3A_2309, %get3A_2310] {strides = array<i32>} : memref<2x672x64xf32, #tpu.memory_space<vmem>>, vector<16xf32>,
        %mul3A_2312 = arith.mulf %get3A_2307, %get3A_2311 : vector<16xf32>
        %get3A_2313 = arith.index_cast %rem3A_603 : i32 to index
        %get3A_2314 = arith.index_cast %select_n3A_2303 : i32 to index
        %get3A_2315 = arith.constant 16 : index
        %get3A_2316 = tpu.vector_load %arg8[%get3A_2313, %get3A_2314, %get3A_2315] {strides = array<i32>} : memref<2x32x64xf32, #tpu.memory_space<vmem>>, vector<16xf32>,
        %get3A_2317 = arith.index_cast %rem3A_603 : i32 to index
        %get3A_2318 = arith.index_cast %add3A_2279 : i32 to index
        %get3A_2319 = arith.constant 16 : index
        %get3A_2320 = tpu.vector_load %arg9[%get3A_2317, %get3A_2318, %get3A_2319] {strides = array<i32>} : memref<2x672x64xf32, #tpu.memory_space<vmem>>, vector<16xf32>,
        %mul3A_2321 = arith.mulf %get3A_2316, %get3A_2320 : vector<16xf32>
        %add3A_2322 = arith.addf %mul3A_2312, %mul3A_2321 : vector<16xf32>
        %get3A_2323 = arith.index_cast %rem3A_603 : i32 to index
        %get3A_2324 = arith.index_cast %select_n3A_2303 : i32 to index
        %get3A_2325 = arith.constant 32 : index
        %get3A_2326 = tpu.vector_load %arg8[%get3A_2323, %get3A_2324, %get3A_2325] {strides = array<i32>} : memref<2x32x64xf32, #tpu.memory_space<vmem>>, vector<16xf32>,
        %get3A_2327 = arith.index_cast %rem3A_603 : i32 to index
        %get3A_2328 = arith.index_cast %add3A_2279 : i32 to index
        %get3A_2329 = arith.constant 32 : index
        %get3A_2330 = tpu.vector_load %arg9[%get3A_2327, %get3A_2328, %get3A_2329] {strides = array<i32>} : memref<2x672x64xf32, #tpu.memory_space<vmem>>, vector<16xf32>,
        %mul3A_2331 = arith.mulf %get3A_2326, %get3A_2330 : vector<16xf32>
        %add3A_2332 = arith.addf %add3A_2322, %mul3A_2331 : vector<16xf32>
        %get3A_2333 = arith.index_cast %rem3A_603 : i32 to index
        %get3A_2334 = arith.index_cast %select_n3A_2303 : i32 to index
        %get3A_2335 = arith.constant 48 : index
        %get3A_2336 = tpu.vector_load %arg8[%get3A_2333, %get3A_2334, %get3A_2335] {strides = array<i32>} : memref<2x32x64xf32, #tpu.memory_space<vmem>>, vector<16xf32>,
        %get3A_2337 = arith.index_cast %rem3A_603 : i32 to index
        %get3A_2338 = arith.index_cast %add3A_2279 : i32 to index
        %get3A_2339 = arith.constant 48 : index
        %get3A_2340 = tpu.vector_load %arg9[%get3A_2337, %get3A_2338, %get3A_2339] {strides = array<i32>} : memref<2x672x64xf32, #tpu.memory_space<vmem>>, vector<16xf32>,
        %mul3A_2341 = arith.mulf %get3A_2336, %get3A_2340 : vector<16xf32>
        %add3A_2342 = arith.addf %add3A_2332, %mul3A_2341 : vector<16xf32>
        %reduce_sum3A_2343 = arith.constant true
        %reduce_sum3A_2344 = vector.broadcast %reduce_sum3A_2343 : i1 to vector<16xi1>
        %reduce_sum3A_2345 = tpu.scan <sum>, %add3A_2342 masked %reduce_sum3A_2344 : vector<16xf32>, vector<16xi1> -> vector<16xf32>
        %reduce_sum3A_2346 = vector.extract %reduce_sum3A_2345[15] : f32 from vector<16xf32>
        %eq3A_2347 = arith.constant 5 : i32
        %eq3A_2348 = vector.broadcast %eq3A_2347 : i32 to vector<16xi32>
        %eq3A_2349 = arith.cmpi eq, %iota3A, %eq3A_2348 : vector<16xi32>
        %broadcast_in_dim3A_2350 = vector.broadcast %reduce_sum3A_2346 : f32 to vector<16xf32>
        %select_n3A_2351 = arith.select %eq3A_2349, %broadcast_in_dim3A_2350, %select_n3A_2275 : vector<16xi1>, vector<16xf32>
        %mul3A_2352 = arith.constant 16 : i32
        %mul3A_2353 = arith.muli %scan3A_1889, %mul3A_2352 : i32
        %add3A_2354 = arith.constant 6 : i32
        %add3A_2355 = arith.addi %mul3A_2353, %add3A_2354 : i32
        %jit3A_2356 = arith.constant 21 : i32
        %div3A_2357 = arith.divsi %add3A_2355, %jit3A_2356 : i32
        %sign3A_2358 = arith.constant 0 : i32
        %sign3A_2359 = arith.cmpi sgt, %add3A_2355, %sign3A_2358 : i32
        %sign3A_2360 = arith.extui %sign3A_2359 : i1 to i32
        %sign3A_2361 = arith.constant 0 : i32
        %sign3A_2362 = arith.cmpi slt, %add3A_2355, %sign3A_2361 : i32
        %sign3A_2363 = arith.extui %sign3A_2362 : i1 to i32
        %sign3A_2364 = arith.subi %sign3A_2360, %sign3A_2363 : i32
        %sign3A_2365 = arith.constant 0 : i32
        %sign3A_2366 = arith.cmpi sgt, %jit3A_2356, %sign3A_2365 : i32
        %sign3A_2367 = arith.extui %sign3A_2366 : i1 to i32
        %sign3A_2368 = arith.constant 0 : i32
        %sign3A_2369 = arith.cmpi slt, %jit3A_2356, %sign3A_2368 : i32
        %sign3A_2370 = arith.extui %sign3A_2369 : i1 to i32
        %sign3A_2371 = arith.subi %sign3A_2367, %sign3A_2370 : i32
        %ne3A_2372 = arith.cmpi ne, %sign3A_2364, %sign3A_2371 : i32
        %rem3A_2373 = arith.remsi %add3A_2355, %jit3A_2356 : i32
        %ne3A_2374 = arith.constant 0 : i32
        %ne3A_2375 = arith.cmpi ne, %rem3A_2373, %ne3A_2374 : i32
        %and3A_2376 = arith.andi %ne3A_2372, %ne3A_2375 : i1
        %sub3A_2377 = arith.constant 1 : i32
        %sub3A_2378 = arith.subi %div3A_2357, %sub3A_2377 : i32
        %select_n3A_2379 = arith.select %and3A_2376, %sub3A_2378, %div3A_2357 : i32
        %get3A_2380 = arith.index_cast %rem3A_603 : i32 to index
        %get3A_2381 = arith.index_cast %select_n3A_2379 : i32 to index
        %get3A_2382 = arith.constant 0 : index
        %get3A_2383 = tpu.vector_load %arg8[%get3A_2380, %get3A_2381, %get3A_2382] {strides = array<i32>} : memref<2x32x64xf32, #tpu.memory_space<vmem>>, vector<16xf32>,
        %get3A_2384 = arith.index_cast %rem3A_603 : i32 to index
        %get3A_2385 = arith.index_cast %add3A_2355 : i32 to index
        %get3A_2386 = arith.constant 0 : index
        %get3A_2387 = tpu.vector_load %arg9[%get3A_2384, %get3A_2385, %get3A_2386] {strides = array<i32>} : memref<2x672x64xf32, #tpu.memory_space<vmem>>, vector<16xf32>,
        %mul3A_2388 = arith.mulf %get3A_2383, %get3A_2387 : vector<16xf32>
        %get3A_2389 = arith.index_cast %rem3A_603 : i32 to index
        %get3A_2390 = arith.index_cast %select_n3A_2379 : i32 to index
        %get3A_2391 = arith.constant 16 : index
        %get3A_2392 = tpu.vector_load %arg8[%get3A_2389, %get3A_2390, %get3A_2391] {strides = array<i32>} : memref<2x32x64xf32, #tpu.memory_space<vmem>>, vector<16xf32>,
        %get3A_2393 = arith.index_cast %rem3A_603 : i32 to index
        %get3A_2394 = arith.index_cast %add3A_2355 : i32 to index
        %get3A_2395 = arith.constant 16 : index
        %get3A_2396 = tpu.vector_load %arg9[%get3A_2393, %get3A_2394, %get3A_2395] {strides = array<i32>} : memref<2x672x64xf32, #tpu.memory_space<vmem>>, vector<16xf32>,
        %mul3A_2397 = arith.mulf %get3A_2392, %get3A_2396 : vector<16xf32>
        %add3A_2398 = arith.addf %mul3A_2388, %mul3A_2397 : vector<16xf32>
        %get3A_2399 = arith.index_cast %rem3A_603 : i32 to index
        %get3A_2400 = arith.index_cast %select_n3A_2379 : i32 to index
        %get3A_2401 = arith.constant 32 : index
        %get3A_2402 = tpu.vector_load %arg8[%get3A_2399, %get3A_2400, %get3A_2401] {strides = array<i32>} : memref<2x32x64xf32, #tpu.memory_space<vmem>>, vector<16xf32>,
        %get3A_2403 = arith.index_cast %rem3A_603 : i32 to index
        %get3A_2404 = arith.index_cast %add3A_2355 : i32 to index
        %get3A_2405 = arith.constant 32 : index
        %get3A_2406 = tpu.vector_load %arg9[%get3A_2403, %get3A_2404, %get3A_2405] {strides = array<i32>} : memref<2x672x64xf32, #tpu.memory_space<vmem>>, vector<16xf32>,
        %mul3A_2407 = arith.mulf %get3A_2402, %get3A_2406 : vector<16xf32>
        %add3A_2408 = arith.addf %add3A_2398, %mul3A_2407 : vector<16xf32>
        %get3A_2409 = arith.index_cast %rem3A_603 : i32 to index
        %get3A_2410 = arith.index_cast %select_n3A_2379 : i32 to index
        %get3A_2411 = arith.constant 48 : index
        %get3A_2412 = tpu.vector_load %arg8[%get3A_2409, %get3A_2410, %get3A_2411] {strides = array<i32>} : memref<2x32x64xf32, #tpu.memory_space<vmem>>, vector<16xf32>,
        %get3A_2413 = arith.index_cast %rem3A_603 : i32 to index
        %get3A_2414 = arith.index_cast %add3A_2355 : i32 to index
        %get3A_2415 = arith.constant 48 : index
        %get3A_2416 = tpu.vector_load %arg9[%get3A_2413, %get3A_2414, %get3A_2415] {strides = array<i32>} : memref<2x672x64xf32, #tpu.memory_space<vmem>>, vector<16xf32>,
        %mul3A_2417 = arith.mulf %get3A_2412, %get3A_2416 : vector<16xf32>
        %add3A_2418 = arith.addf %add3A_2408, %mul3A_2417 : vector<16xf32>
        %reduce_sum3A_2419 = arith.constant true
        %reduce_sum3A_2420 = vector.broadcast %reduce_sum3A_2419 : i1 to vector<16xi1>
        %reduce_sum3A_2421 = tpu.scan <sum>, %add3A_2418 masked %reduce_sum3A_2420 : vector<16xf32>, vector<16xi1> -> vector<16xf32>
        %reduce_sum3A_2422 = vector.extract %reduce_sum3A_2421[15] : f32 from vector<16xf32>
        %eq3A_2423 = arith.constant 6 : i32
        %eq3A_2424 = vector.broadcast %eq3A_2423 : i32 to vector<16xi32>
        %eq3A_2425 = arith.cmpi eq, %iota3A, %eq3A_2424 : vector<16xi32>
        %broadcast_in_dim3A_2426 = vector.broadcast %reduce_sum3A_2422 : f32 to vector<16xf32>
        %select_n3A_2427 = arith.select %eq3A_2425, %broadcast_in_dim3A_2426, %select_n3A_2351 : vector<16xi1>, vector<16xf32>
        %mul3A_2428 = arith.constant 16 : i32
        %mul3A_2429 = arith.muli %scan3A_1889, %mul3A_2428 : i32
        %add3A_2430 = arith.constant 7 : i32
        %add3A_2431 = arith.addi %mul3A_2429, %add3A_2430 : i32
        %jit3A_2432 = arith.constant 21 : i32
        %div3A_2433 = arith.divsi %add3A_2431, %jit3A_2432 : i32
        %sign3A_2434 = arith.constant 0 : i32
        %sign3A_2435 = arith.cmpi sgt, %add3A_2431, %sign3A_2434 : i32
        %sign3A_2436 = arith.extui %sign3A_2435 : i1 to i32
        %sign3A_2437 = arith.constant 0 : i32
        %sign3A_2438 = arith.cmpi slt, %add3A_2431, %sign3A_2437 : i32
        %sign3A_2439 = arith.extui %sign3A_2438 : i1 to i32
        %sign3A_2440 = arith.subi %sign3A_2436, %sign3A_2439 : i32
        %sign3A_2441 = arith.constant 0 : i32
        %sign3A_2442 = arith.cmpi sgt, %jit3A_2432, %sign3A_2441 : i32
        %sign3A_2443 = arith.extui %sign3A_2442 : i1 to i32
        %sign3A_2444 = arith.constant 0 : i32
        %sign3A_2445 = arith.cmpi slt, %jit3A_2432, %sign3A_2444 : i32
        %sign3A_2446 = arith.extui %sign3A_2445 : i1 to i32
        %sign3A_2447 = arith.subi %sign3A_2443, %sign3A_2446 : i32
        %ne3A_2448 = arith.cmpi ne, %sign3A_2440, %sign3A_2447 : i32
        %rem3A_2449 = arith.remsi %add3A_2431, %jit3A_2432 : i32
        %ne3A_2450 = arith.constant 0 : i32
        %ne3A_2451 = arith.cmpi ne, %rem3A_2449, %ne3A_2450 : i32
        %and3A_2452 = arith.andi %ne3A_2448, %ne3A_2451 : i1
        %sub3A_2453 = arith.constant 1 : i32
        %sub3A_2454 = arith.subi %div3A_2433, %sub3A_2453 : i32
        %select_n3A_2455 = arith.select %and3A_2452, %sub3A_2454, %div3A_2433 : i32
        %get3A_2456 = arith.index_cast %rem3A_603 : i32 to index
        %get3A_2457 = arith.index_cast %select_n3A_2455 : i32 to index
        %get3A_2458 = arith.constant 0 : index
        %get3A_2459 = tpu.vector_load %arg8[%get3A_2456, %get3A_2457, %get3A_2458] {strides = array<i32>} : memref<2x32x64xf32, #tpu.memory_space<vmem>>, vector<16xf32>,
        %get3A_2460 = arith.index_cast %rem3A_603 : i32 to index
        %get3A_2461 = arith.index_cast %add3A_2431 : i32 to index
        %get3A_2462 = arith.constant 0 : index
        %get3A_2463 = tpu.vector_load %arg9[%get3A_2460, %get3A_2461, %get3A_2462] {strides = array<i32>} : memref<2x672x64xf32, #tpu.memory_space<vmem>>, vector<16xf32>,
        %mul3A_2464 = arith.mulf %get3A_2459, %get3A_2463 : vector<16xf32>
        %get3A_2465 = arith.index_cast %rem3A_603 : i32 to index
        %get3A_2466 = arith.index_cast %select_n3A_2455 : i32 to index
        %get3A_2467 = arith.constant 16 : index
        %get3A_2468 = tpu.vector_load %arg8[%get3A_2465, %get3A_2466, %get3A_2467] {strides = array<i32>} : memref<2x32x64xf32, #tpu.memory_space<vmem>>, vector<16xf32>,
        %get3A_2469 = arith.index_cast %rem3A_603 : i32 to index
        %get3A_2470 = arith.index_cast %add3A_2431 : i32 to index
        %get3A_2471 = arith.constant 16 : index
        %get3A_2472 = tpu.vector_load %arg9[%get3A_2469, %get3A_2470, %get3A_2471] {strides = array<i32>} : memref<2x672x64xf32, #tpu.memory_space<vmem>>, vector<16xf32>,
        %mul3A_2473 = arith.mulf %get3A_2468, %get3A_2472 : vector<16xf32>
        %add3A_2474 = arith.addf %mul3A_2464, %mul3A_2473 : vector<16xf32>
        %get3A_2475 = arith.index_cast %rem3A_603 : i32 to index
        %get3A_2476 = arith.index_cast %select_n3A_2455 : i32 to index
        %get3A_2477 = arith.constant 32 : index
        %get3A_2478 = tpu.vector_load %arg8[%get3A_2475, %get3A_2476, %get3A_2477] {strides = array<i32>} : memref<2x32x64xf32, #tpu.memory_space<vmem>>, vector<16xf32>,
        %get3A_2479 = arith.index_cast %rem3A_603 : i32 to index
        %get3A_2480 = arith.index_cast %add3A_2431 : i32 to index
        %get3A_2481 = arith.constant 32 : index
        %get3A_2482 = tpu.vector_load %arg9[%get3A_2479, %get3A_2480, %get3A_2481] {strides = array<i32>} : memref<2x672x64xf32, #tpu.memory_space<vmem>>, vector<16xf32>,
        %mul3A_2483 = arith.mulf %get3A_2478, %get3A_2482 : vector<16xf32>
        %add3A_2484 = arith.addf %add3A_2474, %mul3A_2483 : vector<16xf32>
        %get3A_2485 = arith.index_cast %rem3A_603 : i32 to index
        %get3A_2486 = arith.index_cast %select_n3A_2455 : i32 to index
        %get3A_2487 = arith.constant 48 : index
        %get3A_2488 = tpu.vector_load %arg8[%get3A_2485, %get3A_2486, %get3A_2487] {strides = array<i32>} : memref<2x32x64xf32, #tpu.memory_space<vmem>>, vector<16xf32>,
        %get3A_2489 = arith.index_cast %rem3A_603 : i32 to index
        %get3A_2490 = arith.index_cast %add3A_2431 : i32 to index
        %get3A_2491 = arith.constant 48 : index
        %get3A_2492 = tpu.vector_load %arg9[%get3A_2489, %get3A_2490, %get3A_2491] {strides = array<i32>} : memref<2x672x64xf32, #tpu.memory_space<vmem>>, vector<16xf32>,
        %mul3A_2493 = arith.mulf %get3A_2488, %get3A_2492 : vector<16xf32>
        %add3A_2494 = arith.addf %add3A_2484, %mul3A_2493 : vector<16xf32>
        %reduce_sum3A_2495 = arith.constant true
        %reduce_sum3A_2496 = vector.broadcast %reduce_sum3A_2495 : i1 to vector<16xi1>
        %reduce_sum3A_2497 = tpu.scan <sum>, %add3A_2494 masked %reduce_sum3A_2496 : vector<16xf32>, vector<16xi1> -> vector<16xf32>
        %reduce_sum3A_2498 = vector.extract %reduce_sum3A_2497[15] : f32 from vector<16xf32>
        %eq3A_2499 = arith.constant 7 : i32
        %eq3A_2500 = vector.broadcast %eq3A_2499 : i32 to vector<16xi32>
        %eq3A_2501 = arith.cmpi eq, %iota3A, %eq3A_2500 : vector<16xi32>
        %broadcast_in_dim3A_2502 = vector.broadcast %reduce_sum3A_2498 : f32 to vector<16xf32>
        %select_n3A_2503 = arith.select %eq3A_2501, %broadcast_in_dim3A_2502, %select_n3A_2427 : vector<16xi1>, vector<16xf32>
        %mul3A_2504 = arith.constant 16 : i32
        %mul3A_2505 = arith.muli %scan3A_1889, %mul3A_2504 : i32
        %add3A_2506 = arith.constant 8 : i32
        %add3A_2507 = arith.addi %mul3A_2505, %add3A_2506 : i32
        %jit3A_2508 = arith.constant 21 : i32
        %div3A_2509 = arith.divsi %add3A_2507, %jit3A_2508 : i32
        %sign3A_2510 = arith.constant 0 : i32
        %sign3A_2511 = arith.cmpi sgt, %add3A_2507, %sign3A_2510 : i32
        %sign3A_2512 = arith.extui %sign3A_2511 : i1 to i32
        %sign3A_2513 = arith.constant 0 : i32
        %sign3A_2514 = arith.cmpi slt, %add3A_2507, %sign3A_2513 : i32
        %sign3A_2515 = arith.extui %sign3A_2514 : i1 to i32
        %sign3A_2516 = arith.subi %sign3A_2512, %sign3A_2515 : i32
        %sign3A_2517 = arith.constant 0 : i32
        %sign3A_2518 = arith.cmpi sgt, %jit3A_2508, %sign3A_2517 : i32
        %sign3A_2519 = arith.extui %sign3A_2518 : i1 to i32
        %sign3A_2520 = arith.constant 0 : i32
        %sign3A_2521 = arith.cmpi slt, %jit3A_2508, %sign3A_2520 : i32
        %sign3A_2522 = arith.extui %sign3A_2521 : i1 to i32
        %sign3A_2523 = arith.subi %sign3A_2519, %sign3A_2522 : i32
        %ne3A_2524 = arith.cmpi ne, %sign3A_2516, %sign3A_2523 : i32
        %rem3A_2525 = arith.remsi %add3A_2507, %jit3A_2508 : i32
        %ne3A_2526 = arith.constant 0 : i32
        %ne3A_2527 = arith.cmpi ne, %rem3A_2525, %ne3A_2526 : i32
        %and3A_2528 = arith.andi %ne3A_2524, %ne3A_2527 : i1
        %sub3A_2529 = arith.constant 1 : i32
        %sub3A_2530 = arith.subi %div3A_2509, %sub3A_2529 : i32
        %select_n3A_2531 = arith.select %and3A_2528, %sub3A_2530, %div3A_2509 : i32
        %get3A_2532 = arith.index_cast %rem3A_603 : i32 to index
        %get3A_2533 = arith.index_cast %select_n3A_2531 : i32 to index
        %get3A_2534 = arith.constant 0 : index
        %get3A_2535 = tpu.vector_load %arg8[%get3A_2532, %get3A_2533, %get3A_2534] {strides = array<i32>} : memref<2x32x64xf32, #tpu.memory_space<vmem>>, vector<16xf32>,
        %get3A_2536 = arith.index_cast %rem3A_603 : i32 to index
        %get3A_2537 = arith.index_cast %add3A_2507 : i32 to index
        %get3A_2538 = arith.constant 0 : index
        %get3A_2539 = tpu.vector_load %arg9[%get3A_2536, %get3A_2537, %get3A_2538] {strides = array<i32>} : memref<2x672x64xf32, #tpu.memory_space<vmem>>, vector<16xf32>,
        %mul3A_2540 = arith.mulf %get3A_2535, %get3A_2539 : vector<16xf32>
        %get3A_2541 = arith.index_cast %rem3A_603 : i32 to index
        %get3A_2542 = arith.index_cast %select_n3A_2531 : i32 to index
        %get3A_2543 = arith.constant 16 : index
        %get3A_2544 = tpu.vector_load %arg8[%get3A_2541, %get3A_2542, %get3A_2543] {strides = array<i32>} : memref<2x32x64xf32, #tpu.memory_space<vmem>>, vector<16xf32>,
        %get3A_2545 = arith.index_cast %rem3A_603 : i32 to index
        %get3A_2546 = arith.index_cast %add3A_2507 : i32 to index
        %get3A_2547 = arith.constant 16 : index
        %get3A_2548 = tpu.vector_load %arg9[%get3A_2545, %get3A_2546, %get3A_2547] {strides = array<i32>} : memref<2x672x64xf32, #tpu.memory_space<vmem>>, vector<16xf32>,
        %mul3A_2549 = arith.mulf %get3A_2544, %get3A_2548 : vector<16xf32>
        %add3A_2550 = arith.addf %mul3A_2540, %mul3A_2549 : vector<16xf32>
        %get3A_2551 = arith.index_cast %rem3A_603 : i32 to index
        %get3A_2552 = arith.index_cast %select_n3A_2531 : i32 to index
        %get3A_2553 = arith.constant 32 : index
        %get3A_2554 = tpu.vector_load %arg8[%get3A_2551, %get3A_2552, %get3A_2553] {strides = array<i32>} : memref<2x32x64xf32, #tpu.memory_space<vmem>>, vector<16xf32>,
        %get3A_2555 = arith.index_cast %rem3A_603 : i32 to index
        %get3A_2556 = arith.index_cast %add3A_2507 : i32 to index
        %get3A_2557 = arith.constant 32 : index
        %get3A_2558 = tpu.vector_load %arg9[%get3A_2555, %get3A_2556, %get3A_2557] {strides = array<i32>} : memref<2x672x64xf32, #tpu.memory_space<vmem>>, vector<16xf32>,
        %mul3A_2559 = arith.mulf %get3A_2554, %get3A_2558 : vector<16xf32>
        %add3A_2560 = arith.addf %add3A_2550, %mul3A_2559 : vector<16xf32>
        %get3A_2561 = arith.index_cast %rem3A_603 : i32 to index
        %get3A_2562 = arith.index_cast %select_n3A_2531 : i32 to index
        %get3A_2563 = arith.constant 48 : index
        %get3A_2564 = tpu.vector_load %arg8[%get3A_2561, %get3A_2562, %get3A_2563] {strides = array<i32>} : memref<2x32x64xf32, #tpu.memory_space<vmem>>, vector<16xf32>,
        %get3A_2565 = arith.index_cast %rem3A_603 : i32 to index
        %get3A_2566 = arith.index_cast %add3A_2507 : i32 to index
        %get3A_2567 = arith.constant 48 : index
        %get3A_2568 = tpu.vector_load %arg9[%get3A_2565, %get3A_2566, %get3A_2567] {strides = array<i32>} : memref<2x672x64xf32, #tpu.memory_space<vmem>>, vector<16xf32>,
        %mul3A_2569 = arith.mulf %get3A_2564, %get3A_2568 : vector<16xf32>
        %add3A_2570 = arith.addf %add3A_2560, %mul3A_2569 : vector<16xf32>
        %reduce_sum3A_2571 = arith.constant true
        %reduce_sum3A_2572 = vector.broadcast %reduce_sum3A_2571 : i1 to vector<16xi1>
        %reduce_sum3A_2573 = tpu.scan <sum>, %add3A_2570 masked %reduce_sum3A_2572 : vector<16xf32>, vector<16xi1> -> vector<16xf32>
        %reduce_sum3A_2574 = vector.extract %reduce_sum3A_2573[15] : f32 from vector<16xf32>
        %eq3A_2575 = arith.constant 8 : i32
        %eq3A_2576 = vector.broadcast %eq3A_2575 : i32 to vector<16xi32>
        %eq3A_2577 = arith.cmpi eq, %iota3A, %eq3A_2576 : vector<16xi32>
        %broadcast_in_dim3A_2578 = vector.broadcast %reduce_sum3A_2574 : f32 to vector<16xf32>
        %select_n3A_2579 = arith.select %eq3A_2577, %broadcast_in_dim3A_2578, %select_n3A_2503 : vector<16xi1>, vector<16xf32>
        %mul3A_2580 = arith.constant 16 : i32
        %mul3A_2581 = arith.muli %scan3A_1889, %mul3A_2580 : i32
        %add3A_2582 = arith.constant 9 : i32
        %add3A_2583 = arith.addi %mul3A_2581, %add3A_2582 : i32
        %jit3A_2584 = arith.constant 21 : i32
        %div3A_2585 = arith.divsi %add3A_2583, %jit3A_2584 : i32
        %sign3A_2586 = arith.constant 0 : i32
        %sign3A_2587 = arith.cmpi sgt, %add3A_2583, %sign3A_2586 : i32
        %sign3A_2588 = arith.extui %sign3A_2587 : i1 to i32
        %sign3A_2589 = arith.constant 0 : i32
        %sign3A_2590 = arith.cmpi slt, %add3A_2583, %sign3A_2589 : i32
        %sign3A_2591 = arith.extui %sign3A_2590 : i1 to i32
        %sign3A_2592 = arith.subi %sign3A_2588, %sign3A_2591 : i32
        %sign3A_2593 = arith.constant 0 : i32
        %sign3A_2594 = arith.cmpi sgt, %jit3A_2584, %sign3A_2593 : i32
        %sign3A_2595 = arith.extui %sign3A_2594 : i1 to i32
        %sign3A_2596 = arith.constant 0 : i32
        %sign3A_2597 = arith.cmpi slt, %jit3A_2584, %sign3A_2596 : i32
        %sign3A_2598 = arith.extui %sign3A_2597 : i1 to i32
        %sign3A_2599 = arith.subi %sign3A_2595, %sign3A_2598 : i32
        %ne3A_2600 = arith.cmpi ne, %sign3A_2592, %sign3A_2599 : i32
        %rem3A_2601 = arith.remsi %add3A_2583, %jit3A_2584 : i32
        %ne3A_2602 = arith.constant 0 : i32
        %ne3A_2603 = arith.cmpi ne, %rem3A_2601, %ne3A_2602 : i32
        %and3A_2604 = arith.andi %ne3A_2600, %ne3A_2603 : i1
        %sub3A_2605 = arith.constant 1 : i32
        %sub3A_2606 = arith.subi %div3A_2585, %sub3A_2605 : i32
        %select_n3A_2607 = arith.select %and3A_2604, %sub3A_2606, %div3A_2585 : i32
        %get3A_2608 = arith.index_cast %rem3A_603 : i32 to index
        %get3A_2609 = arith.index_cast %select_n3A_2607 : i32 to index
        %get3A_2610 = arith.constant 0 : index
        %get3A_2611 = tpu.vector_load %arg8[%get3A_2608, %get3A_2609, %get3A_2610] {strides = array<i32>} : memref<2x32x64xf32, #tpu.memory_space<vmem>>, vector<16xf32>,
        %get3A_2612 = arith.index_cast %rem3A_603 : i32 to index
        %get3A_2613 = arith.index_cast %add3A_2583 : i32 to index
        %get3A_2614 = arith.constant 0 : index
        %get3A_2615 = tpu.vector_load %arg9[%get3A_2612, %get3A_2613, %get3A_2614] {strides = array<i32>} : memref<2x672x64xf32, #tpu.memory_space<vmem>>, vector<16xf32>,
        %mul3A_2616 = arith.mulf %get3A_2611, %get3A_2615 : vector<16xf32>
        %get3A_2617 = arith.index_cast %rem3A_603 : i32 to index
        %get3A_2618 = arith.index_cast %select_n3A_2607 : i32 to index
        %get3A_2619 = arith.constant 16 : index
        %get3A_2620 = tpu.vector_load %arg8[%get3A_2617, %get3A_2618, %get3A_2619] {strides = array<i32>} : memref<2x32x64xf32, #tpu.memory_space<vmem>>, vector<16xf32>,
        %get3A_2621 = arith.index_cast %rem3A_603 : i32 to index
        %get3A_2622 = arith.index_cast %add3A_2583 : i32 to index
        %get3A_2623 = arith.constant 16 : index
        %get3A_2624 = tpu.vector_load %arg9[%get3A_2621, %get3A_2622, %get3A_2623] {strides = array<i32>} : memref<2x672x64xf32, #tpu.memory_space<vmem>>, vector<16xf32>,
        %mul3A_2625 = arith.mulf %get3A_2620, %get3A_2624 : vector<16xf32>
        %add3A_2626 = arith.addf %mul3A_2616, %mul3A_2625 : vector<16xf32>
        %get3A_2627 = arith.index_cast %rem3A_603 : i32 to index
        %get3A_2628 = arith.index_cast %select_n3A_2607 : i32 to index
        %get3A_2629 = arith.constant 32 : index
        %get3A_2630 = tpu.vector_load %arg8[%get3A_2627, %get3A_2628, %get3A_2629] {strides = array<i32>} : memref<2x32x64xf32, #tpu.memory_space<vmem>>, vector<16xf32>,
        %get3A_2631 = arith.index_cast %rem3A_603 : i32 to index
        %get3A_2632 = arith.index_cast %add3A_2583 : i32 to index
        %get3A_2633 = arith.constant 32 : index
        %get3A_2634 = tpu.vector_load %arg9[%get3A_2631, %get3A_2632, %get3A_2633] {strides = array<i32>} : memref<2x672x64xf32, #tpu.memory_space<vmem>>, vector<16xf32>,
        %mul3A_2635 = arith.mulf %get3A_2630, %get3A_2634 : vector<16xf32>
        %add3A_2636 = arith.addf %add3A_2626, %mul3A_2635 : vector<16xf32>
        %get3A_2637 = arith.index_cast %rem3A_603 : i32 to index
        %get3A_2638 = arith.index_cast %select_n3A_2607 : i32 to index
        %get3A_2639 = arith.constant 48 : index
        %get3A_2640 = tpu.vector_load %arg8[%get3A_2637, %get3A_2638, %get3A_2639] {strides = array<i32>} : memref<2x32x64xf32, #tpu.memory_space<vmem>>, vector<16xf32>,
        %get3A_2641 = arith.index_cast %rem3A_603 : i32 to index
        %get3A_2642 = arith.index_cast %add3A_2583 : i32 to index
        %get3A_2643 = arith.constant 48 : index
        %get3A_2644 = tpu.vector_load %arg9[%get3A_2641, %get3A_2642, %get3A_2643] {strides = array<i32>} : memref<2x672x64xf32, #tpu.memory_space<vmem>>, vector<16xf32>,
        %mul3A_2645 = arith.mulf %get3A_2640, %get3A_2644 : vector<16xf32>
        %add3A_2646 = arith.addf %add3A_2636, %mul3A_2645 : vector<16xf32>
        %reduce_sum3A_2647 = arith.constant true
        %reduce_sum3A_2648 = vector.broadcast %reduce_sum3A_2647 : i1 to vector<16xi1>
        %reduce_sum3A_2649 = tpu.scan <sum>, %add3A_2646 masked %reduce_sum3A_2648 : vector<16xf32>, vector<16xi1> -> vector<16xf32>
        %reduce_sum3A_2650 = vector.extract %reduce_sum3A_2649[15] : f32 from vector<16xf32>
        %eq3A_2651 = arith.constant 9 : i32
        %eq3A_2652 = vector.broadcast %eq3A_2651 : i32 to vector<16xi32>
        %eq3A_2653 = arith.cmpi eq, %iota3A, %eq3A_2652 : vector<16xi32>
        %broadcast_in_dim3A_2654 = vector.broadcast %reduce_sum3A_2650 : f32 to vector<16xf32>
        %select_n3A_2655 = arith.select %eq3A_2653, %broadcast_in_dim3A_2654, %select_n3A_2579 : vector<16xi1>, vector<16xf32>
        %mul3A_2656 = arith.constant 16 : i32
        %mul3A_2657 = arith.muli %scan3A_1889, %mul3A_2656 : i32
        %add3A_2658 = arith.constant 10 : i32
        %add3A_2659 = arith.addi %mul3A_2657, %add3A_2658 : i32
        %jit3A_2660 = arith.constant 21 : i32
        %div3A_2661 = arith.divsi %add3A_2659, %jit3A_2660 : i32
        %sign3A_2662 = arith.constant 0 : i32
        %sign3A_2663 = arith.cmpi sgt, %add3A_2659, %sign3A_2662 : i32
        %sign3A_2664 = arith.extui %sign3A_2663 : i1 to i32
        %sign3A_2665 = arith.constant 0 : i32
        %sign3A_2666 = arith.cmpi slt, %add3A_2659, %sign3A_2665 : i32
        %sign3A_2667 = arith.extui %sign3A_2666 : i1 to i32
        %sign3A_2668 = arith.subi %sign3A_2664, %sign3A_2667 : i32
        %sign3A_2669 = arith.constant 0 : i32
        %sign3A_2670 = arith.cmpi sgt, %jit3A_2660, %sign3A_2669 : i32
        %sign3A_2671 = arith.extui %sign3A_2670 : i1 to i32
        %sign3A_2672 = arith.constant 0 : i32
        %sign3A_2673 = arith.cmpi slt, %jit3A_2660, %sign3A_2672 : i32
        %sign3A_2674 = arith.extui %sign3A_2673 : i1 to i32
        %sign3A_2675 = arith.subi %sign3A_2671, %sign3A_2674 : i32
        %ne3A_2676 = arith.cmpi ne, %sign3A_2668, %sign3A_2675 : i32
        %rem3A_2677 = arith.remsi %add3A_2659, %jit3A_2660 : i32
        %ne3A_2678 = arith.constant 0 : i32
        %ne3A_2679 = arith.cmpi ne, %rem3A_2677, %ne3A_2678 : i32
        %and3A_2680 = arith.andi %ne3A_2676, %ne3A_2679 : i1
        %sub3A_2681 = arith.constant 1 : i32
        %sub3A_2682 = arith.subi %div3A_2661, %sub3A_2681 : i32
        %select_n3A_2683 = arith.select %and3A_2680, %sub3A_2682, %div3A_2661 : i32
        %get3A_2684 = arith.index_cast %rem3A_603 : i32 to index
        %get3A_2685 = arith.index_cast %select_n3A_2683 : i32 to index
        %get3A_2686 = arith.constant 0 : index
        %get3A_2687 = tpu.vector_load %arg8[%get3A_2684, %get3A_2685, %get3A_2686] {strides = array<i32>} : memref<2x32x64xf32, #tpu.memory_space<vmem>>, vector<16xf32>,
        %get3A_2688 = arith.index_cast %rem3A_603 : i32 to index
        %get3A_2689 = arith.index_cast %add3A_2659 : i32 to index
        %get3A_2690 = arith.constant 0 : index
        %get3A_2691 = tpu.vector_load %arg9[%get3A_2688, %get3A_2689, %get3A_2690] {strides = array<i32>} : memref<2x672x64xf32, #tpu.memory_space<vmem>>, vector<16xf32>,
        %mul3A_2692 = arith.mulf %get3A_2687, %get3A_2691 : vector<16xf32>
        %get3A_2693 = arith.index_cast %rem3A_603 : i32 to index
        %get3A_2694 = arith.index_cast %select_n3A_2683 : i32 to index
        %get3A_2695 = arith.constant 16 : index
        %get3A_2696 = tpu.vector_load %arg8[%get3A_2693, %get3A_2694, %get3A_2695] {strides = array<i32>} : memref<2x32x64xf32, #tpu.memory_space<vmem>>, vector<16xf32>,
        %get3A_2697 = arith.index_cast %rem3A_603 : i32 to index
        %get3A_2698 = arith.index_cast %add3A_2659 : i32 to index
        %get3A_2699 = arith.constant 16 : index
        %get3A_2700 = tpu.vector_load %arg9[%get3A_2697, %get3A_2698, %get3A_2699] {strides = array<i32>} : memref<2x672x64xf32, #tpu.memory_space<vmem>>, vector<16xf32>,
        %mul3A_2701 = arith.mulf %get3A_2696, %get3A_2700 : vector<16xf32>
        %add3A_2702 = arith.addf %mul3A_2692, %mul3A_2701 : vector<16xf32>
        %get3A_2703 = arith.index_cast %rem3A_603 : i32 to index
        %get3A_2704 = arith.index_cast %select_n3A_2683 : i32 to index
        %get3A_2705 = arith.constant 32 : index
        %get3A_2706 = tpu.vector_load %arg8[%get3A_2703, %get3A_2704, %get3A_2705] {strides = array<i32>} : memref<2x32x64xf32, #tpu.memory_space<vmem>>, vector<16xf32>,
        %get3A_2707 = arith.index_cast %rem3A_603 : i32 to index
        %get3A_2708 = arith.index_cast %add3A_2659 : i32 to index
        %get3A_2709 = arith.constant 32 : index
        %get3A_2710 = tpu.vector_load %arg9[%get3A_2707, %get3A_2708, %get3A_2709] {strides = array<i32>} : memref<2x672x64xf32, #tpu.memory_space<vmem>>, vector<16xf32>,
        %mul3A_2711 = arith.mulf %get3A_2706, %get3A_2710 : vector<16xf32>
        %add3A_2712 = arith.addf %add3A_2702, %mul3A_2711 : vector<16xf32>
        %get3A_2713 = arith.index_cast %rem3A_603 : i32 to index
        %get3A_2714 = arith.index_cast %select_n3A_2683 : i32 to index
        %get3A_2715 = arith.constant 48 : index
        %get3A_2716 = tpu.vector_load %arg8[%get3A_2713, %get3A_2714, %get3A_2715] {strides = array<i32>} : memref<2x32x64xf32, #tpu.memory_space<vmem>>, vector<16xf32>,
        %get3A_2717 = arith.index_cast %rem3A_603 : i32 to index
        %get3A_2718 = arith.index_cast %add3A_2659 : i32 to index
        %get3A_2719 = arith.constant 48 : index
        %get3A_2720 = tpu.vector_load %arg9[%get3A_2717, %get3A_2718, %get3A_2719] {strides = array<i32>} : memref<2x672x64xf32, #tpu.memory_space<vmem>>, vector<16xf32>,
        %mul3A_2721 = arith.mulf %get3A_2716, %get3A_2720 : vector<16xf32>
        %add3A_2722 = arith.addf %add3A_2712, %mul3A_2721 : vector<16xf32>
        %reduce_sum3A_2723 = arith.constant true
        %reduce_sum3A_2724 = vector.broadcast %reduce_sum3A_2723 : i1 to vector<16xi1>
        %reduce_sum3A_2725 = tpu.scan <sum>, %add3A_2722 masked %reduce_sum3A_2724 : vector<16xf32>, vector<16xi1> -> vector<16xf32>
        %reduce_sum3A_2726 = vector.extract %reduce_sum3A_2725[15] : f32 from vector<16xf32>
        %eq3A_2727 = arith.constant 10 : i32
        %eq3A_2728 = vector.broadcast %eq3A_2727 : i32 to vector<16xi32>
        %eq3A_2729 = arith.cmpi eq, %iota3A, %eq3A_2728 : vector<16xi32>
        %broadcast_in_dim3A_2730 = vector.broadcast %reduce_sum3A_2726 : f32 to vector<16xf32>
        %select_n3A_2731 = arith.select %eq3A_2729, %broadcast_in_dim3A_2730, %select_n3A_2655 : vector<16xi1>, vector<16xf32>
        %mul3A_2732 = arith.constant 16 : i32
        %mul3A_2733 = arith.muli %scan3A_1889, %mul3A_2732 : i32
        %add3A_2734 = arith.constant 11 : i32
        %add3A_2735 = arith.addi %mul3A_2733, %add3A_2734 : i32
        %jit3A_2736 = arith.constant 21 : i32
        %div3A_2737 = arith.divsi %add3A_2735, %jit3A_2736 : i32
        %sign3A_2738 = arith.constant 0 : i32
        %sign3A_2739 = arith.cmpi sgt, %add3A_2735, %sign3A_2738 : i32
        %sign3A_2740 = arith.extui %sign3A_2739 : i1 to i32
        %sign3A_2741 = arith.constant 0 : i32
        %sign3A_2742 = arith.cmpi slt, %add3A_2735, %sign3A_2741 : i32
        %sign3A_2743 = arith.extui %sign3A_2742 : i1 to i32
        %sign3A_2744 = arith.subi %sign3A_2740, %sign3A_2743 : i32
        %sign3A_2745 = arith.constant 0 : i32
        %sign3A_2746 = arith.cmpi sgt, %jit3A_2736, %sign3A_2745 : i32
        %sign3A_2747 = arith.extui %sign3A_2746 : i1 to i32
        %sign3A_2748 = arith.constant 0 : i32
        %sign3A_2749 = arith.cmpi slt, %jit3A_2736, %sign3A_2748 : i32
        %sign3A_2750 = arith.extui %sign3A_2749 : i1 to i32
        %sign3A_2751 = arith.subi %sign3A_2747, %sign3A_2750 : i32
        %ne3A_2752 = arith.cmpi ne, %sign3A_2744, %sign3A_2751 : i32
        %rem3A_2753 = arith.remsi %add3A_2735, %jit3A_2736 : i32
        %ne3A_2754 = arith.constant 0 : i32
        %ne3A_2755 = arith.cmpi ne, %rem3A_2753, %ne3A_2754 : i32
        %and3A_2756 = arith.andi %ne3A_2752, %ne3A_2755 : i1
        %sub3A_2757 = arith.constant 1 : i32
        %sub3A_2758 = arith.subi %div3A_2737, %sub3A_2757 : i32
        %select_n3A_2759 = arith.select %and3A_2756, %sub3A_2758, %div3A_2737 : i32
        %get3A_2760 = arith.index_cast %rem3A_603 : i32 to index
        %get3A_2761 = arith.index_cast %select_n3A_2759 : i32 to index
        %get3A_2762 = arith.constant 0 : index
        %get3A_2763 = tpu.vector_load %arg8[%get3A_2760, %get3A_2761, %get3A_2762] {strides = array<i32>} : memref<2x32x64xf32, #tpu.memory_space<vmem>>, vector<16xf32>,
        %get3A_2764 = arith.index_cast %rem3A_603 : i32 to index
        %get3A_2765 = arith.index_cast %add3A_2735 : i32 to index
        %get3A_2766 = arith.constant 0 : index
        %get3A_2767 = tpu.vector_load %arg9[%get3A_2764, %get3A_2765, %get3A_2766] {strides = array<i32>} : memref<2x672x64xf32, #tpu.memory_space<vmem>>, vector<16xf32>,
        %mul3A_2768 = arith.mulf %get3A_2763, %get3A_2767 : vector<16xf32>
        %get3A_2769 = arith.index_cast %rem3A_603 : i32 to index
        %get3A_2770 = arith.index_cast %select_n3A_2759 : i32 to index
        %get3A_2771 = arith.constant 16 : index
        %get3A_2772 = tpu.vector_load %arg8[%get3A_2769, %get3A_2770, %get3A_2771] {strides = array<i32>} : memref<2x32x64xf32, #tpu.memory_space<vmem>>, vector<16xf32>,
        %get3A_2773 = arith.index_cast %rem3A_603 : i32 to index
        %get3A_2774 = arith.index_cast %add3A_2735 : i32 to index
        %get3A_2775 = arith.constant 16 : index
        %get3A_2776 = tpu.vector_load %arg9[%get3A_2773, %get3A_2774, %get3A_2775] {strides = array<i32>} : memref<2x672x64xf32, #tpu.memory_space<vmem>>, vector<16xf32>,
        %mul3A_2777 = arith.mulf %get3A_2772, %get3A_2776 : vector<16xf32>
        %add3A_2778 = arith.addf %mul3A_2768, %mul3A_2777 : vector<16xf32>
        %get3A_2779 = arith.index_cast %rem3A_603 : i32 to index
        %get3A_2780 = arith.index_cast %select_n3A_2759 : i32 to index
        %get3A_2781 = arith.constant 32 : index
        %get3A_2782 = tpu.vector_load %arg8[%get3A_2779, %get3A_2780, %get3A_2781] {strides = array<i32>} : memref<2x32x64xf32, #tpu.memory_space<vmem>>, vector<16xf32>,
        %get3A_2783 = arith.index_cast %rem3A_603 : i32 to index
        %get3A_2784 = arith.index_cast %add3A_2735 : i32 to index
        %get3A_2785 = arith.constant 32 : index
        %get3A_2786 = tpu.vector_load %arg9[%get3A_2783, %get3A_2784, %get3A_2785] {strides = array<i32>} : memref<2x672x64xf32, #tpu.memory_space<vmem>>, vector<16xf32>,
        %mul3A_2787 = arith.mulf %get3A_2782, %get3A_2786 : vector<16xf32>
        %add3A_2788 = arith.addf %add3A_2778, %mul3A_2787 : vector<16xf32>
        %get3A_2789 = arith.index_cast %rem3A_603 : i32 to index
        %get3A_2790 = arith.index_cast %select_n3A_2759 : i32 to index
        %get3A_2791 = arith.constant 48 : index
        %get3A_2792 = tpu.vector_load %arg8[%get3A_2789, %get3A_2790, %get3A_2791] {strides = array<i32>} : memref<2x32x64xf32, #tpu.memory_space<vmem>>, vector<16xf32>,
        %get3A_2793 = arith.index_cast %rem3A_603 : i32 to index
        %get3A_2794 = arith.index_cast %add3A_2735 : i32 to index
        %get3A_2795 = arith.constant 48 : index
        %get3A_2796 = tpu.vector_load %arg9[%get3A_2793, %get3A_2794, %get3A_2795] {strides = array<i32>} : memref<2x672x64xf32, #tpu.memory_space<vmem>>, vector<16xf32>,
        %mul3A_2797 = arith.mulf %get3A_2792, %get3A_2796 : vector<16xf32>
        %add3A_2798 = arith.addf %add3A_2788, %mul3A_2797 : vector<16xf32>
        %reduce_sum3A_2799 = arith.constant true
        %reduce_sum3A_2800 = vector.broadcast %reduce_sum3A_2799 : i1 to vector<16xi1>
        %reduce_sum3A_2801 = tpu.scan <sum>, %add3A_2798 masked %reduce_sum3A_2800 : vector<16xf32>, vector<16xi1> -> vector<16xf32>
        %reduce_sum3A_2802 = vector.extract %reduce_sum3A_2801[15] : f32 from vector<16xf32>
        %eq3A_2803 = arith.constant 11 : i32
        %eq3A_2804 = vector.broadcast %eq3A_2803 : i32 to vector<16xi32>
        %eq3A_2805 = arith.cmpi eq, %iota3A, %eq3A_2804 : vector<16xi32>
        %broadcast_in_dim3A_2806 = vector.broadcast %reduce_sum3A_2802 : f32 to vector<16xf32>
        %select_n3A_2807 = arith.select %eq3A_2805, %broadcast_in_dim3A_2806, %select_n3A_2731 : vector<16xi1>, vector<16xf32>
        %mul3A_2808 = arith.constant 16 : i32
        %mul3A_2809 = arith.muli %scan3A_1889, %mul3A_2808 : i32
        %add3A_2810 = arith.constant 12 : i32
        %add3A_2811 = arith.addi %mul3A_2809, %add3A_2810 : i32
        %jit3A_2812 = arith.constant 21 : i32
        %div3A_2813 = arith.divsi %add3A_2811, %jit3A_2812 : i32
        %sign3A_2814 = arith.constant 0 : i32
        %sign3A_2815 = arith.cmpi sgt, %add3A_2811, %sign3A_2814 : i32
        %sign3A_2816 = arith.extui %sign3A_2815 : i1 to i32
        %sign3A_2817 = arith.constant 0 : i32
        %sign3A_2818 = arith.cmpi slt, %add3A_2811, %sign3A_2817 : i32
        %sign3A_2819 = arith.extui %sign3A_2818 : i1 to i32
        %sign3A_2820 = arith.subi %sign3A_2816, %sign3A_2819 : i32
        %sign3A_2821 = arith.constant 0 : i32
        %sign3A_2822 = arith.cmpi sgt, %jit3A_2812, %sign3A_2821 : i32
        %sign3A_2823 = arith.extui %sign3A_2822 : i1 to i32
        %sign3A_2824 = arith.constant 0 : i32
        %sign3A_2825 = arith.cmpi slt, %jit3A_2812, %sign3A_2824 : i32
        %sign3A_2826 = arith.extui %sign3A_2825 : i1 to i32
        %sign3A_2827 = arith.subi %sign3A_2823, %sign3A_2826 : i32
        %ne3A_2828 = arith.cmpi ne, %sign3A_2820, %sign3A_2827 : i32
        %rem3A_2829 = arith.remsi %add3A_2811, %jit3A_2812 : i32
        %ne3A_2830 = arith.constant 0 : i32
        %ne3A_2831 = arith.cmpi ne, %rem3A_2829, %ne3A_2830 : i32
        %and3A_2832 = arith.andi %ne3A_2828, %ne3A_2831 : i1
        %sub3A_2833 = arith.constant 1 : i32
        %sub3A_2834 = arith.subi %div3A_2813, %sub3A_2833 : i32
        %select_n3A_2835 = arith.select %and3A_2832, %sub3A_2834, %div3A_2813 : i32
        %get3A_2836 = arith.index_cast %rem3A_603 : i32 to index
        %get3A_2837 = arith.index_cast %select_n3A_2835 : i32 to index
        %get3A_2838 = arith.constant 0 : index
        %get3A_2839 = tpu.vector_load %arg8[%get3A_2836, %get3A_2837, %get3A_2838] {strides = array<i32>} : memref<2x32x64xf32, #tpu.memory_space<vmem>>, vector<16xf32>,
        %get3A_2840 = arith.index_cast %rem3A_603 : i32 to index
        %get3A_2841 = arith.index_cast %add3A_2811 : i32 to index
        %get3A_2842 = arith.constant 0 : index
        %get3A_2843 = tpu.vector_load %arg9[%get3A_2840, %get3A_2841, %get3A_2842] {strides = array<i32>} : memref<2x672x64xf32, #tpu.memory_space<vmem>>, vector<16xf32>,
        %mul3A_2844 = arith.mulf %get3A_2839, %get3A_2843 : vector<16xf32>
        %get3A_2845 = arith.index_cast %rem3A_603 : i32 to index
        %get3A_2846 = arith.index_cast %select_n3A_2835 : i32 to index
        %get3A_2847 = arith.constant 16 : index
        %get3A_2848 = tpu.vector_load %arg8[%get3A_2845, %get3A_2846, %get3A_2847] {strides = array<i32>} : memref<2x32x64xf32, #tpu.memory_space<vmem>>, vector<16xf32>,
        %get3A_2849 = arith.index_cast %rem3A_603 : i32 to index
        %get3A_2850 = arith.index_cast %add3A_2811 : i32 to index
        %get3A_2851 = arith.constant 16 : index
        %get3A_2852 = tpu.vector_load %arg9[%get3A_2849, %get3A_2850, %get3A_2851] {strides = array<i32>} : memref<2x672x64xf32, #tpu.memory_space<vmem>>, vector<16xf32>,
        %mul3A_2853 = arith.mulf %get3A_2848, %get3A_2852 : vector<16xf32>
        %add3A_2854 = arith.addf %mul3A_2844, %mul3A_2853 : vector<16xf32>
        %get3A_2855 = arith.index_cast %rem3A_603 : i32 to index
        %get3A_2856 = arith.index_cast %select_n3A_2835 : i32 to index
        %get3A_2857 = arith.constant 32 : index
        %get3A_2858 = tpu.vector_load %arg8[%get3A_2855, %get3A_2856, %get3A_2857] {strides = array<i32>} : memref<2x32x64xf32, #tpu.memory_space<vmem>>, vector<16xf32>,
        %get3A_2859 = arith.index_cast %rem3A_603 : i32 to index
        %get3A_2860 = arith.index_cast %add3A_2811 : i32 to index
        %get3A_2861 = arith.constant 32 : index
        %get3A_2862 = tpu.vector_load %arg9[%get3A_2859, %get3A_2860, %get3A_2861] {strides = array<i32>} : memref<2x672x64xf32, #tpu.memory_space<vmem>>, vector<16xf32>,
        %mul3A_2863 = arith.mulf %get3A_2858, %get3A_2862 : vector<16xf32>
        %add3A_2864 = arith.addf %add3A_2854, %mul3A_2863 : vector<16xf32>
        %get3A_2865 = arith.index_cast %rem3A_603 : i32 to index
        %get3A_2866 = arith.index_cast %select_n3A_2835 : i32 to index
        %get3A_2867 = arith.constant 48 : index
        %get3A_2868 = tpu.vector_load %arg8[%get3A_2865, %get3A_2866, %get3A_2867] {strides = array<i32>} : memref<2x32x64xf32, #tpu.memory_space<vmem>>, vector<16xf32>,
        %get3A_2869 = arith.index_cast %rem3A_603 : i32 to index
        %get3A_2870 = arith.index_cast %add3A_2811 : i32 to index
        %get3A_2871 = arith.constant 48 : index
        %get3A_2872 = tpu.vector_load %arg9[%get3A_2869, %get3A_2870, %get3A_2871] {strides = array<i32>} : memref<2x672x64xf32, #tpu.memory_space<vmem>>, vector<16xf32>,
        %mul3A_2873 = arith.mulf %get3A_2868, %get3A_2872 : vector<16xf32>
        %add3A_2874 = arith.addf %add3A_2864, %mul3A_2873 : vector<16xf32>
        %reduce_sum3A_2875 = arith.constant true
        %reduce_sum3A_2876 = vector.broadcast %reduce_sum3A_2875 : i1 to vector<16xi1>
        %reduce_sum3A_2877 = tpu.scan <sum>, %add3A_2874 masked %reduce_sum3A_2876 : vector<16xf32>, vector<16xi1> -> vector<16xf32>
        %reduce_sum3A_2878 = vector.extract %reduce_sum3A_2877[15] : f32 from vector<16xf32>
        %eq3A_2879 = arith.constant 12 : i32
        %eq3A_2880 = vector.broadcast %eq3A_2879 : i32 to vector<16xi32>
        %eq3A_2881 = arith.cmpi eq, %iota3A, %eq3A_2880 : vector<16xi32>
        %broadcast_in_dim3A_2882 = vector.broadcast %reduce_sum3A_2878 : f32 to vector<16xf32>
        %select_n3A_2883 = arith.select %eq3A_2881, %broadcast_in_dim3A_2882, %select_n3A_2807 : vector<16xi1>, vector<16xf32>
        %mul3A_2884 = arith.constant 16 : i32
        %mul3A_2885 = arith.muli %scan3A_1889, %mul3A_2884 : i32
        %add3A_2886 = arith.constant 13 : i32
        %add3A_2887 = arith.addi %mul3A_2885, %add3A_2886 : i32
        %jit3A_2888 = arith.constant 21 : i32
        %div3A_2889 = arith.divsi %add3A_2887, %jit3A_2888 : i32
        %sign3A_2890 = arith.constant 0 : i32
        %sign3A_2891 = arith.cmpi sgt, %add3A_2887, %sign3A_2890 : i32
        %sign3A_2892 = arith.extui %sign3A_2891 : i1 to i32
        %sign3A_2893 = arith.constant 0 : i32
        %sign3A_2894 = arith.cmpi slt, %add3A_2887, %sign3A_2893 : i32
        %sign3A_2895 = arith.extui %sign3A_2894 : i1 to i32
        %sign3A_2896 = arith.subi %sign3A_2892, %sign3A_2895 : i32
        %sign3A_2897 = arith.constant 0 : i32
        %sign3A_2898 = arith.cmpi sgt, %jit3A_2888, %sign3A_2897 : i32
        %sign3A_2899 = arith.extui %sign3A_2898 : i1 to i32
        %sign3A_2900 = arith.constant 0 : i32
        %sign3A_2901 = arith.cmpi slt, %jit3A_2888, %sign3A_2900 : i32
        %sign3A_2902 = arith.extui %sign3A_2901 : i1 to i32
        %sign3A_2903 = arith.subi %sign3A_2899, %sign3A_2902 : i32
        %ne3A_2904 = arith.cmpi ne, %sign3A_2896, %sign3A_2903 : i32
        %rem3A_2905 = arith.remsi %add3A_2887, %jit3A_2888 : i32
        %ne3A_2906 = arith.constant 0 : i32
        %ne3A_2907 = arith.cmpi ne, %rem3A_2905, %ne3A_2906 : i32
        %and3A_2908 = arith.andi %ne3A_2904, %ne3A_2907 : i1
        %sub3A_2909 = arith.constant 1 : i32
        %sub3A_2910 = arith.subi %div3A_2889, %sub3A_2909 : i32
        %select_n3A_2911 = arith.select %and3A_2908, %sub3A_2910, %div3A_2889 : i32
        %get3A_2912 = arith.index_cast %rem3A_603 : i32 to index
        %get3A_2913 = arith.index_cast %select_n3A_2911 : i32 to index
        %get3A_2914 = arith.constant 0 : index
        %get3A_2915 = tpu.vector_load %arg8[%get3A_2912, %get3A_2913, %get3A_2914] {strides = array<i32>} : memref<2x32x64xf32, #tpu.memory_space<vmem>>, vector<16xf32>,
        %get3A_2916 = arith.index_cast %rem3A_603 : i32 to index
        %get3A_2917 = arith.index_cast %add3A_2887 : i32 to index
        %get3A_2918 = arith.constant 0 : index
        %get3A_2919 = tpu.vector_load %arg9[%get3A_2916, %get3A_2917, %get3A_2918] {strides = array<i32>} : memref<2x672x64xf32, #tpu.memory_space<vmem>>, vector<16xf32>,
        %mul3A_2920 = arith.mulf %get3A_2915, %get3A_2919 : vector<16xf32>
        %get3A_2921 = arith.index_cast %rem3A_603 : i32 to index
        %get3A_2922 = arith.index_cast %select_n3A_2911 : i32 to index
        %get3A_2923 = arith.constant 16 : index
        %get3A_2924 = tpu.vector_load %arg8[%get3A_2921, %get3A_2922, %get3A_2923] {strides = array<i32>} : memref<2x32x64xf32, #tpu.memory_space<vmem>>, vector<16xf32>,
        %get3A_2925 = arith.index_cast %rem3A_603 : i32 to index
        %get3A_2926 = arith.index_cast %add3A_2887 : i32 to index
        %get3A_2927 = arith.constant 16 : index
        %get3A_2928 = tpu.vector_load %arg9[%get3A_2925, %get3A_2926, %get3A_2927] {strides = array<i32>} : memref<2x672x64xf32, #tpu.memory_space<vmem>>, vector<16xf32>,
        %mul3A_2929 = arith.mulf %get3A_2924, %get3A_2928 : vector<16xf32>
        %add3A_2930 = arith.addf %mul3A_2920, %mul3A_2929 : vector<16xf32>
        %get3A_2931 = arith.index_cast %rem3A_603 : i32 to index
        %get3A_2932 = arith.index_cast %select_n3A_2911 : i32 to index
        %get3A_2933 = arith.constant 32 : index
        %get3A_2934 = tpu.vector_load %arg8[%get3A_2931, %get3A_2932, %get3A_2933] {strides = array<i32>} : memref<2x32x64xf32, #tpu.memory_space<vmem>>, vector<16xf32>,
        %get3A_2935 = arith.index_cast %rem3A_603 : i32 to index
        %get3A_2936 = arith.index_cast %add3A_2887 : i32 to index
        %get3A_2937 = arith.constant 32 : index
        %get3A_2938 = tpu.vector_load %arg9[%get3A_2935, %get3A_2936, %get3A_2937] {strides = array<i32>} : memref<2x672x64xf32, #tpu.memory_space<vmem>>, vector<16xf32>,
        %mul3A_2939 = arith.mulf %get3A_2934, %get3A_2938 : vector<16xf32>
        %add3A_2940 = arith.addf %add3A_2930, %mul3A_2939 : vector<16xf32>
        %get3A_2941 = arith.index_cast %rem3A_603 : i32 to index
        %get3A_2942 = arith.index_cast %select_n3A_2911 : i32 to index
        %get3A_2943 = arith.constant 48 : index
        %get3A_2944 = tpu.vector_load %arg8[%get3A_2941, %get3A_2942, %get3A_2943] {strides = array<i32>} : memref<2x32x64xf32, #tpu.memory_space<vmem>>, vector<16xf32>,
        %get3A_2945 = arith.index_cast %rem3A_603 : i32 to index
        %get3A_2946 = arith.index_cast %add3A_2887 : i32 to index
        %get3A_2947 = arith.constant 48 : index
        %get3A_2948 = tpu.vector_load %arg9[%get3A_2945, %get3A_2946, %get3A_2947] {strides = array<i32>} : memref<2x672x64xf32, #tpu.memory_space<vmem>>, vector<16xf32>,
        %mul3A_2949 = arith.mulf %get3A_2944, %get3A_2948 : vector<16xf32>
        %add3A_2950 = arith.addf %add3A_2940, %mul3A_2949 : vector<16xf32>
        %reduce_sum3A_2951 = arith.constant true
        %reduce_sum3A_2952 = vector.broadcast %reduce_sum3A_2951 : i1 to vector<16xi1>
        %reduce_sum3A_2953 = tpu.scan <sum>, %add3A_2950 masked %reduce_sum3A_2952 : vector<16xf32>, vector<16xi1> -> vector<16xf32>
        %reduce_sum3A_2954 = vector.extract %reduce_sum3A_2953[15] : f32 from vector<16xf32>
        %eq3A_2955 = arith.constant 13 : i32
        %eq3A_2956 = vector.broadcast %eq3A_2955 : i32 to vector<16xi32>
        %eq3A_2957 = arith.cmpi eq, %iota3A, %eq3A_2956 : vector<16xi32>
        %broadcast_in_dim3A_2958 = vector.broadcast %reduce_sum3A_2954 : f32 to vector<16xf32>
        %select_n3A_2959 = arith.select %eq3A_2957, %broadcast_in_dim3A_2958, %select_n3A_2883 : vector<16xi1>, vector<16xf32>
        %mul3A_2960 = arith.constant 16 : i32
        %mul3A_2961 = arith.muli %scan3A_1889, %mul3A_2960 : i32
        %add3A_2962 = arith.constant 14 : i32
        %add3A_2963 = arith.addi %mul3A_2961, %add3A_2962 : i32
        %jit3A_2964 = arith.constant 21 : i32
        %div3A_2965 = arith.divsi %add3A_2963, %jit3A_2964 : i32
        %sign3A_2966 = arith.constant 0 : i32
        %sign3A_2967 = arith.cmpi sgt, %add3A_2963, %sign3A_2966 : i32
        %sign3A_2968 = arith.extui %sign3A_2967 : i1 to i32
        %sign3A_2969 = arith.constant 0 : i32
        %sign3A_2970 = arith.cmpi slt, %add3A_2963, %sign3A_2969 : i32
        %sign3A_2971 = arith.extui %sign3A_2970 : i1 to i32
        %sign3A_2972 = arith.subi %sign3A_2968, %sign3A_2971 : i32
        %sign3A_2973 = arith.constant 0 : i32
        %sign3A_2974 = arith.cmpi sgt, %jit3A_2964, %sign3A_2973 : i32
        %sign3A_2975 = arith.extui %sign3A_2974 : i1 to i32
        %sign3A_2976 = arith.constant 0 : i32
        %sign3A_2977 = arith.cmpi slt, %jit3A_2964, %sign3A_2976 : i32
        %sign3A_2978 = arith.extui %sign3A_2977 : i1 to i32
        %sign3A_2979 = arith.subi %sign3A_2975, %sign3A_2978 : i32
        %ne3A_2980 = arith.cmpi ne, %sign3A_2972, %sign3A_2979 : i32
        %rem3A_2981 = arith.remsi %add3A_2963, %jit3A_2964 : i32
        %ne3A_2982 = arith.constant 0 : i32
        %ne3A_2983 = arith.cmpi ne, %rem3A_2981, %ne3A_2982 : i32
        %and3A_2984 = arith.andi %ne3A_2980, %ne3A_2983 : i1
        %sub3A_2985 = arith.constant 1 : i32
        %sub3A_2986 = arith.subi %div3A_2965, %sub3A_2985 : i32
        %select_n3A_2987 = arith.select %and3A_2984, %sub3A_2986, %div3A_2965 : i32
        %get3A_2988 = arith.index_cast %rem3A_603 : i32 to index
        %get3A_2989 = arith.index_cast %select_n3A_2987 : i32 to index
        %get3A_2990 = arith.constant 0 : index
        %get3A_2991 = tpu.vector_load %arg8[%get3A_2988, %get3A_2989, %get3A_2990] {strides = array<i32>} : memref<2x32x64xf32, #tpu.memory_space<vmem>>, vector<16xf32>,
        %get3A_2992 = arith.index_cast %rem3A_603 : i32 to index
        %get3A_2993 = arith.index_cast %add3A_2963 : i32 to index
        %get3A_2994 = arith.constant 0 : index
        %get3A_2995 = tpu.vector_load %arg9[%get3A_2992, %get3A_2993, %get3A_2994] {strides = array<i32>} : memref<2x672x64xf32, #tpu.memory_space<vmem>>, vector<16xf32>,
        %mul3A_2996 = arith.mulf %get3A_2991, %get3A_2995 : vector<16xf32>
        %get3A_2997 = arith.index_cast %rem3A_603 : i32 to index
        %get3A_2998 = arith.index_cast %select_n3A_2987 : i32 to index
        %get3A_2999 = arith.constant 16 : index
        %get3A_3000 = tpu.vector_load %arg8[%get3A_2997, %get3A_2998, %get3A_2999] {strides = array<i32>} : memref<2x32x64xf32, #tpu.memory_space<vmem>>, vector<16xf32>,
        %get3A_3001 = arith.index_cast %rem3A_603 : i32 to index
        %get3A_3002 = arith.index_cast %add3A_2963 : i32 to index
        %get3A_3003 = arith.constant 16 : index
        %get3A_3004 = tpu.vector_load %arg9[%get3A_3001, %get3A_3002, %get3A_3003] {strides = array<i32>} : memref<2x672x64xf32, #tpu.memory_space<vmem>>, vector<16xf32>,
        %mul3A_3005 = arith.mulf %get3A_3000, %get3A_3004 : vector<16xf32>
        %add3A_3006 = arith.addf %mul3A_2996, %mul3A_3005 : vector<16xf32>
        %get3A_3007 = arith.index_cast %rem3A_603 : i32 to index
        %get3A_3008 = arith.index_cast %select_n3A_2987 : i32 to index
        %get3A_3009 = arith.constant 32 : index
        %get3A_3010 = tpu.vector_load %arg8[%get3A_3007, %get3A_3008, %get3A_3009] {strides = array<i32>} : memref<2x32x64xf32, #tpu.memory_space<vmem>>, vector<16xf32>,
        %get3A_3011 = arith.index_cast %rem3A_603 : i32 to index
        %get3A_3012 = arith.index_cast %add3A_2963 : i32 to index
        %get3A_3013 = arith.constant 32 : index
        %get3A_3014 = tpu.vector_load %arg9[%get3A_3011, %get3A_3012, %get3A_3013] {strides = array<i32>} : memref<2x672x64xf32, #tpu.memory_space<vmem>>, vector<16xf32>,
        %mul3A_3015 = arith.mulf %get3A_3010, %get3A_3014 : vector<16xf32>
        %add3A_3016 = arith.addf %add3A_3006, %mul3A_3015 : vector<16xf32>
        %get3A_3017 = arith.index_cast %rem3A_603 : i32 to index
        %get3A_3018 = arith.index_cast %select_n3A_2987 : i32 to index
        %get3A_3019 = arith.constant 48 : index
        %get3A_3020 = tpu.vector_load %arg8[%get3A_3017, %get3A_3018, %get3A_3019] {strides = array<i32>} : memref<2x32x64xf32, #tpu.memory_space<vmem>>, vector<16xf32>,
        %get3A_3021 = arith.index_cast %rem3A_603 : i32 to index
        %get3A_3022 = arith.index_cast %add3A_2963 : i32 to index
        %get3A_3023 = arith.constant 48 : index
        %get3A_3024 = tpu.vector_load %arg9[%get3A_3021, %get3A_3022, %get3A_3023] {strides = array<i32>} : memref<2x672x64xf32, #tpu.memory_space<vmem>>, vector<16xf32>,
        %mul3A_3025 = arith.mulf %get3A_3020, %get3A_3024 : vector<16xf32>
        %add3A_3026 = arith.addf %add3A_3016, %mul3A_3025 : vector<16xf32>
        %reduce_sum3A_3027 = arith.constant true
        %reduce_sum3A_3028 = vector.broadcast %reduce_sum3A_3027 : i1 to vector<16xi1>
        %reduce_sum3A_3029 = tpu.scan <sum>, %add3A_3026 masked %reduce_sum3A_3028 : vector<16xf32>, vector<16xi1> -> vector<16xf32>
        %reduce_sum3A_3030 = vector.extract %reduce_sum3A_3029[15] : f32 from vector<16xf32>
        %eq3A_3031 = arith.constant 14 : i32
        %eq3A_3032 = vector.broadcast %eq3A_3031 : i32 to vector<16xi32>
        %eq3A_3033 = arith.cmpi eq, %iota3A, %eq3A_3032 : vector<16xi32>
        %broadcast_in_dim3A_3034 = vector.broadcast %reduce_sum3A_3030 : f32 to vector<16xf32>
        %select_n3A_3035 = arith.select %eq3A_3033, %broadcast_in_dim3A_3034, %select_n3A_2959 : vector<16xi1>, vector<16xf32>
        %mul3A_3036 = arith.constant 16 : i32
        %mul3A_3037 = arith.muli %scan3A_1889, %mul3A_3036 : i32
        %add3A_3038 = arith.constant 15 : i32
        %add3A_3039 = arith.addi %mul3A_3037, %add3A_3038 : i32
        %jit3A_3040 = arith.constant 21 : i32
        %div3A_3041 = arith.divsi %add3A_3039, %jit3A_3040 : i32
        %sign3A_3042 = arith.constant 0 : i32
        %sign3A_3043 = arith.cmpi sgt, %add3A_3039, %sign3A_3042 : i32
        %sign3A_3044 = arith.extui %sign3A_3043 : i1 to i32
        %sign3A_3045 = arith.constant 0 : i32
        %sign3A_3046 = arith.cmpi slt, %add3A_3039, %sign3A_3045 : i32
        %sign3A_3047 = arith.extui %sign3A_3046 : i1 to i32
        %sign3A_3048 = arith.subi %sign3A_3044, %sign3A_3047 : i32
        %sign3A_3049 = arith.constant 0 : i32
        %sign3A_3050 = arith.cmpi sgt, %jit3A_3040, %sign3A_3049 : i32
        %sign3A_3051 = arith.extui %sign3A_3050 : i1 to i32
        %sign3A_3052 = arith.constant 0 : i32
        %sign3A_3053 = arith.cmpi slt, %jit3A_3040, %sign3A_3052 : i32
        %sign3A_3054 = arith.extui %sign3A_3053 : i1 to i32
        %sign3A_3055 = arith.subi %sign3A_3051, %sign3A_3054 : i32
        %ne3A_3056 = arith.cmpi ne, %sign3A_3048, %sign3A_3055 : i32
        %rem3A_3057 = arith.remsi %add3A_3039, %jit3A_3040 : i32
        %ne3A_3058 = arith.constant 0 : i32
        %ne3A_3059 = arith.cmpi ne, %rem3A_3057, %ne3A_3058 : i32
        %and3A_3060 = arith.andi %ne3A_3056, %ne3A_3059 : i1
        %sub3A_3061 = arith.constant 1 : i32
        %sub3A_3062 = arith.subi %div3A_3041, %sub3A_3061 : i32
        %select_n3A_3063 = arith.select %and3A_3060, %sub3A_3062, %div3A_3041 : i32
        %get3A_3064 = arith.index_cast %rem3A_603 : i32 to index
        %get3A_3065 = arith.index_cast %select_n3A_3063 : i32 to index
        %get3A_3066 = arith.constant 0 : index
        %get3A_3067 = tpu.vector_load %arg8[%get3A_3064, %get3A_3065, %get3A_3066] {strides = array<i32>} : memref<2x32x64xf32, #tpu.memory_space<vmem>>, vector<16xf32>,
        %get3A_3068 = arith.index_cast %rem3A_603 : i32 to index
        %get3A_3069 = arith.index_cast %add3A_3039 : i32 to index
        %get3A_3070 = arith.constant 0 : index
        %get3A_3071 = tpu.vector_load %arg9[%get3A_3068, %get3A_3069, %get3A_3070] {strides = array<i32>} : memref<2x672x64xf32, #tpu.memory_space<vmem>>, vector<16xf32>,
        %mul3A_3072 = arith.mulf %get3A_3067, %get3A_3071 : vector<16xf32>
        %get3A_3073 = arith.index_cast %rem3A_603 : i32 to index
        %get3A_3074 = arith.index_cast %select_n3A_3063 : i32 to index
        %get3A_3075 = arith.constant 16 : index
        %get3A_3076 = tpu.vector_load %arg8[%get3A_3073, %get3A_3074, %get3A_3075] {strides = array<i32>} : memref<2x32x64xf32, #tpu.memory_space<vmem>>, vector<16xf32>,
        %get3A_3077 = arith.index_cast %rem3A_603 : i32 to index
        %get3A_3078 = arith.index_cast %add3A_3039 : i32 to index
        %get3A_3079 = arith.constant 16 : index
        %get3A_3080 = tpu.vector_load %arg9[%get3A_3077, %get3A_3078, %get3A_3079] {strides = array<i32>} : memref<2x672x64xf32, #tpu.memory_space<vmem>>, vector<16xf32>,
        %mul3A_3081 = arith.mulf %get3A_3076, %get3A_3080 : vector<16xf32>
        %add3A_3082 = arith.addf %mul3A_3072, %mul3A_3081 : vector<16xf32>
        %get3A_3083 = arith.index_cast %rem3A_603 : i32 to index
        %get3A_3084 = arith.index_cast %select_n3A_3063 : i32 to index
        %get3A_3085 = arith.constant 32 : index
        %get3A_3086 = tpu.vector_load %arg8[%get3A_3083, %get3A_3084, %get3A_3085] {strides = array<i32>} : memref<2x32x64xf32, #tpu.memory_space<vmem>>, vector<16xf32>,
        %get3A_3087 = arith.index_cast %rem3A_603 : i32 to index
        %get3A_3088 = arith.index_cast %add3A_3039 : i32 to index
        %get3A_3089 = arith.constant 32 : index
        %get3A_3090 = tpu.vector_load %arg9[%get3A_3087, %get3A_3088, %get3A_3089] {strides = array<i32>} : memref<2x672x64xf32, #tpu.memory_space<vmem>>, vector<16xf32>,
        %mul3A_3091 = arith.mulf %get3A_3086, %get3A_3090 : vector<16xf32>
        %add3A_3092 = arith.addf %add3A_3082, %mul3A_3091 : vector<16xf32>
        %get3A_3093 = arith.index_cast %rem3A_603 : i32 to index
        %get3A_3094 = arith.index_cast %select_n3A_3063 : i32 to index
        %get3A_3095 = arith.constant 48 : index
        %get3A_3096 = tpu.vector_load %arg8[%get3A_3093, %get3A_3094, %get3A_3095] {strides = array<i32>} : memref<2x32x64xf32, #tpu.memory_space<vmem>>, vector<16xf32>,
        %get3A_3097 = arith.index_cast %rem3A_603 : i32 to index
        %get3A_3098 = arith.index_cast %add3A_3039 : i32 to index
        %get3A_3099 = arith.constant 48 : index
        %get3A_3100 = tpu.vector_load %arg9[%get3A_3097, %get3A_3098, %get3A_3099] {strides = array<i32>} : memref<2x672x64xf32, #tpu.memory_space<vmem>>, vector<16xf32>,
        %mul3A_3101 = arith.mulf %get3A_3096, %get3A_3100 : vector<16xf32>
        %add3A_3102 = arith.addf %add3A_3092, %mul3A_3101 : vector<16xf32>
        %reduce_sum3A_3103 = arith.constant true
        %reduce_sum3A_3104 = vector.broadcast %reduce_sum3A_3103 : i1 to vector<16xi1>
        %reduce_sum3A_3105 = tpu.scan <sum>, %add3A_3102 masked %reduce_sum3A_3104 : vector<16xf32>, vector<16xi1> -> vector<16xf32>
        %reduce_sum3A_3106 = vector.extract %reduce_sum3A_3105[15] : f32 from vector<16xf32>
        %eq3A_3107 = arith.constant 15 : i32
        %eq3A_3108 = vector.broadcast %eq3A_3107 : i32 to vector<16xi32>
        %eq3A_3109 = arith.cmpi eq, %iota3A, %eq3A_3108 : vector<16xi32>
        %broadcast_in_dim3A_3110 = vector.broadcast %reduce_sum3A_3106 : f32 to vector<16xf32>
        %select_n3A_3111 = arith.select %eq3A_3109, %broadcast_in_dim3A_3110, %select_n3A_3035 : vector<16xi1>, vector<16xf32>
        %mul3A_3112 = arith.mulf %select_n3A_3111, %get3A_1893 : vector<16xf32>
        %mul3A_3113 = arith.constant 16 : i32
        %mul3A_3114 = arith.muli %scan3A_1889, %mul3A_3113 : i32
        %swap3A_3115 = arith.index_cast %rem3A_603 : i32 to index
        %swap3A_3116 = arith.index_cast %mul3A_3114 : i32 to index
        %swap3A_3117 = tpu.vector_load %arg10[%swap3A_3115, %swap3A_3116] {strides = array<i32>} : memref<2x672xf32, #tpu.memory_space<vmem>>, vector<16xf32>,
        tpu.vector_store %arg10[%swap3A_3115, %swap3A_3116], %mul3A_3112 {strides = array<i32>} : memref<2x672xf32, #tpu.memory_space<vmem>>, vector<16xf32>,
      }
      %scan3A_653 = arith.constant 42 : i32
      %mul3A_654 = arith.constant 512 : i32
      %mul3A_655 = arith.muli %add3A, %mul3A_654 : i32
      %mul3A_656 = arith.constant 32 : i32
      %mul3A_657 = arith.muli %scan3A_602, %mul3A_656 : i32
      %add3A_658 = arith.addi %mul3A_655, %mul3A_657 : i32
      %mul3A_659 = arith.constant 21 : i32
      %mul3A_660 = arith.muli %add3A_658, %mul3A_659 : i32
      %dma_start3A_661 = arith.constant 0 : i32
      %dma_start3A_662 = tpu.memref_slice %arg10[%rem3A_603, %dma_start3A_661] : memref<2x672xf32, #tpu.memory_space<vmem>> -> memref<1x672xf32, #tpu.memory_space<vmem>>
      %dma_start3A_663 = tpu.memref_squeeze %dma_start3A_662 : memref<1x672xf32, #tpu.memory_space<vmem>> -> memref<672xf32, #tpu.memory_space<vmem>>
      %dma_start3A_664 = tpu.memref_slice %arg6[%mul3A_660] : memref<344064xf32, #tpu.memory_space<hbm>> -> memref<672xf32, #tpu.memory_space<hbm>>
      %dma_start3A_665 = tpu.memref_slice %arg6[%mul3A_660] : memref<344064xf32, #tpu.memory_space<hbm>> -> memref<672xf32, #tpu.memory_space<hbm>>
      %dma_start3A_666 = arith.constant 0 : i32
      %dma_start3A_667 = tpu.memref_slice %arg10[%rem3A_603, %dma_start3A_666] : memref<2x672xf32, #tpu.memory_space<vmem>> -> memref<1x672xf32, #tpu.memory_space<vmem>>
      %dma_start3A_668 = tpu.memref_squeeze %dma_start3A_667 : memref<1x672xf32, #tpu.memory_space<vmem>> -> memref<672xf32, #tpu.memory_space<vmem>>
      tpu.enqueue_dma source(%dma_start3A_668 : memref<672xf32, #tpu.memory_space<vmem>>) target(%dma_start3A_665 : memref<672xf32, #tpu.memory_space<hbm>>) target_semaphore(%arg13 : memref<!tpu.dma_semaphore, #tpu.memory_space<semaphore_mem>>)
    }
    %scan3A_571 = arith.constant 16 : i32
    %mul3A_572 = arith.constant 512 : i32
    %mul3A_573 = arith.muli %add3A, %mul3A_572 : i32
    %add3A_574 = arith.constant 448 : i32
    %add3A_575 = arith.addi %mul3A_573, %add3A_574 : i32
    %mul3A_576 = arith.constant 21 : i32
    %mul3A_577 = arith.muli %add3A_575, %mul3A_576 : i32
    %dma_wait3A_578 = arith.constant 0 : i32
    %dma_wait3A_579 = arith.constant 0 : i32
    %dma_wait3A_580 = tpu.memref_slice %arg10[%dma_wait3A_578, %dma_wait3A_579] : memref<2x672xf32, #tpu.memory_space<vmem>> -> memref<1x672xf32, #tpu.memory_space<vmem>>
    %dma_wait3A_581 = tpu.memref_squeeze %dma_wait3A_580 : memref<1x672xf32, #tpu.memory_space<vmem>> -> memref<672xf32, #tpu.memory_space<vmem>>
    %dma_wait3A_582 = tpu.memref_slice %arg6[%mul3A_577] : memref<344064xf32, #tpu.memory_space<hbm>> -> memref<672xf32, #tpu.memory_space<hbm>>
    %dma_wait3A_583 = tpu.memref_slice %arg6[%mul3A_577] : memref<344064xf32, #tpu.memory_space<hbm>> -> memref<672xf32, #tpu.memory_space<hbm>>
    %dma_wait3A_584 = arith.constant 0 : i32
    %dma_wait3A_585 = tpu.memref_slice %arg10[%dma_wait3A_578, %dma_wait3A_584] : memref<2x672xf32, #tpu.memory_space<vmem>> -> memref<1x672xf32, #tpu.memory_space<vmem>>
    %dma_wait3A_586 = tpu.memref_squeeze %dma_wait3A_585 : memref<1x672xf32, #tpu.memory_space<vmem>> -> memref<672xf32, #tpu.memory_space<vmem>>
    tpu.wait_dma2 semaphore(%arg13 : memref<!tpu.dma_semaphore, #tpu.memory_space<semaphore_mem>>) src(%dma_wait3A_586 : memref<672xf32, #tpu.memory_space<vmem>>) dst(%dma_wait3A_583 : memref<672xf32, #tpu.memory_space<hbm>>)
    %mul3A_587 = arith.constant 512 : i32
    %mul3A_588 = arith.muli %add3A, %mul3A_587 : i32
    %add3A_589 = arith.constant 480 : i32
    %add3A_590 = arith.addi %mul3A_588, %add3A_589 : i32
    %mul3A_591 = arith.constant 21 : i32
    %mul3A_592 = arith.muli %add3A_590, %mul3A_591 : i32
    %dma_wait3A_593 = arith.constant 1 : i32
    %dma_wait3A_594 = arith.constant 0 : i32
    %dma_wait3A_595 = tpu.memref_slice %arg10[%dma_wait3A_593, %dma_wait3A_594] : memref<2x672xf32, #tpu.memory_space<vmem>> -> memref<1x672xf32, #tpu.memory_space<vmem>>
    %dma_wait3A_596 = tpu.memref_squeeze %dma_wait3A_595 : memref<1x672xf32, #tpu.memory_space<vmem>> -> memref<672xf32, #tpu.memory_space<vmem>>
    %dma_wait3A_597 = tpu.memref_slice %arg6[%mul3A_592] : memref<344064xf32, #tpu.memory_space<hbm>> -> memref<672xf32, #tpu.memory_space<hbm>>
    %dma_wait3A_598 = tpu.memref_slice %arg6[%mul3A_592] : memref<344064xf32, #tpu.memory_space<hbm>> -> memref<672xf32, #tpu.memory_space<hbm>>
    %dma_wait3A_599 = arith.constant 0 : i32
    %dma_wait3A_600 = tpu.memref_slice %arg10[%dma_wait3A_593, %dma_wait3A_599] : memref<2x672xf32, #tpu.memory_space<vmem>> -> memref<1x672xf32, #tpu.memory_space<vmem>>
    %dma_wait3A_601 = tpu.memref_squeeze %dma_wait3A_600 : memref<1x672xf32, #tpu.memory_space<vmem>> -> memref<672xf32, #tpu.memory_space<vmem>>
    tpu.wait_dma2 semaphore(%arg13 : memref<!tpu.dma_semaphore, #tpu.memory_space<semaphore_mem>>) src(%dma_wait3A_601 : memref<672xf32, #tpu.memory_space<vmem>>) dst(%dma_wait3A_598 : memref<672xf32, #tpu.memory_space<hbm>>)
    return
  }
}

module attributes {stable_mosaic.version = 14 : i64} {
  func.func @body(%arg0: memref<2688x128xf32, #tpu.memory_space<vmem>>, %arg1: memref<1x1xf32, #tpu.memory_space<smem>>) attributes {dimension_semantics = [], scalar_prefetch = 0 : i64, scratch_operands = 0 : i64, tpu.core_type = #tpu.core_type<tc>} {
    %get3A = arith.constant 0 : index
    %get3A_0 = arith.constant 0 : index
    %get3A_1 = vector.load %arg0[%get3A, %get3A_0] : memref<2688x128xf32, #tpu.memory_space<vmem>>, vector<2688x128xf32>
    %exp3A = math.exp %get3A_1 : vector<2688x128xf32>
    %add3A = arith.constant 1.000000e+00 : f32
    %add3A_2 = vector.broadcast %add3A : f32 to vector<2688x128xf32>
    %add3A_3 = arith.addf %add3A_2, %exp3A : vector<2688x128xf32>
    %log3A = math.log %add3A_3 : vector<2688x128xf32>
    %reduce_sum3A = vector.shape_cast %log3A : vector<2688x128xf32> to vector<1x2688x128xf32>
    %reduce_sum3A_4 = arith.constant dense<0.000000e+00> : vector<1xf32>
    %reduce_sum3A_5 = vector.multi_reduction <add>, %reduce_sum3A, %reduce_sum3A_4 [1, 2] : vector<1x2688x128xf32> to vector<1xf32>
    %reduce_sum3A_6 = vector.shape_cast %reduce_sum3A_5 : vector<1xf32> to vector<1x1x1xf32>
    %reduce_sum3A_7 = vector.extract %reduce_sum3A_6[0, 0, 0] : f32 from vector<1x1x1xf32>
    %swap3A = arith.constant 0 : index
    %swap3A_8 = arith.constant 0 : index
    %swap3A_9 = memref.load %arg1[%swap3A, %swap3A_8] : memref<1x1xf32, #tpu.memory_space<smem>>
    memref.store %reduce_sum3A_7, %arg1[%swap3A, %swap3A_8] : memref<1x1xf32, #tpu.memory_space<smem>>
    return
  }
}

</mosaic_0001>

<sc_bundles>
// kernel: kernel.4.cloned.1.call-start
scs
__scs_entry_jumppad:
0x0: {  	(pc) =	sbr.rel $0x88, $3  }
0x1: {  	(tag) =	ssettag $0x0;
	lr =	simm.s32 $0x1  }
0x2: {  	[smem:$0x3F9C] =	sst lr;
	_ =	strace $0xD0000000  }
0x3: {  	_ = 	snop  }
0x4: {  	_ = 	snop  }
0x5: {  	_ = 	snop  }
0x6: {  	_ = 	snop  }
0x7: {  	_ = 	snop  }
__scs_overlays_trampoline_lowered:
0x8: {  	[smem:$0x3FAB] =	sst s0  }
0x9: {  	[smem:$0x3FAC] =	sst s1  }
0xa: {  	[smem:$0x3FAD] =	sst s2  }
0xb: {  	[smem:$0x3FAE] =	sst s3  }
0xc: {  	[smem:$0x3FAF] =	sst s4  }
0xd: {  	[smem:$0x3FB0] =	sst s5  }
0xe: {  	[smem:$0x3FB1] =	sst s6  }
0xf: {  	[smem:$0x3FB2] =	sst s7  }
0x10: {  	[smem:$0x3FB3] =	sst s8  }
0x11: {  	[smem:$0x3FB4] =	sst s9;
	s0 =	simm.s32 @!p0 $0x0  }
0x12: {  	s1 =	sld [smem:$0x3F9A];
	s0 =	simm.s32 @p0 $0x1  }
0x13: {  	[smem:$0x3FB5] =	sst s0;
	s0 =	simm.s32 @!p1 $0x0  }
0x14: {  	s2 =	sld [smem:$0x3F99];
	s0 =	simm.s32 @p1 $0x1  }
0x15: {  	[smem:$0x3FB6] =	sst s0;
	s0 =	simm.s32 @!p2 $0x0  }
0x16: {  	s3 =	sld [smem:$0x3FDB];
	s0 =	simm.s32 @p2 $0x1  }
0x17: {  	s4 =	simm.s32 $0x1BF5;
	[smem:$0x3FB8] =	sst s0  }
0x18: {  	s0 =	sld [smem:$0x3F9B];
	_ =	swait.ge [sflag:s4], $0x0  }
0x19: {  	s7 =	sld [smem:$0x3F9C]  }
0x1a: {  	s8 =	sadd.s32 $0xFFFFE003, lr  }
0x1b: {  	s9 =	sadd.s32 $0xFFFFFEF7, lr;
	s5 =	simm.s32 $0xFFFFFFFF;
	p2 =	slt.u32 s8, $0xFFFFF086  }
0x1c: {  	p1 =	slt.u32 s9, $0xF7A;
	s5 =	simm.s32 @!p2 $0x0  }
0x1d: {  	s5 =	simm.s32 @p1 $0x1;
	p0 =	seq.s32 s7, s2  }
0x1e: {  	s7 =	smul.u32 @!p0 $0xF7A, s2;
	p2 =	seq.s32 @!p0 s5, $0x0  }
0x1f: {  	s9 =	smul.u32 $0xF7A, s1;
	s8 =	simm.s32 @!p0 $0x1BF5;
	p2 =	por !p2, p0  }
0x20: {  	[sflag:s8] =	ssyncset.s32 @!p0 $0xFFFFF086;
	s6 =	sadd.s32 @!p0 s3, s7;
	s7 =	simm.s32 @!p0 $0x108  }
0x21: {  	s3 =	sadd.s32 s3, s9;
	s6 =	sadd.s32 @!p0 $0x88, s6;
	s7 =	simm.s32 @p2 $0x1082  }
0x22: {  	[simem:s7], [sflag:s8] =	dma.local @!p0 [hbm:s6], $0xF7A  }
0x23: {  	s9 =	sor.u32 $0xD0000000, s2;
	s6 =	simm.s32 $0x108;
	_ =	swait.ge @!p0 [sflag:s8], $0x0  }
0x24: {  	s3 =	sadd.s32 $0x88, s3;
	s6 =	simm.s32 @!p1 $0x1082;
	[sflag:s4] =	ssyncset.s32 $0xFFFFF086  }
0x25: {  	[simem:s6], [sflag:s4] =	dma.local [hbm:s3], $0xF7A  }
0x26: {  	[smem:$0x3F9C] =	sst s1;
	(tag) =	ssettag s2;
	_ =	strace s9  }
0x27: {  	s1 =	sld [smem:$0x3FAC]  }
0x28: {  	s2 =	sld [smem:$0x3FAD]  }
0x29: {  	s4 =	sld [smem:$0x3FAF]  }
0x2a: {  	p0 =	seq.s32 s5, $0x0;
	s5 =	sld [smem:$0x3FB0]  }
0x2b: {  	s6 =	sld [smem:$0x3FB1]  }
0x2c: {  	s7 =	sld [smem:$0x3FB2]  }
0x2d: {  	s3 =	simm.s32 $0x108;
	s8 =	sld [smem:$0x3FB3]  }
0x2e: {  	s3 =	simm.s32 @!p0 $0x1082;
	s9 =	sld [smem:$0x3FB4]  }
0x2f: {  	lr =	sadd.s32 s0, s3;
	s0 =	sld [smem:$0x3FAB]  }
0x30: {  	s3 =	sld [smem:$0x3FAE]  }
0x31: {  	[smem:$0x3FB7] =	sst s10  }
0x32: {  	s10 =	sld [smem:$0x3FB5];
	_ =	sdelay $0x3  }
0x33: {  	p0 =	seq.s32 s10, $0x1;
	s10 =	sld [smem:$0x3FB7];
	_ =	sdelay $0x3  }
0x34: {  	[smem:$0x3FB7] =	sst s10  }
0x35: {  	s10 =	sld [smem:$0x3FB6];
	_ =	sdelay $0x3  }
0x36: {  	p1 =	seq.s32 s10, $0x1;
	s10 =	sld [smem:$0x3FB7];
	_ =	sdelay $0x3  }
0x37: {  	[smem:$0x3FB7] =	sst s10  }
0x38: {  	s10 =	sld [smem:$0x3FB8]  }
0x39: {  	_ = 	snop;
	(pc) =	sbr.ind lr, $3  }
0x3a: {  	_ = 	snop  }
0x3b: {  	_ = 	snop  }
0x3c: {  	p2 =	seq.s32 s10, $0x1;
	s10 =	sld [smem:$0x3FB7]  }
0x3d: {  	_ =	shalt  }
0x3e: {  	_ =	shalt  }
0x3f: {  	_ =	shalt  }
0x40: {  	_ =	shalt  }
0x41: {  	_ =	shalt  }
0x42: {  	_ =	shalt  }
0x43: {  	_ =	shalt  }
0x44: {  	_ =	shalt  }
0x45: {  	_ =	shalt  }
0x46: {  	_ =	shalt  }
0x47: {  	_ =	shalt  }
0x48: {  	_ =	shalt  }
0x49: {  	_ =	shalt  }
0x4a: {  	_ =	shalt  }
0x4b: {  	_ =	shalt  }
0x4c: {  	_ =	shalt  }
0x4d: {  	_ =	shalt  }
0x4e: {  	_ =	shalt  }
0x4f: {  	_ =	shalt  }
0x50: {  	_ =	shalt  }
0x51: {  	_ =	shalt  }
0x52: {  	_ =	shalt  }
0x53: {  	_ =	shalt  }
0x54: {  	_ =	shalt  }
0x55: {  	_ =	shalt  }
0x56: {  	_ =	shalt  }
0x57: {  	_ =	shalt  }
0x58: {  	_ =	shalt  }
0x59: {  	_ =	shalt  }
0x5a: {  	_ =	shalt  }
0x5b: {  	_ =	shalt  }
0x5c: {  	_ =	shalt  }
0x5d: {  	_ =	shalt  }
0x5e: {  	_ =	shalt  }
0x5f: {  	_ =	shalt  }
0x60: {  	_ =	shalt  }
0x61: {  	_ =	shalt  }
0x62: {  	_ =	shalt  }
0x63: {  	_ =	shalt  }
0x64: {  	_ =	shalt  }
0x65: {  	_ =	shalt  }
0x66: {  	_ =	shalt  }
0x67: {  	_ =	shalt  }
0x68: {  	_ =	shalt  }
0x69: {  	_ =	shalt  }
0x6a: {  	_ =	shalt  }
0x6b: {  	_ =	shalt  }
0x6c: {  	_ =	shalt  }
0x6d: {  	_ =	shalt  }
0x6e: {  	_ =	shalt  }
0x6f: {  	_ =	shalt  }
0x70: {  	_ =	shalt  }
0x71: {  	_ =	shalt  }
0x72: {  	_ =	shalt  }
0x73: {  	_ =	shalt  }
0x74: {  	_ =	shalt  }
0x75: {  	_ =	shalt  }
0x76: {  	_ =	shalt  }
0x77: {  	_ =	shalt  }
0x78: {  	_ =	shalt  }
0x79: {  	_ =	shalt  }
0x7a: {  	_ =	shalt  }
0x7b: {  	_ =	shalt  }
0x7c: {  	_ =	shalt  }
0x7d: {  	_ =	shalt  }
0x7e: {  	_ =	shalt  }
0x7f: {  	_ =	shalt  }
0x80: {  	_ =	shalt  }
0x81: {  	_ =	shalt  }
0x82: {  	_ =	shalt  }
0x83: {  	_ =	shalt  }
0x84: {  	_ =	shalt  }
0x85: {  	_ =	shalt  }
0x86: {  	_ =	shalt  }
0x87: {  	_ =	shalt  }
.Lfunc_end0:
.L_simem_size_0:
called_computation_lowered:
.L_overlay_start_0:
0x88: {  	s2 =	sld [smem:$0x3FD9]  }
0x89: {  	s3 =	sld [smem:$0x3FFE];
	_ =	sdelay $0x1  }
0x8a: {  	s1 =	srdreg.scid  }
0x8b: {  	s0 =	sand.u32 $0x1, s1  }
0x8c: {  	s16 =	sshll.u32 s0, $0xA;
	s2 =	sadd.s32 s3, s2  }
0x8d: {  	s2 =	sadd.s32 s2, s16  }
0x8e: {  	[smem:$0x3FC3] =	sst s2  }
0x8f: {  	_ = 	snop  }
0x90: {  	(tm) =	ssettm $0x1  }
0x91: {  	s17 =	sld [smem:$0x3FFB];
	_ =	sdelay $0x3  }
0x92: {  	_ =	strace s17  }
0x93: {  	s2 =	sld [smem:$0x3FFC];
	_ =	sdelay $0x3  }
0x94: {  	_ =	strace s2  }
0x95: {  	s2 =	sld [smem:$0x3FFD];
	_ =	sdelay $0x3  }
0x96: {  	_ =	strace s2  }
0x97: {  	_ =	strace $0x8FFFFFFF  }
0x98: {  	s18 =	sld [smem:$0x3FDB];
	_ =	sdelay $0x1  }
0x99: {  	s19 =	simm.s32 $_scs_section_size  }
0x9a: {  	s4 =	simm.s32 $_size__tile_overlayer_lowered;
	s5 =	simm.s32 $_tile_overlayer_lowered  }
0x9b: {  	s22 =	simm.s32 $0x1BFF;
	s21 =	sshll.u32 s5, $0x1;
	s2 =	sadd.s32 s19, s18  }
0x9c: {  	s6 =	simm.s32 $0x0;
	s20 =	sshll.u32 s4, $0x1;
	s4 =	sadd.s32 s21, s2  }
0x9d: {  	[timem:s6], [sflag:s22] =	dma.local [hbm:s4], s20  }
0x9e: {  	_ =	swait.ge [sflag:s22], s20  }
0x9f: {  	s3 =	ssub.s32 $0x0, s20;
	[sflag:s22] =	ssyncset.done $0x0  }
0xa0: {  	[sflag:s22] =	ssyncadd.s32 s3;
	_ =	sdelay $0x1  }
0xa1: {  	s23 =	simm.s32 $0x1B8B  }
0xa2: {  	_ =	swait.ge [sflag:s23], $0x1  }
0xa3: {  	[sflag:s23] =	ssyncset.done $0x0  }
0xa4: {  	s25 =	simm.s32 $0x1B8E;
	s24 =	sld [smem:$0x3FFE];
	[sflag:s23] =	ssyncadd.s32 $0xFFFFFFFF  }
0xa5: {  	s26 =	simm.s32 $execute0_lowered;
	[smem:$0x3FD2] =	sst s25  }
0xa6: {  	s4 =	sshll.u32 s26, $0x1;
	_ =	strace $0x80000046;
	[dreg:$0x1] =	wrdreg $0xFFFFFFFF  }
0xa7: {  	s28 =	simm.s32 $_size_execute0_lowered;
	s2 =	sadd.s32 s2, s4;
	[dreg:$0x0] =	wrdreg $0x0  }
0xa8: {  	s4 =	sshll.u32 s28, $0x1;
	[dreg:$0x2] =	wrdreg s2  }
0xa9: {  	[dreg:$0x3] =	wrdreg s4  }
0xaa: {  	[dreg:$0x4] =	wrdreg $0xC0  }
0xab: {  	_ =	task [dreg:s6], $0x5FFFF  }
0xac: {  	[dreg:$0x1] =	wrdreg $0xFFFFFFFF  }
0xad: {  	[dreg:$0x0] =	wrdreg $0x60  }
0xae: {  	[dreg:$0x2] =	wrdreg s24  }
0xaf: {  	[dreg:$0x3] =	wrdreg $0x9  }
0xb0: {  	_ =	task.clear_ibuf [dreg:s6], $0x4FFFF;
	_ =	strace $0x90000046  }
0xb1: {  	s29 =	simm.s32 $0x9;
	_ =	strace $0x80000048  }
0xb2: {  	_ =	swait.ge [sflag:s29], $0x1  }
0xb3: {  	[sflag:s29] =	ssyncadd.s32 $0xFFFFFFFF  }
0xb4: {  	_ =	strace $0x90000048  }
0xb5: {  	_ =	sfence  }
0xb6: {  	s30 =	sld [smem:$0x0];
	_ =	sdelay $0x2  }
0xb7: {  	s31 =	sshll.u32 s1, $0xD;
	s1 =	sshrl.u32 s1, $0x2  }
0xb8: {  	s3 =	sand.u32 $0x4000, s31;
	s1 =	sadd.s32 s1, s30  }
0xb9: {  	s0 =	sor.u32 s3, s0;
	s1 =	sshll.u32 s1, $0x11  }
0xba: {  	s0 =	sor.u32 s1, s0  }
0xbb: {  	s0 =	sadd.s32 $0x8F2B, s0  }
0xbc: {  	[sflag:s0] =	ssyncadd.remote.s32 $0x1  }
0xbd: {  	_ =	sfence.sel $0xFFFF  }
0xbe: {  	[dreg:$0x0] =	wrdreg $0xFFFFFFFF;
	(pc) =	sbr.abs _section_cstart, $3  }
0xbf: {  	[dreg:$0x1] =	wrdreg $0xFFFFFFFF  }
0xc0: {  	_ =	task.clear_ibuf [dreg:s6], $0x2FFFF;
	_ =	strace $0x9FFFFFFF  }
0xc1: {  	(tm) =	ssettm $0x7FFFFFFF  }
tec
execute0_lowered:
.L_overlay_start_1:
0x0: {  	(tag) =	ssettag $0x1  }
0x1: {  	s0 =	rddreg [dreg:$0x0];
	s2 =	simm.s32 $0x0  }
0x2: {  	s1 =	srdreg.scid;
	s3 =	stileid.u32;
	s14 =	simm.s32 $0x4  }
0x3: {  	s15 =	simm.s32 $0x3;
	s22 =	simm.s32 $0xB580;
	s23 =	simm.s32 $0xB980  }
0x4: {  	s24 =	simm.s32 $0x2C0;
	s25 =	simm.s32 $0x1;
	s26 =	simm.s32 $0x2  }
0x5: {  	s28 =	simm.s32 $0x0;
	[smem:$0x7FF] =	sst s2;
	s1 =	sand.u32 $0x1, s1  }
0x6: {  	vm0 =	vmmov $0xffff;
	s3 =	sshll.u32 s3, $0x1;
	s4 =	sadd.s32 $0x16E4400, s0;
	s5 =	sadd.s32 $0xF43200, s0  }
0x7: {  	vm1 =	vmmov $0x1;
	vm2 =	vmmov $0x3;
	vm3 =	vmmov $0x7;
	s6 =	sadd.s32 $0xBE00, s0;
	s7 =	sadd.s32 $0xC000, s0;
	s11 =	sor.u32 s1, s3  }
0x8: {  	vm4 =	vmmov $0xf;
	vm5 =	vmmov $0x1f;
	vm6 =	vmmov $0x3f;
	_ =	strace $0x80000047;
	s1 =	ssub.s32 $0x2, s1;
	s8 =	smul.u32 $0x580, s11  }
0x9: {  	vm7 =	vmmov $0x7f;
	vm8 =	vmmov $0xff;
	vm9 =	vmmov $0x1ff;
	s3 =	sadd.s32 $0xE00, s0;
	s30 =	sshrl.u32 s1, $0x1;
	s31 =	sshll.u32 s11, $0x4  }
0xa: {  	vm10 =	vmmov $0x3ff;
	vm11 =	vmmov $0x7ff;
	vm12 =	vmmov $0xfff;
	s11 =	sshll.u32 s11, $0x9;
	s0 =	ssub.s32 s1, s30;
	s8 =	sadd.s32 s3, s8  }
0xb: {  	vm13 =	vmmov $0x1fff;
	vm14 =	vmmov $0x3fff;
	vm15 =	vmmov $0x7fff;
	s10 =	sor.u32 $0x2, s31;
	s12 =	smax.u32 s0, $0x1;
	s9 =	sadd.s32 $0x58, s8  }
.LBB2_1:
0xc: {  	s0 =	simm.s32 $0x16AC0  }
0xd: {  	[tilespmem:s0], [sflag:$0x4] =	stream.linear.gather [hbm4b:s6+s2], $0x2A0, $0x38;
	[tilespmem:$0x16D60] =	vst v63  }
0xe: {  	_ =	swait.ge [sflag:s14], $0x2A0  }
0xf: {  	[sflag:s14] =	ssyncset.done $0x0  }
0x10: {  	[sflag:s14] =	ssyncadd.s32 $0xFFFFFD60  }
0x11: {  	[tilespmem:s2], [sflag:$0x3] =	stream.linear.gather [hbm4b:s8+s2], $0x2C0, $0x38;
	[tilespmem:$0x16D60] =	vst v63  }
0x12: {  	_ =	swait.ge [sflag:s15], $0x2C0  }
0x13: {  	[sflag:s15] =	ssyncset.done $0x0  }
0x14: {  	[sflag:s15] =	ssyncadd.s32 $0xFFFFFD40  }
0x15: {  	v0 =	vld [tilespmem:$0x0];
	_ =	sdelay $0x6  }
0x16: {  	s30 =	simm.s32 $0x580  }
0x17: {  	[tilespmem:s30], [sflag:$0x1] =	stream.indirect_vreg.gather [hbm4b:s4+s2], $0x40, v0, vm0, $0xb8;
	[tilespmem:$0x16D60] =	vst v63  }
0x18: {  	v0 =	vld [tilespmem:$0x10];
	_ =	sdelay $0x6  }
0x19: {  	s31 =	simm.s32 $0x980  }
0x1a: {  	[tilespmem:s31], [sflag:$0x1] =	stream.indirect_vreg.gather [hbm4b:s4+s2], $0x40, v0, vm0, $0xb8;
	[tilespmem:$0x16D60] =	vst v63  }
0x1b: {  	v0 =	vld [tilespmem:$0x20];
	_ =	sdelay $0x6  }
0x1c: {  	s1 =	simm.s32 $0x1580  }
0x1d: {  	[tilespmem:s1], [sflag:$0x1] =	stream.indirect_vreg.gather [hbm4b:s5+s2], $0x40, v0, vm0, $0xb8;
	[tilespmem:$0x16D60] =	vst v63  }
0x1e: {  	v0 =	vld [tilespmem:$0x30];
	_ =	sdelay $0x6  }
0x1f: {  	s13 =	simm.s32 $0x1980  }
0x20: {  	[tilespmem:s13], [sflag:$0x1] =	stream.indirect_vreg.gather [hbm4b:s5+s2], $0x40, v0, vm0, $0xb8;
	[tilespmem:$0x16D60] =	vst v63  }
0x21: {  	v0 =	vld [tilespmem:$0x40];
	_ =	sdelay $0x6  }
0x22: {  	s16 =	simm.s32 $0x1D80  }
0x23: {  	[tilespmem:s16], [sflag:$0x1] =	stream.indirect_vreg.gather [hbm4b:s5+s2], $0x40, v0, vm0, $0xb8;
	[tilespmem:$0x16D60] =	vst v63  }
0x24: {  	v0 =	vld [tilespmem:$0x50];
	_ =	sdelay $0x6  }
0x25: {  	s17 =	simm.s32 $0x2180  }
0x26: {  	[tilespmem:s17], [sflag:$0x1] =	stream.indirect_vreg.gather [hbm4b:s5+s2], $0x40, v0, vm0, $0xb8;
	[tilespmem:$0x16D60] =	vst v63  }
0x27: {  	v0 =	vld [tilespmem:$0x60];
	_ =	sdelay $0x6  }
0x28: {  	s18 =	simm.s32 $0x2580  }
0x29: {  	[tilespmem:s18], [sflag:$0x1] =	stream.indirect_vreg.gather [hbm4b:s5+s2], $0x40, v0, vm0, $0xb8;
	[tilespmem:$0x16D60] =	vst v63  }
0x2a: {  	v0 =	vld [tilespmem:$0x70];
	_ =	sdelay $0x6  }
0x2b: {  	s19 =	simm.s32 $0x2980  }
0x2c: {  	[tilespmem:s19], [sflag:$0x1] =	stream.indirect_vreg.gather [hbm4b:s5+s2], $0x40, v0, vm0, $0xb8;
	[tilespmem:$0x16D60] =	vst v63  }
0x2d: {  	v0 =	vld [tilespmem:$0x80];
	_ =	sdelay $0x6  }
0x2e: {  	s20 =	simm.s32 $0x2D80  }
0x2f: {  	[tilespmem:s20], [sflag:$0x1] =	stream.indirect_vreg.gather [hbm4b:s5+s2], $0x40, v0, vm0, $0xb8;
	[tilespmem:$0x16D60] =	vst v63  }
0x30: {  	v0 =	vld [tilespmem:$0x90];
	_ =	sdelay $0x6  }
0x31: {  	s21 =	simm.s32 $0x3180  }
0x32: {  	[tilespmem:s21], [sflag:$0x1] =	stream.indirect_vreg.gather [hbm4b:s5+s2], $0x40, v0, vm0, $0xb8;
	[tilespmem:$0x16D60] =	vst v63  }
0x33: {  	v0 =	vld [tilespmem:$0xA0];
	_ =	sdelay $0x6  }
0x34: {  	s30 =	simm.s32 $0x3580  }
0x35: {  	[tilespmem:s30], [sflag:$0x1] =	stream.indirect_vreg.gather [hbm4b:s5+s2], $0x40, v0, vm0, $0xb8;
	[tilespmem:$0x16D60] =	vst v63  }
0x36: {  	v0 =	vld [tilespmem:$0xB0];
	_ =	sdelay $0x6  }
0x37: {  	s31 =	simm.s32 $0x3980  }
0x38: {  	[tilespmem:s31], [sflag:$0x1] =	stream.indirect_vreg.gather [hbm4b:s5+s2], $0x40, v0, vm0, $0xb8;
	[tilespmem:$0x16D60] =	vst v63  }
0x39: {  	v0 =	vld [tilespmem:$0xC0];
	_ =	sdelay $0x6  }
0x3a: {  	s1 =	simm.s32 $0x3D80  }
0x3b: {  	[tilespmem:s1], [sflag:$0x1] =	stream.indirect_vreg.gather [hbm4b:s5+s2], $0x40, v0, vm0, $0xb8;
	[tilespmem:$0x16D60] =	vst v63  }
0x3c: {  	v0 =	vld [tilespmem:$0xD0];
	_ =	sdelay $0x6  }
0x3d: {  	s13 =	simm.s32 $0x4180  }
0x3e: {  	[tilespmem:s13], [sflag:$0x1] =	stream.indirect_vreg.gather [hbm4b:s5+s2], $0x40, v0, vm0, $0xb8;
	[tilespmem:$0x16D60] =	vst v63  }
0x3f: {  	v0 =	vld [tilespmem:$0xE0];
	_ =	sdelay $0x6  }
0x40: {  	s16 =	simm.s32 $0x4580  }
0x41: {  	[tilespmem:s16], [sflag:$0x1] =	stream.indirect_vreg.gather [hbm4b:s5+s2], $0x40, v0, vm0, $0xb8;
	[tilespmem:$0x16D60] =	vst v63  }
0x42: {  	v0 =	vld [tilespmem:$0xF0];
	_ =	sdelay $0x6  }
0x43: {  	s17 =	simm.s32 $0x4980  }
0x44: {  	[tilespmem:s17], [sflag:$0x1] =	stream.indirect_vreg.gather [hbm4b:s5+s2], $0x40, v0, vm0, $0xb8;
	[tilespmem:$0x16D60] =	vst v63  }
0x45: {  	v0 =	vld [tilespmem:$0x100];
	_ =	sdelay $0x6  }
0x46: {  	s18 =	simm.s32 $0x4D80  }
0x47: {  	[tilespmem:s18], [sflag:$0x1] =	stream.indirect_vreg.gather [hbm4b:s5+s2], $0x40, v0, vm0, $0xb8;
	[tilespmem:$0x16D60] =	vst v63  }
0x48: {  	v0 =	vld [tilespmem:$0x110];
	_ =	sdelay $0x6  }
0x49: {  	s19 =	simm.s32 $0x5180  }
0x4a: {  	[tilespmem:s19], [sflag:$0x1] =	stream.indirect_vreg.gather [hbm4b:s5+s2], $0x40, v0, vm0, $0xb8;
	[tilespmem:$0x16D60] =	vst v63  }
0x4b: {  	v0 =	vld [tilespmem:$0x120];
	_ =	sdelay $0x6  }
0x4c: {  	s20 =	simm.s32 $0x5580  }
0x4d: {  	[tilespmem:s20], [sflag:$0x1] =	stream.indirect_vreg.gather [hbm4b:s5+s2], $0x40, v0, vm0, $0xb8;
	[tilespmem:$0x16D60] =	vst v63  }
0x4e: {  	v0 =	vld [tilespmem:$0x130];
	_ =	sdelay $0x6  }
0x4f: {  	s21 =	simm.s32 $0x5980  }
0x50: {  	[tilespmem:s21], [sflag:$0x1] =	stream.indirect_vreg.gather [hbm4b:s5+s2], $0x40, v0, vm0, $0xb8;
	[tilespmem:$0x16D60] =	vst v63  }
0x51: {  	v0 =	vld [tilespmem:$0x140];
	_ =	sdelay $0x6  }
0x52: {  	s30 =	simm.s32 $0x5D80  }
0x53: {  	[tilespmem:s30], [sflag:$0x1] =	stream.indirect_vreg.gather [hbm4b:s5+s2], $0x40, v0, vm0, $0xb8;
	[tilespmem:$0x16D60] =	vst v63  }
0x54: {  	v0 =	vld [tilespmem:$0x150];
	_ =	sdelay $0x6  }
0x55: {  	s31 =	simm.s32 $0x6180  }
0x56: {  	[tilespmem:s31], [sflag:$0x1] =	stream.indirect_vreg.gather [hbm4b:s5+s2], $0x40, v0, vm0, $0xb8;
	[tilespmem:$0x16D60] =	vst v63  }
0x57: {  	v0 =	vld [tilespmem:$0x160];
	_ =	sdelay $0x6  }
0x58: {  	s1 =	simm.s32 $0x6580  }
0x59: {  	[tilespmem:s1], [sflag:$0x1] =	stream.indirect_vreg.gather [hbm4b:s5+s2], $0x40, v0, vm0, $0xb8;
	[tilespmem:$0x16D60] =	vst v63  }
0x5a: {  	v0 =	vld [tilespmem:$0x170];
	_ =	sdelay $0x6  }
0x5b: {  	s13 =	simm.s32 $0x6980  }
0x5c: {  	[tilespmem:s13], [sflag:$0x1] =	stream.indirect_vreg.gather [hbm4b:s5+s2], $0x40, v0, vm0, $0xb8;
	[tilespmem:$0x16D60] =	vst v63  }
0x5d: {  	v0 =	vld [tilespmem:$0x180];
	_ =	sdelay $0x6  }
0x5e: {  	s16 =	simm.s32 $0x6D80  }
0x5f: {  	[tilespmem:s16], [sflag:$0x1] =	stream.indirect_vreg.gather [hbm4b:s5+s2], $0x40, v0, vm0, $0xb8;
	[tilespmem:$0x16D60] =	vst v63  }
0x60: {  	v0 =	vld [tilespmem:$0x190];
	_ =	sdelay $0x6  }
0x61: {  	s17 =	simm.s32 $0x7180  }
0x62: {  	[tilespmem:s17], [sflag:$0x1] =	stream.indirect_vreg.gather [hbm4b:s5+s2], $0x40, v0, vm0, $0xb8;
	[tilespmem:$0x16D60] =	vst v63  }
0x63: {  	v0 =	vld [tilespmem:$0x1A0];
	_ =	sdelay $0x6  }
0x64: {  	s18 =	simm.s32 $0x7580  }
0x65: {  	[tilespmem:s18], [sflag:$0x1] =	stream.indirect_vreg.gather [hbm4b:s5+s2], $0x40, v0, vm0, $0xb8;
	[tilespmem:$0x16D60] =	vst v63  }
0x66: {  	v0 =	vld [tilespmem:$0x1B0];
	_ =	sdelay $0x6  }
0x67: {  	s19 =	simm.s32 $0x7980  }
0x68: {  	[tilespmem:s19], [sflag:$0x1] =	stream.indirect_vreg.gather [hbm4b:s5+s2], $0x40, v0, vm0, $0xb8;
	[tilespmem:$0x16D60] =	vst v63  }
0x69: {  	v0 =	vld [tilespmem:$0x1C0];
	_ =	sdelay $0x6  }
0x6a: {  	s20 =	simm.s32 $0x7D80  }
0x6b: {  	[tilespmem:s20], [sflag:$0x1] =	stream.indirect_vreg.gather [hbm4b:s5+s2], $0x40, v0, vm0, $0xb8;
	[tilespmem:$0x16D60] =	vst v63  }
0x6c: {  	v0 =	vld [tilespmem:$0x1D0];
	_ =	sdelay $0x6  }
0x6d: {  	s21 =	simm.s32 $0x8180  }
0x6e: {  	[tilespmem:s21], [sflag:$0x1] =	stream.indirect_vreg.gather [hbm4b:s5+s2], $0x40, v0, vm0, $0xb8;
	[tilespmem:$0x16D60] =	vst v63  }
0x6f: {  	v0 =	vld [tilespmem:$0x1E0];
	_ =	sdelay $0x6  }
0x70: {  	s30 =	simm.s32 $0x8580  }
0x71: {  	[tilespmem:s30], [sflag:$0x1] =	stream.indirect_vreg.gather [hbm4b:s5+s2], $0x40, v0, vm0, $0xb8;
	[tilespmem:$0x16D60] =	vst v63  }
0x72: {  	v0 =	vld [tilespmem:$0x1F0];
	_ =	sdelay $0x6  }
0x73: {  	s31 =	simm.s32 $0x8980  }
0x74: {  	[tilespmem:s31], [sflag:$0x1] =	stream.indirect_vreg.gather [hbm4b:s5+s2], $0x40, v0, vm0, $0xb8;
	[tilespmem:$0x16D60] =	vst v63  }
0x75: {  	v0 =	vld [tilespmem:$0x200];
	_ =	sdelay $0x6  }
0x76: {  	s1 =	simm.s32 $0x8D80  }
0x77: {  	[tilespmem:s1], [sflag:$0x1] =	stream.indirect_vreg.gather [hbm4b:s5+s2], $0x40, v0, vm0, $0xb8;
	[tilespmem:$0x16D60] =	vst v63  }
0x78: {  	v0 =	vld [tilespmem:$0x210];
	_ =	sdelay $0x6  }
0x79: {  	s13 =	simm.s32 $0x9180  }
0x7a: {  	[tilespmem:s13], [sflag:$0x1] =	stream.indirect_vreg.gather [hbm4b:s5+s2], $0x40, v0, vm0, $0xb8;
	[tilespmem:$0x16D60] =	vst v63  }
0x7b: {  	v0 =	vld [tilespmem:$0x220];
	_ =	sdelay $0x6  }
0x7c: {  	s16 =	simm.s32 $0x9580  }
0x7d: {  	[tilespmem:s16], [sflag:$0x1] =	stream.indirect_vreg.gather [hbm4b:s5+s2], $0x40, v0, vm0, $0xb8;
	[tilespmem:$0x16D60] =	vst v63  }
0x7e: {  	v0 =	vld [tilespmem:$0x230];
	_ =	sdelay $0x6  }
0x7f: {  	s17 =	simm.s32 $0x9980  }
0x80: {  	[tilespmem:s17], [sflag:$0x1] =	stream.indirect_vreg.gather [hbm4b:s5+s2], $0x40, v0, vm0, $0xb8;
	[tilespmem:$0x16D60] =	vst v63  }
0x81: {  	v0 =	vld [tilespmem:$0x240];
	_ =	sdelay $0x6  }
0x82: {  	s18 =	simm.s32 $0x9D80  }
0x83: {  	[tilespmem:s18], [sflag:$0x1] =	stream.indirect_vreg.gather [hbm4b:s5+s2], $0x40, v0, vm0, $0xb8;
	[tilespmem:$0x16D60] =	vst v63  }
0x84: {  	v0 =	vld [tilespmem:$0x250];
	_ =	sdelay $0x6  }
0x85: {  	s19 =	simm.s32 $0xA180  }
0x86: {  	[tilespmem:s19], [sflag:$0x1] =	stream.indirect_vreg.gather [hbm4b:s5+s2], $0x40, v0, vm0, $0xb8;
	[tilespmem:$0x16D60] =	vst v63  }
0x87: {  	v0 =	vld [tilespmem:$0x260];
	_ =	sdelay $0x6  }
0x88: {  	s20 =	simm.s32 $0xA580  }
0x89: {  	[tilespmem:s20], [sflag:$0x1] =	stream.indirect_vreg.gather [hbm4b:s5+s2], $0x40, v0, vm0, $0xb8;
	[tilespmem:$0x16D60] =	vst v63  }
0x8a: {  	v0 =	vld [tilespmem:$0x270];
	_ =	sdelay $0x6  }
0x8b: {  	s21 =	simm.s32 $0xA980  }
0x8c: {  	[tilespmem:s21], [sflag:$0x1] =	stream.indirect_vreg.gather [hbm4b:s5+s2], $0x40, v0, vm0, $0xb8;
	[tilespmem:$0x16D60] =	vst v63  }
0x8d: {  	v0 =	vld [tilespmem:$0x280];
	_ =	sdelay $0x6  }
0x8e: {  	s30 =	simm.s32 $0xAD80  }
0x8f: {  	[tilespmem:s30], [sflag:$0x1] =	stream.indirect_vreg.gather [hbm4b:s5+s2], $0x40, v0, vm0, $0xb8;
	[tilespmem:$0x16D60] =	vst v63  }
0x90: {  	v0 =	vld [tilespmem:$0x290];
	_ =	sdelay $0x6  }
0x91: {  	s31 =	simm.s32 $0xB180  }
0x92: {  	[tilespmem:s31], [sflag:$0x1] =	stream.indirect_vreg.gather [hbm4b:s5+s2], $0x40, v0, vm0, $0xb8;
	[tilespmem:$0x16D60] =	vst v63  }
0x93: {  	v0 =	vld [tilespmem:$0x2A0];
	_ =	sdelay $0x7  }
0x94: {  	[tilespmem:s22], [sflag:$0x1] =	stream.indirect_vreg.gather [hbm4b:s5+s2], $0x40, v0, vm0, $0xb8;
	[tilespmem:$0x16D60] =	vst v63  }
0x95: {  	v0 =	vld [tilespmem:$0x2B0];
	_ =	sdelay $0x7  }
0x96: {  	[tilespmem:s23], [sflag:$0x1] =	stream.indirect_vreg.gather [hbm4b:s5+s2], $0x40, v0, vm0, $0xb8;
	[tilespmem:$0x16D60] =	vst v63  }
0x97: {  	p0 =	por $0x0, $0x0;
	s29 =	simm.s32 $0x0  }
0x98: {  	[tilespmem:s24], [sflag:$0x3] =	stream.linear.gather [hbm4b:s9+s2], $0x2C0, $0x38;
	[tilespmem:$0x16D60] =	vst v63  }
.LBB2_2:
0x99: {  	p1 =	seq.s32 s29, $0xF  }
.Ltmp0:
0x9a: {  	_ = 	snop;
	(pc) =	sbr.rel @p1 .LBB2_4-.Ltmp0, $2  }
0x9b: {  	_ =	sdelay $0x2  }
0x9c: {  	s30 =	sadd.s32 $0x1, s29  }
0x9d: {  	s1 =	sand.u32 $0x1, s30  }
0x9e: {  	_ =	swait.ge [sflag:s15], $0x2C0;
	s0 =	smul.u32 $0xB00, s1  }
0x9f: {  	[sflag:s15] =	ssyncset.done $0x0  }
0xa0: {  	[sflag:s15] =	ssyncadd.s32 $0xFFFFFD40;
	s0 =	sshrl.u32 s0, $0x2  }
0xa1: {  	v0 =	vld [tilespmem:s0+$0x0];
	_ =	sdelay $0x5  }
0xa2: {  	s13 =	sshll.u32 s1, $0xB  }
0xa3: {  	s16 =	sor.u32 $0x580, s13  }
0xa4: {  	[tilespmem:s16], [sflag:$0x1] =	stream.indirect_vreg.gather [hbm4b:s4+s2], $0x40, v0, vm0, $0xb8;
	[tilespmem:$0x16D60] =	vst v63  }
0xa5: {  	v0 =	vld [tilespmem:s0+$0x10];
	_ =	sdelay $0x6  }
0xa6: {  	s13 =	sadd.s32 $0x980, s13  }
0xa7: {  	[tilespmem:s13], [sflag:$0x1] =	stream.indirect_vreg.gather [hbm4b:s4+s2], $0x40, v0, vm0, $0xb8;
	[tilespmem:$0x16D60] =	vst v63  }
0xa8: {  	v0 =	vld [tilespmem:s0+$0x20];
	_ =	sdelay $0x3  }
0xa9: {  	s1 =	smul.u32 $0x2A000, s1;
	_ =	sdelay $0x1  }
0xaa: {  	s1 =	sshrl.u32 s1, $0x2  }
0xab: {  	s16 =	sadd.s32 $0x1580, s1  }
0xac: {  	[tilespmem:s16], [sflag:$0x1] =	stream.indirect_vreg.gather [hbm4b:s5+s2], $0x40, v0, vm0, $0xb8;
	[tilespmem:$0x16D60] =	vst v63  }
0xad: {  	v0 =	vld [tilespmem:s0+$0x30];
	_ =	sdelay $0x6  }
0xae: {  	s17 =	sadd.s32 $0x1980, s1  }
0xaf: {  	[tilespmem:s17], [sflag:$0x1] =	stream.indirect_vreg.gather [hbm4b:s5+s2], $0x40, v0, vm0, $0xb8;
	[tilespmem:$0x16D60] =	vst v63  }
0xb0: {  	v0 =	vld [tilespmem:s0+$0x40];
	_ =	sdelay $0x6  }
0xb1: {  	s18 =	sadd.s32 $0x1D80, s1  }
0xb2: {  	[tilespmem:s18], [sflag:$0x1] =	stream.indirect_vreg.gather [hbm4b:s5+s2], $0x40, v0, vm0, $0xb8;
	[tilespmem:$0x16D60] =	vst v63  }
0xb3: {  	v0 =	vld [tilespmem:s0+$0x50];
	_ =	sdelay $0x6  }
0xb4: {  	s19 =	sadd.s32 $0x2180, s1  }
0xb5: {  	[tilespmem:s19], [sflag:$0x1] =	stream.indirect_vreg.gather [hbm4b:s5+s2], $0x40, v0, vm0, $0xb8;
	[tilespmem:$0x16D60] =	vst v63  }
0xb6: {  	v0 =	vld [tilespmem:s0+$0x60];
	_ =	sdelay $0x6  }
0xb7: {  	s20 =	sadd.s32 $0x2580, s1  }
0xb8: {  	[tilespmem:s20], [sflag:$0x1] =	stream.indirect_vreg.gather [hbm4b:s5+s2], $0x40, v0, vm0, $0xb8;
	[tilespmem:$0x16D60] =	vst v63  }
0xb9: {  	v0 =	vld [tilespmem:s0+$0x70];
	_ =	sdelay $0x6  }
0xba: {  	s21 =	sadd.s32 $0x2980, s1  }
0xbb: {  	[tilespmem:s21], [sflag:$0x1] =	stream.indirect_vreg.gather [hbm4b:s5+s2], $0x40, v0, vm0, $0xb8;
	[tilespmem:$0x16D60] =	vst v63  }
0xbc: {  	v0 =	vld [tilespmem:s0+$0x80];
	_ =	sdelay $0x6  }
0xbd: {  	s31 =	sadd.s32 $0x2D80, s1  }
0xbe: {  	[tilespmem:s31], [sflag:$0x1] =	stream.indirect_vreg.gather [hbm4b:s5+s2], $0x40, v0, vm0, $0xb8;
	[tilespmem:$0x16D60] =	vst v63  }
0xbf: {  	v0 =	vld [tilespmem:s0+$0x90];
	_ =	sdelay $0x6  }
0xc0: {  	s16 =	sadd.s32 $0x3180, s1  }
0xc1: {  	[tilespmem:s16], [sflag:$0x1] =	stream.indirect_vreg.gather [hbm4b:s5+s2], $0x40, v0, vm0, $0xb8;
	[tilespmem:$0x16D60] =	vst v63  }
0xc2: {  	v0 =	vld [tilespmem:s0+$0xA0];
	_ =	sdelay $0x6  }
0xc3: {  	s17 =	sadd.s32 $0x3580, s1  }
0xc4: {  	[tilespmem:s17], [sflag:$0x1] =	stream.indirect_vreg.gather [hbm4b:s5+s2], $0x40, v0, vm0, $0xb8;
	[tilespmem:$0x16D60] =	vst v63  }
0xc5: {  	v0 =	vld [tilespmem:s0+$0xB0];
	_ =	sdelay $0x6  }
0xc6: {  	s18 =	sadd.s32 $0x3980, s1  }
0xc7: {  	[tilespmem:s18], [sflag:$0x1] =	stream.indirect_vreg.gather [hbm4b:s5+s2], $0x40, v0, vm0, $0xb8;
	[tilespmem:$0x16D60] =	vst v63  }
0xc8: {  	v0 =	vld [tilespmem:s0+$0xC0];
	_ =	sdelay $0x6  }
0xc9: {  	s19 =	sadd.s32 $0x3D80, s1  }
0xca: {  	[tilespmem:s19], [sflag:$0x1] =	stream.indirect_vreg.gather [hbm4b:s5+s2], $0x40, v0, vm0, $0xb8;
	[tilespmem:$0x16D60] =	vst v63  }
0xcb: {  	v0 =	vld [tilespmem:s0+$0xD0];
	_ =	sdelay $0x6  }
0xcc: {  	s20 =	sadd.s32 $0x4180, s1  }
0xcd: {  	[tilespmem:s20], [sflag:$0x1] =	stream.indirect_vreg.gather [hbm4b:s5+s2], $0x40, v0, vm0, $0xb8;
	[tilespmem:$0x16D60] =	vst v63  }
0xce: {  	v0 =	vld [tilespmem:s0+$0xE0];
	_ =	sdelay $0x6  }
0xcf: {  	s21 =	sadd.s32 $0x4580, s1  }
0xd0: {  	[tilespmem:s21], [sflag:$0x1] =	stream.indirect_vreg.gather [hbm4b:s5+s2], $0x40, v0, vm0, $0xb8;
	[tilespmem:$0x16D60] =	vst v63  }
0xd1: {  	v0 =	vld [tilespmem:s0+$0xF0];
	_ =	sdelay $0x6  }
0xd2: {  	s31 =	sadd.s32 $0x4980, s1  }
0xd3: {  	[tilespmem:s31], [sflag:$0x1] =	stream.indirect_vreg.gather [hbm4b:s5+s2], $0x40, v0, vm0, $0xb8;
	[tilespmem:$0x16D60] =	vst v63  }
0xd4: {  	v0 =	vld [tilespmem:s0+$0x100];
	_ =	sdelay $0x6  }
0xd5: {  	s16 =	sadd.s32 $0x4D80, s1  }
0xd6: {  	[tilespmem:s16], [sflag:$0x1] =	stream.indirect_vreg.gather [hbm4b:s5+s2], $0x40, v0, vm0, $0xb8;
	[tilespmem:$0x16D60] =	vst v63  }
0xd7: {  	v0 =	vld [tilespmem:s0+$0x110];
	_ =	sdelay $0x6  }
0xd8: {  	s17 =	sadd.s32 $0x5180, s1  }
0xd9: {  	[tilespmem:s17], [sflag:$0x1] =	stream.indirect_vreg.gather [hbm4b:s5+s2], $0x40, v0, vm0, $0xb8;
	[tilespmem:$0x16D60] =	vst v63  }
0xda: {  	v0 =	vld [tilespmem:s0+$0x120];
	_ =	sdelay $0x6  }
0xdb: {  	s18 =	sadd.s32 $0x5580, s1  }
0xdc: {  	[tilespmem:s18], [sflag:$0x1] =	stream.indirect_vreg.gather [hbm4b:s5+s2], $0x40, v0, vm0, $0xb8;
	[tilespmem:$0x16D60] =	vst v63  }
0xdd: {  	v0 =	vld [tilespmem:s0+$0x130];
	_ =	sdelay $0x6  }
0xde: {  	s19 =	sadd.s32 $0x5980, s1  }
0xdf: {  	[tilespmem:s19], [sflag:$0x1] =	stream.indirect_vreg.gather [hbm4b:s5+s2], $0x40, v0, vm0, $0xb8;
	[tilespmem:$0x16D60] =	vst v63  }
0xe0: {  	v0 =	vld [tilespmem:s0+$0x140];
	_ =	sdelay $0x6  }
0xe1: {  	s20 =	sadd.s32 $0x5D80, s1  }
0xe2: {  	[tilespmem:s20], [sflag:$0x1] =	stream.indirect_vreg.gather [hbm4b:s5+s2], $0x40, v0, vm0, $0xb8;
	[tilespmem:$0x16D60] =	vst v63  }
0xe3: {  	v0 =	vld [tilespmem:s0+$0x150];
	_ =	sdelay $0x6  }
0xe4: {  	s21 =	sadd.s32 $0x6180, s1  }
0xe5: {  	[tilespmem:s21], [sflag:$0x1] =	stream.indirect_vreg.gather [hbm4b:s5+s2], $0x40, v0, vm0, $0xb8;
	[tilespmem:$0x16D60] =	vst v63  }
0xe6: {  	v0 =	vld [tilespmem:s0+$0x160];
	_ =	sdelay $0x6  }
0xe7: {  	s31 =	sadd.s32 $0x6580, s1  }
0xe8: {  	[tilespmem:s31], [sflag:$0x1] =	stream.indirect_vreg.gather [hbm4b:s5+s2], $0x40, v0, vm0, $0xb8;
	[tilespmem:$0x16D60] =	vst v63  }
0xe9: {  	v0 =	vld [tilespmem:s0+$0x170];
	_ =	sdelay $0x6  }
0xea: {  	s16 =	sadd.s32 $0x6980, s1  }
0xeb: {  	[tilespmem:s16], [sflag:$0x1] =	stream.indirect_vreg.gather [hbm4b:s5+s2], $0x40, v0, vm0, $0xb8;
	[tilespmem:$0x16D60] =	vst v63  }
0xec: {  	v0 =	vld [tilespmem:s0+$0x180];
	_ =	sdelay $0x6  }
0xed: {  	s17 =	sadd.s32 $0x6D80, s1  }
0xee: {  	[tilespmem:s17], [sflag:$0x1] =	stream.indirect_vreg.gather [hbm4b:s5+s2], $0x40, v0, vm0, $0xb8;
	[tilespmem:$0x16D60] =	vst v63  }
0xef: {  	v0 =	vld [tilespmem:s0+$0x190];
	_ =	sdelay $0x6  }
0xf0: {  	s18 =	sadd.s32 $0x7180, s1  }
0xf1: {  	[tilespmem:s18], [sflag:$0x1] =	stream.indirect_vreg.gather [hbm4b:s5+s2], $0x40, v0, vm0, $0xb8;
	[tilespmem:$0x16D60] =	vst v63  }
0xf2: {  	v0 =	vld [tilespmem:s0+$0x1A0];
	_ =	sdelay $0x6  }
0xf3: {  	s19 =	sadd.s32 $0x7580, s1  }
0xf4: {  	[tilespmem:s19], [sflag:$0x1] =	stream.indirect_vreg.gather [hbm4b:s5+s2], $0x40, v0, vm0, $0xb8;
	[tilespmem:$0x16D60] =	vst v63  }
0xf5: {  	v0 =	vld [tilespmem:s0+$0x1B0];
	_ =	sdelay $0x6  }
0xf6: {  	s20 =	sadd.s32 $0x7980, s1  }
0xf7: {  	[tilespmem:s20], [sflag:$0x1] =	stream.indirect_vreg.gather [hbm4b:s5+s2], $0x40, v0, vm0, $0xb8;
	[tilespmem:$0x16D60] =	vst v63  }
0xf8: {  	v0 =	vld [tilespmem:s0+$0x1C0];
	_ =	sdelay $0x6  }
0xf9: {  	s21 =	sadd.s32 $0x7D80, s1  }
0xfa: {  	[tilespmem:s21], [sflag:$0x1] =	stream.indirect_vreg.gather [hbm4b:s5+s2], $0x40, v0, vm0, $0xb8;
	[tilespmem:$0x16D60] =	vst v63  }
0xfb: {  	v0 =	vld [tilespmem:s0+$0x1D0];
	_ =	sdelay $0x6  }
0xfc: {  	s31 =	sadd.s32 $0x8180, s1  }
0xfd: {  	[tilespmem:s31], [sflag:$0x1] =	stream.indirect_vreg.gather [hbm4b:s5+s2], $0x40, v0, vm0, $0xb8;
	[tilespmem:$0x16D60] =	vst v63  }
0xfe: {  	v0 =	vld [tilespmem:s0+$0x1E0];
	_ =	sdelay $0x6  }
0xff: {  	s16 =	sadd.s32 $0x8580, s1  }
0x100: {  	[tilespmem:s16], [sflag:$0x1] =	stream.indirect_vreg.gather [hbm4b:s5+s2], $0x40, v0, vm0, $0xb8;
	[tilespmem:$0x16D60] =	vst v63  }
0x101: {  	v0 =	vld [tilespmem:s0+$0x1F0];
	_ =	sdelay $0x6  }
0x102: {  	s17 =	sadd.s32 $0x8980, s1  }
0x103: {  	[tilespmem:s17], [sflag:$0x1] =	stream.indirect_vreg.gather [hbm4b:s5+s2], $0x40, v0, vm0, $0xb8;
	[tilespmem:$0x16D60] =	vst v63  }
0x104: {  	v0 =	vld [tilespmem:s0+$0x200];
	_ =	sdelay $0x6  }
0x105: {  	s18 =	sadd.s32 $0x8D80, s1  }
0x106: {  	[tilespmem:s18], [sflag:$0x1] =	stream.indirect_vreg.gather [hbm4b:s5+s2], $0x40, v0, vm0, $0xb8;
	[tilespmem:$0x16D60] =	vst v63  }
0x107: {  	v0 =	vld [tilespmem:s0+$0x210];
	_ =	sdelay $0x6  }
0x108: {  	s19 =	sadd.s32 $0x9180, s1  }
0x109: {  	[tilespmem:s19], [sflag:$0x1] =	stream.indirect_vreg.gather [hbm4b:s5+s2], $0x40, v0, vm0, $0xb8;
	[tilespmem:$0x16D60] =	vst v63  }
0x10a: {  	v0 =	vld [tilespmem:s0+$0x220];
	_ =	sdelay $0x6  }
0x10b: {  	s20 =	sadd.s32 $0x9580, s1  }
0x10c: {  	[tilespmem:s20], [sflag:$0x1] =	stream.indirect_vreg.gather [hbm4b:s5+s2], $0x40, v0, vm0, $0xb8;
	[tilespmem:$0x16D60] =	vst v63  }
0x10d: {  	v0 =	vld [tilespmem:s0+$0x230];
	_ =	sdelay $0x6  }
0x10e: {  	s21 =	sadd.s32 $0x9980, s1  }
0x10f: {  	[tilespmem:s21], [sflag:$0x1] =	stream.indirect_vreg.gather [hbm4b:s5+s2], $0x40, v0, vm0, $0xb8;
	[tilespmem:$0x16D60] =	vst v63  }
0x110: {  	v0 =	vld [tilespmem:s0+$0x240];
	_ =	sdelay $0x6  }
0x111: {  	s31 =	sadd.s32 $0x9D80, s1  }
0x112: {  	[tilespmem:s31], [sflag:$0x1] =	stream.indirect_vreg.gather [hbm4b:s5+s2], $0x40, v0, vm0, $0xb8;
	[tilespmem:$0x16D60] =	vst v63  }
0x113: {  	v0 =	vld [tilespmem:s0+$0x250];
	_ =	sdelay $0x6  }
0x114: {  	s16 =	sadd.s32 $0xA180, s1  }
0x115: {  	[tilespmem:s16], [sflag:$0x1] =	stream.indirect_vreg.gather [hbm4b:s5+s2], $0x40, v0, vm0, $0xb8;
	[tilespmem:$0x16D60] =	vst v63  }
0x116: {  	v0 =	vld [tilespmem:s0+$0x260];
	_ =	sdelay $0x6  }
0x117: {  	s17 =	sadd.s32 $0xA580, s1  }
0x118: {  	[tilespmem:s17], [sflag:$0x1] =	stream.indirect_vreg.gather [hbm4b:s5+s2], $0x40, v0, vm0, $0xb8;
	[tilespmem:$0x16D60] =	vst v63  }
0x119: {  	v0 =	vld [tilespmem:s0+$0x270];
	_ =	sdelay $0x6  }
0x11a: {  	s18 =	sadd.s32 $0xA980, s1  }
0x11b: {  	[tilespmem:s18], [sflag:$0x1] =	stream.indirect_vreg.gather [hbm4b:s5+s2], $0x40, v0, vm0, $0xb8;
	[tilespmem:$0x16D60] =	vst v63  }
0x11c: {  	v0 =	vld [tilespmem:s0+$0x280];
	_ =	sdelay $0x6  }
0x11d: {  	s19 =	sadd.s32 $0xAD80, s1  }
0x11e: {  	[tilespmem:s19], [sflag:$0x1] =	stream.indirect_vreg.gather [hbm4b:s5+s2], $0x40, v0, vm0, $0xb8;
	[tilespmem:$0x16D60] =	vst v63  }
0x11f: {  	v0 =	vld [tilespmem:s0+$0x290];
	_ =	sdelay $0x6  }
0x120: {  	s20 =	sadd.s32 $0xB180, s1  }
0x121: {  	[tilespmem:s20], [sflag:$0x1] =	stream.indirect_vreg.gather [hbm4b:s5+s2], $0x40, v0, vm0, $0xb8;
	[tilespmem:$0x16D60] =	vst v63  }
0x122: {  	v0 =	vld [tilespmem:s0+$0x2A0];
	_ =	sdelay $0x6  }
0x123: {  	s21 =	sadd.s32 $0xB580, s1  }
0x124: {  	[tilespmem:s21], [sflag:$0x1] =	stream.indirect_vreg.gather [hbm4b:s5+s2], $0x40, v0, vm0, $0xb8;
	[tilespmem:$0x16D60] =	vst v63  }
0x125: {  	v0 =	vld [tilespmem:s0+$0x2B0];
	_ =	sdelay $0x3  }
0x126: {  	p1 =	sgt.u32 s29, $0xD  }
0x127: {  	s0 =	sand.u32 @!p1 $0x1, s29  }
0x128: {  	s31 =	sadd.s32 $0xB980, s1;
	s1 =	sadd.s32 @!p1 s29, s10;
	p2 =	seq.s32 @!p1 s0, $0x1  }
0x129: {  	s0 =	smul.u32 @!p1 $0x58, s1;
	s1 =	simm.s32 @!p1 $0x2C0;
	p2 =	por !p2, p1  }
0x12a: {  	[tilespmem:s31], [sflag:$0x1] =	stream.indirect_vreg.gather [hbm4b:s5+s2], $0x40, v0, vm0, $0xb8;
	[tilespmem:$0x16D60] =	vst v63  }
0x12b: {  	s13 =	simm.s32 @!p1 $0x0;
	s1 =	simm.s32 @p2 $0x0;
	s0 =	sadd.s32 @!p1 s3, s0  }
0x12c: {  	[tilespmem:s1], [sflag:$0x3] =	stream.linear.gather @!p1 [hbm4b:s0+s13], $0x2C0, $0x38;
	[tilespmem:$0x16D60] =	vst v63  }
.LBB2_4:
0x12d: {  	s0 =	simm.s32 $0x1  }
0x12e: {  	_ =	swait.ge [sflag:s25], $0x800;
	s13 =	sand.u32 $0x1, s29;
	p1 =	slt.u32 s29, $0x2  }
0x12f: {  	s0 =	simm.s32 @!p0 $0x0;
	[sflag:s25] =	ssyncset.done $0x0;
	s16 =	simm.s32 @!p1 $0x2  }
0x130: {  	s17 =	smul.u32 $0xA80, s13;
	s20 =	sshll.u32 s13, $0xB;
	[sflag:s25] =	ssyncadd.s32 $0xFFFFF800  }
0x131: {  	s13 =	simm.s32 $0xFFFFFFFE;
	s1 =	smul.u32 $0xA80, s0;
	_ =	swait.ge [sflag:s25], $0xA800  }
0x132: {  	s0 =	smul.u32 $0x2A000, s0;
	s18 =	sor.u32 $0x580, s20;
	[sflag:s25] =	ssyncset.done $0x0  }
0x133: {  	s21 =	sshrl.u32 s17, $0x2;
	s17 =	simm.s32 $0x16AD0;
	[sflag:s25] =	ssyncadd.s32 $0xFFFF5800  }
0x134: {  	s1 =	sshrl.u32 s1, $0x2;
	s0 =	sshrl.u32 s0, $0x2;
	_ =	swait.ge @!p1 [sflag:s16], $0x2A0  }
0x135: {  	s31 =	sadd.s32 $0x16590, s1;
	s0 =	sadd.s32 $0x1980, s0;
	[sflag:s16] =	ssyncset.done @!p1 $0x0  }
0x136: {  	v0 =	vmov s18;
	s1 =	sadd.s32 $0x16580, s21;
	[sflag:s16] =	ssyncadd.s32 @!p1 $0xFFFFFD60;
	s16 =	simm.s32 $0x0  }
.LBB2_5:
0x137: {  	v2 =	vld [tilespmem:s0+$0xFFFFFC00]  }
0x138: {  	v11 =	vld [tilespmem:s0+$0xFFFFFC10]  }
0x139: {  	v7 =	vld [tilespmem:s0+$0xFFFFFC20]  }
0x13a: {  	v8 =	vld [tilespmem:s0+$0xFFFFFC30]  }
0x13b: {  	v14 =	vld [tilespmem:s0+$0xFFFFFC40]  }
0x13c: {  	v6 =	vld [tilespmem:s0+$0xFFFFFC50]  }
0x13d: {  	v12 =	vld [tilespmem:s0+$0xFFFFFC60]  }
0x13e: {  	v33 =	vld [tilespmem:s0+$0xFFFFFC70]  }
0x13f: {  	v35 =	vld [tilespmem:s0+$0xFFFFFC80]  }
0x140: {  	v40 =	vld [tilespmem:s0+$0xFFFFFC90]  }
0x141: {  	v37 =	vld [tilespmem:s0+$0xFFFFFCA0]  }
0x142: {  	v39 =	vld [tilespmem:s0+$0xFFFFFCB0]  }
0x143: {  	v42 =	vld [tilespmem:s0+$0xFFFFFCC0]  }
0x144: {  	v44 =	vld [tilespmem:s0+$0xFFFFFCD0]  }
0x145: {  	v46 =	vld [tilespmem:s0+$0xFFFFFCE0]  }
0x146: {  	v48 =	vld [tilespmem:s0+$0xFFFFFCF0]  }
0x147: {  	v51 =	vld [tilespmem:s0+$0xFFFFFD00]  }
0x148: {  	v53 =	vld [tilespmem:s0+$0xFFFFFD10]  }
0x149: {  	v55 =	vld [tilespmem:s0+$0xFFFFFD20]  }
0x14a: {  	v57 =	vld [tilespmem:s0+$0xFFFFFD30]  }
0x14b: {  	v59 =	vld [tilespmem:s0+$0xFFFFFD60]  }
0x14c: {  	v62 =	vld [tilespmem:s0+$0xFFFFFD70]  }
0x14d: {  	s18 =	sand.u32 $0xFFFF, s16;
	v17 =	vld [tilespmem:s0+$0xFFFFFDB0]  }
0x14e: {  	v31 =	vld [tilespmem:s0+$0xFFFFFE00];
	s18 =	smul.u32 $0x8619, s18  }
0x14f: {  	v23 =	vld [tilespmem:s0+$0xFFFFFE10]  }
0x150: {  	v29 =	vld [tilespmem:s0+$0xFFFFFE40];
	s18 =	sshrl.u32 s18, $0x10  }
0x151: {  	v24 =	vld [tilespmem:s0+$0xFFFFFE50];
	s19 =	ssub.s32 s16, s18  }
0x152: {  	v32 =	vld [tilespmem:s0+$0xFFFFFE80];
	s19 =	sshrl.u32 s19, $0x1  }
0x153: {  	v25 =	vld [tilespmem:s0+$0xFFFFFE90];
	s18 =	sadd.s32 s18, s19  }
0x154: {  	[tilespmem:$0x1FD30] =	vst v57;
	v57 =	vld [tilespmem:s0+$0xFFFFFD40];
	s19 =	sshll.u32 s18, $0x2  }
0x155: {  	[tilespmem:$0x1FC90] =	vst v46;
	v46 =	vld [tilespmem:s0+$0xFFFFFD50];
	s19 =	sand.u32 $0xFFC0, s19  }
0x156: {  	s18 =	smul.u32 $0x8619, s16;
	v1 =	vld.idx.msk [tilespmem:v0+s19+$0x0 ss:$0x1], $0xffff  }
0x157: {  	v4 =	vld.idx.msk [tilespmem:v0+s19+$0x10 ss:$0x1], $0xffff  }
0x158: {  	[tilespmem:$0x1FCD0] =	vst v53;
	v53 =	vld [tilespmem:s0+$0xFFFFFDE0];
	s20 =	sadd.s32 $0x8619, s18  }
0x159: {  	[tilespmem:$0x1FC10] =	vst v37;
	v37 =	vld [tilespmem:s0+$0xFFFFFE20];
	s20 =	sshrl.u32 s20, $0x10  }
0x15a: {  	v3 =	vld.idx.msk [tilespmem:v0+s19+$0x20 ss:$0x1], $0xffff;
	s21 =	ssub.s32 s16, s20  }
0x15b: {  	[tilespmem:$0x1FD10] =	vst v55;
	v55 =	vld [tilespmem:s0+$0xFFFFFE70];
	s21 =	sadd.s32 $0x1, s21  }
0x15c: {  	[tilespmem:$0x1FC70] =	vst v39;
	v39 =	vld [tilespmem:s0+$0xFFFFFEA0];
	s21 =	sshrl.u32 s21, $0x1;
	v21 =	vmul.f32 v2, v1;
	v1 =	vmul.f32 v11, v4  }
0x15d: {  	v5 =	vld.idx.msk [tilespmem:v0+s19+$0x30 ss:$0x1], $0xffff;
	s20 =	sadd.s32 s20, s21  }
0x15e: {  	[tilespmem:$0x1FBC0] =	vst v6;
	s20 =	sshll.u32 s20, $0x2;
	v2 =	vadd.f32 v1, v21;
	v21 =	vld [tilespmem:s0+$0xFFFFFEF0]  }
0x15f: {  	s19 =	sand.u32 $0xFFC0, s20;
	v1 =	vmul.f32 v7, v3;
	v3 =	vld [tilespmem:$0x1FBC0]  }
0x160: {  	s21 =	sadd.s32 $0x10C32, s18;
	v13 =	vld.idx.msk [tilespmem:v0+s19+$0x0 ss:$0x1], $0xffff  }
0x161: {  	s20 =	sshrl.u32 s21, $0x10;
	v15 =	vld.idx.msk [tilespmem:v0+s19+$0x10 ss:$0x1], $0xffff  }
0x162: {  	s21 =	ssub.s32 s16, s20;
	v9 =	vld.idx.msk [tilespmem:v0+s19+$0x20 ss:$0x1], $0xffff  }
0x163: {  	[tilespmem:$0x1FBE0] =	vst v35;
	v10 =	vld.idx.msk [tilespmem:v0+s19+$0x30 ss:$0x1], $0xffff;
	s21 =	sadd.s32 $0x2, s21  }
0x164: {  	v7 =	vadd.f32 v1, v2;
	v2 =	vld [tilespmem:$0x1FBE0];
	s21 =	sshrl.u32 s21, $0x1  }
0x165: {  	[tilespmem:$0x1FC50] =	vst v44;
	s20 =	sadd.s32 s20, s21;
	v11 =	vmul.f32 v14, v13;
	v14 =	vld [tilespmem:s0+$0xFFFFFF00]  }
0x166: {  	s20 =	sshll.u32 s20, $0x2;
	v13 =	vld [tilespmem:$0x1FC50]  }
0x167: {  	s21 =	sadd.s32 $0x1924B, s18;
	s19 =	sand.u32 $0xFFC0, s20;
	v4 =	vmul.f32 v12, v9;
	v9 =	vld [tilespmem:s0+$0xFFFFFF30]  }
0x168: {  	s20 =	sshrl.u32 s21, $0x10;
	v38 =	vld.idx.msk [tilespmem:v0+s19+$0x30 ss:$0x1], $0xffff  }
0x169: {  	s21 =	ssub.s32 s16, s20;
	v36 =	vld.idx.msk [tilespmem:v0+s19+$0x20 ss:$0x1], $0xffff  }
0x16a: {  	v3 =	vmul.f32 v3, v15;
	v34 =	vld.idx.msk [tilespmem:v0+s19+$0x0 ss:$0x1], $0xffff;
	s21 =	sadd.s32 $0x3, s21  }
0x16b: {  	[tilespmem:$0x1FC30] =	vst v42;
	v50 =	vld.idx.msk [tilespmem:v0+s19+$0x10 ss:$0x1], $0xffff;
	s21 =	sshrl.u32 s21, $0x1  }
0x16c: {  	v3 =	vadd.f32 v3, v11;
	v11 =	vld [tilespmem:$0x1FC30];
	s20 =	sadd.s32 s20, s21  }
0x16d: {  	s20 =	sshll.u32 s20, $0x2;
	[tilespmem:$0x1FC60] =	vst v38;
	v38 =	vld [tilespmem:s0+$0xFFFFFE60]  }
0x16e: {  	[tilespmem:$0x1FC00] =	vst v36;
	s19 =	sand.u32 $0xFFC0, s20;
	v36 =	vld [tilespmem:s0+$0xFFFFFEB0]  }
0x16f: {  	s21 =	sadd.s32 $0x21864, s18;
	v47 =	vld.idx.msk [tilespmem:v0+s19+$0x30 ss:$0x1], $0xffff  }
0x170: {  	[tilespmem:$0x1FBD0] =	vst v34;
	s20 =	sshrl.u32 s21, $0x10;
	v45 =	vld.idx.msk [tilespmem:v0+s19+$0x20 ss:$0x1], $0xffff  }
0x171: {  	s21 =	ssub.s32 s16, s20;
	v1 =	vld [tilespmem:$0x1FBD0]  }
0x172: {  	v41 =	vld.idx.msk [tilespmem:v0+s19+$0x0 ss:$0x1], $0xffff;
	s21 =	sadd.s32 $0x4, s21  }
0x173: {  	[tilespmem:$0x1FBF0] =	vst v33;
	v43 =	vld.idx.msk [tilespmem:v0+s19+$0x10 ss:$0x1], $0xffff;
	s21 =	sshrl.u32 s21, $0x1  }
0x174: {  	s20 =	sadd.s32 s20, s21;
	[tilespmem:$0x1FCE0] =	vst v47;
	v47 =	vld [tilespmem:s0+$0xFFFFFD90]  }
0x175: {  	s20 =	sshll.u32 s20, $0x2;
	[tilespmem:$0x1FC80] =	vst v45;
	v45 =	vld [tilespmem:s0+$0xFFFFFDD0]  }
0x176: {  	s19 =	sand.u32 $0xFFC0, s20;
	v2 =	vmul.f32 v2, v1;
	v1 =	vld [tilespmem:$0x1FBF0]  }
0x177: {  	v49 =	vld.idx.msk [tilespmem:v0+s19+$0x0 ss:$0x1], $0xffff  }
0x178: {  	v52 =	vld.idx.msk [tilespmem:v0+s19+$0x10 ss:$0x1], $0xffff  }
0x179: {  	v40 =	vmul.f32 v40, v50;
	s21 =	sadd.s32 $0x29E7D, s18;
	v54 =	vld.idx.msk [tilespmem:v0+s19+$0x20 ss:$0x1], $0xffff  }
0x17a: {  	s20 =	sshrl.u32 s21, $0x10;
	v56 =	vld.idx.msk [tilespmem:v0+s19+$0x30 ss:$0x1], $0xffff  }
0x17b: {  	s21 =	ssub.s32 s16, s20;
	v2 =	vadd.f32 v40, v2;
	v40 =	vld [tilespmem:$0x1FC10]  }
0x17c: {  	v6 =	vmul.f32 v8, v5;
	s21 =	sadd.s32 $0x5, s21;
	v5 =	vmul.f32 v1, v10;
	v1 =	vld [tilespmem:$0x1FC00]  }
0x17d: {  	s21 =	sshrl.u32 s21, $0x1;
	v10 =	vld [tilespmem:s0+$0xFFFFFF10]  }
0x17e: {  	s20 =	sadd.s32 s20, s21;
	[tilespmem:$0x1FCC0] =	vst v52;
	v52 =	vld [tilespmem:s0+$0xFFFFFDA0]  }
0x17f: {  	s20 =	sshll.u32 s20, $0x2;
	[tilespmem:$0x1FD00] =	vst v54;
	v54 =	vld [tilespmem:s0+$0xFFFFFDF0]  }
0x180: {  	[tilespmem:$0x1FCA0] =	vst v49;
	s19 =	sand.u32 $0xFFC0, s20;
	v49 =	vld [tilespmem:s0+$0xFFFFFE30]  }
0x181: {  	[tilespmem:$0x1FCB0] =	vst v51;
	v51 =	vld.idx.msk [tilespmem:v0+s19+$0x0 ss:$0x1], $0xffff  }
0x182: {  	v60 =	vld.idx.msk [tilespmem:v0+s19+$0x10 ss:$0x1], $0xffff  }
0x183: {  	v3 =	vadd.f32 v4, v3;
	s21 =	sadd.s32 $0x32496, s18;
	v61 =	vld.idx.msk [tilespmem:v0+s19+$0x30 ss:$0x1], $0xffff  }
0x184: {  	s20 =	sshrl.u32 s21, $0x10;
	v58 =	vld.idx.msk [tilespmem:v0+s19+$0x20 ss:$0x1], $0xffff  }
0x185: {  	[tilespmem:$0x1FC20] =	vst v41;
	s21 =	ssub.s32 s16, s20;
	v5 =	vadd.f32 v5, v3;
	v3 =	vld [tilespmem:$0x1FC80]  }
0x186: {  	s21 =	sadd.s32 $0x6, s21;
	v50 =	vmul.f32 v40, v1;
	v1 =	vld [tilespmem:$0x1FC20]  }
0x187: {  	s21 =	sshrl.u32 s21, $0x1;
	v40 =	vld [tilespmem:$0x1FC60]  }
0x188: {  	s20 =	sadd.s32 s20, s21;
	[tilespmem:$0x1FD60] =	vst v61;
	v61 =	vld [tilespmem:s0+$0xFFFFFD80]  }
0x189: {  	s20 =	sshll.u32 s20, $0x2;
	v2 =	vadd.f32 v50, v2;
	v50 =	vld [tilespmem:$0x1FC70]  }
0x18a: {  	s19 =	sand.u32 $0xFFC0, s20;
	v46 =	vmul.f32 v46, v60;
	v60 =	vld [tilespmem:$0x1FD10]  }
0x18b: {  	[tilespmem:$0x1FD20] =	vst v56;
	v56 =	vld.idx.msk [tilespmem:v0+s19+$0x0 ss:$0x1], $0xffff  }
0x18c: {  	[tilespmem:$0x1FD70] =	vst v62;
	v62 =	vld.idx.msk [tilespmem:v0+s19+$0x10 ss:$0x1], $0xffff  }
0x18d: {  	s21 =	sadd.s32 $0x3AAAF, s18;
	v63 =	vld.idx.msk [tilespmem:v0+s19+$0x20 ss:$0x1], $0xffff  }
0x18e: {  	[tilespmem:$0x1FC40] =	vst v43;
	s20 =	sshrl.u32 s21, $0x10;
	v16 =	vld.idx.msk [tilespmem:v0+s19+$0x30 ss:$0x1], $0xffff  }
0x18f: {  	s21 =	ssub.s32 s16, s20;
	v4 =	vmul.f32 v11, v1;
	v1 =	vld [tilespmem:$0x1FC40]  }
0x190: {  	[tilespmem:$0x1FCF0] =	vst v48;
	v6 =	vadd.f32 v6, v7;
	s21 =	sadd.s32 $0x7, s21;
	v7 =	vmul.f32 v50, v40;
	v40 =	vld [tilespmem:s0+$0xFFFFFF20]  }
0x191: {  	s21 =	sshrl.u32 s21, $0x1;
	v50 =	vld [tilespmem:$0x1FCF0]  }
0x192: {  	s20 =	sadd.s32 s20, s21;
	[tilespmem:$0x1FD80] =	vst v63;
	v63 =	vld [tilespmem:s0+$0xFFFFFDC0]  }
0x193: {  	s20 =	sshll.u32 s20, $0x2;
	[tilespmem:$0x1FD90] =	vst v16;
	v16 =	vld [tilespmem:s0+$0xFFFFFED0]  }
0x194: {  	s19 =	sand.u32 $0xFFC0, s20;
	v47 =	vmul.f32 v47, v62;
	v62 =	vld [tilespmem:$0x1FD60]  }
0x195: {  	[tilespmem:$0x1FD40] =	vst v58;
	v58 =	vld.idx.msk [tilespmem:v0+s19+$0x0 ss:$0x1], $0xffff  }
0x196: {  	v48 =	vld.idx.msk [tilespmem:v0+s19+$0x10 ss:$0x1], $0xffff  }
0x197: {  	s21 =	sadd.s32 $0x430C8, s18;
	v18 =	vld.idx.msk [tilespmem:v0+s19+$0x20 ss:$0x1], $0xffff  }
0x198: {  	s20 =	sshrl.u32 s21, $0x10;
	v19 =	vld.idx.msk [tilespmem:v0+s19+$0x30 ss:$0x1], $0xffff  }
0x199: {  	(xrf2) =	vadd.scan.msk.f32 $0xffff, v6;
	s21 =	ssub.s32 s16, s20;
	v8 =	vadd.f32 v7, v2;
	v2 =	vld [tilespmem:$0x1FCA0]  }
0x19a: {  	(xrf2) =	vadd.scan.msk.f32 $0xffff, v5;
	s21 =	sadd.s32 $0x8, s21;
	v1 =	vmul.f32 v13, v1;
	v13 =	vld [tilespmem:$0x1FC90]  }
0x19b: {  	[tilespmem:$0x1FDA0] =	vst v17;
	s21 =	sshrl.u32 s21, $0x1;
	(xrf2) =	vadd.scan.msk.f32 $0xffff, v8;
	v8 =	vld [tilespmem:s0+$0xFFFFFF90]  }
0x19c: {  	s20 =	sadd.s32 s20, s21;
	[tilespmem:$0x1FDB0] =	vst v18;
	v18 =	vld [tilespmem:s0+$0xFFFFFEC0]  }
0x19d: {  	s21 =	sadd.s32 $0x4B6E1, s18;
	s20 =	sshll.u32 s20, $0x2;
	[tilespmem:$0x1FDC0] =	vst v19;
	v19 =	vld [tilespmem:s0+$0xFFFFFEE0]  }
0x19e: {  	s19 =	sand.u32 $0xFFC0, s20;
	s20 =	sshrl.u32 s21, $0x10;
	v63 =	vmul.f32 v63, v58;
	v58 =	vld [tilespmem:$0x1FDA0]  }
0x19f: {  	v1 =	vadd.f32 v1, v4;
	s21 =	ssub.s32 s16, s20;
	v4 =	vmul.f32 v13, v3;
	v3 =	vld [tilespmem:$0x1FCB0]  }
0x1a0: {  	v33 =	vld.idx.msk [tilespmem:v0+s19+$0x0 ss:$0x1], $0xffff;
	s21 =	sadd.s32 $0x9, s21  }
0x1a1: {  	v28 =	vld.idx.msk [tilespmem:v0+s19+$0x10 ss:$0x1], $0xffff;
	s21 =	sshrl.u32 s21, $0x1  }
0x1a2: {  	v41 =	vld.idx.msk [tilespmem:v0+s19+$0x20 ss:$0x1], $0xffff;
	s20 =	sadd.s32 s20, s21  }
0x1a3: {  	[tilespmem:$0x1FD50] =	vst v59;
	v59 =	vld.idx.msk [tilespmem:v0+s19+$0x30 ss:$0x1], $0xffff;
	s21 =	sadd.s32 $0x53CFA, s18;
	s20 =	sshll.u32 s20, $0x2  }
0x1a4: {  	s19 =	sand.u32 $0xFFC0, s20;
	s20 =	sshrl.u32 s21, $0x10;
	v7 =	vmul.f32 v3, v2;
	v2 =	vld [tilespmem:$0x1FCC0]  }
0x1a5: {  	v3 =	vld [tilespmem:$0x1FCD0];
	s21 =	ssub.s32 s16, s20  }
0x1a6: {  	v34 =	vld.idx.msk [tilespmem:v0+s19+$0x0 ss:$0x1], $0xffff;
	s21 =	sadd.s32 $0xA, s21  }
0x1a7: {  	v26 =	vld.idx.msk [tilespmem:v0+s19+$0x10 ss:$0x1], $0xffff;
	s21 =	sshrl.u32 s21, $0x1  }
0x1a8: {  	v42 =	vld.idx.msk [tilespmem:v0+s19+$0x20 ss:$0x1], $0xffff;
	s20 =	sadd.s32 s20, s21  }
0x1a9: {  	v20 =	vld.idx.msk [tilespmem:v0+s19+$0x30 ss:$0x1], $0xffff;
	s20 =	sshll.u32 s20, $0x2  }
0x1aa: {  	s21 =	sadd.s32 $0x5C313, s18;
	v2 =	vmul.f32 v3, v2;
	v3 =	vadd.f32 v4, v1;
	v1 =	vld [tilespmem:$0x1FCE0];
	s19 =	sand.u32 $0xFFC0, s20  }
0x1ab: {  	s20 =	sshrl.u32 s21, $0x10;
	v35 =	vld.idx.msk [tilespmem:v0+s19+$0x0 ss:$0x1], $0xffff  }
0x1ac: {  	s21 =	ssub.s32 s16, s20;
	v30 =	vld.idx.msk [tilespmem:v0+s19+$0x10 ss:$0x1], $0xffff  }
0x1ad: {  	v4 =	vmul.f32 v57, v51;
	v44 =	vld.idx.msk [tilespmem:v0+s19+$0x20 ss:$0x1], $0xffff;
	s21 =	sadd.s32 $0xB, s21  }
0x1ae: {  	v43 =	vld.idx.msk [tilespmem:v0+s19+$0x30 ss:$0x1], $0xffff;
	s21 =	sshrl.u32 s21, $0x1  }
0x1af: {  	v4 =	vadd.f32 v46, v4;
	v46 =	vld [tilespmem:$0x1FD40];
	s20 =	sadd.s32 s20, s21  }
0x1b0: {  	v57 =	vmul.f32 v50, v1;
	v1 =	vld [tilespmem:$0x1FD00];
	s20 =	sshll.u32 s20, $0x2  }
0x1b1: {  	v50 =	vld [tilespmem:$0x1FD30];
	s19 =	sand.u32 $0xFFC0, s20  }
0x1b2: {  	[tilespmem:$0x1FDD0] =	vst v20;
	s21 =	sadd.s32 $0x6492C, s18;
	v20 =	vld.idx.msk [tilespmem:v0+s19+$0x0 ss:$0x1], $0xffff  }
0x1b3: {  	s20 =	sshrl.u32 s21, $0x10;
	v17 =	vld.idx.msk [tilespmem:v0+s19+$0x10 ss:$0x1], $0xffff  }
0x1b4: {  	s21 =	ssub.s32 s16, s20;
	v22 =	vld.idx.msk [tilespmem:v0+s19+$0x20 ss:$0x1], $0xffff  }
0x1b5: {  	v27 =	vld.idx.msk [tilespmem:v0+s19+$0x30 ss:$0x1], $0xffff;
	s21 =	sadd.s32 $0xC, s21  }
0x1b6: {  	v2 =	vadd.f32 v2, v7;
	s21 =	sshrl.u32 s21, $0x1;
	v7 =	vmul.f32 v60, v1;
	v60 =	vld [tilespmem:s0+$0xFFFFFF40]  }
0x1b7: {  	v1 =	vld [tilespmem:$0x1FD20];
	s20 =	sadd.s32 s20, s21  }
0x1b8: {  	s20 =	sshll.u32 s20, $0x2;
	v2 =	vadd.f32 v7, v2;
	v7 =	vmul.f32 v61, v56;
	v56 =	vld [tilespmem:s0+$0xFFFFFF50]  }
0x1b9: {  	s21 =	sadd.s32 $0x6CF45, s18;
	v61 =	vld [tilespmem:$0x1FD70];
	s19 =	sand.u32 $0xFFC0, s20  }
0x1ba: {  	s20 =	sshrl.u32 s21, $0x10;
	v15 =	vld.idx.msk [tilespmem:v0+s19+$0x0 ss:$0x1], $0xffff  }
0x1bb: {  	s21 =	ssub.s32 s16, s20;
	v12 =	vld.idx.msk [tilespmem:v0+s19+$0x10 ss:$0x1], $0xffff  }
0x1bc: {  	v11 =	vld.idx.msk [tilespmem:v0+s19+$0x20 ss:$0x1], $0xffff;
	s21 =	sadd.s32 $0xD, s21;
	v1 =	vmul.f32 v50, v1  }
0x1bd: {  	v3 =	vadd.f32 v57, v3;
	v50 =	vld [tilespmem:$0x1FD50];
	s21 =	sshrl.u32 s21, $0x1  }
0x1be: {  	v13 =	vld.idx.msk [tilespmem:v0+s19+$0x30 ss:$0x1], $0xffff;
	s20 =	sadd.s32 s20, s21;
	v1 =	vadd.f32 v1, v2  }
0x1bf: {  	(xrf2) =	vadd.scan.msk.f32 $0xffff, v3;
	v2 =	vadd.f32 v47, v7;
	v47 =	vld [tilespmem:s0+$0xFFFFFF60];
	s20 =	sshll.u32 s20, $0x2  }
0x1c0: {  	s21 =	sadd.s32 $0x7555E, s18;
	s19 =	sand.u32 $0xFFC0, s20;
	(xrf2) =	vadd.scan.msk.f32 $0xffff, v1;
	v1 =	vld [tilespmem:$0x1FDD0]  }
0x1c1: {  	s20 =	sshrl.u32 s21, $0x10;
	v51 =	vld.idx.msk [tilespmem:v0+s19+$0x0 ss:$0x1], $0xffff  }
0x1c2: {  	v46 =	vmul.f32 v50, v46;
	s21 =	ssub.s32 s16, s20;
	v50 =	vld.idx.msk [tilespmem:v0+s19+$0x10 ss:$0x1], $0xffff  }
0x1c3: {  	v57 =	vld.idx.msk [tilespmem:v0+s19+$0x20 ss:$0x1], $0xffff;
	s21 =	sadd.s32 $0xE, s21  }
0x1c4: {  	v45 =	vmul.f32 v45, v48;
	v48 =	vld.idx.msk [tilespmem:v0+s19+$0x30 ss:$0x1], $0xffff;
	s21 =	sshrl.u32 s21, $0x1  }
0x1c5: {  	v4 =	vadd.f32 v46, v4;
	v46 =	vmul.f32 v61, v62;
	v62 =	vld [tilespmem:$0x1FD80];
	s20 =	sadd.s32 s20, s21  }
0x1c6: {  	v61 =	vadd.f32 v45, v63;
	v63 =	vld [tilespmem:$0x1FDC0];
	s20 =	sshll.u32 s20, $0x2  }
0x1c7: {  	v6 =	vmul.f32 v31, v33;
	v4 =	vadd.f32 v46, v4;
	v46 =	vmul.f32 v37, v41;
	v37 =	vld [tilespmem:s0+$0xFFFFFF80];
	s19 =	sand.u32 $0xFFC0, s20  }
0x1c8: {  	v29 =	vmul.f32 v29, v34;
	v24 =	vmul.f32 v24, v26;
	v45 =	vld.idx.msk [tilespmem:v0+s19+$0x0 ss:$0x1], $0xffff  }
0x1c9: {  	v18 =	vmul.f32 v18, v20;
	v16 =	vmul.f32 v16, v17;
	v26 =	vld.idx.msk [tilespmem:v0+s19+$0x10 ss:$0x1], $0xffff  }
0x1ca: {  	v24 =	vadd.f32 v24, v29;
	v34 =	vmul.f32 v14, v15;
	v9 =	vmul.f32 v9, v13;
	s21 =	sadd.s32 $0x7DB77, s18;
	v29 =	vld.idx.msk [tilespmem:v0+s19+$0x20 ss:$0x1], $0xffff  }
0x1cb: {  	v1 =	vmul.f32 v55, v1;
	s20 =	sshrl.u32 s21, $0x10;
	v7 =	vmul.f32 v52, v62;
	v52 =	vld [tilespmem:$0x1FD90]  }
0x1cc: {  	v50 =	vmul.f32 v56, v50;
	v55 =	vmul.f32 v47, v57;
	s21 =	ssub.s32 s16, s20;
	v62 =	vld [tilespmem:$0x1FDB0]  }
0x1cd: {  	v17 =	vld.idx.msk [tilespmem:v0+s19+$0x30 ss:$0x1], $0xffff;
	v5 =	vmul.f32 v54, v63;
	s21 =	sadd.s32 $0xF, s21;
	v54 =	vmul.f32 v32, v35  }
0x1ce: {  	v63 =	vmul.f32 v36, v43;
	v36 =	vld [tilespmem:s0+$0xFFFFFFC0];
	s21 =	sshrl.u32 s21, $0x1;
	v2 =	vadd.f32 v7, v2;
	v7 =	vmul.f32 v23, v28  }
0x1cf: {  	v35 =	vmul.f32 v10, v12;
	v43 =	vmul.f32 v40, v11;
	v23 =	vld [tilespmem:s0+$0xFFFFFF70];
	s20 =	sadd.s32 s20, s21  }
0x1d0: {  	s21 =	sshll.u32 s20, $0x2;
	v6 =	vadd.f32 v7, v6;
	v28 =	vmul.f32 v58, v52;
	v52 =	vmul.f32 v49, v59;
	v59 =	vld [tilespmem:s0+$0xFFFFFFA0]  }
0x1d1: {  	v16 =	vadd.f32 v16, v18;
	(xrf2) =	vadd.scan.msk.f32 $0xffff, v4;
	s19 =	sand.u32 $0xFFC0, s21;
	v33 =	vmul.f32 v53, v62;
	v53 =	vmul.f32 v38, v42;
	v62 =	vld [tilespmem:s0+$0xFFFFFFB0]  }
0x1d2: {  	v58 =	vmul.f32 v25, v30;
	v32 =	vld.idx.msk [tilespmem:v0+s19+$0x0 ss:$0x1], $0xffff;
	v42 =	vadd.f32 v35, v34;
	v6 =	vadd.f32 v46, v6  }
0x1d3: {  	v41 =	vld.idx.msk [tilespmem:v0+s19+$0x10 ss:$0x1], $0xffff;
	v49 =	vmul.f32 v60, v51;
	v31 =	vadd.f32 v33, v61;
	v2 =	vadd.f32 v28, v2  }
0x1d4: {  	v51 =	vld.idx.msk [tilespmem:v0+s19+$0x20 ss:$0x1], $0xffff;
	v24 =	vadd.f32 v53, v24;
	v61 =	vmul.f32 v39, v44;
	v4 =	vadd.f32 v43, v42  }
0x1d5: {  	v39 =	vmul.f32 v21, v27;
	v44 =	vld [tilespmem:s0+$0xFFFFFFD0];
	v3 =	vadd.f32 v52, v6;
	v6 =	vadd.f32 v58, v54  }
0x1d6: {  	v56 =	vld.idx.msk [tilespmem:v0+s19+$0x30 ss:$0x1], $0xffff;
	v53 =	vmul.f32 v8, v26;
	v5 =	vadd.f32 v5, v31;
	v31 =	vmul.f32 v19, v22  }
0x1d7: {  	v12 =	vadd.f32 v50, v49;
	v52 =	vmul.f32 v37, v45;
	v54 =	vld [tilespmem:s0+$0xFFFFFFE0];
	(xrf2) =	vadd.scan.msk.f32 $0xffff, v2;
	v33 =	vadd.f32 v61, v6  }
0x1d8: {  	v1 =	vadd.f32 v1, v24;
	v57 =	vmul.f32 v59, v29;
	v38 =	vadd.f32 v31, v16;
	(xrf2) =	vadd.scan.msk.f32 $0xffff, v5  }
0x1d9: {  	v58 =	vld [tilespmem:s0+$0xFFFFFFF0];
	v10 =	vmul.f32 v36, v32;
	v2 =	vadd.f32 v63, v33;
	(xrf2) =	vadd.scan.msk.f32 $0xffff, v3;
	v3 =	vmul.f32 v23, v48  }
0x1da: {  	v59, _, _ =	vpop (xrf2);
	v7 =	vmul.f32 v44, v41;
	v46 =	vadd.f32 v39, v38;
	(xrf2) =	vadd.scan.msk.f32 $0xffff, v1;
	v1 =	vadd.f32 v55, v12  }
0x1db: {  	v61 =	vmul.f32 v62, v17;
	v5 =	vadd.f32 v53, v52;
	v62, _, _ =	vpop (xrf2);
	(xrf2) =	vadd.scan.msk.f32 $0xffff, v2;
	v2 =	vadd.f32 v9, v4  }
0x1dc: {  	v15, _, _ =	vpop (xrf2);
	v63 =	vmul.f32 v54, v51;
	(xrf2) =	vadd.scan.msk.f32 $0xffff, v46;
	v1 =	vadd.f32 v3, v1;
	v3 =	vadd.f32 v7, v10  }
0x1dd: {  	v13 =	vbroadcast v59, $0xF;
	v6 =	vbroadcast v62, $0xF;
	v60 =	vadd.f32 v57, v5;
	v17, _, _ =	vpop (xrf2);
	(xrf2) =	vadd.scan.msk.f32 $0xffff, v2  }
0x1de: {  	v19, _, _ =	vpop (xrf2);
	(xrf2) =	vadd.scan.msk.f32 $0xffff, v1;
	v1 =	vadd.f32 v63, v3;
	v3 =	vmul.f32 v58, v56  }
0x1df: {  	v16 =	vbroadcast v15, $0xF;
	v6 =	vsel vm1, v13, v6;
	v21, _, _ =	vpop (xrf2);
	v2 =	vadd.f32 v61, v60  }
0x1e0: {  	v5 =	vbroadcast v17, $0xF;
	v1 =	vadd.f32 v3, v1;
	v3 =	vbroadcast v21, $0xF  }
0x1e1: {  	v20 =	vbroadcast v19, $0xF;
	(xrf2) =	vadd.scan.msk.f32 $0xffff, v2;
	v2 =	vsel vm2, v6, v16  }
0x1e2: {  	v2 =	vsel vm3, v2, v5;
	v22, _, _ =	vpop (xrf2)  }
0x1e3: {  	v2 =	vsel vm4, v2, v20;
	v23 =	vbroadcast v22, $0xF;
	v24, _, _ =	vpop (xrf2)  }
0x1e4: {  	(xrf2) =	vadd.scan.msk.f32 $0xffff, v1;
	v1 =	vsel vm5, v2, v3;
	v2 =	vbroadcast v24, $0xF;
	v3, _, _ =	vpop (xrf2)  }
0x1e5: {  	v1 =	vsel vm6, v1, v23;
	v3 =	vbroadcast v3, $0xF;
	v25, _, _ =	vpop (xrf2)  }
0x1e6: {  	v1 =	vsel vm7, v1, v2;
	v2 =	vbroadcast v25, $0xF;
	v26, _, _ =	vpop (xrf2)  }
0x1e7: {  	v1 =	vsel vm8, v1, v3;
	v3 =	vbroadcast v26, $0xF;
	v27, _, _ =	vpop (xrf2)  }
0x1e8: {  	v1 =	vsel vm9, v1, v2;
	v2 =	vbroadcast v27, $0xF;
	v28, _, _ =	vpop (xrf2)  }
0x1e9: {  	v1 =	vsel vm10, v1, v3;
	v29, _, _ =	vpop (xrf2)  }
0x1ea: {  	v3 =	vbroadcast v28, $0xF;
	v1 =	vsel vm11, v1, v2;
	v2 =	vbroadcast v29, $0xF  }
0x1eb: {  	s20 =	sadd.s32 $0x86190, s18;
	v30 =	vld [tilespmem:s17+$0xFFFFFFF0];
	v31, _, _ =	vpop (xrf2)  }
0x1ec: {  	s19 =	sshrl.u32 s20, $0x10;
	v1 =	vsel vm12, v1, v3;
	v3 =	vbroadcast v31, $0xF  }
0x1ed: {  	s21 =	ssub.s32 s16, s19;
	v1 =	vsel vm13, v1, v2  }
0x1ee: {  	s20 =	sadd.s32 $0x10, s21;
	v1 =	vsel vm14, v1, v3;
	v2, _, _ =	vpop (xrf2)  }
0x1ef: {  	s20 =	sshrl.u32 s20, $0x1;
	v1 =	vsel vm15, v1, v2  }
0x1f0: {  	s19 =	sadd.s32 s19, s20;
	v1 =	vmul.f32 v1, v30  }
0x1f1: {  	s19 =	sshll.u32 s19, $0x2  }
0x1f2: {  	s19 =	sand.u32 $0xFFC0, s19;
	[tilespmem:s31+$0xFFFFFFF0] =	vst v1  }
0x1f3: {  	v1 =	vld.idx.msk [tilespmem:v0+s19+$0x0 ss:$0x1], $0xffff  }
0x1f4: {  	v2 =	vld [tilespmem:s0+$0x0]  }
0x1f5: {  	v4 =	vld.idx.msk [tilespmem:v0+s19+$0x10 ss:$0x1], $0xffff  }
0x1f6: {  	v11 =	vld [tilespmem:s0+$0x10]  }
0x1f7: {  	v3 =	vld.idx.msk [tilespmem:v0+s19+$0x20 ss:$0x1], $0xffff  }
0x1f8: {  	v7 =	vld [tilespmem:s0+$0x20]  }
0x1f9: {  	v5 =	vld.idx.msk [tilespmem:v0+s19+$0x30 ss:$0x1], $0xffff  }
0x1fa: {  	v8 =	vld [tilespmem:s0+$0x30]  }
0x1fb: {  	v14 =	vld [tilespmem:s0+$0x40]  }
0x1fc: {  	v32 =	vld [tilespmem:s0+$0x50]  }
0x1fd: {  	v12 =	vld [tilespmem:s0+$0x60]  }
0x1fe: {  	v33 =	vld [tilespmem:s0+$0x70]  }
0x1ff: {  	v35 =	vld [tilespmem:s0+$0x80]  }
0x200: {  	v40 =	vld [tilespmem:s0+$0x90]  }
0x201: {  	v37 =	vld [tilespmem:s0+$0xA0]  }
0x202: {  	v39 =	vld [tilespmem:s0+$0xB0]  }
0x203: {  	v42 =	vld [tilespmem:s0+$0xC0]  }
0x204: {  	v44 =	vld [tilespmem:s0+$0xD0]  }
0x205: {  	v46 =	vld [tilespmem:s0+$0xE0]  }
0x206: {  	v48 =	vld [tilespmem:s0+$0xF0]  }
0x207: {  	v51 =	vld [tilespmem:s0+$0x100]  }
0x208: {  	v53 =	vld [tilespmem:s0+$0x110]  }
0x209: {  	v55 =	vld [tilespmem:s0+$0x120]  }
0x20a: {  	v57 =	vld [tilespmem:s0+$0x130]  }
0x20b: {  	s21 =	sadd.s32 $0x8E7A9, s18;
	v59 =	vld [tilespmem:s0+$0x160]  }
0x20c: {  	s20 =	sshrl.u32 s21, $0x10;
	v62 =	vld [tilespmem:s0+$0x170]  }
0x20d: {  	s21 =	ssub.s32 s16, s20;
	v17 =	vld [tilespmem:s0+$0x1B0]  }
0x20e: {  	s21 =	sadd.s32 $0x11, s21;
	v31 =	vld [tilespmem:s0+$0x200]  }
0x20f: {  	s21 =	sshrl.u32 s21, $0x1;
	v23 =	vld [tilespmem:s0+$0x210]  }
0x210: {  	s20 =	sadd.s32 s20, s21;
	v29 =	vld [tilespmem:s0+$0x240]  }
0x211: {  	s20 =	sshll.u32 s20, $0x2;
	v24 =	vld [tilespmem:s0+$0x250]  }
0x212: {  	s19 =	sand.u32 $0xFFC0, s20;
	v25 =	vld [tilespmem:s0+$0x290]  }
0x213: {  	v13 =	vld.idx.msk [tilespmem:v0+s19+$0x0 ss:$0x1], $0xffff  }
0x214: {  	v15 =	vld.idx.msk [tilespmem:v0+s19+$0x10 ss:$0x1], $0xffff  }
0x215: {  	v9 =	vld.idx.msk [tilespmem:v0+s19+$0x20 ss:$0x1], $0xffff  }
0x216: {  	v10 =	vld.idx.msk [tilespmem:v0+s19+$0x30 ss:$0x1], $0xffff  }
0x217: {  	[tilespmem:$0x1FF50] =	vst v57;
	v57 =	vld [tilespmem:s0+$0x140]  }
0x218: {  	[tilespmem:$0x1FEB0] =	vst v46;
	v46 =	vld [tilespmem:s0+$0x150]  }
0x219: {  	s21 =	sadd.s32 $0x96DC2, s18;
	[tilespmem:$0x1FEF0] =	vst v53;
	v53 =	vld [tilespmem:s0+$0x1E0]  }
0x21a: {  	s20 =	sshrl.u32 s21, $0x10;
	[tilespmem:$0x1FE30] =	vst v37;
	v37 =	vld [tilespmem:s0+$0x220]  }
0x21b: {  	s21 =	ssub.s32 s16, s20;
	[tilespmem:$0x1FF30] =	vst v55;
	v55 =	vld [tilespmem:s0+$0x270]  }
0x21c: {  	s21 =	sadd.s32 $0x12, s21;
	[tilespmem:$0x1FDE0] =	vst v32;
	v32 =	vld [tilespmem:s0+$0x280]  }
0x21d: {  	s21 =	sshrl.u32 s21, $0x1;
	[tilespmem:$0x1FE90] =	vst v39;
	v39 =	vld [tilespmem:s0+$0x2A0];
	v21 =	vmul.f32 v2, v1  }
0x21e: {  	s20 =	sadd.s32 s20, s21;
	[tilespmem:$0x1FE70] =	vst v44;
	v1 =	vmul.f32 v11, v4;
	v11 =	vmul.f32 v14, v13;
	v14 =	vld [tilespmem:s0+$0x300]  }
0x21f: {  	s20 =	sshll.u32 s20, $0x2;
	v13 =	vld [tilespmem:$0x1FE70]  }
0x220: {  	s19 =	sand.u32 $0xFFC0, s20;
	v4 =	vmul.f32 v12, v9;
	v9 =	vld [tilespmem:s0+$0x330]  }
0x221: {  	v34 =	vld.idx.msk [tilespmem:v0+s19+$0x0 ss:$0x1], $0xffff  }
0x222: {  	s21 =	sadd.s32 $0x9F3DB, s18;
	v50 =	vld.idx.msk [tilespmem:v0+s19+$0x10 ss:$0x1], $0xffff  }
0x223: {  	s20 =	sshrl.u32 s21, $0x10;
	v38 =	vld.idx.msk [tilespmem:v0+s19+$0x30 ss:$0x1], $0xffff  }
0x224: {  	s21 =	ssub.s32 s16, s20;
	v36 =	vld.idx.msk [tilespmem:v0+s19+$0x20 ss:$0x1], $0xffff  }
0x225: {  	v2 =	vadd.f32 v1, v21;
	v1 =	vmul.f32 v7, v3;
	v21 =	vld [tilespmem:s0+$0x2F0];
	s21 =	sadd.s32 $0x13, s21  }
0x226: {  	[tilespmem:$0x1FE00] =	vst v35;
	v3 =	vld [tilespmem:$0x1FDE0];
	s21 =	sshrl.u32 s21, $0x1  }
0x227: {  	v7 =	vadd.f32 v1, v2;
	v2 =	vld [tilespmem:$0x1FE00];
	s20 =	sadd.s32 s20, s21  }
0x228: {  	s20 =	sshll.u32 s20, $0x2;
	[tilespmem:$0x1FE80] =	vst v38;
	v38 =	vld [tilespmem:s0+$0x260]  }
0x229: {  	[tilespmem:$0x1FE20] =	vst v36;
	s19 =	sand.u32 $0xFFC0, s20;
	v36 =	vld [tilespmem:s0+$0x2B0]  }
0x22a: {  	v41 =	vld.idx.msk [tilespmem:v0+s19+$0x0 ss:$0x1], $0xffff  }
0x22b: {  	s21 =	sadd.s32 $0xA79F4, s18;
	v47 =	vld.idx.msk [tilespmem:v0+s19+$0x30 ss:$0x1], $0xffff  }
0x22c: {  	[tilespmem:$0x1FDF0] =	vst v34;
	s20 =	sshrl.u32 s21, $0x10;
	v45 =	vld.idx.msk [tilespmem:v0+s19+$0x20 ss:$0x1], $0xffff  }
0x22d: {  	v3 =	vmul.f32 v3, v15;
	s21 =	ssub.s32 s16, s20;
	v1 =	vld [tilespmem:$0x1FDF0]  }
0x22e: {  	[tilespmem:$0x1FE50] =	vst v42;
	v43 =	vld.idx.msk [tilespmem:v0+s19+$0x10 ss:$0x1], $0xffff;
	s21 =	sadd.s32 $0x14, s21  }
0x22f: {  	[tilespmem:$0x1FE10] =	vst v33;
	v3 =	vadd.f32 v3, v11;
	v11 =	vld [tilespmem:$0x1FE50];
	s21 =	sshrl.u32 s21, $0x1  }
0x230: {  	s20 =	sadd.s32 s20, s21;
	[tilespmem:$0x1FF00] =	vst v47;
	v47 =	vld [tilespmem:s0+$0x190]  }
0x231: {  	s20 =	sshll.u32 s20, $0x2;
	[tilespmem:$0x1FEA0] =	vst v45;
	v45 =	vld [tilespmem:s0+$0x1D0]  }
0x232: {  	s19 =	sand.u32 $0xFFC0, s20;
	v2 =	vmul.f32 v2, v1;
	v1 =	vld [tilespmem:$0x1FE10]  }
0x233: {  	v49 =	vld.idx.msk [tilespmem:v0+s19+$0x0 ss:$0x1], $0xffff  }
0x234: {  	v52 =	vld.idx.msk [tilespmem:v0+s19+$0x10 ss:$0x1], $0xffff  }
0x235: {  	v40 =	vmul.f32 v40, v50;
	s21 =	sadd.s32 $0xB000D, s18;
	v54 =	vld.idx.msk [tilespmem:v0+s19+$0x20 ss:$0x1], $0xffff  }
0x236: {  	s20 =	sshrl.u32 s21, $0x10;
	v56 =	vld.idx.msk [tilespmem:v0+s19+$0x30 ss:$0x1], $0xffff  }
0x237: {  	s21 =	ssub.s32 s16, s20;
	v2 =	vadd.f32 v40, v2;
	v40 =	vld [tilespmem:$0x1FE30]  }
0x238: {  	v6 =	vmul.f32 v8, v5;
	s21 =	sadd.s32 $0x15, s21;
	v5 =	vmul.f32 v1, v10;
	v1 =	vld [tilespmem:$0x1FE20]  }
0x239: {  	s21 =	sshrl.u32 s21, $0x1;
	v10 =	vld [tilespmem:s0+$0x310]  }
0x23a: {  	s20 =	sadd.s32 s20, s21;
	[tilespmem:$0x1FEE0] =	vst v52;
	v52 =	vld [tilespmem:s0+$0x1A0]  }
0x23b: {  	s20 =	sshll.u32 s20, $0x2;
	[tilespmem:$0x1FF20] =	vst v54;
	v54 =	vld [tilespmem:s0+$0x1F0]  }
0x23c: {  	[tilespmem:$0x1FEC0] =	vst v49;
	s19 =	sand.u32 $0xFFC0, s20;
	v49 =	vld [tilespmem:s0+$0x230]  }
0x23d: {  	[tilespmem:$0x1FED0] =	vst v51;
	v51 =	vld.idx.msk [tilespmem:v0+s19+$0x0 ss:$0x1], $0xffff  }
0x23e: {  	v60 =	vld.idx.msk [tilespmem:v0+s19+$0x10 ss:$0x1], $0xffff  }
0x23f: {  	v3 =	vadd.f32 v4, v3;
	s21 =	sadd.s32 $0xB8626, s18;
	v61 =	vld.idx.msk [tilespmem:v0+s19+$0x30 ss:$0x1], $0xffff  }
0x240: {  	s20 =	sshrl.u32 s21, $0x10;
	v58 =	vld.idx.msk [tilespmem:v0+s19+$0x20 ss:$0x1], $0xffff  }
0x241: {  	[tilespmem:$0x1FE40] =	vst v41;
	s21 =	ssub.s32 s16, s20;
	v5 =	vadd.f32 v5, v3;
	v3 =	vld [tilespmem:$0x1FEA0]  }
0x242: {  	s21 =	sadd.s32 $0x16, s21;
	v50 =	vmul.f32 v40, v1;
	v1 =	vld [tilespmem:$0x1FE40]  }
0x243: {  	s21 =	sshrl.u32 s21, $0x1;
	v40 =	vld [tilespmem:$0x1FE80]  }
0x244: {  	s20 =	sadd.s32 s20, s21;
	[tilespmem:$0x1FF80] =	vst v61;
	v61 =	vld [tilespmem:s0+$0x180]  }
0x245: {  	s20 =	sshll.u32 s20, $0x2;
	v2 =	vadd.f32 v50, v2;
	v50 =	vld [tilespmem:$0x1FE90]  }
0x246: {  	s19 =	sand.u32 $0xFFC0, s20;
	v46 =	vmul.f32 v46, v60;
	v60 =	vld [tilespmem:$0x1FF30]  }
0x247: {  	[tilespmem:$0x1FF40] =	vst v56;
	v56 =	vld.idx.msk [tilespmem:v0+s19+$0x0 ss:$0x1], $0xffff  }
0x248: {  	[tilespmem:$0x1FF90] =	vst v62;
	v62 =	vld.idx.msk [tilespmem:v0+s19+$0x10 ss:$0x1], $0xffff  }
0x249: {  	s21 =	sadd.s32 $0xC0C3F, s18;
	v63 =	vld.idx.msk [tilespmem:v0+s19+$0x20 ss:$0x1], $0xffff  }
0x24a: {  	[tilespmem:$0x1FE60] =	vst v43;
	s20 =	sshrl.u32 s21, $0x10;
	v16 =	vld.idx.msk [tilespmem:v0+s19+$0x30 ss:$0x1], $0xffff  }
0x24b: {  	s21 =	ssub.s32 s16, s20;
	v4 =	vmul.f32 v11, v1;
	v1 =	vld [tilespmem:$0x1FE60]  }
0x24c: {  	[tilespmem:$0x1FF10] =	vst v48;
	v6 =	vadd.f32 v6, v7;
	s21 =	sadd.s32 $0x17, s21;
	v7 =	vmul.f32 v50, v40;
	v40 =	vld [tilespmem:s0+$0x320]  }
0x24d: {  	s21 =	sshrl.u32 s21, $0x1;
	v50 =	vld [tilespmem:$0x1FF10]  }
0x24e: {  	s20 =	sadd.s32 s20, s21;
	[tilespmem:$0x1FFA0] =	vst v63;
	v63 =	vld [tilespmem:s0+$0x1C0]  }
0x24f: {  	s20 =	sshll.u32 s20, $0x2;
	[tilespmem:$0x1FFB0] =	vst v16;
	v16 =	vld [tilespmem:s0+$0x2D0]  }
0x250: {  	s19 =	sand.u32 $0xFFC0, s20;
	v47 =	vmul.f32 v47, v62;
	v62 =	vld [tilespmem:$0x1FF90]  }
0x251: {  	[tilespmem:$0x1FF60] =	vst v58;
	v58 =	vld.idx.msk [tilespmem:v0+s19+$0x0 ss:$0x1], $0xffff  }
0x252: {  	v48 =	vld.idx.msk [tilespmem:v0+s19+$0x10 ss:$0x1], $0xffff  }
0x253: {  	s21 =	sadd.s32 $0xC9258, s18;
	v18 =	vld.idx.msk [tilespmem:v0+s19+$0x20 ss:$0x1], $0xffff  }
0x254: {  	s20 =	sshrl.u32 s21, $0x10;
	v19 =	vld.idx.msk [tilespmem:v0+s19+$0x30 ss:$0x1], $0xffff  }
0x255: {  	(xrf2) =	vadd.scan.msk.f32 $0xffff, v6;
	s21 =	ssub.s32 s16, s20;
	v8 =	vadd.f32 v7, v2;
	v1 =	vmul.f32 v13, v1;
	v13 =	vld [tilespmem:$0x1FEB0]  }
0x256: {  	(xrf2) =	vadd.scan.msk.f32 $0xffff, v5;
	v2 =	vld [tilespmem:$0x1FEC0];
	s21 =	sadd.s32 $0x18, s21  }
0x257: {  	s21 =	sshrl.u32 s21, $0x1;
	(xrf2) =	vadd.scan.msk.f32 $0xffff, v8;
	v8 =	vld [tilespmem:s0+$0x390]  }
0x258: {  	s20 =	sadd.s32 s20, s21;
	[tilespmem:$0x1FFD0] =	vst v18;
	v18 =	vld [tilespmem:s0+$0x2C0]  }
0x259: {  	s20 =	sshll.u32 s20, $0x2;
	[tilespmem:$0x1FFE0] =	vst v19;
	v19 =	vld [tilespmem:s0+$0x2E0]  }
0x25a: {  	s21 =	sadd.s32 $0xD1871, s18;
	v1 =	vadd.f32 v1, v4;
	s19 =	sand.u32 $0xFFC0, s20;
	v4 =	vmul.f32 v13, v3;
	v3 =	vld [tilespmem:$0x1FED0]  }
0x25b: {  	s20 =	sshrl.u32 s21, $0x10;
	v33 =	vld.idx.msk [tilespmem:v0+s19+$0x0 ss:$0x1], $0xffff  }
0x25c: {  	s21 =	ssub.s32 s16, s20;
	v28 =	vld.idx.msk [tilespmem:v0+s19+$0x10 ss:$0x1], $0xffff  }
0x25d: {  	v41 =	vld.idx.msk [tilespmem:v0+s19+$0x20 ss:$0x1], $0xffff;
	s21 =	sadd.s32 $0x19, s21  }
0x25e: {  	[tilespmem:$0x1FF70] =	vst v59;
	v59 =	vld.idx.msk [tilespmem:v0+s19+$0x30 ss:$0x1], $0xffff;
	s21 =	sshrl.u32 s21, $0x1  }
0x25f: {  	s20 =	sadd.s32 s20, s21;
	v7 =	vmul.f32 v3, v2;
	v2 =	vld [tilespmem:$0x1FEE0]  }
0x260: {  	s21 =	sadd.s32 $0xD9E8A, s18;
	s20 =	sshll.u32 s20, $0x2;
	v3 =	vld [tilespmem:$0x1FEF0]  }
0x261: {  	s19 =	sand.u32 $0xFFC0, s20;
	s20 =	sshrl.u32 s21, $0x10;
	v6 =	vmul.f32 v31, v33;
	v33 =	vld [tilespmem:$0x1FFB0]  }
0x262: {  	v34 =	vld.idx.msk [tilespmem:v0+s19+$0x0 ss:$0x1], $0xffff;
	s21 =	ssub.s32 s16, s20  }
0x263: {  	v26 =	vld.idx.msk [tilespmem:v0+s19+$0x10 ss:$0x1], $0xffff;
	s21 =	sadd.s32 $0x1A, s21  }
0x264: {  	v42 =	vld.idx.msk [tilespmem:v0+s19+$0x20 ss:$0x1], $0xffff;
	s21 =	sshrl.u32 s21, $0x1  }
0x265: {  	v20 =	vld.idx.msk [tilespmem:v0+s19+$0x30 ss:$0x1], $0xffff;
	s20 =	sadd.s32 s20, s21  }
0x266: {  	s20 =	sshll.u32 s20, $0x2;
	v2 =	vmul.f32 v3, v2;
	v3 =	vadd.f32 v4, v1;
	v1 =	vld [tilespmem:$0x1FF00]  }
0x267: {  	s21 =	sadd.s32 $0xE24A3, s18;
	s19 =	sand.u32 $0xFFC0, s20;
	v29 =	vmul.f32 v29, v34;
	v34 =	vmul.f32 v49, v59;
	v49 =	vld [tilespmem:s0+$0x3A0]  }
0x268: {  	s20 =	sshrl.u32 s21, $0x10;
	v35 =	vld.idx.msk [tilespmem:v0+s19+$0x0 ss:$0x1], $0xffff  }
0x269: {  	s21 =	ssub.s32 s16, s20;
	v30 =	vld.idx.msk [tilespmem:v0+s19+$0x10 ss:$0x1], $0xffff  }
0x26a: {  	v4 =	vmul.f32 v57, v51;
	v44 =	vld.idx.msk [tilespmem:v0+s19+$0x20 ss:$0x1], $0xffff;
	s21 =	sadd.s32 $0x1B, s21  }
0x26b: {  	v43 =	vld.idx.msk [tilespmem:v0+s19+$0x30 ss:$0x1], $0xffff;
	s21 =	sshrl.u32 s21, $0x1  }
0x26c: {  	v4 =	vadd.f32 v46, v4;
	v46 =	vld [tilespmem:$0x1FF60];
	s20 =	sadd.s32 s20, s21  }
0x26d: {  	v57 =	vmul.f32 v50, v1;
	v1 =	vld [tilespmem:$0x1FF20];
	s20 =	sshll.u32 s20, $0x2  }
0x26e: {  	v50 =	vld [tilespmem:$0x1FF50];
	s19 =	sand.u32 $0xFFC0, s20  }
0x26f: {  	[tilespmem:$0x1FFF0] =	vst v20;
	s21 =	sadd.s32 $0xEAABC, s18;
	v20 =	vld.idx.msk [tilespmem:v0+s19+$0x0 ss:$0x1], $0xffff  }
0x270: {  	[tilespmem:$0x1FFC0] =	vst v17;
	s20 =	sshrl.u32 s21, $0x10;
	v17 =	vld.idx.msk [tilespmem:v0+s19+$0x10 ss:$0x1], $0xffff  }
0x271: {  	s21 =	ssub.s32 s16, s20;
	v22 =	vld.idx.msk [tilespmem:v0+s19+$0x20 ss:$0x1], $0xffff  }
0x272: {  	v27 =	vld.idx.msk [tilespmem:v0+s19+$0x30 ss:$0x1], $0xffff;
	s21 =	sadd.s32 $0x1C, s21  }
0x273: {  	v2 =	vadd.f32 v2, v7;
	s21 =	sshrl.u32 s21, $0x1;
	v7 =	vmul.f32 v60, v1;
	v60 =	vld [tilespmem:s0+$0x340]  }
0x274: {  	v1 =	vld [tilespmem:$0x1FF40];
	s20 =	sadd.s32 s20, s21  }
0x275: {  	s20 =	sshll.u32 s20, $0x2;
	v2 =	vadd.f32 v7, v2;
	v7 =	vmul.f32 v61, v56;
	v56 =	vld [tilespmem:s0+$0x350]  }
0x276: {  	s21 =	sadd.s32 $0xF30D5, s18;
	v61 =	vld [tilespmem:$0x1FF80];
	s19 =	sand.u32 $0xFFC0, s20  }
0x277: {  	s20 =	sshrl.u32 s21, $0x10;
	v15 =	vld.idx.msk [tilespmem:v0+s19+$0x0 ss:$0x1], $0xffff  }
0x278: {  	s21 =	ssub.s32 s16, s20;
	v12 =	vld.idx.msk [tilespmem:v0+s19+$0x10 ss:$0x1], $0xffff  }
0x279: {  	v11 =	vld.idx.msk [tilespmem:v0+s19+$0x20 ss:$0x1], $0xffff;
	s21 =	sadd.s32 $0x1D, s21;
	v1 =	vmul.f32 v50, v1  }
0x27a: {  	v3 =	vadd.f32 v57, v3;
	v50 =	vld [tilespmem:$0x1FF70];
	s21 =	sshrl.u32 s21, $0x1  }
0x27b: {  	v13 =	vld.idx.msk [tilespmem:v0+s19+$0x30 ss:$0x1], $0xffff;
	s20 =	sadd.s32 s20, s21;
	v1 =	vadd.f32 v1, v2  }
0x27c: {  	(xrf2) =	vadd.scan.msk.f32 $0xffff, v3;
	v2 =	vadd.f32 v47, v7;
	v47 =	vld [tilespmem:s0+$0x360];
	s20 =	sshll.u32 s20, $0x2  }
0x27d: {  	s19 =	sand.u32 $0xFFC0, s20;
	(xrf2) =	vadd.scan.msk.f32 $0xffff, v1;
	v1 =	vld [tilespmem:$0x1FFF0]  }
0x27e: {  	s21 =	sadd.s32 $0xFB6EE, s18;
	v51 =	vld.idx.msk [tilespmem:v0+s19+$0x0 ss:$0x1], $0xffff  }
0x27f: {  	s20 =	sshrl.u32 s21, $0x10;
	v46 =	vmul.f32 v50, v46;
	v50 =	vld.idx.msk [tilespmem:v0+s19+$0x10 ss:$0x1], $0xffff  }
0x280: {  	s21 =	ssub.s32 s16, s20;
	v57 =	vld.idx.msk [tilespmem:v0+s19+$0x20 ss:$0x1], $0xffff  }
0x281: {  	v45 =	vmul.f32 v45, v48;
	v48 =	vld.idx.msk [tilespmem:v0+s19+$0x30 ss:$0x1], $0xffff;
	s21 =	sadd.s32 $0x1E, s21  }
0x282: {  	v4 =	vadd.f32 v46, v4;
	v46 =	vmul.f32 v62, v61;
	s21 =	sshrl.u32 s21, $0x1;
	v61 =	vld [tilespmem:$0x1FFA0];
	v62 =	vmul.f32 v63, v58  }
0x283: {  	v63 =	vmul.f32 v23, v28;
	v23 =	vld [tilespmem:s0+$0x370];
	s20 =	sadd.s32 s20, s21  }
0x284: {  	v24 =	vmul.f32 v24, v26;
	s18 =	sadd.s32 $0x103D07, s18;
	s20 =	sshll.u32 s20, $0x2;
	v58 =	vadd.f32 v45, v62;
	v62 =	vld [tilespmem:$0x1FFE0]  }
0x285: {  	v18 =	vmul.f32 v18, v20;
	s18 =	sshrl.u32 s18, $0x10;
	v6 =	vadd.f32 v63, v6;
	v63 =	vmul.f32 v37, v41;
	v37 =	vld [tilespmem:s0+$0x380];
	s19 =	sand.u32 $0xFFC0, s20  }
0x286: {  	v16 =	vmul.f32 v16, v17;
	v27 =	vmul.f32 v21, v27;
	s21 =	ssub.s32 s16, s18;
	v45 =	vld.idx.msk [tilespmem:v0+s19+$0x0 ss:$0x1], $0xffff  }
0x287: {  	v9 =	vmul.f32 v9, v13;
	s20 =	sadd.s32 $0x1F, s21;
	v7 =	vmul.f32 v52, v61;
	v52 =	vld [tilespmem:$0x1FFC0]  }
0x288: {  	v24 =	vadd.f32 v24, v29;
	v41 =	vmul.f32 v38, v42;
	v42 =	vmul.f32 v32, v35;
	s20 =	sshrl.u32 s20, $0x1;
	v61 =	vld [tilespmem:$0x1FFD0]  }
0x289: {  	v16 =	vadd.f32 v16, v18;
	v1 =	vmul.f32 v55, v1;
	v55 =	vmul.f32 v36, v43;
	v26 =	vld.idx.msk [tilespmem:v0+s19+$0x10 ss:$0x1], $0xffff;
	s18 =	sadd.s32 s18, s20  }
0x28a: {  	v4 =	vadd.f32 v46, v4;
	v35 =	vmul.f32 v60, v51;
	v36 =	vmul.f32 v56, v50;
	v29 =	vld.idx.msk [tilespmem:v0+s19+$0x20 ss:$0x1], $0xffff;
	s18 =	sshll.u32 s18, $0x2  }
0x28b: {  	v46 =	vmul.f32 v25, v30;
	v6 =	vadd.f32 v63, v6;
	v24 =	vadd.f32 v41, v24;
	v41 =	vld [tilespmem:s0+$0x3E0];
	s18 =	sand.u32 $0xFFC0, s18  }
0x28c: {  	v32 =	vmul.f32 v40, v11;
	v63 =	vmul.f32 v10, v12;
	v12 =	vadd.f32 v36, v35;
	v59 =	vld.idx.msk [tilespmem:v0+s18+$0x0 ss:$0x1], $0xffff  }
0x28d: {  	v3 =	vadd.f32 v34, v6;
	v30 =	vld.idx.msk [tilespmem:v0+s18+$0x10 ss:$0x1], $0xffff;
	v28 =	vmul.f32 v52, v33;
	v33 =	vmul.f32 v53, v61  }
0x28e: {  	v6 =	vadd.f32 v46, v42;
	v2 =	vadd.f32 v7, v2;
	v5 =	vmul.f32 v54, v62;
	v38 =	vld.idx.msk [tilespmem:v0+s18+$0x20 ss:$0x1], $0xffff  }
0x28f: {  	v53 =	vmul.f32 v39, v44;
	v31 =	vadd.f32 v33, v58;
	v58 =	vmul.f32 v19, v22;
	v22 =	vld [tilespmem:s0+$0x3C0]  }
0x290: {  	(xrf2) =	vadd.scan.msk.f32 $0xffff, v4;
	v1 =	vadd.f32 v1, v24;
	v62 =	vmul.f32 v14, v15;
	v2 =	vadd.f32 v28, v2;
	v33 =	vld [tilespmem:s0+$0x3D0]  }
0x291: {  	v42 =	vmul.f32 v47, v57;
	v43 =	vld.idx.msk [tilespmem:v0+s18+$0x30 ss:$0x1], $0xffff;
	v61 =	vadd.f32 v53, v6;
	v5 =	vadd.f32 v5, v31  }
0x292: {  	v54 =	vld [tilespmem:s0+$0x3B0];
	v40 =	vmul.f32 v8, v26;
	v24 =	vadd.f32 v58, v16;
	(xrf2) =	vadd.scan.msk.f32 $0xffff, v2;
	v31 =	vadd.f32 v63, v62  }
0x293: {  	v52 =	vld.idx.msk [tilespmem:v0+s19+$0x30 ss:$0x1], $0xffff;
	v39 =	vmul.f32 v37, v45;
	v2 =	vadd.f32 v55, v61;
	(xrf2) =	vadd.scan.msk.f32 $0xffff, v5  }
0x294: {  	v45 =	vld [tilespmem:s0+$0x3F0];
	v34 =	vadd.f32 v27, v24;
	v4 =	vadd.f32 v32, v31;
	(xrf2) =	vadd.scan.msk.f32 $0xffff, v3;
	v3 =	vmul.f32 v23, v48  }
0x295: {  	v10 =	vmul.f32 v22, v59;
	v7 =	vmul.f32 v33, v30;
	(xrf2) =	vadd.scan.msk.f32 $0xffff, v1;
	v1 =	vadd.f32 v42, v12  }
0x296: {  	v46, _, _ =	vpop (xrf2);
	v44 =	vmul.f32 v49, v29;
	v5 =	vadd.f32 v40, v39;
	(xrf2) =	vadd.scan.msk.f32 $0xffff, v2;
	v2 =	vadd.f32 v9, v4  }
0x297: {  	v49, _, _ =	vpop (xrf2);
	v50 =	vmul.f32 v41, v38;
	(xrf2) =	vadd.scan.msk.f32 $0xffff, v34;
	v1 =	vadd.f32 v3, v1;
	v3 =	vadd.f32 v7, v10  }
0x298: {  	v51, _, _ =	vpop (xrf2);
	v48 =	vmul.f32 v54, v52;
	v47 =	vadd.f32 v44, v5;
	(xrf2) =	vadd.scan.msk.f32 $0xffff, v2  }
0x299: {  	v52, _, _ =	vpop (xrf2);
	(xrf2) =	vadd.scan.msk.f32 $0xffff, v1;
	v1 =	vadd.f32 v50, v3;
	v3 =	vmul.f32 v45, v43  }
0x29a: {  	v6 =	vbroadcast v49, $0xF;
	v4 =	vadd.f32 v48, v47;
	v2 =	vbroadcast v46, $0xF  }
0x29b: {  	v53 =	vbroadcast v51, $0xF;
	v54, _, _ =	vpop (xrf2)  }
0x29c: {  	v5 =	vbroadcast v52, $0xF;
	v55, _, _ =	vpop (xrf2);
	v2 =	vsel vm1, v2, v6;
	(xrf2) =	vadd.scan.msk.f32 $0xffff, v4;
	v1 =	vadd.f32 v3, v1  }
0x29d: {  	v6 =	vbroadcast v54, $0xF;
	v2 =	vsel vm2, v2, v53;
	v3, _, _ =	vpop (xrf2)  }
0x29e: {  	v4 =	vbroadcast v55, $0xF;
	v2 =	vsel vm3, v2, v5;
	v3 =	vbroadcast v3, $0xF  }
0x29f: {  	v2 =	vsel vm4, v2, v6;
	v56, _, _ =	vpop (xrf2)  }
0x2a0: {  	(xrf2) =	vadd.scan.msk.f32 $0xffff, v1;
	v2 =	vsel vm5, v2, v4;
	v1, _, _ =	vpop (xrf2);
	v57 =	vbroadcast v56, $0xF  }
0x2a1: {  	v58, _, _ =	vpop (xrf2);
	v2 =	vsel vm6, v2, v3;
	v1 =	vbroadcast v1, $0xF  }
0x2a2: {  	v2 =	vsel vm7, v2, v57;
	v59 =	vbroadcast v58, $0xF;
	v3, _, _ =	vpop (xrf2)  }
0x2a3: {  	v1 =	vsel vm8, v2, v1;
	v60, _, _ =	vpop (xrf2);
	v2 =	vbroadcast v3, $0xF  }
0x2a4: {  	v1 =	vsel vm9, v1, v59;
	v3, _, _ =	vpop (xrf2);
	v61 =	vbroadcast v60, $0xF  }
0x2a5: {  	v62, _, _ =	vpop (xrf2);
	v1 =	vsel vm10, v1, v2;
	v2 =	vbroadcast v3, $0xF  }
0x2a6: {  	v3, _, _ =	vpop (xrf2);
	v1 =	vsel vm11, v1, v61  }
0x2a7: {  	v1 =	vsel vm12, v1, v2;
	v2 =	vbroadcast v3, $0xF  }
0x2a8: {  	v63 =	vld [tilespmem:s17+$0x0];
	v5 =	vbroadcast v62, $0xF  }
0x2a9: {  	s13 =	sadd.s32 $0x2, s13  }
0x2aa: {  	p1 =	slt.u32 s13, $0x28;
	v1 =	vsel vm13, v1, v5  }
.Ltmp1:
0x2ab: {  	v1 =	vsel vm14, v1, v2;
	v2, _, _ =	vpop (xrf2);
	(pc) =	sbr.rel @p1 .LBB2_5-.Ltmp1, $4  }
0x2ac: {  	v1 =	vsel vm15, v1, v2  }
0x2ad: {  	v1 =	vmul.f32 v1, v63  }
0x2ae: {  	s16 =	sadd.s32 $0x20, s16  }
0x2af: {  	s0 =	sadd.s32 $0x800, s0;
	s17 =	sadd.s32 $0x20, s17;
	[tilespmem:s31+$0x0] =	vst v1;
	s31 =	sadd.s32 $0x20, s31  }
0x2b0: {  	s0 =	sshll.u32 s29, $0x5  }
0x2b1: {  	s0 =	sadd.s32 s11, s0  }
0x2b2: {  	p1 =	sne.s32 s30, $0x10;
	s0 =	smul.u32 $0x15, s0  }
.Ltmp2:
0x2b3: {  	_ = 	snop;
	(pc) =	sbr.rel @p1 .LBB2_2-.Ltmp2, $4  }
0x2b4: {  	_ = 	snop  }
0x2b5: {  	s0 =	sshrl.u32 s0, $0x3  }
0x2b6: {  	p0 =	por !p0, !p0;
	s29 =	smov.u32 s30;
	s0 =	sadd.s32 s7, s0  }
0x2b7: {  	[hbm4b:s0+s2] =	stream.linear.scatter [tilespmem:s1], [sflag:$0x2], $0x2A0, $0x38;
	[tilespmem:$0x16D60] =	vst v63  }
0x2b8: {  	s28 =	sadd.s32 $0x1, s28  }
0x2b9: {  	_ =	swait.ge [sflag:s26], $0x2A0;
	p0 =	sne.s32 s28, s12  }
.Ltmp3:
0x2ba: {  	[sflag:s26] =	ssyncset.done $0x0;
	(pc) =	sbr.rel @p0 .LBB2_1-.Ltmp3, $4  }
0x2bb: {  	[sflag:s26] =	ssyncadd.s32 $0xFFFFFD60  }
0x2bc: {  	_ =	swait.ge [sflag:s26], $0x2A0  }
0x2bd: {  	[sflag:s26] =	ssyncset.done $0x0  }
0x2be: {  	[sflag:s26] =	ssyncadd.s32 $0xFFFFFD60  }
0x2bf: {  	_ =	sfence.sel $0x180000  }
0x2c0: {  	[bflag:$0x0] =	sbarrier.arrive $0xFFFF  }
0x2c1: {  	_ =	strace $0x90000047  }
0x2c2: {  	s0 =	stileid.u32;
	[bflag:$0x2] =	sbarrier.arrive $0xFFFF  }
0x2c3: {  	p0 =	sne.s32 s0, $0x0;
	s0 =	rddreg [dreg:$0x1]  }
0x2c4: {  	s0 =	sadd.s32 @!p0 $0x100000, s0  }
0x2c5: {  	[sflag:s0] =	ssyncadd.tile.s32 @!p0 $0x1;
	_ =	shalt  }
.Lfunc_end2:
_tile_overlayer_lowered:
.L_overlay_start_2:
0x2c6: {  	(tag) =	ssettag $0x2  }
0x2c7: {  	s0 =	rddreg [dreg:$0x0];
	s2 =	stileid.u32  }
0x2c8: {  	s1 =	rddreg [dreg:$0x1];
	p0 =	sne.s32 s2, $0x0  }
0x2c9: {  	s3 =	rddreg [dreg:$0x2];
	[bflag:$0x3] =	sbarrier.arrive $0xFFFF;
	s2 =	simm.s32 @!p0 $0x1C04  }
0x2ca: {  	[timem:s3], [sflag:s2] =	dma.local @!p0 [hbm:s0], s1  }
0x2cb: {  	s0 =	simm.s32 @!p0 $0x4  }
0x2cc: {  	_ =	swait.ge @!p0 [sflag:s0], s1  }
0x2cd: {  	s1 =	ssub.s32 @!p0 $0x0, s1;
	[sflag:s0] =	ssyncset.done @!p0 $0x0  }
0x2ce: {  	[sflag:s0] =	ssyncadd.s32 @!p0 s1  }
0x2cf: {  	[bflag:$0x3] =	sbarrier.arrive $0xFFFF  }
0x2d0: {  	_ =	shalt  }

</sc_bundles>
